<compile_context>
chip_gen: v7x
topology: tpu7x:2x2x1
jax: 0.10.2.dev20260603
libtpu: 0.0.44.dev20260713+nightly
codegen_flags: <defaults>
</compile_context>

<pallas_src>
import functools

import jax
import jax.numpy as jnp
from jax import lax
from jax.experimental import pallas as pl
from jax.experimental.pallas import tpu as pltpu
from jax.experimental.pallas import tpu_sc as plsc



def _table_body(x_ref, t_ref):
    x = x_ref[...]
    p = 1.0 / (1.0 + jnp.exp(x))
    v = 1.0 - 2.0 * p
    a = jnp.log(jnp.maximum(jnp.abs(v), 1e-30))
    t_ref[...] = jnp.where(v < 0, jnp.minimum(a, -1e-35), -a)


def _build_tables(logits):
    n = logits.shape[0]
    x2 = logits.reshape(25, n // 25)
    t = pl.pallas_call(
        _table_body,
        out_shape=jax.ShapeDtypeStruct(x2.shape, jnp.float32),
    )(x2)
    return t.reshape(-1)



def _sc_body(ns, ts, ch, nseg, tab_hbm, src_hbm, seg_hbm, zero_hbm,
             out_hbm, idx0, idx1, seg0, seg1, seg2, seg3, tb0, tb1,
             lvb0, lvb1, lvb2, lvb3, ngb0, ngb1, ngb2, ngb3, zbuf,
             accl, accn, semg0, semg1, sems0, sems1, sems2, sems3):
    idx_v, tbv = (idx0, idx1), (tb0, tb1)
    segv = (seg0, seg1, seg2, seg3)
    lvb, ngb = (lvb0, lvb1, lvb2, lvb3), (ngb0, ngb1, ngb2, ngb3)
    semg, sems = (semg0, semg1), (sems0, sems1, sems2, sems3)
    c = lax.axis_index("c")
    s = lax.axis_index("s")
    nch = ts // ch

    def zinit(off, sz):
        pltpu.sync_copy(zero_hbm.at[pl.ds(off, sz)], zbuf.at[pl.ds(0, sz)])
        pltpu.sync_copy(zbuf.at[pl.ds(0, sz)], accl.at[pl.ds(off, sz)])
        pltpu.sync_copy(zbuf.at[pl.ds(0, sz)], accn.at[pl.ds(off, sz)])

    @pl.when(s < ns - 1)
    def _():
        zinit(s * 6400, 6400)

    @pl.when(s == ns - 1)
    def _():
        zinit((ns - 1) * 6400, nseg - (ns - 1) * 6400)

    plsc.subcore_barrier()

    tile_base = c * ns * ts + s * ts

    def start(k):
        b2, b4 = k % 2, k % 4
        base = tile_base + k * ch
        pltpu.sync_copy(src_hbm.at[pl.ds(base, ch)], idx_v[b2])
        pltpu.sync_copy(seg_hbm.at[pl.ds(base, ch)], segv[b4])
        return pltpu.async_copy(tab_hbm.at[idx_v[b2]], tbv[b2], semg[b2])

    gdescs = [None, None]
    sdescs = [None, None, None, None]
    gdescs[0] = start(0)
    for k in range(nch):
        b2, b4 = k % 2, k % 4
        if k + 1 < nch:
            nb4 = (k + 1) % 4
            if sdescs[nb4] is not None:
                sdescs[nb4][0].wait()
                sdescs[nb4][1].wait()
                sdescs[nb4] = None
            gdescs[(k + 1) % 2] = start(k + 1)
        gdescs[b2].wait()
        if sdescs[b4] is not None:
            sdescs[b4][0].wait()
            sdescs[b4][1].wait()
            sdescs[b4] = None

        def split(j, _):
            tv = tbv[b2][pl.ds(j * 16, 16)]
            lvb[b4][pl.ds(j * 16, 16)] = -jnp.abs(tv)
            ngb[b4][pl.ds(j * 16, 16)] = jnp.where(tv < 0.0, 1.0, 0.0)
            return 0
        lax.fori_loop(0, ch // 16, split, 0)

        sdescs[b4] = (
            pltpu.async_copy(lvb[b4], accl.at[segv[b4]], sems[b4], add=True),
            pltpu.async_copy(ngb[b4], accn.at[segv[b4]], sems[b4], add=True),
        )

    for d in sdescs:
        if d is not None:
            d[0].wait()
            d[1].wait()

    plsc.subcore_barrier()

    def readout(off, sz):
        base = c * 2 * nseg
        pltpu.sync_copy(accl.at[pl.ds(off, sz)], zbuf.at[pl.ds(0, sz)])
        pltpu.sync_copy(zbuf.at[pl.ds(0, sz)], out_hbm.at[pl.ds(base + off, sz)])
        pltpu.sync_copy(accn.at[pl.ds(off, sz)], zbuf.at[pl.ds(0, sz)])
        pltpu.sync_copy(zbuf.at[pl.ds(0, sz)],
                        out_hbm.at[pl.ds(base + nseg + off, sz)])

    @pl.when(s < ns - 1)
    def _():
        readout(s * 6400, 6400)

    @pl.when(s == ns - 1)
    def _():
        readout((ns - 1) * 6400, nseg - (ns - 1) * 6400)


def _segment_accumulate(tab, src_idx, seg_ids, nseg):
    info = plsc.get_sparse_core_info()
    nc, ns = info.num_cores, info.num_subcores
    nflat = src_idx.shape[0]
    assert nc == 2 and nflat % (nc * ns) == 0
    ts = nflat // (nc * ns)
    ch = 2000
    assert ts % ch == 0 and ch % 16 == 0

    mesh = plsc.VectorSubcoreMesh(core_axis_name="c", subcore_axis_name="s")
    body = functools.partial(_sc_body, ns, ts, ch, nseg)
    buf_i = pltpu.VMEM((ch,), jnp.int32)
    buf_f = pltpu.VMEM((ch,), jnp.float32)
    out = pl.kernel(
        body,
        out_type=jax.ShapeDtypeStruct((2 * 2 * nseg,), jnp.float32),
        mesh=mesh,
        scratch_types=[
            buf_i, buf_i,
            buf_i, buf_i, buf_i, buf_i,
            buf_f, buf_f,
            buf_f, buf_f, buf_f, buf_f,
            buf_f, buf_f, buf_f, buf_f,
            pltpu.VMEM((6400,), jnp.float32),
            pltpu.VMEM_SHARED((nseg,), jnp.float32),
            pltpu.VMEM_SHARED((nseg,), jnp.float32),
            pltpu.SemaphoreType.DMA,
            pltpu.SemaphoreType.DMA,
            pltpu.SemaphoreType.DMA,
            pltpu.SemaphoreType.DMA,
            pltpu.SemaphoreType.DMA,
            pltpu.SemaphoreType.DMA,
        ],
    )(tab, src_idx, seg_ids, jnp.zeros((nseg,), jnp.float32))
    return out



def _colsum_body(e_ref, s_ref):
    s_ref[...] = jnp.sum(e_ref[...], axis=0, keepdims=True)


def _colsum(error_configs, nseg):
    nb = error_configs.shape[0]
    w = 16384
    g = (nseg + w - 1) // w
    return pl.pallas_call(
        _colsum_body,
        grid=(g,),
        in_specs=[pl.BlockSpec((nb, w), lambda i: (0, i))],
        out_specs=pl.BlockSpec((1, w), lambda i: (0, i)),
        out_shape=jax.ShapeDtypeStruct((1, g * w), jnp.int32),
    )(error_configs)


def _final_body(nb, s_ref, l0_ref, l1_ref, n0_ref, n1_ref, out_ref):
    l = l0_ref[...] + l1_ref[...]
    n = n0_ref[...] + n1_ref[...]
    parity = n - 2.0 * jnp.floor(n * 0.5)
    sign = 1.0 - 2.0 * parity
    sp = sign * jnp.exp(l)
    p = jnp.clip(0.5 * (1.0 - sp), 1e-6, 1.0 - 1e-6)
    logp = jnp.log(p)
    log1mp = jnp.log(1.0 - p)
    s = s_ref[...].astype(jnp.float32)
    term = log1mp + s * (logp - log1mp) * (1.0 / nb)
    out_ref[0, 0] = -jnp.sum(term)


def _finalize(acc, colsums, nb, nseg):
    r = nseg // 8
    s8 = colsums[0, :nseg].reshape(8, r)
    l0 = acc[0 * nseg:1 * nseg].reshape(8, r)
    n0 = acc[1 * nseg:2 * nseg].reshape(8, r)
    l1 = acc[2 * nseg:3 * nseg].reshape(8, r)
    n1 = acc[3 * nseg:4 * nseg].reshape(8, r)
    out = pl.pallas_call(
        functools.partial(_final_body, nb),
        out_specs=pl.BlockSpec(memory_space=pltpu.SMEM),
        out_shape=jax.ShapeDtypeStruct((1, 1), jnp.float32),
    )(s8, l0, l1, n0, n1)
    return out[0, 0]



def kernel(negative_priors_logits, flat_source_idx, segment_ids, error_configs):
    nseg = 100000
    tab = _build_tables(negative_priors_logits)
    colsums = _colsum(error_configs, nseg)
    acc = _segment_accumulate(tab, flat_source_idx.astype(jnp.int32),
                              segment_ids.astype(jnp.int32), nseg)
    return _finalize(acc, colsums, error_configs.shape[0], nseg)

# --- scband reference (transcript-rebuilt; emitter-appended) ---
"""Pipeline reference for scband-matching-net-33732673143513 (READ-ONLY COPY).

The authoritative reference and input builder live on the scoring server;
editing this copy changes nothing except your own understanding.
"""

import jax, jax.numpy as jnp
import numpy as np

NUM_HYPEREDGES = 200000
NUM_EDGES = 100000
NUM_FLAT = 1600000
BATCH = 256


def _segment_prod(vals, segment_ids, num_segments):
    # stable, differentiable segment product: prod = sign * exp(sum(log|v|))
    logs = jnp.log(jnp.maximum(jnp.abs(vals), 1e-30))
    log_sums = jax.ops.segment_sum(logs, segment_ids, num_segments=num_segments, indices_are_sorted=True)
    neg_counts = jax.ops.segment_sum((vals < 0).astype(vals.dtype), segment_ids, num_segments=num_segments, indices_are_sorted=True)
    sign = 1.0 - 2.0 * jnp.mod(jax.lax.stop_gradient(neg_counts), 2.0)
    return sign * jnp.exp(log_sums)


def setup_inputs(seed: int = 0):
    key = jax.random.key(seed)
    k1, k2, k3, k4 = jax.random.split(key, 4)
    negative_priors_logits = jax.random.normal(k1, (NUM_HYPEREDGES,), dtype=jnp.float32)
    flat_source_idx = jax.random.randint(k2, (NUM_FLAT,), 0, NUM_HYPEREDGES)
    segment_ids = jnp.sort(jax.random.randint(k3, (NUM_FLAT,), 0, NUM_EDGES))
    error_configs = jax.random.randint(k4, (BATCH, NUM_EDGES), 0, 2)
    return {
        "negative_priors_logits": negative_priors_logits,
        "flat_source_idx": flat_source_idx,
        "segment_ids": segment_ids,
        "error_configs": error_configs,
    }


def reference(negative_priors_logits, flat_source_idx, segment_ids, error_configs):
    # probs over hyperedges
    probs = jax.nn.sigmoid(-negative_priors_logits)
    # per-compact-edge combination: p_edge = 0.5 * (1 - prod_{s in sources}(1 - 2*p_s))
    # (for a single source this reduces exactly to p_s, matching the torch branch)
    vals = 1.0 - 2.0 * jnp.take(probs, flat_source_idx, axis=0)
    seg_prod = _segment_prod(vals, segment_ids, NUM_EDGES)
    probs_comp = 0.5 * (1.0 - seg_prod)
    probs_comp = jnp.clip(probs_comp, 1e-6, 1.0 - 1e-6)
    # MWPM decoder output (external, non-differentiable) is provided as error_configs
    e = error_configs.astype(jnp.float32)
    log_operators_probs = jnp.log(probs_comp[None, :] * e + (1.0 - probs_comp[None, :]) * (1.0 - e)).sum(1)
    return -log_operators_probs.mean(0)

if __name__ == "__main__":
    import jax
    _d = setup_inputs()
    print(jax.jit(kernel)(*tuple(_d.values())))

</pallas_src>

<mosaic_0001>
#map = affine_map<(d0, d1) -> (0)>
module attributes {stable_mosaic.version = 14 : i64} {
  func.func @_sc_body(%arg0: i32, %arg1: i32, %arg2: memref<200000xf32, #tpu.memory_space<hbm>>, %arg3: memref<1600000xi32, #tpu.memory_space<hbm>>, %arg4: memref<1600000xi32, #tpu.memory_space<hbm>>, %arg5: memref<100000xf32, #tpu.memory_space<hbm>>, %arg6: memref<400000xf32, #tpu.memory_space<hbm>>, %arg7: memref<2000xi32, #tpu.memory_space<vmem>>, %arg8: memref<2000xi32, #tpu.memory_space<vmem>>, %arg9: memref<2000xi32, #tpu.memory_space<vmem>>, %arg10: memref<2000xi32, #tpu.memory_space<vmem>>, %arg11: memref<2000xi32, #tpu.memory_space<vmem>>, %arg12: memref<2000xi32, #tpu.memory_space<vmem>>, %arg13: memref<2000xf32, #tpu.memory_space<vmem>>, %arg14: memref<2000xf32, #tpu.memory_space<vmem>>, %arg15: memref<2000xf32, #tpu.memory_space<vmem>>, %arg16: memref<2000xf32, #tpu.memory_space<vmem>>, %arg17: memref<2000xf32, #tpu.memory_space<vmem>>, %arg18: memref<2000xf32, #tpu.memory_space<vmem>>, %arg19: memref<2000xf32, #tpu.memory_space<vmem>>, %arg20: memref<2000xf32, #tpu.memory_space<vmem>>, %arg21: memref<2000xf32, #tpu.memory_space<vmem>>, %arg22: memref<2000xf32, #tpu.memory_space<vmem>>, %arg23: memref<6400xf32, #tpu.memory_space<vmem>>, %arg24: memref<100000xf32, #tpu.memory_space<vmem_shared>>, %arg25: memref<100000xf32, #tpu.memory_space<vmem_shared>>, %arg26: memref<!tpu.dma_semaphore, #tpu.memory_space<semaphore_mem>>, %arg27: memref<!tpu.dma_semaphore, #tpu.memory_space<semaphore_mem>>, %arg28: memref<!tpu.dma_semaphore, #tpu.memory_space<semaphore_mem>>, %arg29: memref<!tpu.dma_semaphore, #tpu.memory_space<semaphore_mem>>, %arg30: memref<!tpu.dma_semaphore, #tpu.memory_space<semaphore_mem>>, %arg31: memref<!tpu.dma_semaphore, #tpu.memory_space<semaphore_mem>>) attributes {dimension_semantics = [#tpu.dimension_semantics<core_parallel>, #tpu.dimension_semantics<subcore_parallel>], iteration_bounds = array<i64: 2, 16>, scalar_prefetch = 0 : i64, scratch_operands = 25 : i64, tpu.core_type = #tpu.core_type<sc_vector_subcore>, window_params = [{transform_indices = #map}, {transform_indices = #map}, {transform_indices = #map}, {transform_indices = #map}, {transform_indices = #map}]} {
    %lt3A = arith.constant 15 : i32
    %lt3A_0 = arith.cmpi slt, %arg1, %lt3A : i32
    %convert_element_type3A = arith.extui %lt3A_0 : i1 to i32
    %cond3A = arith.constant 0 : i32
    %cond3A_1 = arith.cmpi ne, %convert_element_type3A, %cond3A : i32
    scf.if %cond3A_1 {
      %mul3A_544 = arith.constant 6400 : i32
      %mul3A_545 = arith.muli %arg1, %mul3A_544 : i32
      "tpu.region"() ({
        %run_scoped3A = tpu.sem_alloc : memref<!tpu.dma_semaphore, #tpu.memory_space<semaphore_mem>>
        %dma_start3A_546 = arith.constant 0 : i32
        %dma_start3A_547 = tpu.memref_slice %arg23[%dma_start3A_546] : memref<6400xf32, #tpu.memory_space<vmem>> -> memref<6400xf32, #tpu.memory_space<vmem>>
        %dma_start3A_548 = tpu.memref_slice %arg5[%mul3A_545] : memref<100000xf32, #tpu.memory_space<hbm>> -> memref<6400xf32, #tpu.memory_space<hbm>>
        %dma_start3A_549 = arith.constant 0 : i32
        %dma_start3A_550 = tpu.memref_slice %arg23[%dma_start3A_549] : memref<6400xf32, #tpu.memory_space<vmem>> -> memref<6400xf32, #tpu.memory_space<vmem>>
        %dma_start3A_551 = tpu.memref_slice %arg5[%mul3A_545] : memref<100000xf32, #tpu.memory_space<hbm>> -> memref<6400xf32, #tpu.memory_space<hbm>>
        tpu.enqueue_dma source(%dma_start3A_551 : memref<6400xf32, #tpu.memory_space<hbm>>) target(%dma_start3A_550 : memref<6400xf32, #tpu.memory_space<vmem>>) target_semaphore(%run_scoped3A : memref<!tpu.dma_semaphore, #tpu.memory_space<semaphore_mem>>)
        %dma_wait3A_552 = arith.constant 0 : i32
        %dma_wait3A_553 = tpu.memref_slice %arg23[%dma_wait3A_552] : memref<6400xf32, #tpu.memory_space<vmem>> -> memref<6400xf32, #tpu.memory_space<vmem>>
        %dma_wait3A_554 = tpu.memref_slice %arg5[%mul3A_545] : memref<100000xf32, #tpu.memory_space<hbm>> -> memref<6400xf32, #tpu.memory_space<hbm>>
        %dma_wait3A_555 = arith.constant 0 : i32
        %dma_wait3A_556 = tpu.memref_slice %arg23[%dma_wait3A_555] : memref<6400xf32, #tpu.memory_space<vmem>> -> memref<6400xf32, #tpu.memory_space<vmem>>
        %dma_wait3A_557 = tpu.memref_slice %arg5[%mul3A_545] : memref<100000xf32, #tpu.memory_space<hbm>> -> memref<6400xf32, #tpu.memory_space<hbm>>
        tpu.wait_dma2 semaphore(%run_scoped3A : memref<!tpu.dma_semaphore, #tpu.memory_space<semaphore_mem>>) src(%dma_wait3A_557 : memref<6400xf32, #tpu.memory_space<hbm>>) dst(%dma_wait3A_556 : memref<6400xf32, #tpu.memory_space<vmem>>)
        tpu.yield
      }) : () -> ()
      "tpu.region"() ({
        %run_scoped3A = tpu.sem_alloc : memref<!tpu.dma_semaphore, #tpu.memory_space<semaphore_mem>>
        %dma_start3A_546 = arith.constant 0 : i32
        %dma_start3A_547 = tpu.memref_slice %arg23[%dma_start3A_546] : memref<6400xf32, #tpu.memory_space<vmem>> -> memref<6400xf32, #tpu.memory_space<vmem>>
        %dma_start3A_548 = tpu.memref_slice %arg24[%mul3A_545] : memref<100000xf32, #tpu.memory_space<vmem_shared>> -> memref<6400xf32, #tpu.memory_space<vmem_shared>>
        %dma_start3A_549 = tpu.memref_slice %arg24[%mul3A_545] : memref<100000xf32, #tpu.memory_space<vmem_shared>> -> memref<6400xf32, #tpu.memory_space<vmem_shared>>
        %dma_start3A_550 = arith.constant 0 : i32
        %dma_start3A_551 = tpu.memref_slice %arg23[%dma_start3A_550] : memref<6400xf32, #tpu.memory_space<vmem>> -> memref<6400xf32, #tpu.memory_space<vmem>>
        tpu.enqueue_dma source(%dma_start3A_551 : memref<6400xf32, #tpu.memory_space<vmem>>) target(%dma_start3A_549 : memref<6400xf32, #tpu.memory_space<vmem_shared>>) target_semaphore(%run_scoped3A : memref<!tpu.dma_semaphore, #tpu.memory_space<semaphore_mem>>)
        %dma_wait3A_552 = arith.constant 0 : i32
        %dma_wait3A_553 = tpu.memref_slice %arg23[%dma_wait3A_552] : memref<6400xf32, #tpu.memory_space<vmem>> -> memref<6400xf32, #tpu.memory_space<vmem>>
        %dma_wait3A_554 = tpu.memref_slice %arg24[%mul3A_545] : memref<100000xf32, #tpu.memory_space<vmem_shared>> -> memref<6400xf32, #tpu.memory_space<vmem_shared>>
        %dma_wait3A_555 = tpu.memref_slice %arg24[%mul3A_545] : memref<100000xf32, #tpu.memory_space<vmem_shared>> -> memref<6400xf32, #tpu.memory_space<vmem_shared>>
        %dma_wait3A_556 = arith.constant 0 : i32
        %dma_wait3A_557 = tpu.memref_slice %arg23[%dma_wait3A_556] : memref<6400xf32, #tpu.memory_space<vmem>> -> memref<6400xf32, #tpu.memory_space<vmem>>
        tpu.wait_dma2 semaphore(%run_scoped3A : memref<!tpu.dma_semaphore, #tpu.memory_space<semaphore_mem>>) src(%dma_wait3A_557 : memref<6400xf32, #tpu.memory_space<vmem>>) dst(%dma_wait3A_555 : memref<6400xf32, #tpu.memory_space<vmem_shared>>)
        tpu.yield
      }) : () -> ()
      "tpu.region"() ({
        %run_scoped3A = tpu.sem_alloc : memref<!tpu.dma_semaphore, #tpu.memory_space<semaphore_mem>>
        %dma_start3A_546 = arith.constant 0 : i32
        %dma_start3A_547 = tpu.memref_slice %arg23[%dma_start3A_546] : memref<6400xf32, #tpu.memory_space<vmem>> -> memref<6400xf32, #tpu.memory_space<vmem>>
        %dma_start3A_548 = tpu.memref_slice %arg25[%mul3A_545] : memref<100000xf32, #tpu.memory_space<vmem_shared>> -> memref<6400xf32, #tpu.memory_space<vmem_shared>>
        %dma_start3A_549 = tpu.memref_slice %arg25[%mul3A_545] : memref<100000xf32, #tpu.memory_space<vmem_shared>> -> memref<6400xf32, #tpu.memory_space<vmem_shared>>
        %dma_start3A_550 = arith.constant 0 : i32
        %dma_start3A_551 = tpu.memref_slice %arg23[%dma_start3A_550] : memref<6400xf32, #tpu.memory_space<vmem>> -> memref<6400xf32, #tpu.memory_space<vmem>>
        tpu.enqueue_dma source(%dma_start3A_551 : memref<6400xf32, #tpu.memory_space<vmem>>) target(%dma_start3A_549 : memref<6400xf32, #tpu.memory_space<vmem_shared>>) target_semaphore(%run_scoped3A : memref<!tpu.dma_semaphore, #tpu.memory_space<semaphore_mem>>)
        %dma_wait3A_552 = arith.constant 0 : i32
        %dma_wait3A_553 = tpu.memref_slice %arg23[%dma_wait3A_552] : memref<6400xf32, #tpu.memory_space<vmem>> -> memref<6400xf32, #tpu.memory_space<vmem>>
        %dma_wait3A_554 = tpu.memref_slice %arg25[%mul3A_545] : memref<100000xf32, #tpu.memory_space<vmem_shared>> -> memref<6400xf32, #tpu.memory_space<vmem_shared>>
        %dma_wait3A_555 = tpu.memref_slice %arg25[%mul3A_545] : memref<100000xf32, #tpu.memory_space<vmem_shared>> -> memref<6400xf32, #tpu.memory_space<vmem_shared>>
        %dma_wait3A_556 = arith.constant 0 : i32
        %dma_wait3A_557 = tpu.memref_slice %arg23[%dma_wait3A_556] : memref<6400xf32, #tpu.memory_space<vmem>> -> memref<6400xf32, #tpu.memory_space<vmem>>
        tpu.wait_dma2 semaphore(%run_scoped3A : memref<!tpu.dma_semaphore, #tpu.memory_space<semaphore_mem>>) src(%dma_wait3A_557 : memref<6400xf32, #tpu.memory_space<vmem>>) dst(%dma_wait3A_555 : memref<6400xf32, #tpu.memory_space<vmem_shared>>)
        tpu.yield
      }) : () -> ()
    } else {
    }
    %eq3A = arith.constant 15 : i32
    %eq3A_2 = arith.cmpi eq, %arg1, %eq3A : i32
    %convert_element_type3A_3 = arith.extui %eq3A_2 : i1 to i32
    %cond3A_4 = arith.constant 0 : i32
    %cond3A_5 = arith.cmpi ne, %convert_element_type3A_3, %cond3A_4 : i32
    scf.if %cond3A_5 {
      "tpu.region"() ({
        %run_scoped3A = tpu.sem_alloc : memref<!tpu.dma_semaphore, #tpu.memory_space<semaphore_mem>>
        %dma_start3A_544 = arith.constant 0 : i32
        %dma_start3A_545 = tpu.memref_slice %arg23[%dma_start3A_544] : memref<6400xf32, #tpu.memory_space<vmem>> -> memref<4000xf32, #tpu.memory_space<vmem>>
        %dma_start3A_546 = arith.constant 96000 : i32
        %dma_start3A_547 = tpu.memref_slice %arg5[%dma_start3A_546] : memref<100000xf32, #tpu.memory_space<hbm>> -> memref<4000xf32, #tpu.memory_space<hbm>>
        %dma_start3A_548 = arith.constant 0 : i32
        %dma_start3A_549 = tpu.memref_slice %arg23[%dma_start3A_548] : memref<6400xf32, #tpu.memory_space<vmem>> -> memref<4000xf32, #tpu.memory_space<vmem>>
        %dma_start3A_550 = arith.constant 96000 : i32
        %dma_start3A_551 = tpu.memref_slice %arg5[%dma_start3A_550] : memref<100000xf32, #tpu.memory_space<hbm>> -> memref<4000xf32, #tpu.memory_space<hbm>>
        tpu.enqueue_dma source(%dma_start3A_551 : memref<4000xf32, #tpu.memory_space<hbm>>) target(%dma_start3A_549 : memref<4000xf32, #tpu.memory_space<vmem>>) target_semaphore(%run_scoped3A : memref<!tpu.dma_semaphore, #tpu.memory_space<semaphore_mem>>)
        %dma_wait3A_552 = arith.constant 0 : i32
        %dma_wait3A_553 = tpu.memref_slice %arg23[%dma_wait3A_552] : memref<6400xf32, #tpu.memory_space<vmem>> -> memref<4000xf32, #tpu.memory_space<vmem>>
        %dma_wait3A_554 = arith.constant 96000 : i32
        %dma_wait3A_555 = tpu.memref_slice %arg5[%dma_wait3A_554] : memref<100000xf32, #tpu.memory_space<hbm>> -> memref<4000xf32, #tpu.memory_space<hbm>>
        %dma_wait3A_556 = arith.constant 0 : i32
        %dma_wait3A_557 = tpu.memref_slice %arg23[%dma_wait3A_556] : memref<6400xf32, #tpu.memory_space<vmem>> -> memref<4000xf32, #tpu.memory_space<vmem>>
        %dma_wait3A_558 = arith.constant 96000 : i32
        %dma_wait3A_559 = tpu.memref_slice %arg5[%dma_wait3A_558] : memref<100000xf32, #tpu.memory_space<hbm>> -> memref<4000xf32, #tpu.memory_space<hbm>>
        tpu.wait_dma2 semaphore(%run_scoped3A : memref<!tpu.dma_semaphore, #tpu.memory_space<semaphore_mem>>) src(%dma_wait3A_559 : memref<4000xf32, #tpu.memory_space<hbm>>) dst(%dma_wait3A_557 : memref<4000xf32, #tpu.memory_space<vmem>>)
        tpu.yield
      }) : () -> ()
      "tpu.region"() ({
        %run_scoped3A = tpu.sem_alloc : memref<!tpu.dma_semaphore, #tpu.memory_space<semaphore_mem>>
        %dma_start3A_544 = arith.constant 0 : i32
        %dma_start3A_545 = tpu.memref_slice %arg23[%dma_start3A_544] : memref<6400xf32, #tpu.memory_space<vmem>> -> memref<4000xf32, #tpu.memory_space<vmem>>
        %dma_start3A_546 = arith.constant 96000 : i32
        %dma_start3A_547 = tpu.memref_slice %arg24[%dma_start3A_546] : memref<100000xf32, #tpu.memory_space<vmem_shared>> -> memref<4000xf32, #tpu.memory_space<vmem_shared>>
        %dma_start3A_548 = arith.constant 96000 : i32
        %dma_start3A_549 = tpu.memref_slice %arg24[%dma_start3A_548] : memref<100000xf32, #tpu.memory_space<vmem_shared>> -> memref<4000xf32, #tpu.memory_space<vmem_shared>>
        %dma_start3A_550 = arith.constant 0 : i32
        %dma_start3A_551 = tpu.memref_slice %arg23[%dma_start3A_550] : memref<6400xf32, #tpu.memory_space<vmem>> -> memref<4000xf32, #tpu.memory_space<vmem>>
        tpu.enqueue_dma source(%dma_start3A_551 : memref<4000xf32, #tpu.memory_space<vmem>>) target(%dma_start3A_549 : memref<4000xf32, #tpu.memory_space<vmem_shared>>) target_semaphore(%run_scoped3A : memref<!tpu.dma_semaphore, #tpu.memory_space<semaphore_mem>>)
        %dma_wait3A_552 = arith.constant 0 : i32
        %dma_wait3A_553 = tpu.memref_slice %arg23[%dma_wait3A_552] : memref<6400xf32, #tpu.memory_space<vmem>> -> memref<4000xf32, #tpu.memory_space<vmem>>
        %dma_wait3A_554 = arith.constant 96000 : i32
        %dma_wait3A_555 = tpu.memref_slice %arg24[%dma_wait3A_554] : memref<100000xf32, #tpu.memory_space<vmem_shared>> -> memref<4000xf32, #tpu.memory_space<vmem_shared>>
        %dma_wait3A_556 = arith.constant 96000 : i32
        %dma_wait3A_557 = tpu.memref_slice %arg24[%dma_wait3A_556] : memref<100000xf32, #tpu.memory_space<vmem_shared>> -> memref<4000xf32, #tpu.memory_space<vmem_shared>>
        %dma_wait3A_558 = arith.constant 0 : i32
        %dma_wait3A_559 = tpu.memref_slice %arg23[%dma_wait3A_558] : memref<6400xf32, #tpu.memory_space<vmem>> -> memref<4000xf32, #tpu.memory_space<vmem>>
        tpu.wait_dma2 semaphore(%run_scoped3A : memref<!tpu.dma_semaphore, #tpu.memory_space<semaphore_mem>>) src(%dma_wait3A_559 : memref<4000xf32, #tpu.memory_space<vmem>>) dst(%dma_wait3A_557 : memref<4000xf32, #tpu.memory_space<vmem_shared>>)
        tpu.yield
      }) : () -> ()
      "tpu.region"() ({
        %run_scoped3A = tpu.sem_alloc : memref<!tpu.dma_semaphore, #tpu.memory_space<semaphore_mem>>
        %dma_start3A_544 = arith.constant 0 : i32
        %dma_start3A_545 = tpu.memref_slice %arg23[%dma_start3A_544] : memref<6400xf32, #tpu.memory_space<vmem>> -> memref<4000xf32, #tpu.memory_space<vmem>>
        %dma_start3A_546 = arith.constant 96000 : i32
        %dma_start3A_547 = tpu.memref_slice %arg25[%dma_start3A_546] : memref<100000xf32, #tpu.memory_space<vmem_shared>> -> memref<4000xf32, #tpu.memory_space<vmem_shared>>
        %dma_start3A_548 = arith.constant 96000 : i32
        %dma_start3A_549 = tpu.memref_slice %arg25[%dma_start3A_548] : memref<100000xf32, #tpu.memory_space<vmem_shared>> -> memref<4000xf32, #tpu.memory_space<vmem_shared>>
        %dma_start3A_550 = arith.constant 0 : i32
        %dma_start3A_551 = tpu.memref_slice %arg23[%dma_start3A_550] : memref<6400xf32, #tpu.memory_space<vmem>> -> memref<4000xf32, #tpu.memory_space<vmem>>
        tpu.enqueue_dma source(%dma_start3A_551 : memref<4000xf32, #tpu.memory_space<vmem>>) target(%dma_start3A_549 : memref<4000xf32, #tpu.memory_space<vmem_shared>>) target_semaphore(%run_scoped3A : memref<!tpu.dma_semaphore, #tpu.memory_space<semaphore_mem>>)
        %dma_wait3A_552 = arith.constant 0 : i32
        %dma_wait3A_553 = tpu.memref_slice %arg23[%dma_wait3A_552] : memref<6400xf32, #tpu.memory_space<vmem>> -> memref<4000xf32, #tpu.memory_space<vmem>>
        %dma_wait3A_554 = arith.constant 96000 : i32
        %dma_wait3A_555 = tpu.memref_slice %arg25[%dma_wait3A_554] : memref<100000xf32, #tpu.memory_space<vmem_shared>> -> memref<4000xf32, #tpu.memory_space<vmem_shared>>
        %dma_wait3A_556 = arith.constant 96000 : i32
        %dma_wait3A_557 = tpu.memref_slice %arg25[%dma_wait3A_556] : memref<100000xf32, #tpu.memory_space<vmem_shared>> -> memref<4000xf32, #tpu.memory_space<vmem_shared>>
        %dma_wait3A_558 = arith.constant 0 : i32
        %dma_wait3A_559 = tpu.memref_slice %arg23[%dma_wait3A_558] : memref<6400xf32, #tpu.memory_space<vmem>> -> memref<4000xf32, #tpu.memory_space<vmem>>
        tpu.wait_dma2 semaphore(%run_scoped3A : memref<!tpu.dma_semaphore, #tpu.memory_space<semaphore_mem>>) src(%dma_wait3A_559 : memref<4000xf32, #tpu.memory_space<vmem>>) dst(%dma_wait3A_557 : memref<4000xf32, #tpu.memory_space<vmem_shared>>)
        tpu.yield
      }) : () -> ()
    } else {
    }
    %barrier3A = arith.constant 0 : index
    tpu.barrier barrier_id(%barrier3A)
    %mul3A = arith.constant 16 : i32
    %mul3A_6 = arith.muli %arg0, %mul3A : i32
    %mul3A_7 = arith.constant 50000 : i32
    %mul3A_8 = arith.muli %mul3A_6, %mul3A_7 : i32
    %mul3A_9 = arith.constant 50000 : i32
    %mul3A_10 = arith.muli %arg1, %mul3A_9 : i32
    %add3A = arith.addi %mul3A_8, %mul3A_10 : i32
    %add3A_11 = arith.constant 0 : i32
    %add3A_12 = arith.addi %add3A, %add3A_11 : i32
    "tpu.region"() ({
      %run_scoped3A = tpu.sem_alloc : memref<!tpu.dma_semaphore, #tpu.memory_space<semaphore_mem>>
      %dma_start3A_544 = tpu.memref_slice %arg3[%add3A_12] : memref<1600000xi32, #tpu.memory_space<hbm>> -> memref<2000xi32, #tpu.memory_space<hbm>>
      %dma_start3A_545 = tpu.memref_slice %arg3[%add3A_12] : memref<1600000xi32, #tpu.memory_space<hbm>> -> memref<2000xi32, #tpu.memory_space<hbm>>
      tpu.enqueue_dma source(%dma_start3A_545 : memref<2000xi32, #tpu.memory_space<hbm>>) target(%arg7 : memref<2000xi32, #tpu.memory_space<vmem>>) target_semaphore(%run_scoped3A : memref<!tpu.dma_semaphore, #tpu.memory_space<semaphore_mem>>)
      %dma_wait3A_546 = tpu.memref_slice %arg3[%add3A_12] : memref<1600000xi32, #tpu.memory_space<hbm>> -> memref<2000xi32, #tpu.memory_space<hbm>>
      %dma_wait3A_547 = tpu.memref_slice %arg3[%add3A_12] : memref<1600000xi32, #tpu.memory_space<hbm>> -> memref<2000xi32, #tpu.memory_space<hbm>>
      tpu.wait_dma2 semaphore(%run_scoped3A : memref<!tpu.dma_semaphore, #tpu.memory_space<semaphore_mem>>) src(%dma_wait3A_547 : memref<2000xi32, #tpu.memory_space<hbm>>) dst(%arg7 : memref<2000xi32, #tpu.memory_space<vmem>>)
      tpu.yield
    }) : () -> ()
    "tpu.region"() ({
      %run_scoped3A = tpu.sem_alloc : memref<!tpu.dma_semaphore, #tpu.memory_space<semaphore_mem>>
      %dma_start3A_544 = tpu.memref_slice %arg4[%add3A_12] : memref<1600000xi32, #tpu.memory_space<hbm>> -> memref<2000xi32, #tpu.memory_space<hbm>>
      %dma_start3A_545 = tpu.memref_slice %arg4[%add3A_12] : memref<1600000xi32, #tpu.memory_space<hbm>> -> memref<2000xi32, #tpu.memory_space<hbm>>
      tpu.enqueue_dma source(%dma_start3A_545 : memref<2000xi32, #tpu.memory_space<hbm>>) target(%arg9 : memref<2000xi32, #tpu.memory_space<vmem>>) target_semaphore(%run_scoped3A : memref<!tpu.dma_semaphore, #tpu.memory_space<semaphore_mem>>)
      %dma_wait3A_546 = tpu.memref_slice %arg4[%add3A_12] : memref<1600000xi32, #tpu.memory_space<hbm>> -> memref<2000xi32, #tpu.memory_space<hbm>>
      %dma_wait3A_547 = tpu.memref_slice %arg4[%add3A_12] : memref<1600000xi32, #tpu.memory_space<hbm>> -> memref<2000xi32, #tpu.memory_space<hbm>>
      tpu.wait_dma2 semaphore(%run_scoped3A : memref<!tpu.dma_semaphore, #tpu.memory_space<semaphore_mem>>) src(%dma_wait3A_547 : memref<2000xi32, #tpu.memory_space<hbm>>) dst(%arg9 : memref<2000xi32, #tpu.memory_space<vmem>>)
      tpu.yield
    }) : () -> ()
    %dma_start3A = arith.constant 0 : i32
    %dma_start3A_13 = tpu.memref_slice %arg2[%dma_start3A] : memref<200000xf32, #tpu.memory_space<hbm>> -> memref<200000xf32, #tpu.memory_space<hbm>>
    tpu.enqueue_indirect_dma source(%dma_start3A_13 : memref<200000xf32, #tpu.memory_space<hbm>>) target(%arg13 : memref<2000xf32, #tpu.memory_space<vmem>>) offsets(%arg7 : memref<2000xi32, #tpu.memory_space<vmem>>) semaphore(%arg26 : memref<!tpu.dma_semaphore, #tpu.memory_space<semaphore_mem>>)
    %add3A_14 = arith.constant 2000 : i32
    %add3A_15 = arith.addi %add3A, %add3A_14 : i32
    "tpu.region"() ({
      %run_scoped3A = tpu.sem_alloc : memref<!tpu.dma_semaphore, #tpu.memory_space<semaphore_mem>>
      %dma_start3A_544 = tpu.memref_slice %arg3[%add3A_15] : memref<1600000xi32, #tpu.memory_space<hbm>> -> memref<2000xi32, #tpu.memory_space<hbm>>
      %dma_start3A_545 = tpu.memref_slice %arg3[%add3A_15] : memref<1600000xi32, #tpu.memory_space<hbm>> -> memref<2000xi32, #tpu.memory_space<hbm>>
      tpu.enqueue_dma source(%dma_start3A_545 : memref<2000xi32, #tpu.memory_space<hbm>>) target(%arg8 : memref<2000xi32, #tpu.memory_space<vmem>>) target_semaphore(%run_scoped3A : memref<!tpu.dma_semaphore, #tpu.memory_space<semaphore_mem>>)
      %dma_wait3A_546 = tpu.memref_slice %arg3[%add3A_15] : memref<1600000xi32, #tpu.memory_space<hbm>> -> memref<2000xi32, #tpu.memory_space<hbm>>
      %dma_wait3A_547 = tpu.memref_slice %arg3[%add3A_15] : memref<1600000xi32, #tpu.memory_space<hbm>> -> memref<2000xi32, #tpu.memory_space<hbm>>
      tpu.wait_dma2 semaphore(%run_scoped3A : memref<!tpu.dma_semaphore, #tpu.memory_space<semaphore_mem>>) src(%dma_wait3A_547 : memref<2000xi32, #tpu.memory_space<hbm>>) dst(%arg8 : memref<2000xi32, #tpu.memory_space<vmem>>)
      tpu.yield
    }) : () -> ()
    "tpu.region"() ({
      %run_scoped3A = tpu.sem_alloc : memref<!tpu.dma_semaphore, #tpu.memory_space<semaphore_mem>>
      %dma_start3A_544 = tpu.memref_slice %arg4[%add3A_15] : memref<1600000xi32, #tpu.memory_space<hbm>> -> memref<2000xi32, #tpu.memory_space<hbm>>
      %dma_start3A_545 = tpu.memref_slice %arg4[%add3A_15] : memref<1600000xi32, #tpu.memory_space<hbm>> -> memref<2000xi32, #tpu.memory_space<hbm>>
      tpu.enqueue_dma source(%dma_start3A_545 : memref<2000xi32, #tpu.memory_space<hbm>>) target(%arg10 : memref<2000xi32, #tpu.memory_space<vmem>>) target_semaphore(%run_scoped3A : memref<!tpu.dma_semaphore, #tpu.memory_space<semaphore_mem>>)
      %dma_wait3A_546 = tpu.memref_slice %arg4[%add3A_15] : memref<1600000xi32, #tpu.memory_space<hbm>> -> memref<2000xi32, #tpu.memory_space<hbm>>
      %dma_wait3A_547 = tpu.memref_slice %arg4[%add3A_15] : memref<1600000xi32, #tpu.memory_space<hbm>> -> memref<2000xi32, #tpu.memory_space<hbm>>
      tpu.wait_dma2 semaphore(%run_scoped3A : memref<!tpu.dma_semaphore, #tpu.memory_space<semaphore_mem>>) src(%dma_wait3A_547 : memref<2000xi32, #tpu.memory_space<hbm>>) dst(%arg10 : memref<2000xi32, #tpu.memory_space<vmem>>)
      tpu.yield
    }) : () -> ()
    %dma_start3A_16 = arith.constant 0 : i32
    %dma_start3A_17 = tpu.memref_slice %arg2[%dma_start3A_16] : memref<200000xf32, #tpu.memory_space<hbm>> -> memref<200000xf32, #tpu.memory_space<hbm>>
    tpu.enqueue_indirect_dma source(%dma_start3A_17 : memref<200000xf32, #tpu.memory_space<hbm>>) target(%arg14 : memref<2000xf32, #tpu.memory_space<vmem>>) offsets(%arg8 : memref<2000xi32, #tpu.memory_space<vmem>>) semaphore(%arg27 : memref<!tpu.dma_semaphore, #tpu.memory_space<semaphore_mem>>)
    %dma_wait3A = arith.constant 0 : i32
    %dma_wait3A_18 = tpu.memref_slice %arg2[%dma_wait3A] : memref<200000xf32, #tpu.memory_space<hbm>> -> memref<200000xf32, #tpu.memory_space<hbm>>
    tpu.wait_indirect_dma semaphore(%arg26 : memref<!tpu.dma_semaphore, #tpu.memory_space<semaphore_mem>>) src(%dma_wait3A_18 : memref<200000xf32, #tpu.memory_space<hbm>>) dst(%arg13 : memref<2000xf32, #tpu.memory_space<vmem>>)
    %scan3A = arith.constant 0 : i32
    %scan3A_19 = arith.constant 0 : i32
    %scan3A_20 = arith.constant 125 : i32
    %scan3A_21 = arith.addi %scan3A_19, %scan3A_20 : i32
    %scan3A_22 = arith.constant 1 : i32
    %scan3A_23 = scf.for %scan3A_544 = %scan3A_19 to %scan3A_21 step %scan3A_22 iter_args(%scan3A_545 = %scan3A) -> (i32)  : i32 {
      %mul3A_546 = arith.constant 16 : i32
      %mul3A_547 = arith.muli %scan3A_544, %mul3A_546 : i32
      %get3A = arith.index_cast %mul3A_547 : i32 to index
      %get3A_548 = tpu.vector_load %arg13[%get3A] {strides = array<i32>} : memref<2000xf32, #tpu.memory_space<vmem>>, vector<16xf32>,
      %get3A_549 = vector.shape_cast %get3A_548 : vector<16xf32> to vector<16xf32>
      %abs3A = math.absf %get3A_549 : vector<16xf32>
      %neg3A = arith.constant 0.000000e+00 : f32
      %neg3A_550 = vector.broadcast %neg3A : f32 to vector<16xf32>
      %neg3A_551 = arith.subf %neg3A_550, %abs3A : vector<16xf32>
      %mul3A_552 = arith.constant 16 : i32
      %mul3A_553 = arith.muli %scan3A_544, %mul3A_552 : i32
      %swap3A = arith.index_cast %mul3A_553 : i32 to index
      %swap3A_554 = tpu.vector_load %arg15[%swap3A] {strides = array<i32>} : memref<2000xf32, #tpu.memory_space<vmem>>, vector<16xf32>,
      %swap3A_555 = vector.shape_cast %swap3A_554 : vector<16xf32> to vector<16xf32>
      %swap3A_556 = vector.shape_cast %neg3A_551 : vector<16xf32> to vector<16xf32>
      tpu.vector_store %arg15[%swap3A], %swap3A_556 {strides = array<i32>} : memref<2000xf32, #tpu.memory_space<vmem>>, vector<16xf32>,
      %lt3A_557 = arith.constant 0.000000e+00 : f32
      %lt3A_558 = vector.broadcast %lt3A_557 : f32 to vector<16xf32>
      %lt3A_559 = arith.cmpf olt, %get3A_549, %lt3A_558 : vector<16xf32>
      %jit3A = arith.constant 1.000000e+00 : f32
      %jit3A_560 = arith.constant 0.000000e+00 : f32
      %broadcast_in_dim3A = vector.broadcast %jit3A : f32 to vector<16xf32>
      %broadcast_in_dim3A_561 = vector.broadcast %jit3A_560 : f32 to vector<16xf32>
      %select_n3A = arith.select %lt3A_559, %broadcast_in_dim3A, %broadcast_in_dim3A_561 : vector<16xi1>, vector<16xf32>
      %mul3A_562 = arith.constant 16 : i32
      %mul3A_563 = arith.muli %scan3A_544, %mul3A_562 : i32
      %swap3A_564 = arith.index_cast %mul3A_563 : i32 to index
      %swap3A_565 = tpu.vector_load %arg19[%swap3A_564] {strides = array<i32>} : memref<2000xf32, #tpu.memory_space<vmem>>, vector<16xf32>,
      %swap3A_566 = vector.shape_cast %swap3A_565 : vector<16xf32> to vector<16xf32>
      %swap3A_567 = vector.shape_cast %select_n3A : vector<16xf32> to vector<16xf32>
      tpu.vector_store %arg19[%swap3A_564], %swap3A_567 {strides = array<i32>} : memref<2000xf32, #tpu.memory_space<vmem>>, vector<16xf32>,
      %scan3A_568 = arith.constant 0 : i32
      scf.yield %scan3A_568 : i32
    }
    %scan3A_24 = arith.constant 125 : i32
    %dma_start3A_25 = arith.constant 0 : i32
    %dma_start3A_26 = tpu.memref_slice %arg24[%dma_start3A_25] : memref<100000xf32, #tpu.memory_space<vmem_shared>> -> memref<100000xf32, #tpu.memory_space<vmem_shared>>
    tpu.enqueue_indirect_dma source(%arg15 : memref<2000xf32, #tpu.memory_space<vmem>>) target(%dma_start3A_26 : memref<100000xf32, #tpu.memory_space<vmem_shared>>) offsets(%arg9 : memref<2000xi32, #tpu.memory_space<vmem>>) semaphore(%arg28 : memref<!tpu.dma_semaphore, #tpu.memory_space<semaphore_mem>>) {add = true}
    %dma_start3A_27 = arith.constant 0 : i32
    %dma_start3A_28 = tpu.memref_slice %arg25[%dma_start3A_27] : memref<100000xf32, #tpu.memory_space<vmem_shared>> -> memref<100000xf32, #tpu.memory_space<vmem_shared>>
    tpu.enqueue_indirect_dma source(%arg19 : memref<2000xf32, #tpu.memory_space<vmem>>) target(%dma_start3A_28 : memref<100000xf32, #tpu.memory_space<vmem_shared>>) offsets(%arg9 : memref<2000xi32, #tpu.memory_space<vmem>>) semaphore(%arg28 : memref<!tpu.dma_semaphore, #tpu.memory_space<semaphore_mem>>) {add = true}
    %add3A_29 = arith.constant 4000 : i32
    %add3A_30 = arith.addi %add3A, %add3A_29 : i32
    "tpu.region"() ({
      %run_scoped3A = tpu.sem_alloc : memref<!tpu.dma_semaphore, #tpu.memory_space<semaphore_mem>>
      %dma_start3A_544 = tpu.memref_slice %arg3[%add3A_30] : memref<1600000xi32, #tpu.memory_space<hbm>> -> memref<2000xi32, #tpu.memory_space<hbm>>
      %dma_start3A_545 = tpu.memref_slice %arg3[%add3A_30] : memref<1600000xi32, #tpu.memory_space<hbm>> -> memref<2000xi32, #tpu.memory_space<hbm>>
      tpu.enqueue_dma source(%dma_start3A_545 : memref<2000xi32, #tpu.memory_space<hbm>>) target(%arg7 : memref<2000xi32, #tpu.memory_space<vmem>>) target_semaphore(%run_scoped3A : memref<!tpu.dma_semaphore, #tpu.memory_space<semaphore_mem>>)
      %dma_wait3A_546 = tpu.memref_slice %arg3[%add3A_30] : memref<1600000xi32, #tpu.memory_space<hbm>> -> memref<2000xi32, #tpu.memory_space<hbm>>
      %dma_wait3A_547 = tpu.memref_slice %arg3[%add3A_30] : memref<1600000xi32, #tpu.memory_space<hbm>> -> memref<2000xi32, #tpu.memory_space<hbm>>
      tpu.wait_dma2 semaphore(%run_scoped3A : memref<!tpu.dma_semaphore, #tpu.memory_space<semaphore_mem>>) src(%dma_wait3A_547 : memref<2000xi32, #tpu.memory_space<hbm>>) dst(%arg7 : memref<2000xi32, #tpu.memory_space<vmem>>)
      tpu.yield
    }) : () -> ()
    "tpu.region"() ({
      %run_scoped3A = tpu.sem_alloc : memref<!tpu.dma_semaphore, #tpu.memory_space<semaphore_mem>>
      %dma_start3A_544 = tpu.memref_slice %arg4[%add3A_30] : memref<1600000xi32, #tpu.memory_space<hbm>> -> memref<2000xi32, #tpu.memory_space<hbm>>
      %dma_start3A_545 = tpu.memref_slice %arg4[%add3A_30] : memref<1600000xi32, #tpu.memory_space<hbm>> -> memref<2000xi32, #tpu.memory_space<hbm>>
      tpu.enqueue_dma source(%dma_start3A_545 : memref<2000xi32, #tpu.memory_space<hbm>>) target(%arg11 : memref<2000xi32, #tpu.memory_space<vmem>>) target_semaphore(%run_scoped3A : memref<!tpu.dma_semaphore, #tpu.memory_space<semaphore_mem>>)
      %dma_wait3A_546 = tpu.memref_slice %arg4[%add3A_30] : memref<1600000xi32, #tpu.memory_space<hbm>> -> memref<2000xi32, #tpu.memory_space<hbm>>
      %dma_wait3A_547 = tpu.memref_slice %arg4[%add3A_30] : memref<1600000xi32, #tpu.memory_space<hbm>> -> memref<2000xi32, #tpu.memory_space<hbm>>
      tpu.wait_dma2 semaphore(%run_scoped3A : memref<!tpu.dma_semaphore, #tpu.memory_space<semaphore_mem>>) src(%dma_wait3A_547 : memref<2000xi32, #tpu.memory_space<hbm>>) dst(%arg11 : memref<2000xi32, #tpu.memory_space<vmem>>)
      tpu.yield
    }) : () -> ()
    %dma_start3A_31 = arith.constant 0 : i32
    %dma_start3A_32 = tpu.memref_slice %arg2[%dma_start3A_31] : memref<200000xf32, #tpu.memory_space<hbm>> -> memref<200000xf32, #tpu.memory_space<hbm>>
    tpu.enqueue_indirect_dma source(%dma_start3A_32 : memref<200000xf32, #tpu.memory_space<hbm>>) target(%arg13 : memref<2000xf32, #tpu.memory_space<vmem>>) offsets(%arg7 : memref<2000xi32, #tpu.memory_space<vmem>>) semaphore(%arg26 : memref<!tpu.dma_semaphore, #tpu.memory_space<semaphore_mem>>)
    %dma_wait3A_33 = arith.constant 0 : i32
    %dma_wait3A_34 = tpu.memref_slice %arg2[%dma_wait3A_33] : memref<200000xf32, #tpu.memory_space<hbm>> -> memref<200000xf32, #tpu.memory_space<hbm>>
    tpu.wait_indirect_dma semaphore(%arg27 : memref<!tpu.dma_semaphore, #tpu.memory_space<semaphore_mem>>) src(%dma_wait3A_34 : memref<200000xf32, #tpu.memory_space<hbm>>) dst(%arg14 : memref<2000xf32, #tpu.memory_space<vmem>>)
    %scan3A_35 = arith.constant 0 : i32
    %scan3A_36 = arith.constant 0 : i32
    %scan3A_37 = arith.constant 125 : i32
    %scan3A_38 = arith.addi %scan3A_36, %scan3A_37 : i32
    %scan3A_39 = arith.constant 1 : i32
    %scan3A_40 = scf.for %scan3A_544 = %scan3A_36 to %scan3A_38 step %scan3A_39 iter_args(%scan3A_545 = %scan3A_35) -> (i32)  : i32 {
      %mul3A_546 = arith.constant 16 : i32
      %mul3A_547 = arith.muli %scan3A_544, %mul3A_546 : i32
      %get3A = arith.index_cast %mul3A_547 : i32 to index
      %get3A_548 = tpu.vector_load %arg14[%get3A] {strides = array<i32>} : memref<2000xf32, #tpu.memory_space<vmem>>, vector<16xf32>,
      %get3A_549 = vector.shape_cast %get3A_548 : vector<16xf32> to vector<16xf32>
      %abs3A = math.absf %get3A_549 : vector<16xf32>
      %neg3A = arith.constant 0.000000e+00 : f32
      %neg3A_550 = vector.broadcast %neg3A : f32 to vector<16xf32>
      %neg3A_551 = arith.subf %neg3A_550, %abs3A : vector<16xf32>
      %mul3A_552 = arith.constant 16 : i32
      %mul3A_553 = arith.muli %scan3A_544, %mul3A_552 : i32
      %swap3A = arith.index_cast %mul3A_553 : i32 to index
      %swap3A_554 = tpu.vector_load %arg16[%swap3A] {strides = array<i32>} : memref<2000xf32, #tpu.memory_space<vmem>>, vector<16xf32>,
      %swap3A_555 = vector.shape_cast %swap3A_554 : vector<16xf32> to vector<16xf32>
      %swap3A_556 = vector.shape_cast %neg3A_551 : vector<16xf32> to vector<16xf32>
      tpu.vector_store %arg16[%swap3A], %swap3A_556 {strides = array<i32>} : memref<2000xf32, #tpu.memory_space<vmem>>, vector<16xf32>,
      %lt3A_557 = arith.constant 0.000000e+00 : f32
      %lt3A_558 = vector.broadcast %lt3A_557 : f32 to vector<16xf32>
      %lt3A_559 = arith.cmpf olt, %get3A_549, %lt3A_558 : vector<16xf32>
      %jit3A = arith.constant 1.000000e+00 : f32
      %jit3A_560 = arith.constant 0.000000e+00 : f32
      %broadcast_in_dim3A = vector.broadcast %jit3A : f32 to vector<16xf32>
      %broadcast_in_dim3A_561 = vector.broadcast %jit3A_560 : f32 to vector<16xf32>
      %select_n3A = arith.select %lt3A_559, %broadcast_in_dim3A, %broadcast_in_dim3A_561 : vector<16xi1>, vector<16xf32>
      %mul3A_562 = arith.constant 16 : i32
      %mul3A_563 = arith.muli %scan3A_544, %mul3A_562 : i32
      %swap3A_564 = arith.index_cast %mul3A_563 : i32 to index
      %swap3A_565 = tpu.vector_load %arg20[%swap3A_564] {strides = array<i32>} : memref<2000xf32, #tpu.memory_space<vmem>>, vector<16xf32>,
      %swap3A_566 = vector.shape_cast %swap3A_565 : vector<16xf32> to vector<16xf32>
      %swap3A_567 = vector.shape_cast %select_n3A : vector<16xf32> to vector<16xf32>
      tpu.vector_store %arg20[%swap3A_564], %swap3A_567 {strides = array<i32>} : memref<2000xf32, #tpu.memory_space<vmem>>, vector<16xf32>,
      %scan3A_568 = arith.constant 0 : i32
      scf.yield %scan3A_568 : i32
    }
    %scan3A_41 = arith.constant 125 : i32
    %dma_start3A_42 = arith.constant 0 : i32
    %dma_start3A_43 = tpu.memref_slice %arg24[%dma_start3A_42] : memref<100000xf32, #tpu.memory_space<vmem_shared>> -> memref<100000xf32, #tpu.memory_space<vmem_shared>>
    tpu.enqueue_indirect_dma source(%arg16 : memref<2000xf32, #tpu.memory_space<vmem>>) target(%dma_start3A_43 : memref<100000xf32, #tpu.memory_space<vmem_shared>>) offsets(%arg10 : memref<2000xi32, #tpu.memory_space<vmem>>) semaphore(%arg29 : memref<!tpu.dma_semaphore, #tpu.memory_space<semaphore_mem>>) {add = true}
    %dma_start3A_44 = arith.constant 0 : i32
    %dma_start3A_45 = tpu.memref_slice %arg25[%dma_start3A_44] : memref<100000xf32, #tpu.memory_space<vmem_shared>> -> memref<100000xf32, #tpu.memory_space<vmem_shared>>
    tpu.enqueue_indirect_dma source(%arg20 : memref<2000xf32, #tpu.memory_space<vmem>>) target(%dma_start3A_45 : memref<100000xf32, #tpu.memory_space<vmem_shared>>) offsets(%arg10 : memref<2000xi32, #tpu.memory_space<vmem>>) semaphore(%arg29 : memref<!tpu.dma_semaphore, #tpu.memory_space<semaphore_mem>>) {add = true}
    %add3A_46 = arith.constant 6000 : i32
    %add3A_47 = arith.addi %add3A, %add3A_46 : i32
    "tpu.region"() ({
      %run_scoped3A = tpu.sem_alloc : memref<!tpu.dma_semaphore, #tpu.memory_space<semaphore_mem>>
      %dma_start3A_544 = tpu.memref_slice %arg3[%add3A_47] : memref<1600000xi32, #tpu.memory_space<hbm>> -> memref<2000xi32, #tpu.memory_space<hbm>>
      %dma_start3A_545 = tpu.memref_slice %arg3[%add3A_47] : memref<1600000xi32, #tpu.memory_space<hbm>> -> memref<2000xi32, #tpu.memory_space<hbm>>
      tpu.enqueue_dma source(%dma_start3A_545 : memref<2000xi32, #tpu.memory_space<hbm>>) target(%arg8 : memref<2000xi32, #tpu.memory_space<vmem>>) target_semaphore(%run_scoped3A : memref<!tpu.dma_semaphore, #tpu.memory_space<semaphore_mem>>)
      %dma_wait3A_546 = tpu.memref_slice %arg3[%add3A_47] : memref<1600000xi32, #tpu.memory_space<hbm>> -> memref<2000xi32, #tpu.memory_space<hbm>>
      %dma_wait3A_547 = tpu.memref_slice %arg3[%add3A_47] : memref<1600000xi32, #tpu.memory_space<hbm>> -> memref<2000xi32, #tpu.memory_space<hbm>>
      tpu.wait_dma2 semaphore(%run_scoped3A : memref<!tpu.dma_semaphore, #tpu.memory_space<semaphore_mem>>) src(%dma_wait3A_547 : memref<2000xi32, #tpu.memory_space<hbm>>) dst(%arg8 : memref<2000xi32, #tpu.memory_space<vmem>>)
      tpu.yield
    }) : () -> ()
    "tpu.region"() ({
      %run_scoped3A = tpu.sem_alloc : memref<!tpu.dma_semaphore, #tpu.memory_space<semaphore_mem>>
      %dma_start3A_544 = tpu.memref_slice %arg4[%add3A_47] : memref<1600000xi32, #tpu.memory_space<hbm>> -> memref<2000xi32, #tpu.memory_space<hbm>>
      %dma_start3A_545 = tpu.memref_slice %arg4[%add3A_47] : memref<1600000xi32, #tpu.memory_space<hbm>> -> memref<2000xi32, #tpu.memory_space<hbm>>
      tpu.enqueue_dma source(%dma_start3A_545 : memref<2000xi32, #tpu.memory_space<hbm>>) target(%arg12 : memref<2000xi32, #tpu.memory_space<vmem>>) target_semaphore(%run_scoped3A : memref<!tpu.dma_semaphore, #tpu.memory_space<semaphore_mem>>)
      %dma_wait3A_546 = tpu.memref_slice %arg4[%add3A_47] : memref<1600000xi32, #tpu.memory_space<hbm>> -> memref<2000xi32, #tpu.memory_space<hbm>>
      %dma_wait3A_547 = tpu.memref_slice %arg4[%add3A_47] : memref<1600000xi32, #tpu.memory_space<hbm>> -> memref<2000xi32, #tpu.memory_space<hbm>>
      tpu.wait_dma2 semaphore(%run_scoped3A : memref<!tpu.dma_semaphore, #tpu.memory_space<semaphore_mem>>) src(%dma_wait3A_547 : memref<2000xi32, #tpu.memory_space<hbm>>) dst(%arg12 : memref<2000xi32, #tpu.memory_space<vmem>>)
      tpu.yield
    }) : () -> ()
    %dma_start3A_48 = arith.constant 0 : i32
    %dma_start3A_49 = tpu.memref_slice %arg2[%dma_start3A_48] : memref<200000xf32, #tpu.memory_space<hbm>> -> memref<200000xf32, #tpu.memory_space<hbm>>
    tpu.enqueue_indirect_dma source(%dma_start3A_49 : memref<200000xf32, #tpu.memory_space<hbm>>) target(%arg14 : memref<2000xf32, #tpu.memory_space<vmem>>) offsets(%arg8 : memref<2000xi32, #tpu.memory_space<vmem>>) semaphore(%arg27 : memref<!tpu.dma_semaphore, #tpu.memory_space<semaphore_mem>>)
    %dma_wait3A_50 = arith.constant 0 : i32
    %dma_wait3A_51 = tpu.memref_slice %arg2[%dma_wait3A_50] : memref<200000xf32, #tpu.memory_space<hbm>> -> memref<200000xf32, #tpu.memory_space<hbm>>
    tpu.wait_indirect_dma semaphore(%arg26 : memref<!tpu.dma_semaphore, #tpu.memory_space<semaphore_mem>>) src(%dma_wait3A_51 : memref<200000xf32, #tpu.memory_space<hbm>>) dst(%arg13 : memref<2000xf32, #tpu.memory_space<vmem>>)
    %scan3A_52 = arith.constant 0 : i32
    %scan3A_53 = arith.constant 0 : i32
    %scan3A_54 = arith.constant 125 : i32
    %scan3A_55 = arith.addi %scan3A_53, %scan3A_54 : i32
    %scan3A_56 = arith.constant 1 : i32
    %scan3A_57 = scf.for %scan3A_544 = %scan3A_53 to %scan3A_55 step %scan3A_56 iter_args(%scan3A_545 = %scan3A_52) -> (i32)  : i32 {
      %mul3A_546 = arith.constant 16 : i32
      %mul3A_547 = arith.muli %scan3A_544, %mul3A_546 : i32
      %get3A = arith.index_cast %mul3A_547 : i32 to index
      %get3A_548 = tpu.vector_load %arg13[%get3A] {strides = array<i32>} : memref<2000xf32, #tpu.memory_space<vmem>>, vector<16xf32>,
      %get3A_549 = vector.shape_cast %get3A_548 : vector<16xf32> to vector<16xf32>
      %abs3A = math.absf %get3A_549 : vector<16xf32>
      %neg3A = arith.constant 0.000000e+00 : f32
      %neg3A_550 = vector.broadcast %neg3A : f32 to vector<16xf32>
      %neg3A_551 = arith.subf %neg3A_550, %abs3A : vector<16xf32>
      %mul3A_552 = arith.constant 16 : i32
      %mul3A_553 = arith.muli %scan3A_544, %mul3A_552 : i32
      %swap3A = arith.index_cast %mul3A_553 : i32 to index
      %swap3A_554 = tpu.vector_load %arg17[%swap3A] {strides = array<i32>} : memref<2000xf32, #tpu.memory_space<vmem>>, vector<16xf32>,
      %swap3A_555 = vector.shape_cast %swap3A_554 : vector<16xf32> to vector<16xf32>
      %swap3A_556 = vector.shape_cast %neg3A_551 : vector<16xf32> to vector<16xf32>
      tpu.vector_store %arg17[%swap3A], %swap3A_556 {strides = array<i32>} : memref<2000xf32, #tpu.memory_space<vmem>>, vector<16xf32>,
      %lt3A_557 = arith.constant 0.000000e+00 : f32
      %lt3A_558 = vector.broadcast %lt3A_557 : f32 to vector<16xf32>
      %lt3A_559 = arith.cmpf olt, %get3A_549, %lt3A_558 : vector<16xf32>
      %jit3A = arith.constant 1.000000e+00 : f32
      %jit3A_560 = arith.constant 0.000000e+00 : f32
      %broadcast_in_dim3A = vector.broadcast %jit3A : f32 to vector<16xf32>
      %broadcast_in_dim3A_561 = vector.broadcast %jit3A_560 : f32 to vector<16xf32>
      %select_n3A = arith.select %lt3A_559, %broadcast_in_dim3A, %broadcast_in_dim3A_561 : vector<16xi1>, vector<16xf32>
      %mul3A_562 = arith.constant 16 : i32
      %mul3A_563 = arith.muli %scan3A_544, %mul3A_562 : i32
      %swap3A_564 = arith.index_cast %mul3A_563 : i32 to index
      %swap3A_565 = tpu.vector_load %arg21[%swap3A_564] {strides = array<i32>} : memref<2000xf32, #tpu.memory_space<vmem>>, vector<16xf32>,
      %swap3A_566 = vector.shape_cast %swap3A_565 : vector<16xf32> to vector<16xf32>
      %swap3A_567 = vector.shape_cast %select_n3A : vector<16xf32> to vector<16xf32>
      tpu.vector_store %arg21[%swap3A_564], %swap3A_567 {strides = array<i32>} : memref<2000xf32, #tpu.memory_space<vmem>>, vector<16xf32>,
      %scan3A_568 = arith.constant 0 : i32
      scf.yield %scan3A_568 : i32
    }
    %scan3A_58 = arith.constant 125 : i32
    %dma_start3A_59 = arith.constant 0 : i32
    %dma_start3A_60 = tpu.memref_slice %arg24[%dma_start3A_59] : memref<100000xf32, #tpu.memory_space<vmem_shared>> -> memref<100000xf32, #tpu.memory_space<vmem_shared>>
    tpu.enqueue_indirect_dma source(%arg17 : memref<2000xf32, #tpu.memory_space<vmem>>) target(%dma_start3A_60 : memref<100000xf32, #tpu.memory_space<vmem_shared>>) offsets(%arg11 : memref<2000xi32, #tpu.memory_space<vmem>>) semaphore(%arg30 : memref<!tpu.dma_semaphore, #tpu.memory_space<semaphore_mem>>) {add = true}
    %dma_start3A_61 = arith.constant 0 : i32
    %dma_start3A_62 = tpu.memref_slice %arg25[%dma_start3A_61] : memref<100000xf32, #tpu.memory_space<vmem_shared>> -> memref<100000xf32, #tpu.memory_space<vmem_shared>>
    tpu.enqueue_indirect_dma source(%arg21 : memref<2000xf32, #tpu.memory_space<vmem>>) target(%dma_start3A_62 : memref<100000xf32, #tpu.memory_space<vmem_shared>>) offsets(%arg11 : memref<2000xi32, #tpu.memory_space<vmem>>) semaphore(%arg30 : memref<!tpu.dma_semaphore, #tpu.memory_space<semaphore_mem>>) {add = true}
    %dma_wait3A_63 = arith.constant 0 : i32
    %dma_wait3A_64 = tpu.memref_slice %arg24[%dma_wait3A_63] : memref<100000xf32, #tpu.memory_space<vmem_shared>> -> memref<100000xf32, #tpu.memory_space<vmem_shared>>
    tpu.wait_indirect_dma semaphore(%arg28 : memref<!tpu.dma_semaphore, #tpu.memory_space<semaphore_mem>>) src(%arg15 : memref<2000xf32, #tpu.memory_space<vmem>>) dst(%dma_wait3A_64 : memref<100000xf32, #tpu.memory_space<vmem_shared>>)
    %dma_wait3A_65 = arith.constant 0 : i32
    %dma_wait3A_66 = tpu.memref_slice %arg25[%dma_wait3A_65] : memref<100000xf32, #tpu.memory_space<vmem_shared>> -> memref<100000xf32, #tpu.memory_space<vmem_shared>>
    tpu.wait_indirect_dma semaphore(%arg28 : memref<!tpu.dma_semaphore, #tpu.memory_space<semaphore_mem>>) src(%arg19 : memref<2000xf32, #tpu.memory_space<vmem>>) dst(%dma_wait3A_66 : memref<100000xf32, #tpu.memory_space<vmem_shared>>)
    %add3A_67 = arith.constant 8000 : i32
    %add3A_68 = arith.addi %add3A, %add3A_67 : i32
    "tpu.region"() ({
      %run_scoped3A = tpu.sem_alloc : memref<!tpu.dma_semaphore, #tpu.memory_space<semaphore_mem>>
      %dma_start3A_544 = tpu.memref_slice %arg3[%add3A_68] : memref<1600000xi32, #tpu.memory_space<hbm>> -> memref<2000xi32, #tpu.memory_space<hbm>>
      %dma_start3A_545 = tpu.memref_slice %arg3[%add3A_68] : memref<1600000xi32, #tpu.memory_space<hbm>> -> memref<2000xi32, #tpu.memory_space<hbm>>
      tpu.enqueue_dma source(%dma_start3A_545 : memref<2000xi32, #tpu.memory_space<hbm>>) target(%arg7 : memref<2000xi32, #tpu.memory_space<vmem>>) target_semaphore(%run_scoped3A : memref<!tpu.dma_semaphore, #tpu.memory_space<semaphore_mem>>)
      %dma_wait3A_546 = tpu.memref_slice %arg3[%add3A_68] : memref<1600000xi32, #tpu.memory_space<hbm>> -> memref<2000xi32, #tpu.memory_space<hbm>>
      %dma_wait3A_547 = tpu.memref_slice %arg3[%add3A_68] : memref<1600000xi32, #tpu.memory_space<hbm>> -> memref<2000xi32, #tpu.memory_space<hbm>>
      tpu.wait_dma2 semaphore(%run_scoped3A : memref<!tpu.dma_semaphore, #tpu.memory_space<semaphore_mem>>) src(%dma_wait3A_547 : memref<2000xi32, #tpu.memory_space<hbm>>) dst(%arg7 : memref<2000xi32, #tpu.memory_space<vmem>>)
      tpu.yield
    }) : () -> ()
    "tpu.region"() ({
      %run_scoped3A = tpu.sem_alloc : memref<!tpu.dma_semaphore, #tpu.memory_space<semaphore_mem>>
      %dma_start3A_544 = tpu.memref_slice %arg4[%add3A_68] : memref<1600000xi32, #tpu.memory_space<hbm>> -> memref<2000xi32, #tpu.memory_space<hbm>>
      %dma_start3A_545 = tpu.memref_slice %arg4[%add3A_68] : memref<1600000xi32, #tpu.memory_space<hbm>> -> memref<2000xi32, #tpu.memory_space<hbm>>
      tpu.enqueue_dma source(%dma_start3A_545 : memref<2000xi32, #tpu.memory_space<hbm>>) target(%arg9 : memref<2000xi32, #tpu.memory_space<vmem>>) target_semaphore(%run_scoped3A : memref<!tpu.dma_semaphore, #tpu.memory_space<semaphore_mem>>)
      %dma_wait3A_546 = tpu.memref_slice %arg4[%add3A_68] : memref<1600000xi32, #tpu.memory_space<hbm>> -> memref<2000xi32, #tpu.memory_space<hbm>>
      %dma_wait3A_547 = tpu.memref_slice %arg4[%add3A_68] : memref<1600000xi32, #tpu.memory_space<hbm>> -> memref<2000xi32, #tpu.memory_space<hbm>>
      tpu.wait_dma2 semaphore(%run_scoped3A : memref<!tpu.dma_semaphore, #tpu.memory_space<semaphore_mem>>) src(%dma_wait3A_547 : memref<2000xi32, #tpu.memory_space<hbm>>) dst(%arg9 : memref<2000xi32, #tpu.memory_space<vmem>>)
      tpu.yield
    }) : () -> ()
    %dma_start3A_69 = arith.constant 0 : i32
    %dma_start3A_70 = tpu.memref_slice %arg2[%dma_start3A_69] : memref<200000xf32, #tpu.memory_space<hbm>> -> memref<200000xf32, #tpu.memory_space<hbm>>
    tpu.enqueue_indirect_dma source(%dma_start3A_70 : memref<200000xf32, #tpu.memory_space<hbm>>) target(%arg13 : memref<2000xf32, #tpu.memory_space<vmem>>) offsets(%arg7 : memref<2000xi32, #tpu.memory_space<vmem>>) semaphore(%arg26 : memref<!tpu.dma_semaphore, #tpu.memory_space<semaphore_mem>>)
    %dma_wait3A_71 = arith.constant 0 : i32
    %dma_wait3A_72 = tpu.memref_slice %arg2[%dma_wait3A_71] : memref<200000xf32, #tpu.memory_space<hbm>> -> memref<200000xf32, #tpu.memory_space<hbm>>
    tpu.wait_indirect_dma semaphore(%arg27 : memref<!tpu.dma_semaphore, #tpu.memory_space<semaphore_mem>>) src(%dma_wait3A_72 : memref<200000xf32, #tpu.memory_space<hbm>>) dst(%arg14 : memref<2000xf32, #tpu.memory_space<vmem>>)
    %scan3A_73 = arith.constant 0 : i32
    %scan3A_74 = arith.constant 0 : i32
    %scan3A_75 = arith.constant 125 : i32
    %scan3A_76 = arith.addi %scan3A_74, %scan3A_75 : i32
    %scan3A_77 = arith.constant 1 : i32
    %scan3A_78 = scf.for %scan3A_544 = %scan3A_74 to %scan3A_76 step %scan3A_77 iter_args(%scan3A_545 = %scan3A_73) -> (i32)  : i32 {
      %mul3A_546 = arith.constant 16 : i32
      %mul3A_547 = arith.muli %scan3A_544, %mul3A_546 : i32
      %get3A = arith.index_cast %mul3A_547 : i32 to index
      %get3A_548 = tpu.vector_load %arg14[%get3A] {strides = array<i32>} : memref<2000xf32, #tpu.memory_space<vmem>>, vector<16xf32>,
      %get3A_549 = vector.shape_cast %get3A_548 : vector<16xf32> to vector<16xf32>
      %abs3A = math.absf %get3A_549 : vector<16xf32>
      %neg3A = arith.constant 0.000000e+00 : f32
      %neg3A_550 = vector.broadcast %neg3A : f32 to vector<16xf32>
      %neg3A_551 = arith.subf %neg3A_550, %abs3A : vector<16xf32>
      %mul3A_552 = arith.constant 16 : i32
      %mul3A_553 = arith.muli %scan3A_544, %mul3A_552 : i32
      %swap3A = arith.index_cast %mul3A_553 : i32 to index
      %swap3A_554 = tpu.vector_load %arg18[%swap3A] {strides = array<i32>} : memref<2000xf32, #tpu.memory_space<vmem>>, vector<16xf32>,
      %swap3A_555 = vector.shape_cast %swap3A_554 : vector<16xf32> to vector<16xf32>
      %swap3A_556 = vector.shape_cast %neg3A_551 : vector<16xf32> to vector<16xf32>
      tpu.vector_store %arg18[%swap3A], %swap3A_556 {strides = array<i32>} : memref<2000xf32, #tpu.memory_space<vmem>>, vector<16xf32>,
      %lt3A_557 = arith.constant 0.000000e+00 : f32
      %lt3A_558 = vector.broadcast %lt3A_557 : f32 to vector<16xf32>
      %lt3A_559 = arith.cmpf olt, %get3A_549, %lt3A_558 : vector<16xf32>
      %jit3A = arith.constant 1.000000e+00 : f32
      %jit3A_560 = arith.constant 0.000000e+00 : f32
      %broadcast_in_dim3A = vector.broadcast %jit3A : f32 to vector<16xf32>
      %broadcast_in_dim3A_561 = vector.broadcast %jit3A_560 : f32 to vector<16xf32>
      %select_n3A = arith.select %lt3A_559, %broadcast_in_dim3A, %broadcast_in_dim3A_561 : vector<16xi1>, vector<16xf32>
      %mul3A_562 = arith.constant 16 : i32
      %mul3A_563 = arith.muli %scan3A_544, %mul3A_562 : i32
      %swap3A_564 = arith.index_cast %mul3A_563 : i32 to index
      %swap3A_565 = tpu.vector_load %arg22[%swap3A_564] {strides = array<i32>} : memref<2000xf32, #tpu.memory_space<vmem>>, vector<16xf32>,
      %swap3A_566 = vector.shape_cast %swap3A_565 : vector<16xf32> to vector<16xf32>
      %swap3A_567 = vector.shape_cast %select_n3A : vector<16xf32> to vector<16xf32>
      tpu.vector_store %arg22[%swap3A_564], %swap3A_567 {strides = array<i32>} : memref<2000xf32, #tpu.memory_space<vmem>>, vector<16xf32>,
      %scan3A_568 = arith.constant 0 : i32
      scf.yield %scan3A_568 : i32
    }
    %scan3A_79 = arith.constant 125 : i32
    %dma_start3A_80 = arith.constant 0 : i32
    %dma_start3A_81 = tpu.memref_slice %arg24[%dma_start3A_80] : memref<100000xf32, #tpu.memory_space<vmem_shared>> -> memref<100000xf32, #tpu.memory_space<vmem_shared>>
    tpu.enqueue_indirect_dma source(%arg18 : memref<2000xf32, #tpu.memory_space<vmem>>) target(%dma_start3A_81 : memref<100000xf32, #tpu.memory_space<vmem_shared>>) offsets(%arg12 : memref<2000xi32, #tpu.memory_space<vmem>>) semaphore(%arg31 : memref<!tpu.dma_semaphore, #tpu.memory_space<semaphore_mem>>) {add = true}
    %dma_start3A_82 = arith.constant 0 : i32
    %dma_start3A_83 = tpu.memref_slice %arg25[%dma_start3A_82] : memref<100000xf32, #tpu.memory_space<vmem_shared>> -> memref<100000xf32, #tpu.memory_space<vmem_shared>>
    tpu.enqueue_indirect_dma source(%arg22 : memref<2000xf32, #tpu.memory_space<vmem>>) target(%dma_start3A_83 : memref<100000xf32, #tpu.memory_space<vmem_shared>>) offsets(%arg12 : memref<2000xi32, #tpu.memory_space<vmem>>) semaphore(%arg31 : memref<!tpu.dma_semaphore, #tpu.memory_space<semaphore_mem>>) {add = true}
    %dma_wait3A_84 = arith.constant 0 : i32
    %dma_wait3A_85 = tpu.memref_slice %arg24[%dma_wait3A_84] : memref<100000xf32, #tpu.memory_space<vmem_shared>> -> memref<100000xf32, #tpu.memory_space<vmem_shared>>
    tpu.wait_indirect_dma semaphore(%arg29 : memref<!tpu.dma_semaphore, #tpu.memory_space<semaphore_mem>>) src(%arg16 : memref<2000xf32, #tpu.memory_space<vmem>>) dst(%dma_wait3A_85 : memref<100000xf32, #tpu.memory_space<vmem_shared>>)
    %dma_wait3A_86 = arith.constant 0 : i32
    %dma_wait3A_87 = tpu.memref_slice %arg25[%dma_wait3A_86] : memref<100000xf32, #tpu.memory_space<vmem_shared>> -> memref<100000xf32, #tpu.memory_space<vmem_shared>>
    tpu.wait_indirect_dma semaphore(%arg29 : memref<!tpu.dma_semaphore, #tpu.memory_space<semaphore_mem>>) src(%arg20 : memref<2000xf32, #tpu.memory_space<vmem>>) dst(%dma_wait3A_87 : memref<100000xf32, #tpu.memory_space<vmem_shared>>)
    %add3A_88 = arith.constant 10000 : i32
    %add3A_89 = arith.addi %add3A, %add3A_88 : i32
    "tpu.region"() ({
      %run_scoped3A = tpu.sem_alloc : memref<!tpu.dma_semaphore, #tpu.memory_space<semaphore_mem>>
      %dma_start3A_544 = tpu.memref_slice %arg3[%add3A_89] : memref<1600000xi32, #tpu.memory_space<hbm>> -> memref<2000xi32, #tpu.memory_space<hbm>>
      %dma_start3A_545 = tpu.memref_slice %arg3[%add3A_89] : memref<1600000xi32, #tpu.memory_space<hbm>> -> memref<2000xi32, #tpu.memory_space<hbm>>
      tpu.enqueue_dma source(%dma_start3A_545 : memref<2000xi32, #tpu.memory_space<hbm>>) target(%arg8 : memref<2000xi32, #tpu.memory_space<vmem>>) target_semaphore(%run_scoped3A : memref<!tpu.dma_semaphore, #tpu.memory_space<semaphore_mem>>)
      %dma_wait3A_546 = tpu.memref_slice %arg3[%add3A_89] : memref<1600000xi32, #tpu.memory_space<hbm>> -> memref<2000xi32, #tpu.memory_space<hbm>>
      %dma_wait3A_547 = tpu.memref_slice %arg3[%add3A_89] : memref<1600000xi32, #tpu.memory_space<hbm>> -> memref<2000xi32, #tpu.memory_space<hbm>>
      tpu.wait_dma2 semaphore(%run_scoped3A : memref<!tpu.dma_semaphore, #tpu.memory_space<semaphore_mem>>) src(%dma_wait3A_547 : memref<2000xi32, #tpu.memory_space<hbm>>) dst(%arg8 : memref<2000xi32, #tpu.memory_space<vmem>>)
      tpu.yield
    }) : () -> ()
    "tpu.region"() ({
      %run_scoped3A = tpu.sem_alloc : memref<!tpu.dma_semaphore, #tpu.memory_space<semaphore_mem>>
      %dma_start3A_544 = tpu.memref_slice %arg4[%add3A_89] : memref<1600000xi32, #tpu.memory_space<hbm>> -> memref<2000xi32, #tpu.memory_space<hbm>>
      %dma_start3A_545 = tpu.memref_slice %arg4[%add3A_89] : memref<1600000xi32, #tpu.memory_space<hbm>> -> memref<2000xi32, #tpu.memory_space<hbm>>
      tpu.enqueue_dma source(%dma_start3A_545 : memref<2000xi32, #tpu.memory_space<hbm>>) target(%arg10 : memref<2000xi32, #tpu.memory_space<vmem>>) target_semaphore(%run_scoped3A : memref<!tpu.dma_semaphore, #tpu.memory_space<semaphore_mem>>)
      %dma_wait3A_546 = tpu.memref_slice %arg4[%add3A_89] : memref<1600000xi32, #tpu.memory_space<hbm>> -> memref<2000xi32, #tpu.memory_space<hbm>>
      %dma_wait3A_547 = tpu.memref_slice %arg4[%add3A_89] : memref<1600000xi32, #tpu.memory_space<hbm>> -> memref<2000xi32, #tpu.memory_space<hbm>>
      tpu.wait_dma2 semaphore(%run_scoped3A : memref<!tpu.dma_semaphore, #tpu.memory_space<semaphore_mem>>) src(%dma_wait3A_547 : memref<2000xi32, #tpu.memory_space<hbm>>) dst(%arg10 : memref<2000xi32, #tpu.memory_space<vmem>>)
      tpu.yield
    }) : () -> ()
    %dma_start3A_90 = arith.constant 0 : i32
    %dma_start3A_91 = tpu.memref_slice %arg2[%dma_start3A_90] : memref<200000xf32, #tpu.memory_space<hbm>> -> memref<200000xf32, #tpu.memory_space<hbm>>
    tpu.enqueue_indirect_dma source(%dma_start3A_91 : memref<200000xf32, #tpu.memory_space<hbm>>) target(%arg14 : memref<2000xf32, #tpu.memory_space<vmem>>) offsets(%arg8 : memref<2000xi32, #tpu.memory_space<vmem>>) semaphore(%arg27 : memref<!tpu.dma_semaphore, #tpu.memory_space<semaphore_mem>>)
    %dma_wait3A_92 = arith.constant 0 : i32
    %dma_wait3A_93 = tpu.memref_slice %arg2[%dma_wait3A_92] : memref<200000xf32, #tpu.memory_space<hbm>> -> memref<200000xf32, #tpu.memory_space<hbm>>
    tpu.wait_indirect_dma semaphore(%arg26 : memref<!tpu.dma_semaphore, #tpu.memory_space<semaphore_mem>>) src(%dma_wait3A_93 : memref<200000xf32, #tpu.memory_space<hbm>>) dst(%arg13 : memref<2000xf32, #tpu.memory_space<vmem>>)
    %scan3A_94 = arith.constant 0 : i32
    %scan3A_95 = arith.constant 0 : i32
    %scan3A_96 = arith.constant 125 : i32
    %scan3A_97 = arith.addi %scan3A_95, %scan3A_96 : i32
    %scan3A_98 = arith.constant 1 : i32
    %scan3A_99 = scf.for %scan3A_544 = %scan3A_95 to %scan3A_97 step %scan3A_98 iter_args(%scan3A_545 = %scan3A_94) -> (i32)  : i32 {
      %mul3A_546 = arith.constant 16 : i32
      %mul3A_547 = arith.muli %scan3A_544, %mul3A_546 : i32
      %get3A = arith.index_cast %mul3A_547 : i32 to index
      %get3A_548 = tpu.vector_load %arg13[%get3A] {strides = array<i32>} : memref<2000xf32, #tpu.memory_space<vmem>>, vector<16xf32>,
      %get3A_549 = vector.shape_cast %get3A_548 : vector<16xf32> to vector<16xf32>
      %abs3A = math.absf %get3A_549 : vector<16xf32>
      %neg3A = arith.constant 0.000000e+00 : f32
      %neg3A_550 = vector.broadcast %neg3A : f32 to vector<16xf32>
      %neg3A_551 = arith.subf %neg3A_550, %abs3A : vector<16xf32>
      %mul3A_552 = arith.constant 16 : i32
      %mul3A_553 = arith.muli %scan3A_544, %mul3A_552 : i32
      %swap3A = arith.index_cast %mul3A_553 : i32 to index
      %swap3A_554 = tpu.vector_load %arg15[%swap3A] {strides = array<i32>} : memref<2000xf32, #tpu.memory_space<vmem>>, vector<16xf32>,
      %swap3A_555 = vector.shape_cast %swap3A_554 : vector<16xf32> to vector<16xf32>
      %swap3A_556 = vector.shape_cast %neg3A_551 : vector<16xf32> to vector<16xf32>
      tpu.vector_store %arg15[%swap3A], %swap3A_556 {strides = array<i32>} : memref<2000xf32, #tpu.memory_space<vmem>>, vector<16xf32>,
      %lt3A_557 = arith.constant 0.000000e+00 : f32
      %lt3A_558 = vector.broadcast %lt3A_557 : f32 to vector<16xf32>
      %lt3A_559 = arith.cmpf olt, %get3A_549, %lt3A_558 : vector<16xf32>
      %jit3A = arith.constant 1.000000e+00 : f32
      %jit3A_560 = arith.constant 0.000000e+00 : f32
      %broadcast_in_dim3A = vector.broadcast %jit3A : f32 to vector<16xf32>
      %broadcast_in_dim3A_561 = vector.broadcast %jit3A_560 : f32 to vector<16xf32>
      %select_n3A = arith.select %lt3A_559, %broadcast_in_dim3A, %broadcast_in_dim3A_561 : vector<16xi1>, vector<16xf32>
      %mul3A_562 = arith.constant 16 : i32
      %mul3A_563 = arith.muli %scan3A_544, %mul3A_562 : i32
      %swap3A_564 = arith.index_cast %mul3A_563 : i32 to index
      %swap3A_565 = tpu.vector_load %arg19[%swap3A_564] {strides = array<i32>} : memref<2000xf32, #tpu.memory_space<vmem>>, vector<16xf32>,
      %swap3A_566 = vector.shape_cast %swap3A_565 : vector<16xf32> to vector<16xf32>
      %swap3A_567 = vector.shape_cast %select_n3A : vector<16xf32> to vector<16xf32>
      tpu.vector_store %arg19[%swap3A_564], %swap3A_567 {strides = array<i32>} : memref<2000xf32, #tpu.memory_space<vmem>>, vector<16xf32>,
      %scan3A_568 = arith.constant 0 : i32
      scf.yield %scan3A_568 : i32
    }
    %scan3A_100 = arith.constant 125 : i32
    %dma_start3A_101 = arith.constant 0 : i32
    %dma_start3A_102 = tpu.memref_slice %arg24[%dma_start3A_101] : memref<100000xf32, #tpu.memory_space<vmem_shared>> -> memref<100000xf32, #tpu.memory_space<vmem_shared>>
    tpu.enqueue_indirect_dma source(%arg15 : memref<2000xf32, #tpu.memory_space<vmem>>) target(%dma_start3A_102 : memref<100000xf32, #tpu.memory_space<vmem_shared>>) offsets(%arg9 : memref<2000xi32, #tpu.memory_space<vmem>>) semaphore(%arg28 : memref<!tpu.dma_semaphore, #tpu.memory_space<semaphore_mem>>) {add = true}
    %dma_start3A_103 = arith.constant 0 : i32
    %dma_start3A_104 = tpu.memref_slice %arg25[%dma_start3A_103] : memref<100000xf32, #tpu.memory_space<vmem_shared>> -> memref<100000xf32, #tpu.memory_space<vmem_shared>>
    tpu.enqueue_indirect_dma source(%arg19 : memref<2000xf32, #tpu.memory_space<vmem>>) target(%dma_start3A_104 : memref<100000xf32, #tpu.memory_space<vmem_shared>>) offsets(%arg9 : memref<2000xi32, #tpu.memory_space<vmem>>) semaphore(%arg28 : memref<!tpu.dma_semaphore, #tpu.memory_space<semaphore_mem>>) {add = true}
    %dma_wait3A_105 = arith.constant 0 : i32
    %dma_wait3A_106 = tpu.memref_slice %arg24[%dma_wait3A_105] : memref<100000xf32, #tpu.memory_space<vmem_shared>> -> memref<100000xf32, #tpu.memory_space<vmem_shared>>
    tpu.wait_indirect_dma semaphore(%arg30 : memref<!tpu.dma_semaphore, #tpu.memory_space<semaphore_mem>>) src(%arg17 : memref<2000xf32, #tpu.memory_space<vmem>>) dst(%dma_wait3A_106 : memref<100000xf32, #tpu.memory_space<vmem_shared>>)
    %dma_wait3A_107 = arith.constant 0 : i32
    %dma_wait3A_108 = tpu.memref_slice %arg25[%dma_wait3A_107] : memref<100000xf32, #tpu.memory_space<vmem_shared>> -> memref<100000xf32, #tpu.memory_space<vmem_shared>>
    tpu.wait_indirect_dma semaphore(%arg30 : memref<!tpu.dma_semaphore, #tpu.memory_space<semaphore_mem>>) src(%arg21 : memref<2000xf32, #tpu.memory_space<vmem>>) dst(%dma_wait3A_108 : memref<100000xf32, #tpu.memory_space<vmem_shared>>)
    %add3A_109 = arith.constant 12000 : i32
    %add3A_110 = arith.addi %add3A, %add3A_109 : i32
    "tpu.region"() ({
      %run_scoped3A = tpu.sem_alloc : memref<!tpu.dma_semaphore, #tpu.memory_space<semaphore_mem>>
      %dma_start3A_544 = tpu.memref_slice %arg3[%add3A_110] : memref<1600000xi32, #tpu.memory_space<hbm>> -> memref<2000xi32, #tpu.memory_space<hbm>>
      %dma_start3A_545 = tpu.memref_slice %arg3[%add3A_110] : memref<1600000xi32, #tpu.memory_space<hbm>> -> memref<2000xi32, #tpu.memory_space<hbm>>
      tpu.enqueue_dma source(%dma_start3A_545 : memref<2000xi32, #tpu.memory_space<hbm>>) target(%arg7 : memref<2000xi32, #tpu.memory_space<vmem>>) target_semaphore(%run_scoped3A : memref<!tpu.dma_semaphore, #tpu.memory_space<semaphore_mem>>)
      %dma_wait3A_546 = tpu.memref_slice %arg3[%add3A_110] : memref<1600000xi32, #tpu.memory_space<hbm>> -> memref<2000xi32, #tpu.memory_space<hbm>>
      %dma_wait3A_547 = tpu.memref_slice %arg3[%add3A_110] : memref<1600000xi32, #tpu.memory_space<hbm>> -> memref<2000xi32, #tpu.memory_space<hbm>>
      tpu.wait_dma2 semaphore(%run_scoped3A : memref<!tpu.dma_semaphore, #tpu.memory_space<semaphore_mem>>) src(%dma_wait3A_547 : memref<2000xi32, #tpu.memory_space<hbm>>) dst(%arg7 : memref<2000xi32, #tpu.memory_space<vmem>>)
      tpu.yield
    }) : () -> ()
    "tpu.region"() ({
      %run_scoped3A = tpu.sem_alloc : memref<!tpu.dma_semaphore, #tpu.memory_space<semaphore_mem>>
      %dma_start3A_544 = tpu.memref_slice %arg4[%add3A_110] : memref<1600000xi32, #tpu.memory_space<hbm>> -> memref<2000xi32, #tpu.memory_space<hbm>>
      %dma_start3A_545 = tpu.memref_slice %arg4[%add3A_110] : memref<1600000xi32, #tpu.memory_space<hbm>> -> memref<2000xi32, #tpu.memory_space<hbm>>
      tpu.enqueue_dma source(%dma_start3A_545 : memref<2000xi32, #tpu.memory_space<hbm>>) target(%arg11 : memref<2000xi32, #tpu.memory_space<vmem>>) target_semaphore(%run_scoped3A : memref<!tpu.dma_semaphore, #tpu.memory_space<semaphore_mem>>)
      %dma_wait3A_546 = tpu.memref_slice %arg4[%add3A_110] : memref<1600000xi32, #tpu.memory_space<hbm>> -> memref<2000xi32, #tpu.memory_space<hbm>>
      %dma_wait3A_547 = tpu.memref_slice %arg4[%add3A_110] : memref<1600000xi32, #tpu.memory_space<hbm>> -> memref<2000xi32, #tpu.memory_space<hbm>>
      tpu.wait_dma2 semaphore(%run_scoped3A : memref<!tpu.dma_semaphore, #tpu.memory_space<semaphore_mem>>) src(%dma_wait3A_547 : memref<2000xi32, #tpu.memory_space<hbm>>) dst(%arg11 : memref<2000xi32, #tpu.memory_space<vmem>>)
      tpu.yield
    }) : () -> ()
    %dma_start3A_111 = arith.constant 0 : i32
    %dma_start3A_112 = tpu.memref_slice %arg2[%dma_start3A_111] : memref<200000xf32, #tpu.memory_space<hbm>> -> memref<200000xf32, #tpu.memory_space<hbm>>
    tpu.enqueue_indirect_dma source(%dma_start3A_112 : memref<200000xf32, #tpu.memory_space<hbm>>) target(%arg13 : memref<2000xf32, #tpu.memory_space<vmem>>) offsets(%arg7 : memref<2000xi32, #tpu.memory_space<vmem>>) semaphore(%arg26 : memref<!tpu.dma_semaphore, #tpu.memory_space<semaphore_mem>>)
    %dma_wait3A_113 = arith.constant 0 : i32
    %dma_wait3A_114 = tpu.memref_slice %arg2[%dma_wait3A_113] : memref<200000xf32, #tpu.memory_space<hbm>> -> memref<200000xf32, #tpu.memory_space<hbm>>
    tpu.wait_indirect_dma semaphore(%arg27 : memref<!tpu.dma_semaphore, #tpu.memory_space<semaphore_mem>>) src(%dma_wait3A_114 : memref<200000xf32, #tpu.memory_space<hbm>>) dst(%arg14 : memref<2000xf32, #tpu.memory_space<vmem>>)
    %scan3A_115 = arith.constant 0 : i32
    %scan3A_116 = arith.constant 0 : i32
    %scan3A_117 = arith.constant 125 : i32
    %scan3A_118 = arith.addi %scan3A_116, %scan3A_117 : i32
    %scan3A_119 = arith.constant 1 : i32
    %scan3A_120 = scf.for %scan3A_544 = %scan3A_116 to %scan3A_118 step %scan3A_119 iter_args(%scan3A_545 = %scan3A_115) -> (i32)  : i32 {
      %mul3A_546 = arith.constant 16 : i32
      %mul3A_547 = arith.muli %scan3A_544, %mul3A_546 : i32
      %get3A = arith.index_cast %mul3A_547 : i32 to index
      %get3A_548 = tpu.vector_load %arg14[%get3A] {strides = array<i32>} : memref<2000xf32, #tpu.memory_space<vmem>>, vector<16xf32>,
      %get3A_549 = vector.shape_cast %get3A_548 : vector<16xf32> to vector<16xf32>
      %abs3A = math.absf %get3A_549 : vector<16xf32>
      %neg3A = arith.constant 0.000000e+00 : f32
      %neg3A_550 = vector.broadcast %neg3A : f32 to vector<16xf32>
      %neg3A_551 = arith.subf %neg3A_550, %abs3A : vector<16xf32>
      %mul3A_552 = arith.constant 16 : i32
      %mul3A_553 = arith.muli %scan3A_544, %mul3A_552 : i32
      %swap3A = arith.index_cast %mul3A_553 : i32 to index
      %swap3A_554 = tpu.vector_load %arg16[%swap3A] {strides = array<i32>} : memref<2000xf32, #tpu.memory_space<vmem>>, vector<16xf32>,
      %swap3A_555 = vector.shape_cast %swap3A_554 : vector<16xf32> to vector<16xf32>
      %swap3A_556 = vector.shape_cast %neg3A_551 : vector<16xf32> to vector<16xf32>
      tpu.vector_store %arg16[%swap3A], %swap3A_556 {strides = array<i32>} : memref<2000xf32, #tpu.memory_space<vmem>>, vector<16xf32>,
      %lt3A_557 = arith.constant 0.000000e+00 : f32
      %lt3A_558 = vector.broadcast %lt3A_557 : f32 to vector<16xf32>
      %lt3A_559 = arith.cmpf olt, %get3A_549, %lt3A_558 : vector<16xf32>
      %jit3A = arith.constant 1.000000e+00 : f32
      %jit3A_560 = arith.constant 0.000000e+00 : f32
      %broadcast_in_dim3A = vector.broadcast %jit3A : f32 to vector<16xf32>
      %broadcast_in_dim3A_561 = vector.broadcast %jit3A_560 : f32 to vector<16xf32>
      %select_n3A = arith.select %lt3A_559, %broadcast_in_dim3A, %broadcast_in_dim3A_561 : vector<16xi1>, vector<16xf32>
      %mul3A_562 = arith.constant 16 : i32
      %mul3A_563 = arith.muli %scan3A_544, %mul3A_562 : i32
      %swap3A_564 = arith.index_cast %mul3A_563 : i32 to index
      %swap3A_565 = tpu.vector_load %arg20[%swap3A_564] {strides = array<i32>} : memref<2000xf32, #tpu.memory_space<vmem>>, vector<16xf32>,
      %swap3A_566 = vector.shape_cast %swap3A_565 : vector<16xf32> to vector<16xf32>
      %swap3A_567 = vector.shape_cast %select_n3A : vector<16xf32> to vector<16xf32>
      tpu.vector_store %arg20[%swap3A_564], %swap3A_567 {strides = array<i32>} : memref<2000xf32, #tpu.memory_space<vmem>>, vector<16xf32>,
      %scan3A_568 = arith.constant 0 : i32
      scf.yield %scan3A_568 : i32
    }
    %scan3A_121 = arith.constant 125 : i32
    %dma_start3A_122 = arith.constant 0 : i32
    %dma_start3A_123 = tpu.memref_slice %arg24[%dma_start3A_122] : memref<100000xf32, #tpu.memory_space<vmem_shared>> -> memref<100000xf32, #tpu.memory_space<vmem_shared>>
    tpu.enqueue_indirect_dma source(%arg16 : memref<2000xf32, #tpu.memory_space<vmem>>) target(%dma_start3A_123 : memref<100000xf32, #tpu.memory_space<vmem_shared>>) offsets(%arg10 : memref<2000xi32, #tpu.memory_space<vmem>>) semaphore(%arg29 : memref<!tpu.dma_semaphore, #tpu.memory_space<semaphore_mem>>) {add = true}
    %dma_start3A_124 = arith.constant 0 : i32
    %dma_start3A_125 = tpu.memref_slice %arg25[%dma_start3A_124] : memref<100000xf32, #tpu.memory_space<vmem_shared>> -> memref<100000xf32, #tpu.memory_space<vmem_shared>>
    tpu.enqueue_indirect_dma source(%arg20 : memref<2000xf32, #tpu.memory_space<vmem>>) target(%dma_start3A_125 : memref<100000xf32, #tpu.memory_space<vmem_shared>>) offsets(%arg10 : memref<2000xi32, #tpu.memory_space<vmem>>) semaphore(%arg29 : memref<!tpu.dma_semaphore, #tpu.memory_space<semaphore_mem>>) {add = true}
    %dma_wait3A_126 = arith.constant 0 : i32
    %dma_wait3A_127 = tpu.memref_slice %arg24[%dma_wait3A_126] : memref<100000xf32, #tpu.memory_space<vmem_shared>> -> memref<100000xf32, #tpu.memory_space<vmem_shared>>
    tpu.wait_indirect_dma semaphore(%arg31 : memref<!tpu.dma_semaphore, #tpu.memory_space<semaphore_mem>>) src(%arg18 : memref<2000xf32, #tpu.memory_space<vmem>>) dst(%dma_wait3A_127 : memref<100000xf32, #tpu.memory_space<vmem_shared>>)
    %dma_wait3A_128 = arith.constant 0 : i32
    %dma_wait3A_129 = tpu.memref_slice %arg25[%dma_wait3A_128] : memref<100000xf32, #tpu.memory_space<vmem_shared>> -> memref<100000xf32, #tpu.memory_space<vmem_shared>>
    tpu.wait_indirect_dma semaphore(%arg31 : memref<!tpu.dma_semaphore, #tpu.memory_space<semaphore_mem>>) src(%arg22 : memref<2000xf32, #tpu.memory_space<vmem>>) dst(%dma_wait3A_129 : memref<100000xf32, #tpu.memory_space<vmem_shared>>)
    %add3A_130 = arith.constant 14000 : i32
    %add3A_131 = arith.addi %add3A, %add3A_130 : i32
    "tpu.region"() ({
      %run_scoped3A = tpu.sem_alloc : memref<!tpu.dma_semaphore, #tpu.memory_space<semaphore_mem>>
      %dma_start3A_544 = tpu.memref_slice %arg3[%add3A_131] : memref<1600000xi32, #tpu.memory_space<hbm>> -> memref<2000xi32, #tpu.memory_space<hbm>>
      %dma_start3A_545 = tpu.memref_slice %arg3[%add3A_131] : memref<1600000xi32, #tpu.memory_space<hbm>> -> memref<2000xi32, #tpu.memory_space<hbm>>
      tpu.enqueue_dma source(%dma_start3A_545 : memref<2000xi32, #tpu.memory_space<hbm>>) target(%arg8 : memref<2000xi32, #tpu.memory_space<vmem>>) target_semaphore(%run_scoped3A : memref<!tpu.dma_semaphore, #tpu.memory_space<semaphore_mem>>)
      %dma_wait3A_546 = tpu.memref_slice %arg3[%add3A_131] : memref<1600000xi32, #tpu.memory_space<hbm>> -> memref<2000xi32, #tpu.memory_space<hbm>>
      %dma_wait3A_547 = tpu.memref_slice %arg3[%add3A_131] : memref<1600000xi32, #tpu.memory_space<hbm>> -> memref<2000xi32, #tpu.memory_space<hbm>>
      tpu.wait_dma2 semaphore(%run_scoped3A : memref<!tpu.dma_semaphore, #tpu.memory_space<semaphore_mem>>) src(%dma_wait3A_547 : memref<2000xi32, #tpu.memory_space<hbm>>) dst(%arg8 : memref<2000xi32, #tpu.memory_space<vmem>>)
      tpu.yield
    }) : () -> ()
    "tpu.region"() ({
      %run_scoped3A = tpu.sem_alloc : memref<!tpu.dma_semaphore, #tpu.memory_space<semaphore_mem>>
      %dma_start3A_544 = tpu.memref_slice %arg4[%add3A_131] : memref<1600000xi32, #tpu.memory_space<hbm>> -> memref<2000xi32, #tpu.memory_space<hbm>>
      %dma_start3A_545 = tpu.memref_slice %arg4[%add3A_131] : memref<1600000xi32, #tpu.memory_space<hbm>> -> memref<2000xi32, #tpu.memory_space<hbm>>
      tpu.enqueue_dma source(%dma_start3A_545 : memref<2000xi32, #tpu.memory_space<hbm>>) target(%arg12 : memref<2000xi32, #tpu.memory_space<vmem>>) target_semaphore(%run_scoped3A : memref<!tpu.dma_semaphore, #tpu.memory_space<semaphore_mem>>)
      %dma_wait3A_546 = tpu.memref_slice %arg4[%add3A_131] : memref<1600000xi32, #tpu.memory_space<hbm>> -> memref<2000xi32, #tpu.memory_space<hbm>>
      %dma_wait3A_547 = tpu.memref_slice %arg4[%add3A_131] : memref<1600000xi32, #tpu.memory_space<hbm>> -> memref<2000xi32, #tpu.memory_space<hbm>>
      tpu.wait_dma2 semaphore(%run_scoped3A : memref<!tpu.dma_semaphore, #tpu.memory_space<semaphore_mem>>) src(%dma_wait3A_547 : memref<2000xi32, #tpu.memory_space<hbm>>) dst(%arg12 : memref<2000xi32, #tpu.memory_space<vmem>>)
      tpu.yield
    }) : () -> ()
    %dma_start3A_132 = arith.constant 0 : i32
    %dma_start3A_133 = tpu.memref_slice %arg2[%dma_start3A_132] : memref<200000xf32, #tpu.memory_space<hbm>> -> memref<200000xf32, #tpu.memory_space<hbm>>
    tpu.enqueue_indirect_dma source(%dma_start3A_133 : memref<200000xf32, #tpu.memory_space<hbm>>) target(%arg14 : memref<2000xf32, #tpu.memory_space<vmem>>) offsets(%arg8 : memref<2000xi32, #tpu.memory_space<vmem>>) semaphore(%arg27 : memref<!tpu.dma_semaphore, #tpu.memory_space<semaphore_mem>>)
    %dma_wait3A_134 = arith.constant 0 : i32
    %dma_wait3A_135 = tpu.memref_slice %arg2[%dma_wait3A_134] : memref<200000xf32, #tpu.memory_space<hbm>> -> memref<200000xf32, #tpu.memory_space<hbm>>
    tpu.wait_indirect_dma semaphore(%arg26 : memref<!tpu.dma_semaphore, #tpu.memory_space<semaphore_mem>>) src(%dma_wait3A_135 : memref<200000xf32, #tpu.memory_space<hbm>>) dst(%arg13 : memref<2000xf32, #tpu.memory_space<vmem>>)
    %scan3A_136 = arith.constant 0 : i32
    %scan3A_137 = arith.constant 0 : i32
    %scan3A_138 = arith.constant 125 : i32
    %scan3A_139 = arith.addi %scan3A_137, %scan3A_138 : i32
    %scan3A_140 = arith.constant 1 : i32
    %scan3A_141 = scf.for %scan3A_544 = %scan3A_137 to %scan3A_139 step %scan3A_140 iter_args(%scan3A_545 = %scan3A_136) -> (i32)  : i32 {
      %mul3A_546 = arith.constant 16 : i32
      %mul3A_547 = arith.muli %scan3A_544, %mul3A_546 : i32
      %get3A = arith.index_cast %mul3A_547 : i32 to index
      %get3A_548 = tpu.vector_load %arg13[%get3A] {strides = array<i32>} : memref<2000xf32, #tpu.memory_space<vmem>>, vector<16xf32>,
      %get3A_549 = vector.shape_cast %get3A_548 : vector<16xf32> to vector<16xf32>
      %abs3A = math.absf %get3A_549 : vector<16xf32>
      %neg3A = arith.constant 0.000000e+00 : f32
      %neg3A_550 = vector.broadcast %neg3A : f32 to vector<16xf32>
      %neg3A_551 = arith.subf %neg3A_550, %abs3A : vector<16xf32>
      %mul3A_552 = arith.constant 16 : i32
      %mul3A_553 = arith.muli %scan3A_544, %mul3A_552 : i32
      %swap3A = arith.index_cast %mul3A_553 : i32 to index
      %swap3A_554 = tpu.vector_load %arg17[%swap3A] {strides = array<i32>} : memref<2000xf32, #tpu.memory_space<vmem>>, vector<16xf32>,
      %swap3A_555 = vector.shape_cast %swap3A_554 : vector<16xf32> to vector<16xf32>
      %swap3A_556 = vector.shape_cast %neg3A_551 : vector<16xf32> to vector<16xf32>
      tpu.vector_store %arg17[%swap3A], %swap3A_556 {strides = array<i32>} : memref<2000xf32, #tpu.memory_space<vmem>>, vector<16xf32>,
      %lt3A_557 = arith.constant 0.000000e+00 : f32
      %lt3A_558 = vector.broadcast %lt3A_557 : f32 to vector<16xf32>
      %lt3A_559 = arith.cmpf olt, %get3A_549, %lt3A_558 : vector<16xf32>
      %jit3A = arith.constant 1.000000e+00 : f32
      %jit3A_560 = arith.constant 0.000000e+00 : f32
      %broadcast_in_dim3A = vector.broadcast %jit3A : f32 to vector<16xf32>
      %broadcast_in_dim3A_561 = vector.broadcast %jit3A_560 : f32 to vector<16xf32>
      %select_n3A = arith.select %lt3A_559, %broadcast_in_dim3A, %broadcast_in_dim3A_561 : vector<16xi1>, vector<16xf32>
      %mul3A_562 = arith.constant 16 : i32
      %mul3A_563 = arith.muli %scan3A_544, %mul3A_562 : i32
      %swap3A_564 = arith.index_cast %mul3A_563 : i32 to index
      %swap3A_565 = tpu.vector_load %arg21[%swap3A_564] {strides = array<i32>} : memref<2000xf32, #tpu.memory_space<vmem>>, vector<16xf32>,
      %swap3A_566 = vector.shape_cast %swap3A_565 : vector<16xf32> to vector<16xf32>
      %swap3A_567 = vector.shape_cast %select_n3A : vector<16xf32> to vector<16xf32>
      tpu.vector_store %arg21[%swap3A_564], %swap3A_567 {strides = array<i32>} : memref<2000xf32, #tpu.memory_space<vmem>>, vector<16xf32>,
      %scan3A_568 = arith.constant 0 : i32
      scf.yield %scan3A_568 : i32
    }
    %scan3A_142 = arith.constant 125 : i32
    %dma_start3A_143 = arith.constant 0 : i32
    %dma_start3A_144 = tpu.memref_slice %arg24[%dma_start3A_143] : memref<100000xf32, #tpu.memory_space<vmem_shared>> -> memref<100000xf32, #tpu.memory_space<vmem_shared>>
    tpu.enqueue_indirect_dma source(%arg17 : memref<2000xf32, #tpu.memory_space<vmem>>) target(%dma_start3A_144 : memref<100000xf32, #tpu.memory_space<vmem_shared>>) offsets(%arg11 : memref<2000xi32, #tpu.memory_space<vmem>>) semaphore(%arg30 : memref<!tpu.dma_semaphore, #tpu.memory_space<semaphore_mem>>) {add = true}
    %dma_start3A_145 = arith.constant 0 : i32
    %dma_start3A_146 = tpu.memref_slice %arg25[%dma_start3A_145] : memref<100000xf32, #tpu.memory_space<vmem_shared>> -> memref<100000xf32, #tpu.memory_space<vmem_shared>>
    tpu.enqueue_indirect_dma source(%arg21 : memref<2000xf32, #tpu.memory_space<vmem>>) target(%dma_start3A_146 : memref<100000xf32, #tpu.memory_space<vmem_shared>>) offsets(%arg11 : memref<2000xi32, #tpu.memory_space<vmem>>) semaphore(%arg30 : memref<!tpu.dma_semaphore, #tpu.memory_space<semaphore_mem>>) {add = true}
    %dma_wait3A_147 = arith.constant 0 : i32
    %dma_wait3A_148 = tpu.memref_slice %arg24[%dma_wait3A_147] : memref<100000xf32, #tpu.memory_space<vmem_shared>> -> memref<100000xf32, #tpu.memory_space<vmem_shared>>
    tpu.wait_indirect_dma semaphore(%arg28 : memref<!tpu.dma_semaphore, #tpu.memory_space<semaphore_mem>>) src(%arg15 : memref<2000xf32, #tpu.memory_space<vmem>>) dst(%dma_wait3A_148 : memref<100000xf32, #tpu.memory_space<vmem_shared>>)
    %dma_wait3A_149 = arith.constant 0 : i32
    %dma_wait3A_150 = tpu.memref_slice %arg25[%dma_wait3A_149] : memref<100000xf32, #tpu.memory_space<vmem_shared>> -> memref<100000xf32, #tpu.memory_space<vmem_shared>>
    tpu.wait_indirect_dma semaphore(%arg28 : memref<!tpu.dma_semaphore, #tpu.memory_space<semaphore_mem>>) src(%arg19 : memref<2000xf32, #tpu.memory_space<vmem>>) dst(%dma_wait3A_150 : memref<100000xf32, #tpu.memory_space<vmem_shared>>)
    %add3A_151 = arith.constant 16000 : i32
    %add3A_152 = arith.addi %add3A, %add3A_151 : i32
    "tpu.region"() ({
      %run_scoped3A = tpu.sem_alloc : memref<!tpu.dma_semaphore, #tpu.memory_space<semaphore_mem>>
      %dma_start3A_544 = tpu.memref_slice %arg3[%add3A_152] : memref<1600000xi32, #tpu.memory_space<hbm>> -> memref<2000xi32, #tpu.memory_space<hbm>>
      %dma_start3A_545 = tpu.memref_slice %arg3[%add3A_152] : memref<1600000xi32, #tpu.memory_space<hbm>> -> memref<2000xi32, #tpu.memory_space<hbm>>
      tpu.enqueue_dma source(%dma_start3A_545 : memref<2000xi32, #tpu.memory_space<hbm>>) target(%arg7 : memref<2000xi32, #tpu.memory_space<vmem>>) target_semaphore(%run_scoped3A : memref<!tpu.dma_semaphore, #tpu.memory_space<semaphore_mem>>)
      %dma_wait3A_546 = tpu.memref_slice %arg3[%add3A_152] : memref<1600000xi32, #tpu.memory_space<hbm>> -> memref<2000xi32, #tpu.memory_space<hbm>>
      %dma_wait3A_547 = tpu.memref_slice %arg3[%add3A_152] : memref<1600000xi32, #tpu.memory_space<hbm>> -> memref<2000xi32, #tpu.memory_space<hbm>>
      tpu.wait_dma2 semaphore(%run_scoped3A : memref<!tpu.dma_semaphore, #tpu.memory_space<semaphore_mem>>) src(%dma_wait3A_547 : memref<2000xi32, #tpu.memory_space<hbm>>) dst(%arg7 : memref<2000xi32, #tpu.memory_space<vmem>>)
      tpu.yield
    }) : () -> ()
    "tpu.region"() ({
      %run_scoped3A = tpu.sem_alloc : memref<!tpu.dma_semaphore, #tpu.memory_space<semaphore_mem>>
      %dma_start3A_544 = tpu.memref_slice %arg4[%add3A_152] : memref<1600000xi32, #tpu.memory_space<hbm>> -> memref<2000xi32, #tpu.memory_space<hbm>>
      %dma_start3A_545 = tpu.memref_slice %arg4[%add3A_152] : memref<1600000xi32, #tpu.memory_space<hbm>> -> memref<2000xi32, #tpu.memory_space<hbm>>
      tpu.enqueue_dma source(%dma_start3A_545 : memref<2000xi32, #tpu.memory_space<hbm>>) target(%arg9 : memref<2000xi32, #tpu.memory_space<vmem>>) target_semaphore(%run_scoped3A : memref<!tpu.dma_semaphore, #tpu.memory_space<semaphore_mem>>)
      %dma_wait3A_546 = tpu.memref_slice %arg4[%add3A_152] : memref<1600000xi32, #tpu.memory_space<hbm>> -> memref<2000xi32, #tpu.memory_space<hbm>>
      %dma_wait3A_547 = tpu.memref_slice %arg4[%add3A_152] : memref<1600000xi32, #tpu.memory_space<hbm>> -> memref<2000xi32, #tpu.memory_space<hbm>>
      tpu.wait_dma2 semaphore(%run_scoped3A : memref<!tpu.dma_semaphore, #tpu.memory_space<semaphore_mem>>) src(%dma_wait3A_547 : memref<2000xi32, #tpu.memory_space<hbm>>) dst(%arg9 : memref<2000xi32, #tpu.memory_space<vmem>>)
      tpu.yield
    }) : () -> ()
    %dma_start3A_153 = arith.constant 0 : i32
    %dma_start3A_154 = tpu.memref_slice %arg2[%dma_start3A_153] : memref<200000xf32, #tpu.memory_space<hbm>> -> memref<200000xf32, #tpu.memory_space<hbm>>
    tpu.enqueue_indirect_dma source(%dma_start3A_154 : memref<200000xf32, #tpu.memory_space<hbm>>) target(%arg13 : memref<2000xf32, #tpu.memory_space<vmem>>) offsets(%arg7 : memref<2000xi32, #tpu.memory_space<vmem>>) semaphore(%arg26 : memref<!tpu.dma_semaphore, #tpu.memory_space<semaphore_mem>>)
    %dma_wait3A_155 = arith.constant 0 : i32
    %dma_wait3A_156 = tpu.memref_slice %arg2[%dma_wait3A_155] : memref<200000xf32, #tpu.memory_space<hbm>> -> memref<200000xf32, #tpu.memory_space<hbm>>
    tpu.wait_indirect_dma semaphore(%arg27 : memref<!tpu.dma_semaphore, #tpu.memory_space<semaphore_mem>>) src(%dma_wait3A_156 : memref<200000xf32, #tpu.memory_space<hbm>>) dst(%arg14 : memref<2000xf32, #tpu.memory_space<vmem>>)
    %scan3A_157 = arith.constant 0 : i32
    %scan3A_158 = arith.constant 0 : i32
    %scan3A_159 = arith.constant 125 : i32
    %scan3A_160 = arith.addi %scan3A_158, %scan3A_159 : i32
    %scan3A_161 = arith.constant 1 : i32
    %scan3A_162 = scf.for %scan3A_544 = %scan3A_158 to %scan3A_160 step %scan3A_161 iter_args(%scan3A_545 = %scan3A_157) -> (i32)  : i32 {
      %mul3A_546 = arith.constant 16 : i32
      %mul3A_547 = arith.muli %scan3A_544, %mul3A_546 : i32
      %get3A = arith.index_cast %mul3A_547 : i32 to index
      %get3A_548 = tpu.vector_load %arg14[%get3A] {strides = array<i32>} : memref<2000xf32, #tpu.memory_space<vmem>>, vector<16xf32>,
      %get3A_549 = vector.shape_cast %get3A_548 : vector<16xf32> to vector<16xf32>
      %abs3A = math.absf %get3A_549 : vector<16xf32>
      %neg3A = arith.constant 0.000000e+00 : f32
      %neg3A_550 = vector.broadcast %neg3A : f32 to vector<16xf32>
      %neg3A_551 = arith.subf %neg3A_550, %abs3A : vector<16xf32>
      %mul3A_552 = arith.constant 16 : i32
      %mul3A_553 = arith.muli %scan3A_544, %mul3A_552 : i32
      %swap3A = arith.index_cast %mul3A_553 : i32 to index
      %swap3A_554 = tpu.vector_load %arg18[%swap3A] {strides = array<i32>} : memref<2000xf32, #tpu.memory_space<vmem>>, vector<16xf32>,
      %swap3A_555 = vector.shape_cast %swap3A_554 : vector<16xf32> to vector<16xf32>
      %swap3A_556 = vector.shape_cast %neg3A_551 : vector<16xf32> to vector<16xf32>
      tpu.vector_store %arg18[%swap3A], %swap3A_556 {strides = array<i32>} : memref<2000xf32, #tpu.memory_space<vmem>>, vector<16xf32>,
      %lt3A_557 = arith.constant 0.000000e+00 : f32
      %lt3A_558 = vector.broadcast %lt3A_557 : f32 to vector<16xf32>
      %lt3A_559 = arith.cmpf olt, %get3A_549, %lt3A_558 : vector<16xf32>
      %jit3A = arith.constant 1.000000e+00 : f32
      %jit3A_560 = arith.constant 0.000000e+00 : f32
      %broadcast_in_dim3A = vector.broadcast %jit3A : f32 to vector<16xf32>
      %broadcast_in_dim3A_561 = vector.broadcast %jit3A_560 : f32 to vector<16xf32>
      %select_n3A = arith.select %lt3A_559, %broadcast_in_dim3A, %broadcast_in_dim3A_561 : vector<16xi1>, vector<16xf32>
      %mul3A_562 = arith.constant 16 : i32
      %mul3A_563 = arith.muli %scan3A_544, %mul3A_562 : i32
      %swap3A_564 = arith.index_cast %mul3A_563 : i32 to index
      %swap3A_565 = tpu.vector_load %arg22[%swap3A_564] {strides = array<i32>} : memref<2000xf32, #tpu.memory_space<vmem>>, vector<16xf32>,
      %swap3A_566 = vector.shape_cast %swap3A_565 : vector<16xf32> to vector<16xf32>
      %swap3A_567 = vector.shape_cast %select_n3A : vector<16xf32> to vector<16xf32>
      tpu.vector_store %arg22[%swap3A_564], %swap3A_567 {strides = array<i32>} : memref<2000xf32, #tpu.memory_space<vmem>>, vector<16xf32>,
      %scan3A_568 = arith.constant 0 : i32
      scf.yield %scan3A_568 : i32
    }
    %scan3A_163 = arith.constant 125 : i32
    %dma_start3A_164 = arith.constant 0 : i32
    %dma_start3A_165 = tpu.memref_slice %arg24[%dma_start3A_164] : memref<100000xf32, #tpu.memory_space<vmem_shared>> -> memref<100000xf32, #tpu.memory_space<vmem_shared>>
    tpu.enqueue_indirect_dma source(%arg18 : memref<2000xf32, #tpu.memory_space<vmem>>) target(%dma_start3A_165 : memref<100000xf32, #tpu.memory_space<vmem_shared>>) offsets(%arg12 : memref<2000xi32, #tpu.memory_space<vmem>>) semaphore(%arg31 : memref<!tpu.dma_semaphore, #tpu.memory_space<semaphore_mem>>) {add = true}
    %dma_start3A_166 = arith.constant 0 : i32
    %dma_start3A_167 = tpu.memref_slice %arg25[%dma_start3A_166] : memref<100000xf32, #tpu.memory_space<vmem_shared>> -> memref<100000xf32, #tpu.memory_space<vmem_shared>>
    tpu.enqueue_indirect_dma source(%arg22 : memref<2000xf32, #tpu.memory_space<vmem>>) target(%dma_start3A_167 : memref<100000xf32, #tpu.memory_space<vmem_shared>>) offsets(%arg12 : memref<2000xi32, #tpu.memory_space<vmem>>) semaphore(%arg31 : memref<!tpu.dma_semaphore, #tpu.memory_space<semaphore_mem>>) {add = true}
    %dma_wait3A_168 = arith.constant 0 : i32
    %dma_wait3A_169 = tpu.memref_slice %arg24[%dma_wait3A_168] : memref<100000xf32, #tpu.memory_space<vmem_shared>> -> memref<100000xf32, #tpu.memory_space<vmem_shared>>
    tpu.wait_indirect_dma semaphore(%arg29 : memref<!tpu.dma_semaphore, #tpu.memory_space<semaphore_mem>>) src(%arg16 : memref<2000xf32, #tpu.memory_space<vmem>>) dst(%dma_wait3A_169 : memref<100000xf32, #tpu.memory_space<vmem_shared>>)
    %dma_wait3A_170 = arith.constant 0 : i32
    %dma_wait3A_171 = tpu.memref_slice %arg25[%dma_wait3A_170] : memref<100000xf32, #tpu.memory_space<vmem_shared>> -> memref<100000xf32, #tpu.memory_space<vmem_shared>>
    tpu.wait_indirect_dma semaphore(%arg29 : memref<!tpu.dma_semaphore, #tpu.memory_space<semaphore_mem>>) src(%arg20 : memref<2000xf32, #tpu.memory_space<vmem>>) dst(%dma_wait3A_171 : memref<100000xf32, #tpu.memory_space<vmem_shared>>)
    %add3A_172 = arith.constant 18000 : i32
    %add3A_173 = arith.addi %add3A, %add3A_172 : i32
    "tpu.region"() ({
      %run_scoped3A = tpu.sem_alloc : memref<!tpu.dma_semaphore, #tpu.memory_space<semaphore_mem>>
      %dma_start3A_544 = tpu.memref_slice %arg3[%add3A_173] : memref<1600000xi32, #tpu.memory_space<hbm>> -> memref<2000xi32, #tpu.memory_space<hbm>>
      %dma_start3A_545 = tpu.memref_slice %arg3[%add3A_173] : memref<1600000xi32, #tpu.memory_space<hbm>> -> memref<2000xi32, #tpu.memory_space<hbm>>
      tpu.enqueue_dma source(%dma_start3A_545 : memref<2000xi32, #tpu.memory_space<hbm>>) target(%arg8 : memref<2000xi32, #tpu.memory_space<vmem>>) target_semaphore(%run_scoped3A : memref<!tpu.dma_semaphore, #tpu.memory_space<semaphore_mem>>)
      %dma_wait3A_546 = tpu.memref_slice %arg3[%add3A_173] : memref<1600000xi32, #tpu.memory_space<hbm>> -> memref<2000xi32, #tpu.memory_space<hbm>>
      %dma_wait3A_547 = tpu.memref_slice %arg3[%add3A_173] : memref<1600000xi32, #tpu.memory_space<hbm>> -> memref<2000xi32, #tpu.memory_space<hbm>>
      tpu.wait_dma2 semaphore(%run_scoped3A : memref<!tpu.dma_semaphore, #tpu.memory_space<semaphore_mem>>) src(%dma_wait3A_547 : memref<2000xi32, #tpu.memory_space<hbm>>) dst(%arg8 : memref<2000xi32, #tpu.memory_space<vmem>>)
      tpu.yield
    }) : () -> ()
    "tpu.region"() ({
      %run_scoped3A = tpu.sem_alloc : memref<!tpu.dma_semaphore, #tpu.memory_space<semaphore_mem>>
      %dma_start3A_544 = tpu.memref_slice %arg4[%add3A_173] : memref<1600000xi32, #tpu.memory_space<hbm>> -> memref<2000xi32, #tpu.memory_space<hbm>>
      %dma_start3A_545 = tpu.memref_slice %arg4[%add3A_173] : memref<1600000xi32, #tpu.memory_space<hbm>> -> memref<2000xi32, #tpu.memory_space<hbm>>
      tpu.enqueue_dma source(%dma_start3A_545 : memref<2000xi32, #tpu.memory_space<hbm>>) target(%arg10 : memref<2000xi32, #tpu.memory_space<vmem>>) target_semaphore(%run_scoped3A : memref<!tpu.dma_semaphore, #tpu.memory_space<semaphore_mem>>)
      %dma_wait3A_546 = tpu.memref_slice %arg4[%add3A_173] : memref<1600000xi32, #tpu.memory_space<hbm>> -> memref<2000xi32, #tpu.memory_space<hbm>>
      %dma_wait3A_547 = tpu.memref_slice %arg4[%add3A_173] : memref<1600000xi32, #tpu.memory_space<hbm>> -> memref<2000xi32, #tpu.memory_space<hbm>>
      tpu.wait_dma2 semaphore(%run_scoped3A : memref<!tpu.dma_semaphore, #tpu.memory_space<semaphore_mem>>) src(%dma_wait3A_547 : memref<2000xi32, #tpu.memory_space<hbm>>) dst(%arg10 : memref<2000xi32, #tpu.memory_space<vmem>>)
      tpu.yield
    }) : () -> ()
    %dma_start3A_174 = arith.constant 0 : i32
    %dma_start3A_175 = tpu.memref_slice %arg2[%dma_start3A_174] : memref<200000xf32, #tpu.memory_space<hbm>> -> memref<200000xf32, #tpu.memory_space<hbm>>
    tpu.enqueue_indirect_dma source(%dma_start3A_175 : memref<200000xf32, #tpu.memory_space<hbm>>) target(%arg14 : memref<2000xf32, #tpu.memory_space<vmem>>) offsets(%arg8 : memref<2000xi32, #tpu.memory_space<vmem>>) semaphore(%arg27 : memref<!tpu.dma_semaphore, #tpu.memory_space<semaphore_mem>>)
    %dma_wait3A_176 = arith.constant 0 : i32
    %dma_wait3A_177 = tpu.memref_slice %arg2[%dma_wait3A_176] : memref<200000xf32, #tpu.memory_space<hbm>> -> memref<200000xf32, #tpu.memory_space<hbm>>
    tpu.wait_indirect_dma semaphore(%arg26 : memref<!tpu.dma_semaphore, #tpu.memory_space<semaphore_mem>>) src(%dma_wait3A_177 : memref<200000xf32, #tpu.memory_space<hbm>>) dst(%arg13 : memref<2000xf32, #tpu.memory_space<vmem>>)
    %scan3A_178 = arith.constant 0 : i32
    %scan3A_179 = arith.constant 0 : i32
    %scan3A_180 = arith.constant 125 : i32
    %scan3A_181 = arith.addi %scan3A_179, %scan3A_180 : i32
    %scan3A_182 = arith.constant 1 : i32
    %scan3A_183 = scf.for %scan3A_544 = %scan3A_179 to %scan3A_181 step %scan3A_182 iter_args(%scan3A_545 = %scan3A_178) -> (i32)  : i32 {
      %mul3A_546 = arith.constant 16 : i32
      %mul3A_547 = arith.muli %scan3A_544, %mul3A_546 : i32
      %get3A = arith.index_cast %mul3A_547 : i32 to index
      %get3A_548 = tpu.vector_load %arg13[%get3A] {strides = array<i32>} : memref<2000xf32, #tpu.memory_space<vmem>>, vector<16xf32>,
      %get3A_549 = vector.shape_cast %get3A_548 : vector<16xf32> to vector<16xf32>
      %abs3A = math.absf %get3A_549 : vector<16xf32>
      %neg3A = arith.constant 0.000000e+00 : f32
      %neg3A_550 = vector.broadcast %neg3A : f32 to vector<16xf32>
      %neg3A_551 = arith.subf %neg3A_550, %abs3A : vector<16xf32>
      %mul3A_552 = arith.constant 16 : i32
      %mul3A_553 = arith.muli %scan3A_544, %mul3A_552 : i32
      %swap3A = arith.index_cast %mul3A_553 : i32 to index
      %swap3A_554 = tpu.vector_load %arg15[%swap3A] {strides = array<i32>} : memref<2000xf32, #tpu.memory_space<vmem>>, vector<16xf32>,
      %swap3A_555 = vector.shape_cast %swap3A_554 : vector<16xf32> to vector<16xf32>
      %swap3A_556 = vector.shape_cast %neg3A_551 : vector<16xf32> to vector<16xf32>
      tpu.vector_store %arg15[%swap3A], %swap3A_556 {strides = array<i32>} : memref<2000xf32, #tpu.memory_space<vmem>>, vector<16xf32>,
      %lt3A_557 = arith.constant 0.000000e+00 : f32
      %lt3A_558 = vector.broadcast %lt3A_557 : f32 to vector<16xf32>
      %lt3A_559 = arith.cmpf olt, %get3A_549, %lt3A_558 : vector<16xf32>
      %jit3A = arith.constant 1.000000e+00 : f32
      %jit3A_560 = arith.constant 0.000000e+00 : f32
      %broadcast_in_dim3A = vector.broadcast %jit3A : f32 to vector<16xf32>
      %broadcast_in_dim3A_561 = vector.broadcast %jit3A_560 : f32 to vector<16xf32>
      %select_n3A = arith.select %lt3A_559, %broadcast_in_dim3A, %broadcast_in_dim3A_561 : vector<16xi1>, vector<16xf32>
      %mul3A_562 = arith.constant 16 : i32
      %mul3A_563 = arith.muli %scan3A_544, %mul3A_562 : i32
      %swap3A_564 = arith.index_cast %mul3A_563 : i32 to index
      %swap3A_565 = tpu.vector_load %arg19[%swap3A_564] {strides = array<i32>} : memref<2000xf32, #tpu.memory_space<vmem>>, vector<16xf32>,
      %swap3A_566 = vector.shape_cast %swap3A_565 : vector<16xf32> to vector<16xf32>
      %swap3A_567 = vector.shape_cast %select_n3A : vector<16xf32> to vector<16xf32>
      tpu.vector_store %arg19[%swap3A_564], %swap3A_567 {strides = array<i32>} : memref<2000xf32, #tpu.memory_space<vmem>>, vector<16xf32>,
      %scan3A_568 = arith.constant 0 : i32
      scf.yield %scan3A_568 : i32
    }
    %scan3A_184 = arith.constant 125 : i32
    %dma_start3A_185 = arith.constant 0 : i32
    %dma_start3A_186 = tpu.memref_slice %arg24[%dma_start3A_185] : memref<100000xf32, #tpu.memory_space<vmem_shared>> -> memref<100000xf32, #tpu.memory_space<vmem_shared>>
    tpu.enqueue_indirect_dma source(%arg15 : memref<2000xf32, #tpu.memory_space<vmem>>) target(%dma_start3A_186 : memref<100000xf32, #tpu.memory_space<vmem_shared>>) offsets(%arg9 : memref<2000xi32, #tpu.memory_space<vmem>>) semaphore(%arg28 : memref<!tpu.dma_semaphore, #tpu.memory_space<semaphore_mem>>) {add = true}
    %dma_start3A_187 = arith.constant 0 : i32
    %dma_start3A_188 = tpu.memref_slice %arg25[%dma_start3A_187] : memref<100000xf32, #tpu.memory_space<vmem_shared>> -> memref<100000xf32, #tpu.memory_space<vmem_shared>>
    tpu.enqueue_indirect_dma source(%arg19 : memref<2000xf32, #tpu.memory_space<vmem>>) target(%dma_start3A_188 : memref<100000xf32, #tpu.memory_space<vmem_shared>>) offsets(%arg9 : memref<2000xi32, #tpu.memory_space<vmem>>) semaphore(%arg28 : memref<!tpu.dma_semaphore, #tpu.memory_space<semaphore_mem>>) {add = true}
    %dma_wait3A_189 = arith.constant 0 : i32
    %dma_wait3A_190 = tpu.memref_slice %arg24[%dma_wait3A_189] : memref<100000xf32, #tpu.memory_space<vmem_shared>> -> memref<100000xf32, #tpu.memory_space<vmem_shared>>
    tpu.wait_indirect_dma semaphore(%arg30 : memref<!tpu.dma_semaphore, #tpu.memory_space<semaphore_mem>>) src(%arg17 : memref<2000xf32, #tpu.memory_space<vmem>>) dst(%dma_wait3A_190 : memref<100000xf32, #tpu.memory_space<vmem_shared>>)
    %dma_wait3A_191 = arith.constant 0 : i32
    %dma_wait3A_192 = tpu.memref_slice %arg25[%dma_wait3A_191] : memref<100000xf32, #tpu.memory_space<vmem_shared>> -> memref<100000xf32, #tpu.memory_space<vmem_shared>>
    tpu.wait_indirect_dma semaphore(%arg30 : memref<!tpu.dma_semaphore, #tpu.memory_space<semaphore_mem>>) src(%arg21 : memref<2000xf32, #tpu.memory_space<vmem>>) dst(%dma_wait3A_192 : memref<100000xf32, #tpu.memory_space<vmem_shared>>)
    %add3A_193 = arith.constant 20000 : i32
    %add3A_194 = arith.addi %add3A, %add3A_193 : i32
    "tpu.region"() ({
      %run_scoped3A = tpu.sem_alloc : memref<!tpu.dma_semaphore, #tpu.memory_space<semaphore_mem>>
      %dma_start3A_544 = tpu.memref_slice %arg3[%add3A_194] : memref<1600000xi32, #tpu.memory_space<hbm>> -> memref<2000xi32, #tpu.memory_space<hbm>>
      %dma_start3A_545 = tpu.memref_slice %arg3[%add3A_194] : memref<1600000xi32, #tpu.memory_space<hbm>> -> memref<2000xi32, #tpu.memory_space<hbm>>
      tpu.enqueue_dma source(%dma_start3A_545 : memref<2000xi32, #tpu.memory_space<hbm>>) target(%arg7 : memref<2000xi32, #tpu.memory_space<vmem>>) target_semaphore(%run_scoped3A : memref<!tpu.dma_semaphore, #tpu.memory_space<semaphore_mem>>)
      %dma_wait3A_546 = tpu.memref_slice %arg3[%add3A_194] : memref<1600000xi32, #tpu.memory_space<hbm>> -> memref<2000xi32, #tpu.memory_space<hbm>>
      %dma_wait3A_547 = tpu.memref_slice %arg3[%add3A_194] : memref<1600000xi32, #tpu.memory_space<hbm>> -> memref<2000xi32, #tpu.memory_space<hbm>>
      tpu.wait_dma2 semaphore(%run_scoped3A : memref<!tpu.dma_semaphore, #tpu.memory_space<semaphore_mem>>) src(%dma_wait3A_547 : memref<2000xi32, #tpu.memory_space<hbm>>) dst(%arg7 : memref<2000xi32, #tpu.memory_space<vmem>>)
      tpu.yield
    }) : () -> ()
    "tpu.region"() ({
      %run_scoped3A = tpu.sem_alloc : memref<!tpu.dma_semaphore, #tpu.memory_space<semaphore_mem>>
      %dma_start3A_544 = tpu.memref_slice %arg4[%add3A_194] : memref<1600000xi32, #tpu.memory_space<hbm>> -> memref<2000xi32, #tpu.memory_space<hbm>>
      %dma_start3A_545 = tpu.memref_slice %arg4[%add3A_194] : memref<1600000xi32, #tpu.memory_space<hbm>> -> memref<2000xi32, #tpu.memory_space<hbm>>
      tpu.enqueue_dma source(%dma_start3A_545 : memref<2000xi32, #tpu.memory_space<hbm>>) target(%arg11 : memref<2000xi32, #tpu.memory_space<vmem>>) target_semaphore(%run_scoped3A : memref<!tpu.dma_semaphore, #tpu.memory_space<semaphore_mem>>)
      %dma_wait3A_546 = tpu.memref_slice %arg4[%add3A_194] : memref<1600000xi32, #tpu.memory_space<hbm>> -> memref<2000xi32, #tpu.memory_space<hbm>>
      %dma_wait3A_547 = tpu.memref_slice %arg4[%add3A_194] : memref<1600000xi32, #tpu.memory_space<hbm>> -> memref<2000xi32, #tpu.memory_space<hbm>>
      tpu.wait_dma2 semaphore(%run_scoped3A : memref<!tpu.dma_semaphore, #tpu.memory_space<semaphore_mem>>) src(%dma_wait3A_547 : memref<2000xi32, #tpu.memory_space<hbm>>) dst(%arg11 : memref<2000xi32, #tpu.memory_space<vmem>>)
      tpu.yield
    }) : () -> ()
    %dma_start3A_195 = arith.constant 0 : i32
    %dma_start3A_196 = tpu.memref_slice %arg2[%dma_start3A_195] : memref<200000xf32, #tpu.memory_space<hbm>> -> memref<200000xf32, #tpu.memory_space<hbm>>
    tpu.enqueue_indirect_dma source(%dma_start3A_196 : memref<200000xf32, #tpu.memory_space<hbm>>) target(%arg13 : memref<2000xf32, #tpu.memory_space<vmem>>) offsets(%arg7 : memref<2000xi32, #tpu.memory_space<vmem>>) semaphore(%arg26 : memref<!tpu.dma_semaphore, #tpu.memory_space<semaphore_mem>>)
    %dma_wait3A_197 = arith.constant 0 : i32
    %dma_wait3A_198 = tpu.memref_slice %arg2[%dma_wait3A_197] : memref<200000xf32, #tpu.memory_space<hbm>> -> memref<200000xf32, #tpu.memory_space<hbm>>
    tpu.wait_indirect_dma semaphore(%arg27 : memref<!tpu.dma_semaphore, #tpu.memory_space<semaphore_mem>>) src(%dma_wait3A_198 : memref<200000xf32, #tpu.memory_space<hbm>>) dst(%arg14 : memref<2000xf32, #tpu.memory_space<vmem>>)
    %scan3A_199 = arith.constant 0 : i32
    %scan3A_200 = arith.constant 0 : i32
    %scan3A_201 = arith.constant 125 : i32
    %scan3A_202 = arith.addi %scan3A_200, %scan3A_201 : i32
    %scan3A_203 = arith.constant 1 : i32
    %scan3A_204 = scf.for %scan3A_544 = %scan3A_200 to %scan3A_202 step %scan3A_203 iter_args(%scan3A_545 = %scan3A_199) -> (i32)  : i32 {
      %mul3A_546 = arith.constant 16 : i32
      %mul3A_547 = arith.muli %scan3A_544, %mul3A_546 : i32
      %get3A = arith.index_cast %mul3A_547 : i32 to index
      %get3A_548 = tpu.vector_load %arg14[%get3A] {strides = array<i32>} : memref<2000xf32, #tpu.memory_space<vmem>>, vector<16xf32>,
      %get3A_549 = vector.shape_cast %get3A_548 : vector<16xf32> to vector<16xf32>
      %abs3A = math.absf %get3A_549 : vector<16xf32>
      %neg3A = arith.constant 0.000000e+00 : f32
      %neg3A_550 = vector.broadcast %neg3A : f32 to vector<16xf32>
      %neg3A_551 = arith.subf %neg3A_550, %abs3A : vector<16xf32>
      %mul3A_552 = arith.constant 16 : i32
      %mul3A_553 = arith.muli %scan3A_544, %mul3A_552 : i32
      %swap3A = arith.index_cast %mul3A_553 : i32 to index
      %swap3A_554 = tpu.vector_load %arg16[%swap3A] {strides = array<i32>} : memref<2000xf32, #tpu.memory_space<vmem>>, vector<16xf32>,
      %swap3A_555 = vector.shape_cast %swap3A_554 : vector<16xf32> to vector<16xf32>
      %swap3A_556 = vector.shape_cast %neg3A_551 : vector<16xf32> to vector<16xf32>
      tpu.vector_store %arg16[%swap3A], %swap3A_556 {strides = array<i32>} : memref<2000xf32, #tpu.memory_space<vmem>>, vector<16xf32>,
      %lt3A_557 = arith.constant 0.000000e+00 : f32
      %lt3A_558 = vector.broadcast %lt3A_557 : f32 to vector<16xf32>
      %lt3A_559 = arith.cmpf olt, %get3A_549, %lt3A_558 : vector<16xf32>
      %jit3A = arith.constant 1.000000e+00 : f32
      %jit3A_560 = arith.constant 0.000000e+00 : f32
      %broadcast_in_dim3A = vector.broadcast %jit3A : f32 to vector<16xf32>
      %broadcast_in_dim3A_561 = vector.broadcast %jit3A_560 : f32 to vector<16xf32>
      %select_n3A = arith.select %lt3A_559, %broadcast_in_dim3A, %broadcast_in_dim3A_561 : vector<16xi1>, vector<16xf32>
      %mul3A_562 = arith.constant 16 : i32
      %mul3A_563 = arith.muli %scan3A_544, %mul3A_562 : i32
      %swap3A_564 = arith.index_cast %mul3A_563 : i32 to index
      %swap3A_565 = tpu.vector_load %arg20[%swap3A_564] {strides = array<i32>} : memref<2000xf32, #tpu.memory_space<vmem>>, vector<16xf32>,
      %swap3A_566 = vector.shape_cast %swap3A_565 : vector<16xf32> to vector<16xf32>
      %swap3A_567 = vector.shape_cast %select_n3A : vector<16xf32> to vector<16xf32>
      tpu.vector_store %arg20[%swap3A_564], %swap3A_567 {strides = array<i32>} : memref<2000xf32, #tpu.memory_space<vmem>>, vector<16xf32>,
      %scan3A_568 = arith.constant 0 : i32
      scf.yield %scan3A_568 : i32
    }
    %scan3A_205 = arith.constant 125 : i32
    %dma_start3A_206 = arith.constant 0 : i32
    %dma_start3A_207 = tpu.memref_slice %arg24[%dma_start3A_206] : memref<100000xf32, #tpu.memory_space<vmem_shared>> -> memref<100000xf32, #tpu.memory_space<vmem_shared>>
    tpu.enqueue_indirect_dma source(%arg16 : memref<2000xf32, #tpu.memory_space<vmem>>) target(%dma_start3A_207 : memref<100000xf32, #tpu.memory_space<vmem_shared>>) offsets(%arg10 : memref<2000xi32, #tpu.memory_space<vmem>>) semaphore(%arg29 : memref<!tpu.dma_semaphore, #tpu.memory_space<semaphore_mem>>) {add = true}
    %dma_start3A_208 = arith.constant 0 : i32
    %dma_start3A_209 = tpu.memref_slice %arg25[%dma_start3A_208] : memref<100000xf32, #tpu.memory_space<vmem_shared>> -> memref<100000xf32, #tpu.memory_space<vmem_shared>>
    tpu.enqueue_indirect_dma source(%arg20 : memref<2000xf32, #tpu.memory_space<vmem>>) target(%dma_start3A_209 : memref<100000xf32, #tpu.memory_space<vmem_shared>>) offsets(%arg10 : memref<2000xi32, #tpu.memory_space<vmem>>) semaphore(%arg29 : memref<!tpu.dma_semaphore, #tpu.memory_space<semaphore_mem>>) {add = true}
    %dma_wait3A_210 = arith.constant 0 : i32
    %dma_wait3A_211 = tpu.memref_slice %arg24[%dma_wait3A_210] : memref<100000xf32, #tpu.memory_space<vmem_shared>> -> memref<100000xf32, #tpu.memory_space<vmem_shared>>
    tpu.wait_indirect_dma semaphore(%arg31 : memref<!tpu.dma_semaphore, #tpu.memory_space<semaphore_mem>>) src(%arg18 : memref<2000xf32, #tpu.memory_space<vmem>>) dst(%dma_wait3A_211 : memref<100000xf32, #tpu.memory_space<vmem_shared>>)
    %dma_wait3A_212 = arith.constant 0 : i32
    %dma_wait3A_213 = tpu.memref_slice %arg25[%dma_wait3A_212] : memref<100000xf32, #tpu.memory_space<vmem_shared>> -> memref<100000xf32, #tpu.memory_space<vmem_shared>>
    tpu.wait_indirect_dma semaphore(%arg31 : memref<!tpu.dma_semaphore, #tpu.memory_space<semaphore_mem>>) src(%arg22 : memref<2000xf32, #tpu.memory_space<vmem>>) dst(%dma_wait3A_213 : memref<100000xf32, #tpu.memory_space<vmem_shared>>)
    %add3A_214 = arith.constant 22000 : i32
    %add3A_215 = arith.addi %add3A, %add3A_214 : i32
    "tpu.region"() ({
      %run_scoped3A = tpu.sem_alloc : memref<!tpu.dma_semaphore, #tpu.memory_space<semaphore_mem>>
      %dma_start3A_544 = tpu.memref_slice %arg3[%add3A_215] : memref<1600000xi32, #tpu.memory_space<hbm>> -> memref<2000xi32, #tpu.memory_space<hbm>>
      %dma_start3A_545 = tpu.memref_slice %arg3[%add3A_215] : memref<1600000xi32, #tpu.memory_space<hbm>> -> memref<2000xi32, #tpu.memory_space<hbm>>
      tpu.enqueue_dma source(%dma_start3A_545 : memref<2000xi32, #tpu.memory_space<hbm>>) target(%arg8 : memref<2000xi32, #tpu.memory_space<vmem>>) target_semaphore(%run_scoped3A : memref<!tpu.dma_semaphore, #tpu.memory_space<semaphore_mem>>)
      %dma_wait3A_546 = tpu.memref_slice %arg3[%add3A_215] : memref<1600000xi32, #tpu.memory_space<hbm>> -> memref<2000xi32, #tpu.memory_space<hbm>>
      %dma_wait3A_547 = tpu.memref_slice %arg3[%add3A_215] : memref<1600000xi32, #tpu.memory_space<hbm>> -> memref<2000xi32, #tpu.memory_space<hbm>>
      tpu.wait_dma2 semaphore(%run_scoped3A : memref<!tpu.dma_semaphore, #tpu.memory_space<semaphore_mem>>) src(%dma_wait3A_547 : memref<2000xi32, #tpu.memory_space<hbm>>) dst(%arg8 : memref<2000xi32, #tpu.memory_space<vmem>>)
      tpu.yield
    }) : () -> ()
    "tpu.region"() ({
      %run_scoped3A = tpu.sem_alloc : memref<!tpu.dma_semaphore, #tpu.memory_space<semaphore_mem>>
      %dma_start3A_544 = tpu.memref_slice %arg4[%add3A_215] : memref<1600000xi32, #tpu.memory_space<hbm>> -> memref<2000xi32, #tpu.memory_space<hbm>>
      %dma_start3A_545 = tpu.memref_slice %arg4[%add3A_215] : memref<1600000xi32, #tpu.memory_space<hbm>> -> memref<2000xi32, #tpu.memory_space<hbm>>
      tpu.enqueue_dma source(%dma_start3A_545 : memref<2000xi32, #tpu.memory_space<hbm>>) target(%arg12 : memref<2000xi32, #tpu.memory_space<vmem>>) target_semaphore(%run_scoped3A : memref<!tpu.dma_semaphore, #tpu.memory_space<semaphore_mem>>)
      %dma_wait3A_546 = tpu.memref_slice %arg4[%add3A_215] : memref<1600000xi32, #tpu.memory_space<hbm>> -> memref<2000xi32, #tpu.memory_space<hbm>>
      %dma_wait3A_547 = tpu.memref_slice %arg4[%add3A_215] : memref<1600000xi32, #tpu.memory_space<hbm>> -> memref<2000xi32, #tpu.memory_space<hbm>>
      tpu.wait_dma2 semaphore(%run_scoped3A : memref<!tpu.dma_semaphore, #tpu.memory_space<semaphore_mem>>) src(%dma_wait3A_547 : memref<2000xi32, #tpu.memory_space<hbm>>) dst(%arg12 : memref<2000xi32, #tpu.memory_space<vmem>>)
      tpu.yield
    }) : () -> ()
    %dma_start3A_216 = arith.constant 0 : i32
    %dma_start3A_217 = tpu.memref_slice %arg2[%dma_start3A_216] : memref<200000xf32, #tpu.memory_space<hbm>> -> memref<200000xf32, #tpu.memory_space<hbm>>
    tpu.enqueue_indirect_dma source(%dma_start3A_217 : memref<200000xf32, #tpu.memory_space<hbm>>) target(%arg14 : memref<2000xf32, #tpu.memory_space<vmem>>) offsets(%arg8 : memref<2000xi32, #tpu.memory_space<vmem>>) semaphore(%arg27 : memref<!tpu.dma_semaphore, #tpu.memory_space<semaphore_mem>>)
    %dma_wait3A_218 = arith.constant 0 : i32
    %dma_wait3A_219 = tpu.memref_slice %arg2[%dma_wait3A_218] : memref<200000xf32, #tpu.memory_space<hbm>> -> memref<200000xf32, #tpu.memory_space<hbm>>
    tpu.wait_indirect_dma semaphore(%arg26 : memref<!tpu.dma_semaphore, #tpu.memory_space<semaphore_mem>>) src(%dma_wait3A_219 : memref<200000xf32, #tpu.memory_space<hbm>>) dst(%arg13 : memref<2000xf32, #tpu.memory_space<vmem>>)
    %scan3A_220 = arith.constant 0 : i32
    %scan3A_221 = arith.constant 0 : i32
    %scan3A_222 = arith.constant 125 : i32
    %scan3A_223 = arith.addi %scan3A_221, %scan3A_222 : i32
    %scan3A_224 = arith.constant 1 : i32
    %scan3A_225 = scf.for %scan3A_544 = %scan3A_221 to %scan3A_223 step %scan3A_224 iter_args(%scan3A_545 = %scan3A_220) -> (i32)  : i32 {
      %mul3A_546 = arith.constant 16 : i32
      %mul3A_547 = arith.muli %scan3A_544, %mul3A_546 : i32
      %get3A = arith.index_cast %mul3A_547 : i32 to index
      %get3A_548 = tpu.vector_load %arg13[%get3A] {strides = array<i32>} : memref<2000xf32, #tpu.memory_space<vmem>>, vector<16xf32>,
      %get3A_549 = vector.shape_cast %get3A_548 : vector<16xf32> to vector<16xf32>
      %abs3A = math.absf %get3A_549 : vector<16xf32>
      %neg3A = arith.constant 0.000000e+00 : f32
      %neg3A_550 = vector.broadcast %neg3A : f32 to vector<16xf32>
      %neg3A_551 = arith.subf %neg3A_550, %abs3A : vector<16xf32>
      %mul3A_552 = arith.constant 16 : i32
      %mul3A_553 = arith.muli %scan3A_544, %mul3A_552 : i32
      %swap3A = arith.index_cast %mul3A_553 : i32 to index
      %swap3A_554 = tpu.vector_load %arg17[%swap3A] {strides = array<i32>} : memref<2000xf32, #tpu.memory_space<vmem>>, vector<16xf32>,
      %swap3A_555 = vector.shape_cast %swap3A_554 : vector<16xf32> to vector<16xf32>
      %swap3A_556 = vector.shape_cast %neg3A_551 : vector<16xf32> to vector<16xf32>
      tpu.vector_store %arg17[%swap3A], %swap3A_556 {strides = array<i32>} : memref<2000xf32, #tpu.memory_space<vmem>>, vector<16xf32>,
      %lt3A_557 = arith.constant 0.000000e+00 : f32
      %lt3A_558 = vector.broadcast %lt3A_557 : f32 to vector<16xf32>
      %lt3A_559 = arith.cmpf olt, %get3A_549, %lt3A_558 : vector<16xf32>
      %jit3A = arith.constant 1.000000e+00 : f32
      %jit3A_560 = arith.constant 0.000000e+00 : f32
      %broadcast_in_dim3A = vector.broadcast %jit3A : f32 to vector<16xf32>
      %broadcast_in_dim3A_561 = vector.broadcast %jit3A_560 : f32 to vector<16xf32>
      %select_n3A = arith.select %lt3A_559, %broadcast_in_dim3A, %broadcast_in_dim3A_561 : vector<16xi1>, vector<16xf32>
      %mul3A_562 = arith.constant 16 : i32
      %mul3A_563 = arith.muli %scan3A_544, %mul3A_562 : i32
      %swap3A_564 = arith.index_cast %mul3A_563 : i32 to index
      %swap3A_565 = tpu.vector_load %arg21[%swap3A_564] {strides = array<i32>} : memref<2000xf32, #tpu.memory_space<vmem>>, vector<16xf32>,
      %swap3A_566 = vector.shape_cast %swap3A_565 : vector<16xf32> to vector<16xf32>
      %swap3A_567 = vector.shape_cast %select_n3A : vector<16xf32> to vector<16xf32>
      tpu.vector_store %arg21[%swap3A_564], %swap3A_567 {strides = array<i32>} : memref<2000xf32, #tpu.memory_space<vmem>>, vector<16xf32>,
      %scan3A_568 = arith.constant 0 : i32
      scf.yield %scan3A_568 : i32
    }
    %scan3A_226 = arith.constant 125 : i32
    %dma_start3A_227 = arith.constant 0 : i32
    %dma_start3A_228 = tpu.memref_slice %arg24[%dma_start3A_227] : memref<100000xf32, #tpu.memory_space<vmem_shared>> -> memref<100000xf32, #tpu.memory_space<vmem_shared>>
    tpu.enqueue_indirect_dma source(%arg17 : memref<2000xf32, #tpu.memory_space<vmem>>) target(%dma_start3A_228 : memref<100000xf32, #tpu.memory_space<vmem_shared>>) offsets(%arg11 : memref<2000xi32, #tpu.memory_space<vmem>>) semaphore(%arg30 : memref<!tpu.dma_semaphore, #tpu.memory_space<semaphore_mem>>) {add = true}
    %dma_start3A_229 = arith.constant 0 : i32
    %dma_start3A_230 = tpu.memref_slice %arg25[%dma_start3A_229] : memref<100000xf32, #tpu.memory_space<vmem_shared>> -> memref<100000xf32, #tpu.memory_space<vmem_shared>>
    tpu.enqueue_indirect_dma source(%arg21 : memref<2000xf32, #tpu.memory_space<vmem>>) target(%dma_start3A_230 : memref<100000xf32, #tpu.memory_space<vmem_shared>>) offsets(%arg11 : memref<2000xi32, #tpu.memory_space<vmem>>) semaphore(%arg30 : memref<!tpu.dma_semaphore, #tpu.memory_space<semaphore_mem>>) {add = true}
    %dma_wait3A_231 = arith.constant 0 : i32
    %dma_wait3A_232 = tpu.memref_slice %arg24[%dma_wait3A_231] : memref<100000xf32, #tpu.memory_space<vmem_shared>> -> memref<100000xf32, #tpu.memory_space<vmem_shared>>
    tpu.wait_indirect_dma semaphore(%arg28 : memref<!tpu.dma_semaphore, #tpu.memory_space<semaphore_mem>>) src(%arg15 : memref<2000xf32, #tpu.memory_space<vmem>>) dst(%dma_wait3A_232 : memref<100000xf32, #tpu.memory_space<vmem_shared>>)
    %dma_wait3A_233 = arith.constant 0 : i32
    %dma_wait3A_234 = tpu.memref_slice %arg25[%dma_wait3A_233] : memref<100000xf32, #tpu.memory_space<vmem_shared>> -> memref<100000xf32, #tpu.memory_space<vmem_shared>>
    tpu.wait_indirect_dma semaphore(%arg28 : memref<!tpu.dma_semaphore, #tpu.memory_space<semaphore_mem>>) src(%arg19 : memref<2000xf32, #tpu.memory_space<vmem>>) dst(%dma_wait3A_234 : memref<100000xf32, #tpu.memory_space<vmem_shared>>)
    %add3A_235 = arith.constant 24000 : i32
    %add3A_236 = arith.addi %add3A, %add3A_235 : i32
    "tpu.region"() ({
      %run_scoped3A = tpu.sem_alloc : memref<!tpu.dma_semaphore, #tpu.memory_space<semaphore_mem>>
      %dma_start3A_544 = tpu.memref_slice %arg3[%add3A_236] : memref<1600000xi32, #tpu.memory_space<hbm>> -> memref<2000xi32, #tpu.memory_space<hbm>>
      %dma_start3A_545 = tpu.memref_slice %arg3[%add3A_236] : memref<1600000xi32, #tpu.memory_space<hbm>> -> memref<2000xi32, #tpu.memory_space<hbm>>
      tpu.enqueue_dma source(%dma_start3A_545 : memref<2000xi32, #tpu.memory_space<hbm>>) target(%arg7 : memref<2000xi32, #tpu.memory_space<vmem>>) target_semaphore(%run_scoped3A : memref<!tpu.dma_semaphore, #tpu.memory_space<semaphore_mem>>)
      %dma_wait3A_546 = tpu.memref_slice %arg3[%add3A_236] : memref<1600000xi32, #tpu.memory_space<hbm>> -> memref<2000xi32, #tpu.memory_space<hbm>>
      %dma_wait3A_547 = tpu.memref_slice %arg3[%add3A_236] : memref<1600000xi32, #tpu.memory_space<hbm>> -> memref<2000xi32, #tpu.memory_space<hbm>>
      tpu.wait_dma2 semaphore(%run_scoped3A : memref<!tpu.dma_semaphore, #tpu.memory_space<semaphore_mem>>) src(%dma_wait3A_547 : memref<2000xi32, #tpu.memory_space<hbm>>) dst(%arg7 : memref<2000xi32, #tpu.memory_space<vmem>>)
      tpu.yield
    }) : () -> ()
    "tpu.region"() ({
      %run_scoped3A = tpu.sem_alloc : memref<!tpu.dma_semaphore, #tpu.memory_space<semaphore_mem>>
      %dma_start3A_544 = tpu.memref_slice %arg4[%add3A_236] : memref<1600000xi32, #tpu.memory_space<hbm>> -> memref<2000xi32, #tpu.memory_space<hbm>>
      %dma_start3A_545 = tpu.memref_slice %arg4[%add3A_236] : memref<1600000xi32, #tpu.memory_space<hbm>> -> memref<2000xi32, #tpu.memory_space<hbm>>
      tpu.enqueue_dma source(%dma_start3A_545 : memref<2000xi32, #tpu.memory_space<hbm>>) target(%arg9 : memref<2000xi32, #tpu.memory_space<vmem>>) target_semaphore(%run_scoped3A : memref<!tpu.dma_semaphore, #tpu.memory_space<semaphore_mem>>)
      %dma_wait3A_546 = tpu.memref_slice %arg4[%add3A_236] : memref<1600000xi32, #tpu.memory_space<hbm>> -> memref<2000xi32, #tpu.memory_space<hbm>>
      %dma_wait3A_547 = tpu.memref_slice %arg4[%add3A_236] : memref<1600000xi32, #tpu.memory_space<hbm>> -> memref<2000xi32, #tpu.memory_space<hbm>>
      tpu.wait_dma2 semaphore(%run_scoped3A : memref<!tpu.dma_semaphore, #tpu.memory_space<semaphore_mem>>) src(%dma_wait3A_547 : memref<2000xi32, #tpu.memory_space<hbm>>) dst(%arg9 : memref<2000xi32, #tpu.memory_space<vmem>>)
      tpu.yield
    }) : () -> ()
    %dma_start3A_237 = arith.constant 0 : i32
    %dma_start3A_238 = tpu.memref_slice %arg2[%dma_start3A_237] : memref<200000xf32, #tpu.memory_space<hbm>> -> memref<200000xf32, #tpu.memory_space<hbm>>
    tpu.enqueue_indirect_dma source(%dma_start3A_238 : memref<200000xf32, #tpu.memory_space<hbm>>) target(%arg13 : memref<2000xf32, #tpu.memory_space<vmem>>) offsets(%arg7 : memref<2000xi32, #tpu.memory_space<vmem>>) semaphore(%arg26 : memref<!tpu.dma_semaphore, #tpu.memory_space<semaphore_mem>>)
    %dma_wait3A_239 = arith.constant 0 : i32
    %dma_wait3A_240 = tpu.memref_slice %arg2[%dma_wait3A_239] : memref<200000xf32, #tpu.memory_space<hbm>> -> memref<200000xf32, #tpu.memory_space<hbm>>
    tpu.wait_indirect_dma semaphore(%arg27 : memref<!tpu.dma_semaphore, #tpu.memory_space<semaphore_mem>>) src(%dma_wait3A_240 : memref<200000xf32, #tpu.memory_space<hbm>>) dst(%arg14 : memref<2000xf32, #tpu.memory_space<vmem>>)
    %scan3A_241 = arith.constant 0 : i32
    %scan3A_242 = arith.constant 0 : i32
    %scan3A_243 = arith.constant 125 : i32
    %scan3A_244 = arith.addi %scan3A_242, %scan3A_243 : i32
    %scan3A_245 = arith.constant 1 : i32
    %scan3A_246 = scf.for %scan3A_544 = %scan3A_242 to %scan3A_244 step %scan3A_245 iter_args(%scan3A_545 = %scan3A_241) -> (i32)  : i32 {
      %mul3A_546 = arith.constant 16 : i32
      %mul3A_547 = arith.muli %scan3A_544, %mul3A_546 : i32
      %get3A = arith.index_cast %mul3A_547 : i32 to index
      %get3A_548 = tpu.vector_load %arg14[%get3A] {strides = array<i32>} : memref<2000xf32, #tpu.memory_space<vmem>>, vector<16xf32>,
      %get3A_549 = vector.shape_cast %get3A_548 : vector<16xf32> to vector<16xf32>
      %abs3A = math.absf %get3A_549 : vector<16xf32>
      %neg3A = arith.constant 0.000000e+00 : f32
      %neg3A_550 = vector.broadcast %neg3A : f32 to vector<16xf32>
      %neg3A_551 = arith.subf %neg3A_550, %abs3A : vector<16xf32>
      %mul3A_552 = arith.constant 16 : i32
      %mul3A_553 = arith.muli %scan3A_544, %mul3A_552 : i32
      %swap3A = arith.index_cast %mul3A_553 : i32 to index
      %swap3A_554 = tpu.vector_load %arg18[%swap3A] {strides = array<i32>} : memref<2000xf32, #tpu.memory_space<vmem>>, vector<16xf32>,
      %swap3A_555 = vector.shape_cast %swap3A_554 : vector<16xf32> to vector<16xf32>
      %swap3A_556 = vector.shape_cast %neg3A_551 : vector<16xf32> to vector<16xf32>
      tpu.vector_store %arg18[%swap3A], %swap3A_556 {strides = array<i32>} : memref<2000xf32, #tpu.memory_space<vmem>>, vector<16xf32>,
      %lt3A_557 = arith.constant 0.000000e+00 : f32
      %lt3A_558 = vector.broadcast %lt3A_557 : f32 to vector<16xf32>
      %lt3A_559 = arith.cmpf olt, %get3A_549, %lt3A_558 : vector<16xf32>
      %jit3A = arith.constant 1.000000e+00 : f32
      %jit3A_560 = arith.constant 0.000000e+00 : f32
      %broadcast_in_dim3A = vector.broadcast %jit3A : f32 to vector<16xf32>
      %broadcast_in_dim3A_561 = vector.broadcast %jit3A_560 : f32 to vector<16xf32>
      %select_n3A = arith.select %lt3A_559, %broadcast_in_dim3A, %broadcast_in_dim3A_561 : vector<16xi1>, vector<16xf32>
      %mul3A_562 = arith.constant 16 : i32
      %mul3A_563 = arith.muli %scan3A_544, %mul3A_562 : i32
      %swap3A_564 = arith.index_cast %mul3A_563 : i32 to index
      %swap3A_565 = tpu.vector_load %arg22[%swap3A_564] {strides = array<i32>} : memref<2000xf32, #tpu.memory_space<vmem>>, vector<16xf32>,
      %swap3A_566 = vector.shape_cast %swap3A_565 : vector<16xf32> to vector<16xf32>
      %swap3A_567 = vector.shape_cast %select_n3A : vector<16xf32> to vector<16xf32>
      tpu.vector_store %arg22[%swap3A_564], %swap3A_567 {strides = array<i32>} : memref<2000xf32, #tpu.memory_space<vmem>>, vector<16xf32>,
      %scan3A_568 = arith.constant 0 : i32
      scf.yield %scan3A_568 : i32
    }
    %scan3A_247 = arith.constant 125 : i32
    %dma_start3A_248 = arith.constant 0 : i32
    %dma_start3A_249 = tpu.memref_slice %arg24[%dma_start3A_248] : memref<100000xf32, #tpu.memory_space<vmem_shared>> -> memref<100000xf32, #tpu.memory_space<vmem_shared>>
    tpu.enqueue_indirect_dma source(%arg18 : memref<2000xf32, #tpu.memory_space<vmem>>) target(%dma_start3A_249 : memref<100000xf32, #tpu.memory_space<vmem_shared>>) offsets(%arg12 : memref<2000xi32, #tpu.memory_space<vmem>>) semaphore(%arg31 : memref<!tpu.dma_semaphore, #tpu.memory_space<semaphore_mem>>) {add = true}
    %dma_start3A_250 = arith.constant 0 : i32
    %dma_start3A_251 = tpu.memref_slice %arg25[%dma_start3A_250] : memref<100000xf32, #tpu.memory_space<vmem_shared>> -> memref<100000xf32, #tpu.memory_space<vmem_shared>>
    tpu.enqueue_indirect_dma source(%arg22 : memref<2000xf32, #tpu.memory_space<vmem>>) target(%dma_start3A_251 : memref<100000xf32, #tpu.memory_space<vmem_shared>>) offsets(%arg12 : memref<2000xi32, #tpu.memory_space<vmem>>) semaphore(%arg31 : memref<!tpu.dma_semaphore, #tpu.memory_space<semaphore_mem>>) {add = true}
    %dma_wait3A_252 = arith.constant 0 : i32
    %dma_wait3A_253 = tpu.memref_slice %arg24[%dma_wait3A_252] : memref<100000xf32, #tpu.memory_space<vmem_shared>> -> memref<100000xf32, #tpu.memory_space<vmem_shared>>
    tpu.wait_indirect_dma semaphore(%arg29 : memref<!tpu.dma_semaphore, #tpu.memory_space<semaphore_mem>>) src(%arg16 : memref<2000xf32, #tpu.memory_space<vmem>>) dst(%dma_wait3A_253 : memref<100000xf32, #tpu.memory_space<vmem_shared>>)
    %dma_wait3A_254 = arith.constant 0 : i32
    %dma_wait3A_255 = tpu.memref_slice %arg25[%dma_wait3A_254] : memref<100000xf32, #tpu.memory_space<vmem_shared>> -> memref<100000xf32, #tpu.memory_space<vmem_shared>>
    tpu.wait_indirect_dma semaphore(%arg29 : memref<!tpu.dma_semaphore, #tpu.memory_space<semaphore_mem>>) src(%arg20 : memref<2000xf32, #tpu.memory_space<vmem>>) dst(%dma_wait3A_255 : memref<100000xf32, #tpu.memory_space<vmem_shared>>)
    %add3A_256 = arith.constant 26000 : i32
    %add3A_257 = arith.addi %add3A, %add3A_256 : i32
    "tpu.region"() ({
      %run_scoped3A = tpu.sem_alloc : memref<!tpu.dma_semaphore, #tpu.memory_space<semaphore_mem>>
      %dma_start3A_544 = tpu.memref_slice %arg3[%add3A_257] : memref<1600000xi32, #tpu.memory_space<hbm>> -> memref<2000xi32, #tpu.memory_space<hbm>>
      %dma_start3A_545 = tpu.memref_slice %arg3[%add3A_257] : memref<1600000xi32, #tpu.memory_space<hbm>> -> memref<2000xi32, #tpu.memory_space<hbm>>
      tpu.enqueue_dma source(%dma_start3A_545 : memref<2000xi32, #tpu.memory_space<hbm>>) target(%arg8 : memref<2000xi32, #tpu.memory_space<vmem>>) target_semaphore(%run_scoped3A : memref<!tpu.dma_semaphore, #tpu.memory_space<semaphore_mem>>)
      %dma_wait3A_546 = tpu.memref_slice %arg3[%add3A_257] : memref<1600000xi32, #tpu.memory_space<hbm>> -> memref<2000xi32, #tpu.memory_space<hbm>>
      %dma_wait3A_547 = tpu.memref_slice %arg3[%add3A_257] : memref<1600000xi32, #tpu.memory_space<hbm>> -> memref<2000xi32, #tpu.memory_space<hbm>>
      tpu.wait_dma2 semaphore(%run_scoped3A : memref<!tpu.dma_semaphore, #tpu.memory_space<semaphore_mem>>) src(%dma_wait3A_547 : memref<2000xi32, #tpu.memory_space<hbm>>) dst(%arg8 : memref<2000xi32, #tpu.memory_space<vmem>>)
      tpu.yield
    }) : () -> ()
    "tpu.region"() ({
      %run_scoped3A = tpu.sem_alloc : memref<!tpu.dma_semaphore, #tpu.memory_space<semaphore_mem>>
      %dma_start3A_544 = tpu.memref_slice %arg4[%add3A_257] : memref<1600000xi32, #tpu.memory_space<hbm>> -> memref<2000xi32, #tpu.memory_space<hbm>>
      %dma_start3A_545 = tpu.memref_slice %arg4[%add3A_257] : memref<1600000xi32, #tpu.memory_space<hbm>> -> memref<2000xi32, #tpu.memory_space<hbm>>
      tpu.enqueue_dma source(%dma_start3A_545 : memref<2000xi32, #tpu.memory_space<hbm>>) target(%arg10 : memref<2000xi32, #tpu.memory_space<vmem>>) target_semaphore(%run_scoped3A : memref<!tpu.dma_semaphore, #tpu.memory_space<semaphore_mem>>)
      %dma_wait3A_546 = tpu.memref_slice %arg4[%add3A_257] : memref<1600000xi32, #tpu.memory_space<hbm>> -> memref<2000xi32, #tpu.memory_space<hbm>>
      %dma_wait3A_547 = tpu.memref_slice %arg4[%add3A_257] : memref<1600000xi32, #tpu.memory_space<hbm>> -> memref<2000xi32, #tpu.memory_space<hbm>>
      tpu.wait_dma2 semaphore(%run_scoped3A : memref<!tpu.dma_semaphore, #tpu.memory_space<semaphore_mem>>) src(%dma_wait3A_547 : memref<2000xi32, #tpu.memory_space<hbm>>) dst(%arg10 : memref<2000xi32, #tpu.memory_space<vmem>>)
      tpu.yield
    }) : () -> ()
    %dma_start3A_258 = arith.constant 0 : i32
    %dma_start3A_259 = tpu.memref_slice %arg2[%dma_start3A_258] : memref<200000xf32, #tpu.memory_space<hbm>> -> memref<200000xf32, #tpu.memory_space<hbm>>
    tpu.enqueue_indirect_dma source(%dma_start3A_259 : memref<200000xf32, #tpu.memory_space<hbm>>) target(%arg14 : memref<2000xf32, #tpu.memory_space<vmem>>) offsets(%arg8 : memref<2000xi32, #tpu.memory_space<vmem>>) semaphore(%arg27 : memref<!tpu.dma_semaphore, #tpu.memory_space<semaphore_mem>>)
    %dma_wait3A_260 = arith.constant 0 : i32
    %dma_wait3A_261 = tpu.memref_slice %arg2[%dma_wait3A_260] : memref<200000xf32, #tpu.memory_space<hbm>> -> memref<200000xf32, #tpu.memory_space<hbm>>
    tpu.wait_indirect_dma semaphore(%arg26 : memref<!tpu.dma_semaphore, #tpu.memory_space<semaphore_mem>>) src(%dma_wait3A_261 : memref<200000xf32, #tpu.memory_space<hbm>>) dst(%arg13 : memref<2000xf32, #tpu.memory_space<vmem>>)
    %scan3A_262 = arith.constant 0 : i32
    %scan3A_263 = arith.constant 0 : i32
    %scan3A_264 = arith.constant 125 : i32
    %scan3A_265 = arith.addi %scan3A_263, %scan3A_264 : i32
    %scan3A_266 = arith.constant 1 : i32
    %scan3A_267 = scf.for %scan3A_544 = %scan3A_263 to %scan3A_265 step %scan3A_266 iter_args(%scan3A_545 = %scan3A_262) -> (i32)  : i32 {
      %mul3A_546 = arith.constant 16 : i32
      %mul3A_547 = arith.muli %scan3A_544, %mul3A_546 : i32
      %get3A = arith.index_cast %mul3A_547 : i32 to index
      %get3A_548 = tpu.vector_load %arg13[%get3A] {strides = array<i32>} : memref<2000xf32, #tpu.memory_space<vmem>>, vector<16xf32>,
      %get3A_549 = vector.shape_cast %get3A_548 : vector<16xf32> to vector<16xf32>
      %abs3A = math.absf %get3A_549 : vector<16xf32>
      %neg3A = arith.constant 0.000000e+00 : f32
      %neg3A_550 = vector.broadcast %neg3A : f32 to vector<16xf32>
      %neg3A_551 = arith.subf %neg3A_550, %abs3A : vector<16xf32>
      %mul3A_552 = arith.constant 16 : i32
      %mul3A_553 = arith.muli %scan3A_544, %mul3A_552 : i32
      %swap3A = arith.index_cast %mul3A_553 : i32 to index
      %swap3A_554 = tpu.vector_load %arg15[%swap3A] {strides = array<i32>} : memref<2000xf32, #tpu.memory_space<vmem>>, vector<16xf32>,
      %swap3A_555 = vector.shape_cast %swap3A_554 : vector<16xf32> to vector<16xf32>
      %swap3A_556 = vector.shape_cast %neg3A_551 : vector<16xf32> to vector<16xf32>
      tpu.vector_store %arg15[%swap3A], %swap3A_556 {strides = array<i32>} : memref<2000xf32, #tpu.memory_space<vmem>>, vector<16xf32>,
      %lt3A_557 = arith.constant 0.000000e+00 : f32
      %lt3A_558 = vector.broadcast %lt3A_557 : f32 to vector<16xf32>
      %lt3A_559 = arith.cmpf olt, %get3A_549, %lt3A_558 : vector<16xf32>
      %jit3A = arith.constant 1.000000e+00 : f32
      %jit3A_560 = arith.constant 0.000000e+00 : f32
      %broadcast_in_dim3A = vector.broadcast %jit3A : f32 to vector<16xf32>
      %broadcast_in_dim3A_561 = vector.broadcast %jit3A_560 : f32 to vector<16xf32>
      %select_n3A = arith.select %lt3A_559, %broadcast_in_dim3A, %broadcast_in_dim3A_561 : vector<16xi1>, vector<16xf32>
      %mul3A_562 = arith.constant 16 : i32
      %mul3A_563 = arith.muli %scan3A_544, %mul3A_562 : i32
      %swap3A_564 = arith.index_cast %mul3A_563 : i32 to index
      %swap3A_565 = tpu.vector_load %arg19[%swap3A_564] {strides = array<i32>} : memref<2000xf32, #tpu.memory_space<vmem>>, vector<16xf32>,
      %swap3A_566 = vector.shape_cast %swap3A_565 : vector<16xf32> to vector<16xf32>
      %swap3A_567 = vector.shape_cast %select_n3A : vector<16xf32> to vector<16xf32>
      tpu.vector_store %arg19[%swap3A_564], %swap3A_567 {strides = array<i32>} : memref<2000xf32, #tpu.memory_space<vmem>>, vector<16xf32>,
      %scan3A_568 = arith.constant 0 : i32
      scf.yield %scan3A_568 : i32
    }
    %scan3A_268 = arith.constant 125 : i32
    %dma_start3A_269 = arith.constant 0 : i32
    %dma_start3A_270 = tpu.memref_slice %arg24[%dma_start3A_269] : memref<100000xf32, #tpu.memory_space<vmem_shared>> -> memref<100000xf32, #tpu.memory_space<vmem_shared>>
    tpu.enqueue_indirect_dma source(%arg15 : memref<2000xf32, #tpu.memory_space<vmem>>) target(%dma_start3A_270 : memref<100000xf32, #tpu.memory_space<vmem_shared>>) offsets(%arg9 : memref<2000xi32, #tpu.memory_space<vmem>>) semaphore(%arg28 : memref<!tpu.dma_semaphore, #tpu.memory_space<semaphore_mem>>) {add = true}
    %dma_start3A_271 = arith.constant 0 : i32
    %dma_start3A_272 = tpu.memref_slice %arg25[%dma_start3A_271] : memref<100000xf32, #tpu.memory_space<vmem_shared>> -> memref<100000xf32, #tpu.memory_space<vmem_shared>>
    tpu.enqueue_indirect_dma source(%arg19 : memref<2000xf32, #tpu.memory_space<vmem>>) target(%dma_start3A_272 : memref<100000xf32, #tpu.memory_space<vmem_shared>>) offsets(%arg9 : memref<2000xi32, #tpu.memory_space<vmem>>) semaphore(%arg28 : memref<!tpu.dma_semaphore, #tpu.memory_space<semaphore_mem>>) {add = true}
    %dma_wait3A_273 = arith.constant 0 : i32
    %dma_wait3A_274 = tpu.memref_slice %arg24[%dma_wait3A_273] : memref<100000xf32, #tpu.memory_space<vmem_shared>> -> memref<100000xf32, #tpu.memory_space<vmem_shared>>
    tpu.wait_indirect_dma semaphore(%arg30 : memref<!tpu.dma_semaphore, #tpu.memory_space<semaphore_mem>>) src(%arg17 : memref<2000xf32, #tpu.memory_space<vmem>>) dst(%dma_wait3A_274 : memref<100000xf32, #tpu.memory_space<vmem_shared>>)
    %dma_wait3A_275 = arith.constant 0 : i32
    %dma_wait3A_276 = tpu.memref_slice %arg25[%dma_wait3A_275] : memref<100000xf32, #tpu.memory_space<vmem_shared>> -> memref<100000xf32, #tpu.memory_space<vmem_shared>>
    tpu.wait_indirect_dma semaphore(%arg30 : memref<!tpu.dma_semaphore, #tpu.memory_space<semaphore_mem>>) src(%arg21 : memref<2000xf32, #tpu.memory_space<vmem>>) dst(%dma_wait3A_276 : memref<100000xf32, #tpu.memory_space<vmem_shared>>)
    %add3A_277 = arith.constant 28000 : i32
    %add3A_278 = arith.addi %add3A, %add3A_277 : i32
    "tpu.region"() ({
      %run_scoped3A = tpu.sem_alloc : memref<!tpu.dma_semaphore, #tpu.memory_space<semaphore_mem>>
      %dma_start3A_544 = tpu.memref_slice %arg3[%add3A_278] : memref<1600000xi32, #tpu.memory_space<hbm>> -> memref<2000xi32, #tpu.memory_space<hbm>>
      %dma_start3A_545 = tpu.memref_slice %arg3[%add3A_278] : memref<1600000xi32, #tpu.memory_space<hbm>> -> memref<2000xi32, #tpu.memory_space<hbm>>
      tpu.enqueue_dma source(%dma_start3A_545 : memref<2000xi32, #tpu.memory_space<hbm>>) target(%arg7 : memref<2000xi32, #tpu.memory_space<vmem>>) target_semaphore(%run_scoped3A : memref<!tpu.dma_semaphore, #tpu.memory_space<semaphore_mem>>)
      %dma_wait3A_546 = tpu.memref_slice %arg3[%add3A_278] : memref<1600000xi32, #tpu.memory_space<hbm>> -> memref<2000xi32, #tpu.memory_space<hbm>>
      %dma_wait3A_547 = tpu.memref_slice %arg3[%add3A_278] : memref<1600000xi32, #tpu.memory_space<hbm>> -> memref<2000xi32, #tpu.memory_space<hbm>>
      tpu.wait_dma2 semaphore(%run_scoped3A : memref<!tpu.dma_semaphore, #tpu.memory_space<semaphore_mem>>) src(%dma_wait3A_547 : memref<2000xi32, #tpu.memory_space<hbm>>) dst(%arg7 : memref<2000xi32, #tpu.memory_space<vmem>>)
      tpu.yield
    }) : () -> ()
    "tpu.region"() ({
      %run_scoped3A = tpu.sem_alloc : memref<!tpu.dma_semaphore, #tpu.memory_space<semaphore_mem>>
      %dma_start3A_544 = tpu.memref_slice %arg4[%add3A_278] : memref<1600000xi32, #tpu.memory_space<hbm>> -> memref<2000xi32, #tpu.memory_space<hbm>>
      %dma_start3A_545 = tpu.memref_slice %arg4[%add3A_278] : memref<1600000xi32, #tpu.memory_space<hbm>> -> memref<2000xi32, #tpu.memory_space<hbm>>
      tpu.enqueue_dma source(%dma_start3A_545 : memref<2000xi32, #tpu.memory_space<hbm>>) target(%arg11 : memref<2000xi32, #tpu.memory_space<vmem>>) target_semaphore(%run_scoped3A : memref<!tpu.dma_semaphore, #tpu.memory_space<semaphore_mem>>)
      %dma_wait3A_546 = tpu.memref_slice %arg4[%add3A_278] : memref<1600000xi32, #tpu.memory_space<hbm>> -> memref<2000xi32, #tpu.memory_space<hbm>>
      %dma_wait3A_547 = tpu.memref_slice %arg4[%add3A_278] : memref<1600000xi32, #tpu.memory_space<hbm>> -> memref<2000xi32, #tpu.memory_space<hbm>>
      tpu.wait_dma2 semaphore(%run_scoped3A : memref<!tpu.dma_semaphore, #tpu.memory_space<semaphore_mem>>) src(%dma_wait3A_547 : memref<2000xi32, #tpu.memory_space<hbm>>) dst(%arg11 : memref<2000xi32, #tpu.memory_space<vmem>>)
      tpu.yield
    }) : () -> ()
    %dma_start3A_279 = arith.constant 0 : i32
    %dma_start3A_280 = tpu.memref_slice %arg2[%dma_start3A_279] : memref<200000xf32, #tpu.memory_space<hbm>> -> memref<200000xf32, #tpu.memory_space<hbm>>
    tpu.enqueue_indirect_dma source(%dma_start3A_280 : memref<200000xf32, #tpu.memory_space<hbm>>) target(%arg13 : memref<2000xf32, #tpu.memory_space<vmem>>) offsets(%arg7 : memref<2000xi32, #tpu.memory_space<vmem>>) semaphore(%arg26 : memref<!tpu.dma_semaphore, #tpu.memory_space<semaphore_mem>>)
    %dma_wait3A_281 = arith.constant 0 : i32
    %dma_wait3A_282 = tpu.memref_slice %arg2[%dma_wait3A_281] : memref<200000xf32, #tpu.memory_space<hbm>> -> memref<200000xf32, #tpu.memory_space<hbm>>
    tpu.wait_indirect_dma semaphore(%arg27 : memref<!tpu.dma_semaphore, #tpu.memory_space<semaphore_mem>>) src(%dma_wait3A_282 : memref<200000xf32, #tpu.memory_space<hbm>>) dst(%arg14 : memref<2000xf32, #tpu.memory_space<vmem>>)
    %scan3A_283 = arith.constant 0 : i32
    %scan3A_284 = arith.constant 0 : i32
    %scan3A_285 = arith.constant 125 : i32
    %scan3A_286 = arith.addi %scan3A_284, %scan3A_285 : i32
    %scan3A_287 = arith.constant 1 : i32
    %scan3A_288 = scf.for %scan3A_544 = %scan3A_284 to %scan3A_286 step %scan3A_287 iter_args(%scan3A_545 = %scan3A_283) -> (i32)  : i32 {
      %mul3A_546 = arith.constant 16 : i32
      %mul3A_547 = arith.muli %scan3A_544, %mul3A_546 : i32
      %get3A = arith.index_cast %mul3A_547 : i32 to index
      %get3A_548 = tpu.vector_load %arg14[%get3A] {strides = array<i32>} : memref<2000xf32, #tpu.memory_space<vmem>>, vector<16xf32>,
      %get3A_549 = vector.shape_cast %get3A_548 : vector<16xf32> to vector<16xf32>
      %abs3A = math.absf %get3A_549 : vector<16xf32>
      %neg3A = arith.constant 0.000000e+00 : f32
      %neg3A_550 = vector.broadcast %neg3A : f32 to vector<16xf32>
      %neg3A_551 = arith.subf %neg3A_550, %abs3A : vector<16xf32>
      %mul3A_552 = arith.constant 16 : i32
      %mul3A_553 = arith.muli %scan3A_544, %mul3A_552 : i32
      %swap3A = arith.index_cast %mul3A_553 : i32 to index
      %swap3A_554 = tpu.vector_load %arg16[%swap3A] {strides = array<i32>} : memref<2000xf32, #tpu.memory_space<vmem>>, vector<16xf32>,
      %swap3A_555 = vector.shape_cast %swap3A_554 : vector<16xf32> to vector<16xf32>
      %swap3A_556 = vector.shape_cast %neg3A_551 : vector<16xf32> to vector<16xf32>
      tpu.vector_store %arg16[%swap3A], %swap3A_556 {strides = array<i32>} : memref<2000xf32, #tpu.memory_space<vmem>>, vector<16xf32>,
      %lt3A_557 = arith.constant 0.000000e+00 : f32
      %lt3A_558 = vector.broadcast %lt3A_557 : f32 to vector<16xf32>
      %lt3A_559 = arith.cmpf olt, %get3A_549, %lt3A_558 : vector<16xf32>
      %jit3A = arith.constant 1.000000e+00 : f32
      %jit3A_560 = arith.constant 0.000000e+00 : f32
      %broadcast_in_dim3A = vector.broadcast %jit3A : f32 to vector<16xf32>
      %broadcast_in_dim3A_561 = vector.broadcast %jit3A_560 : f32 to vector<16xf32>
      %select_n3A = arith.select %lt3A_559, %broadcast_in_dim3A, %broadcast_in_dim3A_561 : vector<16xi1>, vector<16xf32>
      %mul3A_562 = arith.constant 16 : i32
      %mul3A_563 = arith.muli %scan3A_544, %mul3A_562 : i32
      %swap3A_564 = arith.index_cast %mul3A_563 : i32 to index
      %swap3A_565 = tpu.vector_load %arg20[%swap3A_564] {strides = array<i32>} : memref<2000xf32, #tpu.memory_space<vmem>>, vector<16xf32>,
      %swap3A_566 = vector.shape_cast %swap3A_565 : vector<16xf32> to vector<16xf32>
      %swap3A_567 = vector.shape_cast %select_n3A : vector<16xf32> to vector<16xf32>
      tpu.vector_store %arg20[%swap3A_564], %swap3A_567 {strides = array<i32>} : memref<2000xf32, #tpu.memory_space<vmem>>, vector<16xf32>,
      %scan3A_568 = arith.constant 0 : i32
      scf.yield %scan3A_568 : i32
    }
    %scan3A_289 = arith.constant 125 : i32
    %dma_start3A_290 = arith.constant 0 : i32
    %dma_start3A_291 = tpu.memref_slice %arg24[%dma_start3A_290] : memref<100000xf32, #tpu.memory_space<vmem_shared>> -> memref<100000xf32, #tpu.memory_space<vmem_shared>>
    tpu.enqueue_indirect_dma source(%arg16 : memref<2000xf32, #tpu.memory_space<vmem>>) target(%dma_start3A_291 : memref<100000xf32, #tpu.memory_space<vmem_shared>>) offsets(%arg10 : memref<2000xi32, #tpu.memory_space<vmem>>) semaphore(%arg29 : memref<!tpu.dma_semaphore, #tpu.memory_space<semaphore_mem>>) {add = true}
    %dma_start3A_292 = arith.constant 0 : i32
    %dma_start3A_293 = tpu.memref_slice %arg25[%dma_start3A_292] : memref<100000xf32, #tpu.memory_space<vmem_shared>> -> memref<100000xf32, #tpu.memory_space<vmem_shared>>
    tpu.enqueue_indirect_dma source(%arg20 : memref<2000xf32, #tpu.memory_space<vmem>>) target(%dma_start3A_293 : memref<100000xf32, #tpu.memory_space<vmem_shared>>) offsets(%arg10 : memref<2000xi32, #tpu.memory_space<vmem>>) semaphore(%arg29 : memref<!tpu.dma_semaphore, #tpu.memory_space<semaphore_mem>>) {add = true}
    %dma_wait3A_294 = arith.constant 0 : i32
    %dma_wait3A_295 = tpu.memref_slice %arg24[%dma_wait3A_294] : memref<100000xf32, #tpu.memory_space<vmem_shared>> -> memref<100000xf32, #tpu.memory_space<vmem_shared>>
    tpu.wait_indirect_dma semaphore(%arg31 : memref<!tpu.dma_semaphore, #tpu.memory_space<semaphore_mem>>) src(%arg18 : memref<2000xf32, #tpu.memory_space<vmem>>) dst(%dma_wait3A_295 : memref<100000xf32, #tpu.memory_space<vmem_shared>>)
    %dma_wait3A_296 = arith.constant 0 : i32
    %dma_wait3A_297 = tpu.memref_slice %arg25[%dma_wait3A_296] : memref<100000xf32, #tpu.memory_space<vmem_shared>> -> memref<100000xf32, #tpu.memory_space<vmem_shared>>
    tpu.wait_indirect_dma semaphore(%arg31 : memref<!tpu.dma_semaphore, #tpu.memory_space<semaphore_mem>>) src(%arg22 : memref<2000xf32, #tpu.memory_space<vmem>>) dst(%dma_wait3A_297 : memref<100000xf32, #tpu.memory_space<vmem_shared>>)
    %add3A_298 = arith.constant 30000 : i32
    %add3A_299 = arith.addi %add3A, %add3A_298 : i32
    "tpu.region"() ({
      %run_scoped3A = tpu.sem_alloc : memref<!tpu.dma_semaphore, #tpu.memory_space<semaphore_mem>>
      %dma_start3A_544 = tpu.memref_slice %arg3[%add3A_299] : memref<1600000xi32, #tpu.memory_space<hbm>> -> memref<2000xi32, #tpu.memory_space<hbm>>
      %dma_start3A_545 = tpu.memref_slice %arg3[%add3A_299] : memref<1600000xi32, #tpu.memory_space<hbm>> -> memref<2000xi32, #tpu.memory_space<hbm>>
      tpu.enqueue_dma source(%dma_start3A_545 : memref<2000xi32, #tpu.memory_space<hbm>>) target(%arg8 : memref<2000xi32, #tpu.memory_space<vmem>>) target_semaphore(%run_scoped3A : memref<!tpu.dma_semaphore, #tpu.memory_space<semaphore_mem>>)
      %dma_wait3A_546 = tpu.memref_slice %arg3[%add3A_299] : memref<1600000xi32, #tpu.memory_space<hbm>> -> memref<2000xi32, #tpu.memory_space<hbm>>
      %dma_wait3A_547 = tpu.memref_slice %arg3[%add3A_299] : memref<1600000xi32, #tpu.memory_space<hbm>> -> memref<2000xi32, #tpu.memory_space<hbm>>
      tpu.wait_dma2 semaphore(%run_scoped3A : memref<!tpu.dma_semaphore, #tpu.memory_space<semaphore_mem>>) src(%dma_wait3A_547 : memref<2000xi32, #tpu.memory_space<hbm>>) dst(%arg8 : memref<2000xi32, #tpu.memory_space<vmem>>)
      tpu.yield
    }) : () -> ()
    "tpu.region"() ({
      %run_scoped3A = tpu.sem_alloc : memref<!tpu.dma_semaphore, #tpu.memory_space<semaphore_mem>>
      %dma_start3A_544 = tpu.memref_slice %arg4[%add3A_299] : memref<1600000xi32, #tpu.memory_space<hbm>> -> memref<2000xi32, #tpu.memory_space<hbm>>
      %dma_start3A_545 = tpu.memref_slice %arg4[%add3A_299] : memref<1600000xi32, #tpu.memory_space<hbm>> -> memref<2000xi32, #tpu.memory_space<hbm>>
      tpu.enqueue_dma source(%dma_start3A_545 : memref<2000xi32, #tpu.memory_space<hbm>>) target(%arg12 : memref<2000xi32, #tpu.memory_space<vmem>>) target_semaphore(%run_scoped3A : memref<!tpu.dma_semaphore, #tpu.memory_space<semaphore_mem>>)
      %dma_wait3A_546 = tpu.memref_slice %arg4[%add3A_299] : memref<1600000xi32, #tpu.memory_space<hbm>> -> memref<2000xi32, #tpu.memory_space<hbm>>
      %dma_wait3A_547 = tpu.memref_slice %arg4[%add3A_299] : memref<1600000xi32, #tpu.memory_space<hbm>> -> memref<2000xi32, #tpu.memory_space<hbm>>
      tpu.wait_dma2 semaphore(%run_scoped3A : memref<!tpu.dma_semaphore, #tpu.memory_space<semaphore_mem>>) src(%dma_wait3A_547 : memref<2000xi32, #tpu.memory_space<hbm>>) dst(%arg12 : memref<2000xi32, #tpu.memory_space<vmem>>)
      tpu.yield
    }) : () -> ()
    %dma_start3A_300 = arith.constant 0 : i32
    %dma_start3A_301 = tpu.memref_slice %arg2[%dma_start3A_300] : memref<200000xf32, #tpu.memory_space<hbm>> -> memref<200000xf32, #tpu.memory_space<hbm>>
    tpu.enqueue_indirect_dma source(%dma_start3A_301 : memref<200000xf32, #tpu.memory_space<hbm>>) target(%arg14 : memref<2000xf32, #tpu.memory_space<vmem>>) offsets(%arg8 : memref<2000xi32, #tpu.memory_space<vmem>>) semaphore(%arg27 : memref<!tpu.dma_semaphore, #tpu.memory_space<semaphore_mem>>)
    %dma_wait3A_302 = arith.constant 0 : i32
    %dma_wait3A_303 = tpu.memref_slice %arg2[%dma_wait3A_302] : memref<200000xf32, #tpu.memory_space<hbm>> -> memref<200000xf32, #tpu.memory_space<hbm>>
    tpu.wait_indirect_dma semaphore(%arg26 : memref<!tpu.dma_semaphore, #tpu.memory_space<semaphore_mem>>) src(%dma_wait3A_303 : memref<200000xf32, #tpu.memory_space<hbm>>) dst(%arg13 : memref<2000xf32, #tpu.memory_space<vmem>>)
    %scan3A_304 = arith.constant 0 : i32
    %scan3A_305 = arith.constant 0 : i32
    %scan3A_306 = arith.constant 125 : i32
    %scan3A_307 = arith.addi %scan3A_305, %scan3A_306 : i32
    %scan3A_308 = arith.constant 1 : i32
    %scan3A_309 = scf.for %scan3A_544 = %scan3A_305 to %scan3A_307 step %scan3A_308 iter_args(%scan3A_545 = %scan3A_304) -> (i32)  : i32 {
      %mul3A_546 = arith.constant 16 : i32
      %mul3A_547 = arith.muli %scan3A_544, %mul3A_546 : i32
      %get3A = arith.index_cast %mul3A_547 : i32 to index
      %get3A_548 = tpu.vector_load %arg13[%get3A] {strides = array<i32>} : memref<2000xf32, #tpu.memory_space<vmem>>, vector<16xf32>,
      %get3A_549 = vector.shape_cast %get3A_548 : vector<16xf32> to vector<16xf32>
      %abs3A = math.absf %get3A_549 : vector<16xf32>
      %neg3A = arith.constant 0.000000e+00 : f32
      %neg3A_550 = vector.broadcast %neg3A : f32 to vector<16xf32>
      %neg3A_551 = arith.subf %neg3A_550, %abs3A : vector<16xf32>
      %mul3A_552 = arith.constant 16 : i32
      %mul3A_553 = arith.muli %scan3A_544, %mul3A_552 : i32
      %swap3A = arith.index_cast %mul3A_553 : i32 to index
      %swap3A_554 = tpu.vector_load %arg17[%swap3A] {strides = array<i32>} : memref<2000xf32, #tpu.memory_space<vmem>>, vector<16xf32>,
      %swap3A_555 = vector.shape_cast %swap3A_554 : vector<16xf32> to vector<16xf32>
      %swap3A_556 = vector.shape_cast %neg3A_551 : vector<16xf32> to vector<16xf32>
      tpu.vector_store %arg17[%swap3A], %swap3A_556 {strides = array<i32>} : memref<2000xf32, #tpu.memory_space<vmem>>, vector<16xf32>,
      %lt3A_557 = arith.constant 0.000000e+00 : f32
      %lt3A_558 = vector.broadcast %lt3A_557 : f32 to vector<16xf32>
      %lt3A_559 = arith.cmpf olt, %get3A_549, %lt3A_558 : vector<16xf32>
      %jit3A = arith.constant 1.000000e+00 : f32
      %jit3A_560 = arith.constant 0.000000e+00 : f32
      %broadcast_in_dim3A = vector.broadcast %jit3A : f32 to vector<16xf32>
      %broadcast_in_dim3A_561 = vector.broadcast %jit3A_560 : f32 to vector<16xf32>
      %select_n3A = arith.select %lt3A_559, %broadcast_in_dim3A, %broadcast_in_dim3A_561 : vector<16xi1>, vector<16xf32>
      %mul3A_562 = arith.constant 16 : i32
      %mul3A_563 = arith.muli %scan3A_544, %mul3A_562 : i32
      %swap3A_564 = arith.index_cast %mul3A_563 : i32 to index
      %swap3A_565 = tpu.vector_load %arg21[%swap3A_564] {strides = array<i32>} : memref<2000xf32, #tpu.memory_space<vmem>>, vector<16xf32>,
      %swap3A_566 = vector.shape_cast %swap3A_565 : vector<16xf32> to vector<16xf32>
      %swap3A_567 = vector.shape_cast %select_n3A : vector<16xf32> to vector<16xf32>
      tpu.vector_store %arg21[%swap3A_564], %swap3A_567 {strides = array<i32>} : memref<2000xf32, #tpu.memory_space<vmem>>, vector<16xf32>,
      %scan3A_568 = arith.constant 0 : i32
      scf.yield %scan3A_568 : i32
    }
    %scan3A_310 = arith.constant 125 : i32
    %dma_start3A_311 = arith.constant 0 : i32
    %dma_start3A_312 = tpu.memref_slice %arg24[%dma_start3A_311] : memref<100000xf32, #tpu.memory_space<vmem_shared>> -> memref<100000xf32, #tpu.memory_space<vmem_shared>>
    tpu.enqueue_indirect_dma source(%arg17 : memref<2000xf32, #tpu.memory_space<vmem>>) target(%dma_start3A_312 : memref<100000xf32, #tpu.memory_space<vmem_shared>>) offsets(%arg11 : memref<2000xi32, #tpu.memory_space<vmem>>) semaphore(%arg30 : memref<!tpu.dma_semaphore, #tpu.memory_space<semaphore_mem>>) {add = true}
    %dma_start3A_313 = arith.constant 0 : i32
    %dma_start3A_314 = tpu.memref_slice %arg25[%dma_start3A_313] : memref<100000xf32, #tpu.memory_space<vmem_shared>> -> memref<100000xf32, #tpu.memory_space<vmem_shared>>
    tpu.enqueue_indirect_dma source(%arg21 : memref<2000xf32, #tpu.memory_space<vmem>>) target(%dma_start3A_314 : memref<100000xf32, #tpu.memory_space<vmem_shared>>) offsets(%arg11 : memref<2000xi32, #tpu.memory_space<vmem>>) semaphore(%arg30 : memref<!tpu.dma_semaphore, #tpu.memory_space<semaphore_mem>>) {add = true}
    %dma_wait3A_315 = arith.constant 0 : i32
    %dma_wait3A_316 = tpu.memref_slice %arg24[%dma_wait3A_315] : memref<100000xf32, #tpu.memory_space<vmem_shared>> -> memref<100000xf32, #tpu.memory_space<vmem_shared>>
    tpu.wait_indirect_dma semaphore(%arg28 : memref<!tpu.dma_semaphore, #tpu.memory_space<semaphore_mem>>) src(%arg15 : memref<2000xf32, #tpu.memory_space<vmem>>) dst(%dma_wait3A_316 : memref<100000xf32, #tpu.memory_space<vmem_shared>>)
    %dma_wait3A_317 = arith.constant 0 : i32
    %dma_wait3A_318 = tpu.memref_slice %arg25[%dma_wait3A_317] : memref<100000xf32, #tpu.memory_space<vmem_shared>> -> memref<100000xf32, #tpu.memory_space<vmem_shared>>
    tpu.wait_indirect_dma semaphore(%arg28 : memref<!tpu.dma_semaphore, #tpu.memory_space<semaphore_mem>>) src(%arg19 : memref<2000xf32, #tpu.memory_space<vmem>>) dst(%dma_wait3A_318 : memref<100000xf32, #tpu.memory_space<vmem_shared>>)
    %add3A_319 = arith.constant 32000 : i32
    %add3A_320 = arith.addi %add3A, %add3A_319 : i32
    "tpu.region"() ({
      %run_scoped3A = tpu.sem_alloc : memref<!tpu.dma_semaphore, #tpu.memory_space<semaphore_mem>>
      %dma_start3A_544 = tpu.memref_slice %arg3[%add3A_320] : memref<1600000xi32, #tpu.memory_space<hbm>> -> memref<2000xi32, #tpu.memory_space<hbm>>
      %dma_start3A_545 = tpu.memref_slice %arg3[%add3A_320] : memref<1600000xi32, #tpu.memory_space<hbm>> -> memref<2000xi32, #tpu.memory_space<hbm>>
      tpu.enqueue_dma source(%dma_start3A_545 : memref<2000xi32, #tpu.memory_space<hbm>>) target(%arg7 : memref<2000xi32, #tpu.memory_space<vmem>>) target_semaphore(%run_scoped3A : memref<!tpu.dma_semaphore, #tpu.memory_space<semaphore_mem>>)
      %dma_wait3A_546 = tpu.memref_slice %arg3[%add3A_320] : memref<1600000xi32, #tpu.memory_space<hbm>> -> memref<2000xi32, #tpu.memory_space<hbm>>
      %dma_wait3A_547 = tpu.memref_slice %arg3[%add3A_320] : memref<1600000xi32, #tpu.memory_space<hbm>> -> memref<2000xi32, #tpu.memory_space<hbm>>
      tpu.wait_dma2 semaphore(%run_scoped3A : memref<!tpu.dma_semaphore, #tpu.memory_space<semaphore_mem>>) src(%dma_wait3A_547 : memref<2000xi32, #tpu.memory_space<hbm>>) dst(%arg7 : memref<2000xi32, #tpu.memory_space<vmem>>)
      tpu.yield
    }) : () -> ()
    "tpu.region"() ({
      %run_scoped3A = tpu.sem_alloc : memref<!tpu.dma_semaphore, #tpu.memory_space<semaphore_mem>>
      %dma_start3A_544 = tpu.memref_slice %arg4[%add3A_320] : memref<1600000xi32, #tpu.memory_space<hbm>> -> memref<2000xi32, #tpu.memory_space<hbm>>
      %dma_start3A_545 = tpu.memref_slice %arg4[%add3A_320] : memref<1600000xi32, #tpu.memory_space<hbm>> -> memref<2000xi32, #tpu.memory_space<hbm>>
      tpu.enqueue_dma source(%dma_start3A_545 : memref<2000xi32, #tpu.memory_space<hbm>>) target(%arg9 : memref<2000xi32, #tpu.memory_space<vmem>>) target_semaphore(%run_scoped3A : memref<!tpu.dma_semaphore, #tpu.memory_space<semaphore_mem>>)
      %dma_wait3A_546 = tpu.memref_slice %arg4[%add3A_320] : memref<1600000xi32, #tpu.memory_space<hbm>> -> memref<2000xi32, #tpu.memory_space<hbm>>
      %dma_wait3A_547 = tpu.memref_slice %arg4[%add3A_320] : memref<1600000xi32, #tpu.memory_space<hbm>> -> memref<2000xi32, #tpu.memory_space<hbm>>
      tpu.wait_dma2 semaphore(%run_scoped3A : memref<!tpu.dma_semaphore, #tpu.memory_space<semaphore_mem>>) src(%dma_wait3A_547 : memref<2000xi32, #tpu.memory_space<hbm>>) dst(%arg9 : memref<2000xi32, #tpu.memory_space<vmem>>)
      tpu.yield
    }) : () -> ()
    %dma_start3A_321 = arith.constant 0 : i32
    %dma_start3A_322 = tpu.memref_slice %arg2[%dma_start3A_321] : memref<200000xf32, #tpu.memory_space<hbm>> -> memref<200000xf32, #tpu.memory_space<hbm>>
    tpu.enqueue_indirect_dma source(%dma_start3A_322 : memref<200000xf32, #tpu.memory_space<hbm>>) target(%arg13 : memref<2000xf32, #tpu.memory_space<vmem>>) offsets(%arg7 : memref<2000xi32, #tpu.memory_space<vmem>>) semaphore(%arg26 : memref<!tpu.dma_semaphore, #tpu.memory_space<semaphore_mem>>)
    %dma_wait3A_323 = arith.constant 0 : i32
    %dma_wait3A_324 = tpu.memref_slice %arg2[%dma_wait3A_323] : memref<200000xf32, #tpu.memory_space<hbm>> -> memref<200000xf32, #tpu.memory_space<hbm>>
    tpu.wait_indirect_dma semaphore(%arg27 : memref<!tpu.dma_semaphore, #tpu.memory_space<semaphore_mem>>) src(%dma_wait3A_324 : memref<200000xf32, #tpu.memory_space<hbm>>) dst(%arg14 : memref<2000xf32, #tpu.memory_space<vmem>>)
    %scan3A_325 = arith.constant 0 : i32
    %scan3A_326 = arith.constant 0 : i32
    %scan3A_327 = arith.constant 125 : i32
    %scan3A_328 = arith.addi %scan3A_326, %scan3A_327 : i32
    %scan3A_329 = arith.constant 1 : i32
    %scan3A_330 = scf.for %scan3A_544 = %scan3A_326 to %scan3A_328 step %scan3A_329 iter_args(%scan3A_545 = %scan3A_325) -> (i32)  : i32 {
      %mul3A_546 = arith.constant 16 : i32
      %mul3A_547 = arith.muli %scan3A_544, %mul3A_546 : i32
      %get3A = arith.index_cast %mul3A_547 : i32 to index
      %get3A_548 = tpu.vector_load %arg14[%get3A] {strides = array<i32>} : memref<2000xf32, #tpu.memory_space<vmem>>, vector<16xf32>,
      %get3A_549 = vector.shape_cast %get3A_548 : vector<16xf32> to vector<16xf32>
      %abs3A = math.absf %get3A_549 : vector<16xf32>
      %neg3A = arith.constant 0.000000e+00 : f32
      %neg3A_550 = vector.broadcast %neg3A : f32 to vector<16xf32>
      %neg3A_551 = arith.subf %neg3A_550, %abs3A : vector<16xf32>
      %mul3A_552 = arith.constant 16 : i32
      %mul3A_553 = arith.muli %scan3A_544, %mul3A_552 : i32
      %swap3A = arith.index_cast %mul3A_553 : i32 to index
      %swap3A_554 = tpu.vector_load %arg18[%swap3A] {strides = array<i32>} : memref<2000xf32, #tpu.memory_space<vmem>>, vector<16xf32>,
      %swap3A_555 = vector.shape_cast %swap3A_554 : vector<16xf32> to vector<16xf32>
      %swap3A_556 = vector.shape_cast %neg3A_551 : vector<16xf32> to vector<16xf32>
      tpu.vector_store %arg18[%swap3A], %swap3A_556 {strides = array<i32>} : memref<2000xf32, #tpu.memory_space<vmem>>, vector<16xf32>,
      %lt3A_557 = arith.constant 0.000000e+00 : f32
      %lt3A_558 = vector.broadcast %lt3A_557 : f32 to vector<16xf32>
      %lt3A_559 = arith.cmpf olt, %get3A_549, %lt3A_558 : vector<16xf32>
      %jit3A = arith.constant 1.000000e+00 : f32
      %jit3A_560 = arith.constant 0.000000e+00 : f32
      %broadcast_in_dim3A = vector.broadcast %jit3A : f32 to vector<16xf32>
      %broadcast_in_dim3A_561 = vector.broadcast %jit3A_560 : f32 to vector<16xf32>
      %select_n3A = arith.select %lt3A_559, %broadcast_in_dim3A, %broadcast_in_dim3A_561 : vector<16xi1>, vector<16xf32>
      %mul3A_562 = arith.constant 16 : i32
      %mul3A_563 = arith.muli %scan3A_544, %mul3A_562 : i32
      %swap3A_564 = arith.index_cast %mul3A_563 : i32 to index
      %swap3A_565 = tpu.vector_load %arg22[%swap3A_564] {strides = array<i32>} : memref<2000xf32, #tpu.memory_space<vmem>>, vector<16xf32>,
      %swap3A_566 = vector.shape_cast %swap3A_565 : vector<16xf32> to vector<16xf32>
      %swap3A_567 = vector.shape_cast %select_n3A : vector<16xf32> to vector<16xf32>
      tpu.vector_store %arg22[%swap3A_564], %swap3A_567 {strides = array<i32>} : memref<2000xf32, #tpu.memory_space<vmem>>, vector<16xf32>,
      %scan3A_568 = arith.constant 0 : i32
      scf.yield %scan3A_568 : i32
    }
    %scan3A_331 = arith.constant 125 : i32
    %dma_start3A_332 = arith.constant 0 : i32
    %dma_start3A_333 = tpu.memref_slice %arg24[%dma_start3A_332] : memref<100000xf32, #tpu.memory_space<vmem_shared>> -> memref<100000xf32, #tpu.memory_space<vmem_shared>>
    tpu.enqueue_indirect_dma source(%arg18 : memref<2000xf32, #tpu.memory_space<vmem>>) target(%dma_start3A_333 : memref<100000xf32, #tpu.memory_space<vmem_shared>>) offsets(%arg12 : memref<2000xi32, #tpu.memory_space<vmem>>) semaphore(%arg31 : memref<!tpu.dma_semaphore, #tpu.memory_space<semaphore_mem>>) {add = true}
    %dma_start3A_334 = arith.constant 0 : i32
    %dma_start3A_335 = tpu.memref_slice %arg25[%dma_start3A_334] : memref<100000xf32, #tpu.memory_space<vmem_shared>> -> memref<100000xf32, #tpu.memory_space<vmem_shared>>
    tpu.enqueue_indirect_dma source(%arg22 : memref<2000xf32, #tpu.memory_space<vmem>>) target(%dma_start3A_335 : memref<100000xf32, #tpu.memory_space<vmem_shared>>) offsets(%arg12 : memref<2000xi32, #tpu.memory_space<vmem>>) semaphore(%arg31 : memref<!tpu.dma_semaphore, #tpu.memory_space<semaphore_mem>>) {add = true}
    %dma_wait3A_336 = arith.constant 0 : i32
    %dma_wait3A_337 = tpu.memref_slice %arg24[%dma_wait3A_336] : memref<100000xf32, #tpu.memory_space<vmem_shared>> -> memref<100000xf32, #tpu.memory_space<vmem_shared>>
    tpu.wait_indirect_dma semaphore(%arg29 : memref<!tpu.dma_semaphore, #tpu.memory_space<semaphore_mem>>) src(%arg16 : memref<2000xf32, #tpu.memory_space<vmem>>) dst(%dma_wait3A_337 : memref<100000xf32, #tpu.memory_space<vmem_shared>>)
    %dma_wait3A_338 = arith.constant 0 : i32
    %dma_wait3A_339 = tpu.memref_slice %arg25[%dma_wait3A_338] : memref<100000xf32, #tpu.memory_space<vmem_shared>> -> memref<100000xf32, #tpu.memory_space<vmem_shared>>
    tpu.wait_indirect_dma semaphore(%arg29 : memref<!tpu.dma_semaphore, #tpu.memory_space<semaphore_mem>>) src(%arg20 : memref<2000xf32, #tpu.memory_space<vmem>>) dst(%dma_wait3A_339 : memref<100000xf32, #tpu.memory_space<vmem_shared>>)
    %add3A_340 = arith.constant 34000 : i32
    %add3A_341 = arith.addi %add3A, %add3A_340 : i32
    "tpu.region"() ({
      %run_scoped3A = tpu.sem_alloc : memref<!tpu.dma_semaphore, #tpu.memory_space<semaphore_mem>>
      %dma_start3A_544 = tpu.memref_slice %arg3[%add3A_341] : memref<1600000xi32, #tpu.memory_space<hbm>> -> memref<2000xi32, #tpu.memory_space<hbm>>
      %dma_start3A_545 = tpu.memref_slice %arg3[%add3A_341] : memref<1600000xi32, #tpu.memory_space<hbm>> -> memref<2000xi32, #tpu.memory_space<hbm>>
      tpu.enqueue_dma source(%dma_start3A_545 : memref<2000xi32, #tpu.memory_space<hbm>>) target(%arg8 : memref<2000xi32, #tpu.memory_space<vmem>>) target_semaphore(%run_scoped3A : memref<!tpu.dma_semaphore, #tpu.memory_space<semaphore_mem>>)
      %dma_wait3A_546 = tpu.memref_slice %arg3[%add3A_341] : memref<1600000xi32, #tpu.memory_space<hbm>> -> memref<2000xi32, #tpu.memory_space<hbm>>
      %dma_wait3A_547 = tpu.memref_slice %arg3[%add3A_341] : memref<1600000xi32, #tpu.memory_space<hbm>> -> memref<2000xi32, #tpu.memory_space<hbm>>
      tpu.wait_dma2 semaphore(%run_scoped3A : memref<!tpu.dma_semaphore, #tpu.memory_space<semaphore_mem>>) src(%dma_wait3A_547 : memref<2000xi32, #tpu.memory_space<hbm>>) dst(%arg8 : memref<2000xi32, #tpu.memory_space<vmem>>)
      tpu.yield
    }) : () -> ()
    "tpu.region"() ({
      %run_scoped3A = tpu.sem_alloc : memref<!tpu.dma_semaphore, #tpu.memory_space<semaphore_mem>>
      %dma_start3A_544 = tpu.memref_slice %arg4[%add3A_341] : memref<1600000xi32, #tpu.memory_space<hbm>> -> memref<2000xi32, #tpu.memory_space<hbm>>
      %dma_start3A_545 = tpu.memref_slice %arg4[%add3A_341] : memref<1600000xi32, #tpu.memory_space<hbm>> -> memref<2000xi32, #tpu.memory_space<hbm>>
      tpu.enqueue_dma source(%dma_start3A_545 : memref<2000xi32, #tpu.memory_space<hbm>>) target(%arg10 : memref<2000xi32, #tpu.memory_space<vmem>>) target_semaphore(%run_scoped3A : memref<!tpu.dma_semaphore, #tpu.memory_space<semaphore_mem>>)
      %dma_wait3A_546 = tpu.memref_slice %arg4[%add3A_341] : memref<1600000xi32, #tpu.memory_space<hbm>> -> memref<2000xi32, #tpu.memory_space<hbm>>
      %dma_wait3A_547 = tpu.memref_slice %arg4[%add3A_341] : memref<1600000xi32, #tpu.memory_space<hbm>> -> memref<2000xi32, #tpu.memory_space<hbm>>
      tpu.wait_dma2 semaphore(%run_scoped3A : memref<!tpu.dma_semaphore, #tpu.memory_space<semaphore_mem>>) src(%dma_wait3A_547 : memref<2000xi32, #tpu.memory_space<hbm>>) dst(%arg10 : memref<2000xi32, #tpu.memory_space<vmem>>)
      tpu.yield
    }) : () -> ()
    %dma_start3A_342 = arith.constant 0 : i32
    %dma_start3A_343 = tpu.memref_slice %arg2[%dma_start3A_342] : memref<200000xf32, #tpu.memory_space<hbm>> -> memref<200000xf32, #tpu.memory_space<hbm>>
    tpu.enqueue_indirect_dma source(%dma_start3A_343 : memref<200000xf32, #tpu.memory_space<hbm>>) target(%arg14 : memref<2000xf32, #tpu.memory_space<vmem>>) offsets(%arg8 : memref<2000xi32, #tpu.memory_space<vmem>>) semaphore(%arg27 : memref<!tpu.dma_semaphore, #tpu.memory_space<semaphore_mem>>)
    %dma_wait3A_344 = arith.constant 0 : i32
    %dma_wait3A_345 = tpu.memref_slice %arg2[%dma_wait3A_344] : memref<200000xf32, #tpu.memory_space<hbm>> -> memref<200000xf32, #tpu.memory_space<hbm>>
    tpu.wait_indirect_dma semaphore(%arg26 : memref<!tpu.dma_semaphore, #tpu.memory_space<semaphore_mem>>) src(%dma_wait3A_345 : memref<200000xf32, #tpu.memory_space<hbm>>) dst(%arg13 : memref<2000xf32, #tpu.memory_space<vmem>>)
    %scan3A_346 = arith.constant 0 : i32
    %scan3A_347 = arith.constant 0 : i32
    %scan3A_348 = arith.constant 125 : i32
    %scan3A_349 = arith.addi %scan3A_347, %scan3A_348 : i32
    %scan3A_350 = arith.constant 1 : i32
    %scan3A_351 = scf.for %scan3A_544 = %scan3A_347 to %scan3A_349 step %scan3A_350 iter_args(%scan3A_545 = %scan3A_346) -> (i32)  : i32 {
      %mul3A_546 = arith.constant 16 : i32
      %mul3A_547 = arith.muli %scan3A_544, %mul3A_546 : i32
      %get3A = arith.index_cast %mul3A_547 : i32 to index
      %get3A_548 = tpu.vector_load %arg13[%get3A] {strides = array<i32>} : memref<2000xf32, #tpu.memory_space<vmem>>, vector<16xf32>,
      %get3A_549 = vector.shape_cast %get3A_548 : vector<16xf32> to vector<16xf32>
      %abs3A = math.absf %get3A_549 : vector<16xf32>
      %neg3A = arith.constant 0.000000e+00 : f32
      %neg3A_550 = vector.broadcast %neg3A : f32 to vector<16xf32>
      %neg3A_551 = arith.subf %neg3A_550, %abs3A : vector<16xf32>
      %mul3A_552 = arith.constant 16 : i32
      %mul3A_553 = arith.muli %scan3A_544, %mul3A_552 : i32
      %swap3A = arith.index_cast %mul3A_553 : i32 to index
      %swap3A_554 = tpu.vector_load %arg15[%swap3A] {strides = array<i32>} : memref<2000xf32, #tpu.memory_space<vmem>>, vector<16xf32>,
      %swap3A_555 = vector.shape_cast %swap3A_554 : vector<16xf32> to vector<16xf32>
      %swap3A_556 = vector.shape_cast %neg3A_551 : vector<16xf32> to vector<16xf32>
      tpu.vector_store %arg15[%swap3A], %swap3A_556 {strides = array<i32>} : memref<2000xf32, #tpu.memory_space<vmem>>, vector<16xf32>,
      %lt3A_557 = arith.constant 0.000000e+00 : f32
      %lt3A_558 = vector.broadcast %lt3A_557 : f32 to vector<16xf32>
      %lt3A_559 = arith.cmpf olt, %get3A_549, %lt3A_558 : vector<16xf32>
      %jit3A = arith.constant 1.000000e+00 : f32
      %jit3A_560 = arith.constant 0.000000e+00 : f32
      %broadcast_in_dim3A = vector.broadcast %jit3A : f32 to vector<16xf32>
      %broadcast_in_dim3A_561 = vector.broadcast %jit3A_560 : f32 to vector<16xf32>
      %select_n3A = arith.select %lt3A_559, %broadcast_in_dim3A, %broadcast_in_dim3A_561 : vector<16xi1>, vector<16xf32>
      %mul3A_562 = arith.constant 16 : i32
      %mul3A_563 = arith.muli %scan3A_544, %mul3A_562 : i32
      %swap3A_564 = arith.index_cast %mul3A_563 : i32 to index
      %swap3A_565 = tpu.vector_load %arg19[%swap3A_564] {strides = array<i32>} : memref<2000xf32, #tpu.memory_space<vmem>>, vector<16xf32>,
      %swap3A_566 = vector.shape_cast %swap3A_565 : vector<16xf32> to vector<16xf32>
      %swap3A_567 = vector.shape_cast %select_n3A : vector<16xf32> to vector<16xf32>
      tpu.vector_store %arg19[%swap3A_564], %swap3A_567 {strides = array<i32>} : memref<2000xf32, #tpu.memory_space<vmem>>, vector<16xf32>,
      %scan3A_568 = arith.constant 0 : i32
      scf.yield %scan3A_568 : i32
    }
    %scan3A_352 = arith.constant 125 : i32
    %dma_start3A_353 = arith.constant 0 : i32
    %dma_start3A_354 = tpu.memref_slice %arg24[%dma_start3A_353] : memref<100000xf32, #tpu.memory_space<vmem_shared>> -> memref<100000xf32, #tpu.memory_space<vmem_shared>>
    tpu.enqueue_indirect_dma source(%arg15 : memref<2000xf32, #tpu.memory_space<vmem>>) target(%dma_start3A_354 : memref<100000xf32, #tpu.memory_space<vmem_shared>>) offsets(%arg9 : memref<2000xi32, #tpu.memory_space<vmem>>) semaphore(%arg28 : memref<!tpu.dma_semaphore, #tpu.memory_space<semaphore_mem>>) {add = true}
    %dma_start3A_355 = arith.constant 0 : i32
    %dma_start3A_356 = tpu.memref_slice %arg25[%dma_start3A_355] : memref<100000xf32, #tpu.memory_space<vmem_shared>> -> memref<100000xf32, #tpu.memory_space<vmem_shared>>
    tpu.enqueue_indirect_dma source(%arg19 : memref<2000xf32, #tpu.memory_space<vmem>>) target(%dma_start3A_356 : memref<100000xf32, #tpu.memory_space<vmem_shared>>) offsets(%arg9 : memref<2000xi32, #tpu.memory_space<vmem>>) semaphore(%arg28 : memref<!tpu.dma_semaphore, #tpu.memory_space<semaphore_mem>>) {add = true}
    %dma_wait3A_357 = arith.constant 0 : i32
    %dma_wait3A_358 = tpu.memref_slice %arg24[%dma_wait3A_357] : memref<100000xf32, #tpu.memory_space<vmem_shared>> -> memref<100000xf32, #tpu.memory_space<vmem_shared>>
    tpu.wait_indirect_dma semaphore(%arg30 : memref<!tpu.dma_semaphore, #tpu.memory_space<semaphore_mem>>) src(%arg17 : memref<2000xf32, #tpu.memory_space<vmem>>) dst(%dma_wait3A_358 : memref<100000xf32, #tpu.memory_space<vmem_shared>>)
    %dma_wait3A_359 = arith.constant 0 : i32
    %dma_wait3A_360 = tpu.memref_slice %arg25[%dma_wait3A_359] : memref<100000xf32, #tpu.memory_space<vmem_shared>> -> memref<100000xf32, #tpu.memory_space<vmem_shared>>
    tpu.wait_indirect_dma semaphore(%arg30 : memref<!tpu.dma_semaphore, #tpu.memory_space<semaphore_mem>>) src(%arg21 : memref<2000xf32, #tpu.memory_space<vmem>>) dst(%dma_wait3A_360 : memref<100000xf32, #tpu.memory_space<vmem_shared>>)
    %add3A_361 = arith.constant 36000 : i32
    %add3A_362 = arith.addi %add3A, %add3A_361 : i32
    "tpu.region"() ({
      %run_scoped3A = tpu.sem_alloc : memref<!tpu.dma_semaphore, #tpu.memory_space<semaphore_mem>>
      %dma_start3A_544 = tpu.memref_slice %arg3[%add3A_362] : memref<1600000xi32, #tpu.memory_space<hbm>> -> memref<2000xi32, #tpu.memory_space<hbm>>
      %dma_start3A_545 = tpu.memref_slice %arg3[%add3A_362] : memref<1600000xi32, #tpu.memory_space<hbm>> -> memref<2000xi32, #tpu.memory_space<hbm>>
      tpu.enqueue_dma source(%dma_start3A_545 : memref<2000xi32, #tpu.memory_space<hbm>>) target(%arg7 : memref<2000xi32, #tpu.memory_space<vmem>>) target_semaphore(%run_scoped3A : memref<!tpu.dma_semaphore, #tpu.memory_space<semaphore_mem>>)
      %dma_wait3A_546 = tpu.memref_slice %arg3[%add3A_362] : memref<1600000xi32, #tpu.memory_space<hbm>> -> memref<2000xi32, #tpu.memory_space<hbm>>
      %dma_wait3A_547 = tpu.memref_slice %arg3[%add3A_362] : memref<1600000xi32, #tpu.memory_space<hbm>> -> memref<2000xi32, #tpu.memory_space<hbm>>
      tpu.wait_dma2 semaphore(%run_scoped3A : memref<!tpu.dma_semaphore, #tpu.memory_space<semaphore_mem>>) src(%dma_wait3A_547 : memref<2000xi32, #tpu.memory_space<hbm>>) dst(%arg7 : memref<2000xi32, #tpu.memory_space<vmem>>)
      tpu.yield
    }) : () -> ()
    "tpu.region"() ({
      %run_scoped3A = tpu.sem_alloc : memref<!tpu.dma_semaphore, #tpu.memory_space<semaphore_mem>>
      %dma_start3A_544 = tpu.memref_slice %arg4[%add3A_362] : memref<1600000xi32, #tpu.memory_space<hbm>> -> memref<2000xi32, #tpu.memory_space<hbm>>
      %dma_start3A_545 = tpu.memref_slice %arg4[%add3A_362] : memref<1600000xi32, #tpu.memory_space<hbm>> -> memref<2000xi32, #tpu.memory_space<hbm>>
      tpu.enqueue_dma source(%dma_start3A_545 : memref<2000xi32, #tpu.memory_space<hbm>>) target(%arg11 : memref<2000xi32, #tpu.memory_space<vmem>>) target_semaphore(%run_scoped3A : memref<!tpu.dma_semaphore, #tpu.memory_space<semaphore_mem>>)
      %dma_wait3A_546 = tpu.memref_slice %arg4[%add3A_362] : memref<1600000xi32, #tpu.memory_space<hbm>> -> memref<2000xi32, #tpu.memory_space<hbm>>
      %dma_wait3A_547 = tpu.memref_slice %arg4[%add3A_362] : memref<1600000xi32, #tpu.memory_space<hbm>> -> memref<2000xi32, #tpu.memory_space<hbm>>
      tpu.wait_dma2 semaphore(%run_scoped3A : memref<!tpu.dma_semaphore, #tpu.memory_space<semaphore_mem>>) src(%dma_wait3A_547 : memref<2000xi32, #tpu.memory_space<hbm>>) dst(%arg11 : memref<2000xi32, #tpu.memory_space<vmem>>)
      tpu.yield
    }) : () -> ()
    %dma_start3A_363 = arith.constant 0 : i32
    %dma_start3A_364 = tpu.memref_slice %arg2[%dma_start3A_363] : memref<200000xf32, #tpu.memory_space<hbm>> -> memref<200000xf32, #tpu.memory_space<hbm>>
    tpu.enqueue_indirect_dma source(%dma_start3A_364 : memref<200000xf32, #tpu.memory_space<hbm>>) target(%arg13 : memref<2000xf32, #tpu.memory_space<vmem>>) offsets(%arg7 : memref<2000xi32, #tpu.memory_space<vmem>>) semaphore(%arg26 : memref<!tpu.dma_semaphore, #tpu.memory_space<semaphore_mem>>)
    %dma_wait3A_365 = arith.constant 0 : i32
    %dma_wait3A_366 = tpu.memref_slice %arg2[%dma_wait3A_365] : memref<200000xf32, #tpu.memory_space<hbm>> -> memref<200000xf32, #tpu.memory_space<hbm>>
    tpu.wait_indirect_dma semaphore(%arg27 : memref<!tpu.dma_semaphore, #tpu.memory_space<semaphore_mem>>) src(%dma_wait3A_366 : memref<200000xf32, #tpu.memory_space<hbm>>) dst(%arg14 : memref<2000xf32, #tpu.memory_space<vmem>>)
    %scan3A_367 = arith.constant 0 : i32
    %scan3A_368 = arith.constant 0 : i32
    %scan3A_369 = arith.constant 125 : i32
    %scan3A_370 = arith.addi %scan3A_368, %scan3A_369 : i32
    %scan3A_371 = arith.constant 1 : i32
    %scan3A_372 = scf.for %scan3A_544 = %scan3A_368 to %scan3A_370 step %scan3A_371 iter_args(%scan3A_545 = %scan3A_367) -> (i32)  : i32 {
      %mul3A_546 = arith.constant 16 : i32
      %mul3A_547 = arith.muli %scan3A_544, %mul3A_546 : i32
      %get3A = arith.index_cast %mul3A_547 : i32 to index
      %get3A_548 = tpu.vector_load %arg14[%get3A] {strides = array<i32>} : memref<2000xf32, #tpu.memory_space<vmem>>, vector<16xf32>,
      %get3A_549 = vector.shape_cast %get3A_548 : vector<16xf32> to vector<16xf32>
      %abs3A = math.absf %get3A_549 : vector<16xf32>
      %neg3A = arith.constant 0.000000e+00 : f32
      %neg3A_550 = vector.broadcast %neg3A : f32 to vector<16xf32>
      %neg3A_551 = arith.subf %neg3A_550, %abs3A : vector<16xf32>
      %mul3A_552 = arith.constant 16 : i32
      %mul3A_553 = arith.muli %scan3A_544, %mul3A_552 : i32
      %swap3A = arith.index_cast %mul3A_553 : i32 to index
      %swap3A_554 = tpu.vector_load %arg16[%swap3A] {strides = array<i32>} : memref<2000xf32, #tpu.memory_space<vmem>>, vector<16xf32>,
      %swap3A_555 = vector.shape_cast %swap3A_554 : vector<16xf32> to vector<16xf32>
      %swap3A_556 = vector.shape_cast %neg3A_551 : vector<16xf32> to vector<16xf32>
      tpu.vector_store %arg16[%swap3A], %swap3A_556 {strides = array<i32>} : memref<2000xf32, #tpu.memory_space<vmem>>, vector<16xf32>,
      %lt3A_557 = arith.constant 0.000000e+00 : f32
      %lt3A_558 = vector.broadcast %lt3A_557 : f32 to vector<16xf32>
      %lt3A_559 = arith.cmpf olt, %get3A_549, %lt3A_558 : vector<16xf32>
      %jit3A = arith.constant 1.000000e+00 : f32
      %jit3A_560 = arith.constant 0.000000e+00 : f32
      %broadcast_in_dim3A = vector.broadcast %jit3A : f32 to vector<16xf32>
      %broadcast_in_dim3A_561 = vector.broadcast %jit3A_560 : f32 to vector<16xf32>
      %select_n3A = arith.select %lt3A_559, %broadcast_in_dim3A, %broadcast_in_dim3A_561 : vector<16xi1>, vector<16xf32>
      %mul3A_562 = arith.constant 16 : i32
      %mul3A_563 = arith.muli %scan3A_544, %mul3A_562 : i32
      %swap3A_564 = arith.index_cast %mul3A_563 : i32 to index
      %swap3A_565 = tpu.vector_load %arg20[%swap3A_564] {strides = array<i32>} : memref<2000xf32, #tpu.memory_space<vmem>>, vector<16xf32>,
      %swap3A_566 = vector.shape_cast %swap3A_565 : vector<16xf32> to vector<16xf32>
      %swap3A_567 = vector.shape_cast %select_n3A : vector<16xf32> to vector<16xf32>
      tpu.vector_store %arg20[%swap3A_564], %swap3A_567 {strides = array<i32>} : memref<2000xf32, #tpu.memory_space<vmem>>, vector<16xf32>,
      %scan3A_568 = arith.constant 0 : i32
      scf.yield %scan3A_568 : i32
    }
    %scan3A_373 = arith.constant 125 : i32
    %dma_start3A_374 = arith.constant 0 : i32
    %dma_start3A_375 = tpu.memref_slice %arg24[%dma_start3A_374] : memref<100000xf32, #tpu.memory_space<vmem_shared>> -> memref<100000xf32, #tpu.memory_space<vmem_shared>>
    tpu.enqueue_indirect_dma source(%arg16 : memref<2000xf32, #tpu.memory_space<vmem>>) target(%dma_start3A_375 : memref<100000xf32, #tpu.memory_space<vmem_shared>>) offsets(%arg10 : memref<2000xi32, #tpu.memory_space<vmem>>) semaphore(%arg29 : memref<!tpu.dma_semaphore, #tpu.memory_space<semaphore_mem>>) {add = true}
    %dma_start3A_376 = arith.constant 0 : i32
    %dma_start3A_377 = tpu.memref_slice %arg25[%dma_start3A_376] : memref<100000xf32, #tpu.memory_space<vmem_shared>> -> memref<100000xf32, #tpu.memory_space<vmem_shared>>
    tpu.enqueue_indirect_dma source(%arg20 : memref<2000xf32, #tpu.memory_space<vmem>>) target(%dma_start3A_377 : memref<100000xf32, #tpu.memory_space<vmem_shared>>) offsets(%arg10 : memref<2000xi32, #tpu.memory_space<vmem>>) semaphore(%arg29 : memref<!tpu.dma_semaphore, #tpu.memory_space<semaphore_mem>>) {add = true}
    %dma_wait3A_378 = arith.constant 0 : i32
    %dma_wait3A_379 = tpu.memref_slice %arg24[%dma_wait3A_378] : memref<100000xf32, #tpu.memory_space<vmem_shared>> -> memref<100000xf32, #tpu.memory_space<vmem_shared>>
    tpu.wait_indirect_dma semaphore(%arg31 : memref<!tpu.dma_semaphore, #tpu.memory_space<semaphore_mem>>) src(%arg18 : memref<2000xf32, #tpu.memory_space<vmem>>) dst(%dma_wait3A_379 : memref<100000xf32, #tpu.memory_space<vmem_shared>>)
    %dma_wait3A_380 = arith.constant 0 : i32
    %dma_wait3A_381 = tpu.memref_slice %arg25[%dma_wait3A_380] : memref<100000xf32, #tpu.memory_space<vmem_shared>> -> memref<100000xf32, #tpu.memory_space<vmem_shared>>
    tpu.wait_indirect_dma semaphore(%arg31 : memref<!tpu.dma_semaphore, #tpu.memory_space<semaphore_mem>>) src(%arg22 : memref<2000xf32, #tpu.memory_space<vmem>>) dst(%dma_wait3A_381 : memref<100000xf32, #tpu.memory_space<vmem_shared>>)
    %add3A_382 = arith.constant 38000 : i32
    %add3A_383 = arith.addi %add3A, %add3A_382 : i32
    "tpu.region"() ({
      %run_scoped3A = tpu.sem_alloc : memref<!tpu.dma_semaphore, #tpu.memory_space<semaphore_mem>>
      %dma_start3A_544 = tpu.memref_slice %arg3[%add3A_383] : memref<1600000xi32, #tpu.memory_space<hbm>> -> memref<2000xi32, #tpu.memory_space<hbm>>
      %dma_start3A_545 = tpu.memref_slice %arg3[%add3A_383] : memref<1600000xi32, #tpu.memory_space<hbm>> -> memref<2000xi32, #tpu.memory_space<hbm>>
      tpu.enqueue_dma source(%dma_start3A_545 : memref<2000xi32, #tpu.memory_space<hbm>>) target(%arg8 : memref<2000xi32, #tpu.memory_space<vmem>>) target_semaphore(%run_scoped3A : memref<!tpu.dma_semaphore, #tpu.memory_space<semaphore_mem>>)
      %dma_wait3A_546 = tpu.memref_slice %arg3[%add3A_383] : memref<1600000xi32, #tpu.memory_space<hbm>> -> memref<2000xi32, #tpu.memory_space<hbm>>
      %dma_wait3A_547 = tpu.memref_slice %arg3[%add3A_383] : memref<1600000xi32, #tpu.memory_space<hbm>> -> memref<2000xi32, #tpu.memory_space<hbm>>
      tpu.wait_dma2 semaphore(%run_scoped3A : memref<!tpu.dma_semaphore, #tpu.memory_space<semaphore_mem>>) src(%dma_wait3A_547 : memref<2000xi32, #tpu.memory_space<hbm>>) dst(%arg8 : memref<2000xi32, #tpu.memory_space<vmem>>)
      tpu.yield
    }) : () -> ()
    "tpu.region"() ({
      %run_scoped3A = tpu.sem_alloc : memref<!tpu.dma_semaphore, #tpu.memory_space<semaphore_mem>>
      %dma_start3A_544 = tpu.memref_slice %arg4[%add3A_383] : memref<1600000xi32, #tpu.memory_space<hbm>> -> memref<2000xi32, #tpu.memory_space<hbm>>
      %dma_start3A_545 = tpu.memref_slice %arg4[%add3A_383] : memref<1600000xi32, #tpu.memory_space<hbm>> -> memref<2000xi32, #tpu.memory_space<hbm>>
      tpu.enqueue_dma source(%dma_start3A_545 : memref<2000xi32, #tpu.memory_space<hbm>>) target(%arg12 : memref<2000xi32, #tpu.memory_space<vmem>>) target_semaphore(%run_scoped3A : memref<!tpu.dma_semaphore, #tpu.memory_space<semaphore_mem>>)
      %dma_wait3A_546 = tpu.memref_slice %arg4[%add3A_383] : memref<1600000xi32, #tpu.memory_space<hbm>> -> memref<2000xi32, #tpu.memory_space<hbm>>
      %dma_wait3A_547 = tpu.memref_slice %arg4[%add3A_383] : memref<1600000xi32, #tpu.memory_space<hbm>> -> memref<2000xi32, #tpu.memory_space<hbm>>
      tpu.wait_dma2 semaphore(%run_scoped3A : memref<!tpu.dma_semaphore, #tpu.memory_space<semaphore_mem>>) src(%dma_wait3A_547 : memref<2000xi32, #tpu.memory_space<hbm>>) dst(%arg12 : memref<2000xi32, #tpu.memory_space<vmem>>)
      tpu.yield
    }) : () -> ()
    %dma_start3A_384 = arith.constant 0 : i32
    %dma_start3A_385 = tpu.memref_slice %arg2[%dma_start3A_384] : memref<200000xf32, #tpu.memory_space<hbm>> -> memref<200000xf32, #tpu.memory_space<hbm>>
    tpu.enqueue_indirect_dma source(%dma_start3A_385 : memref<200000xf32, #tpu.memory_space<hbm>>) target(%arg14 : memref<2000xf32, #tpu.memory_space<vmem>>) offsets(%arg8 : memref<2000xi32, #tpu.memory_space<vmem>>) semaphore(%arg27 : memref<!tpu.dma_semaphore, #tpu.memory_space<semaphore_mem>>)
    %dma_wait3A_386 = arith.constant 0 : i32
    %dma_wait3A_387 = tpu.memref_slice %arg2[%dma_wait3A_386] : memref<200000xf32, #tpu.memory_space<hbm>> -> memref<200000xf32, #tpu.memory_space<hbm>>
    tpu.wait_indirect_dma semaphore(%arg26 : memref<!tpu.dma_semaphore, #tpu.memory_space<semaphore_mem>>) src(%dma_wait3A_387 : memref<200000xf32, #tpu.memory_space<hbm>>) dst(%arg13 : memref<2000xf32, #tpu.memory_space<vmem>>)
    %scan3A_388 = arith.constant 0 : i32
    %scan3A_389 = arith.constant 0 : i32
    %scan3A_390 = arith.constant 125 : i32
    %scan3A_391 = arith.addi %scan3A_389, %scan3A_390 : i32
    %scan3A_392 = arith.constant 1 : i32
    %scan3A_393 = scf.for %scan3A_544 = %scan3A_389 to %scan3A_391 step %scan3A_392 iter_args(%scan3A_545 = %scan3A_388) -> (i32)  : i32 {
      %mul3A_546 = arith.constant 16 : i32
      %mul3A_547 = arith.muli %scan3A_544, %mul3A_546 : i32
      %get3A = arith.index_cast %mul3A_547 : i32 to index
      %get3A_548 = tpu.vector_load %arg13[%get3A] {strides = array<i32>} : memref<2000xf32, #tpu.memory_space<vmem>>, vector<16xf32>,
      %get3A_549 = vector.shape_cast %get3A_548 : vector<16xf32> to vector<16xf32>
      %abs3A = math.absf %get3A_549 : vector<16xf32>
      %neg3A = arith.constant 0.000000e+00 : f32
      %neg3A_550 = vector.broadcast %neg3A : f32 to vector<16xf32>
      %neg3A_551 = arith.subf %neg3A_550, %abs3A : vector<16xf32>
      %mul3A_552 = arith.constant 16 : i32
      %mul3A_553 = arith.muli %scan3A_544, %mul3A_552 : i32
      %swap3A = arith.index_cast %mul3A_553 : i32 to index
      %swap3A_554 = tpu.vector_load %arg17[%swap3A] {strides = array<i32>} : memref<2000xf32, #tpu.memory_space<vmem>>, vector<16xf32>,
      %swap3A_555 = vector.shape_cast %swap3A_554 : vector<16xf32> to vector<16xf32>
      %swap3A_556 = vector.shape_cast %neg3A_551 : vector<16xf32> to vector<16xf32>
      tpu.vector_store %arg17[%swap3A], %swap3A_556 {strides = array<i32>} : memref<2000xf32, #tpu.memory_space<vmem>>, vector<16xf32>,
      %lt3A_557 = arith.constant 0.000000e+00 : f32
      %lt3A_558 = vector.broadcast %lt3A_557 : f32 to vector<16xf32>
      %lt3A_559 = arith.cmpf olt, %get3A_549, %lt3A_558 : vector<16xf32>
      %jit3A = arith.constant 1.000000e+00 : f32
      %jit3A_560 = arith.constant 0.000000e+00 : f32
      %broadcast_in_dim3A = vector.broadcast %jit3A : f32 to vector<16xf32>
      %broadcast_in_dim3A_561 = vector.broadcast %jit3A_560 : f32 to vector<16xf32>
      %select_n3A = arith.select %lt3A_559, %broadcast_in_dim3A, %broadcast_in_dim3A_561 : vector<16xi1>, vector<16xf32>
      %mul3A_562 = arith.constant 16 : i32
      %mul3A_563 = arith.muli %scan3A_544, %mul3A_562 : i32
      %swap3A_564 = arith.index_cast %mul3A_563 : i32 to index
      %swap3A_565 = tpu.vector_load %arg21[%swap3A_564] {strides = array<i32>} : memref<2000xf32, #tpu.memory_space<vmem>>, vector<16xf32>,
      %swap3A_566 = vector.shape_cast %swap3A_565 : vector<16xf32> to vector<16xf32>
      %swap3A_567 = vector.shape_cast %select_n3A : vector<16xf32> to vector<16xf32>
      tpu.vector_store %arg21[%swap3A_564], %swap3A_567 {strides = array<i32>} : memref<2000xf32, #tpu.memory_space<vmem>>, vector<16xf32>,
      %scan3A_568 = arith.constant 0 : i32
      scf.yield %scan3A_568 : i32
    }
    %scan3A_394 = arith.constant 125 : i32
    %dma_start3A_395 = arith.constant 0 : i32
    %dma_start3A_396 = tpu.memref_slice %arg24[%dma_start3A_395] : memref<100000xf32, #tpu.memory_space<vmem_shared>> -> memref<100000xf32, #tpu.memory_space<vmem_shared>>
    tpu.enqueue_indirect_dma source(%arg17 : memref<2000xf32, #tpu.memory_space<vmem>>) target(%dma_start3A_396 : memref<100000xf32, #tpu.memory_space<vmem_shared>>) offsets(%arg11 : memref<2000xi32, #tpu.memory_space<vmem>>) semaphore(%arg30 : memref<!tpu.dma_semaphore, #tpu.memory_space<semaphore_mem>>) {add = true}
    %dma_start3A_397 = arith.constant 0 : i32
    %dma_start3A_398 = tpu.memref_slice %arg25[%dma_start3A_397] : memref<100000xf32, #tpu.memory_space<vmem_shared>> -> memref<100000xf32, #tpu.memory_space<vmem_shared>>
    tpu.enqueue_indirect_dma source(%arg21 : memref<2000xf32, #tpu.memory_space<vmem>>) target(%dma_start3A_398 : memref<100000xf32, #tpu.memory_space<vmem_shared>>) offsets(%arg11 : memref<2000xi32, #tpu.memory_space<vmem>>) semaphore(%arg30 : memref<!tpu.dma_semaphore, #tpu.memory_space<semaphore_mem>>) {add = true}
    %dma_wait3A_399 = arith.constant 0 : i32
    %dma_wait3A_400 = tpu.memref_slice %arg24[%dma_wait3A_399] : memref<100000xf32, #tpu.memory_space<vmem_shared>> -> memref<100000xf32, #tpu.memory_space<vmem_shared>>
    tpu.wait_indirect_dma semaphore(%arg28 : memref<!tpu.dma_semaphore, #tpu.memory_space<semaphore_mem>>) src(%arg15 : memref<2000xf32, #tpu.memory_space<vmem>>) dst(%dma_wait3A_400 : memref<100000xf32, #tpu.memory_space<vmem_shared>>)
    %dma_wait3A_401 = arith.constant 0 : i32
    %dma_wait3A_402 = tpu.memref_slice %arg25[%dma_wait3A_401] : memref<100000xf32, #tpu.memory_space<vmem_shared>> -> memref<100000xf32, #tpu.memory_space<vmem_shared>>
    tpu.wait_indirect_dma semaphore(%arg28 : memref<!tpu.dma_semaphore, #tpu.memory_space<semaphore_mem>>) src(%arg19 : memref<2000xf32, #tpu.memory_space<vmem>>) dst(%dma_wait3A_402 : memref<100000xf32, #tpu.memory_space<vmem_shared>>)
    %add3A_403 = arith.constant 40000 : i32
    %add3A_404 = arith.addi %add3A, %add3A_403 : i32
    "tpu.region"() ({
      %run_scoped3A = tpu.sem_alloc : memref<!tpu.dma_semaphore, #tpu.memory_space<semaphore_mem>>
      %dma_start3A_544 = tpu.memref_slice %arg3[%add3A_404] : memref<1600000xi32, #tpu.memory_space<hbm>> -> memref<2000xi32, #tpu.memory_space<hbm>>
      %dma_start3A_545 = tpu.memref_slice %arg3[%add3A_404] : memref<1600000xi32, #tpu.memory_space<hbm>> -> memref<2000xi32, #tpu.memory_space<hbm>>
      tpu.enqueue_dma source(%dma_start3A_545 : memref<2000xi32, #tpu.memory_space<hbm>>) target(%arg7 : memref<2000xi32, #tpu.memory_space<vmem>>) target_semaphore(%run_scoped3A : memref<!tpu.dma_semaphore, #tpu.memory_space<semaphore_mem>>)
      %dma_wait3A_546 = tpu.memref_slice %arg3[%add3A_404] : memref<1600000xi32, #tpu.memory_space<hbm>> -> memref<2000xi32, #tpu.memory_space<hbm>>
      %dma_wait3A_547 = tpu.memref_slice %arg3[%add3A_404] : memref<1600000xi32, #tpu.memory_space<hbm>> -> memref<2000xi32, #tpu.memory_space<hbm>>
      tpu.wait_dma2 semaphore(%run_scoped3A : memref<!tpu.dma_semaphore, #tpu.memory_space<semaphore_mem>>) src(%dma_wait3A_547 : memref<2000xi32, #tpu.memory_space<hbm>>) dst(%arg7 : memref<2000xi32, #tpu.memory_space<vmem>>)
      tpu.yield
    }) : () -> ()
    "tpu.region"() ({
      %run_scoped3A = tpu.sem_alloc : memref<!tpu.dma_semaphore, #tpu.memory_space<semaphore_mem>>
      %dma_start3A_544 = tpu.memref_slice %arg4[%add3A_404] : memref<1600000xi32, #tpu.memory_space<hbm>> -> memref<2000xi32, #tpu.memory_space<hbm>>
      %dma_start3A_545 = tpu.memref_slice %arg4[%add3A_404] : memref<1600000xi32, #tpu.memory_space<hbm>> -> memref<2000xi32, #tpu.memory_space<hbm>>
      tpu.enqueue_dma source(%dma_start3A_545 : memref<2000xi32, #tpu.memory_space<hbm>>) target(%arg9 : memref<2000xi32, #tpu.memory_space<vmem>>) target_semaphore(%run_scoped3A : memref<!tpu.dma_semaphore, #tpu.memory_space<semaphore_mem>>)
      %dma_wait3A_546 = tpu.memref_slice %arg4[%add3A_404] : memref<1600000xi32, #tpu.memory_space<hbm>> -> memref<2000xi32, #tpu.memory_space<hbm>>
      %dma_wait3A_547 = tpu.memref_slice %arg4[%add3A_404] : memref<1600000xi32, #tpu.memory_space<hbm>> -> memref<2000xi32, #tpu.memory_space<hbm>>
      tpu.wait_dma2 semaphore(%run_scoped3A : memref<!tpu.dma_semaphore, #tpu.memory_space<semaphore_mem>>) src(%dma_wait3A_547 : memref<2000xi32, #tpu.memory_space<hbm>>) dst(%arg9 : memref<2000xi32, #tpu.memory_space<vmem>>)
      tpu.yield
    }) : () -> ()
    %dma_start3A_405 = arith.constant 0 : i32
    %dma_start3A_406 = tpu.memref_slice %arg2[%dma_start3A_405] : memref<200000xf32, #tpu.memory_space<hbm>> -> memref<200000xf32, #tpu.memory_space<hbm>>
    tpu.enqueue_indirect_dma source(%dma_start3A_406 : memref<200000xf32, #tpu.memory_space<hbm>>) target(%arg13 : memref<2000xf32, #tpu.memory_space<vmem>>) offsets(%arg7 : memref<2000xi32, #tpu.memory_space<vmem>>) semaphore(%arg26 : memref<!tpu.dma_semaphore, #tpu.memory_space<semaphore_mem>>)
    %dma_wait3A_407 = arith.constant 0 : i32
    %dma_wait3A_408 = tpu.memref_slice %arg2[%dma_wait3A_407] : memref<200000xf32, #tpu.memory_space<hbm>> -> memref<200000xf32, #tpu.memory_space<hbm>>
    tpu.wait_indirect_dma semaphore(%arg27 : memref<!tpu.dma_semaphore, #tpu.memory_space<semaphore_mem>>) src(%dma_wait3A_408 : memref<200000xf32, #tpu.memory_space<hbm>>) dst(%arg14 : memref<2000xf32, #tpu.memory_space<vmem>>)
    %scan3A_409 = arith.constant 0 : i32
    %scan3A_410 = arith.constant 0 : i32
    %scan3A_411 = arith.constant 125 : i32
    %scan3A_412 = arith.addi %scan3A_410, %scan3A_411 : i32
    %scan3A_413 = arith.constant 1 : i32
    %scan3A_414 = scf.for %scan3A_544 = %scan3A_410 to %scan3A_412 step %scan3A_413 iter_args(%scan3A_545 = %scan3A_409) -> (i32)  : i32 {
      %mul3A_546 = arith.constant 16 : i32
      %mul3A_547 = arith.muli %scan3A_544, %mul3A_546 : i32
      %get3A = arith.index_cast %mul3A_547 : i32 to index
      %get3A_548 = tpu.vector_load %arg14[%get3A] {strides = array<i32>} : memref<2000xf32, #tpu.memory_space<vmem>>, vector<16xf32>,
      %get3A_549 = vector.shape_cast %get3A_548 : vector<16xf32> to vector<16xf32>
      %abs3A = math.absf %get3A_549 : vector<16xf32>
      %neg3A = arith.constant 0.000000e+00 : f32
      %neg3A_550 = vector.broadcast %neg3A : f32 to vector<16xf32>
      %neg3A_551 = arith.subf %neg3A_550, %abs3A : vector<16xf32>
      %mul3A_552 = arith.constant 16 : i32
      %mul3A_553 = arith.muli %scan3A_544, %mul3A_552 : i32
      %swap3A = arith.index_cast %mul3A_553 : i32 to index
      %swap3A_554 = tpu.vector_load %arg18[%swap3A] {strides = array<i32>} : memref<2000xf32, #tpu.memory_space<vmem>>, vector<16xf32>,
      %swap3A_555 = vector.shape_cast %swap3A_554 : vector<16xf32> to vector<16xf32>
      %swap3A_556 = vector.shape_cast %neg3A_551 : vector<16xf32> to vector<16xf32>
      tpu.vector_store %arg18[%swap3A], %swap3A_556 {strides = array<i32>} : memref<2000xf32, #tpu.memory_space<vmem>>, vector<16xf32>,
      %lt3A_557 = arith.constant 0.000000e+00 : f32
      %lt3A_558 = vector.broadcast %lt3A_557 : f32 to vector<16xf32>
      %lt3A_559 = arith.cmpf olt, %get3A_549, %lt3A_558 : vector<16xf32>
      %jit3A = arith.constant 1.000000e+00 : f32
      %jit3A_560 = arith.constant 0.000000e+00 : f32
      %broadcast_in_dim3A = vector.broadcast %jit3A : f32 to vector<16xf32>
      %broadcast_in_dim3A_561 = vector.broadcast %jit3A_560 : f32 to vector<16xf32>
      %select_n3A = arith.select %lt3A_559, %broadcast_in_dim3A, %broadcast_in_dim3A_561 : vector<16xi1>, vector<16xf32>
      %mul3A_562 = arith.constant 16 : i32
      %mul3A_563 = arith.muli %scan3A_544, %mul3A_562 : i32
      %swap3A_564 = arith.index_cast %mul3A_563 : i32 to index
      %swap3A_565 = tpu.vector_load %arg22[%swap3A_564] {strides = array<i32>} : memref<2000xf32, #tpu.memory_space<vmem>>, vector<16xf32>,
      %swap3A_566 = vector.shape_cast %swap3A_565 : vector<16xf32> to vector<16xf32>
      %swap3A_567 = vector.shape_cast %select_n3A : vector<16xf32> to vector<16xf32>
      tpu.vector_store %arg22[%swap3A_564], %swap3A_567 {strides = array<i32>} : memref<2000xf32, #tpu.memory_space<vmem>>, vector<16xf32>,
      %scan3A_568 = arith.constant 0 : i32
      scf.yield %scan3A_568 : i32
    }
    %scan3A_415 = arith.constant 125 : i32
    %dma_start3A_416 = arith.constant 0 : i32
    %dma_start3A_417 = tpu.memref_slice %arg24[%dma_start3A_416] : memref<100000xf32, #tpu.memory_space<vmem_shared>> -> memref<100000xf32, #tpu.memory_space<vmem_shared>>
    tpu.enqueue_indirect_dma source(%arg18 : memref<2000xf32, #tpu.memory_space<vmem>>) target(%dma_start3A_417 : memref<100000xf32, #tpu.memory_space<vmem_shared>>) offsets(%arg12 : memref<2000xi32, #tpu.memory_space<vmem>>) semaphore(%arg31 : memref<!tpu.dma_semaphore, #tpu.memory_space<semaphore_mem>>) {add = true}
    %dma_start3A_418 = arith.constant 0 : i32
    %dma_start3A_419 = tpu.memref_slice %arg25[%dma_start3A_418] : memref<100000xf32, #tpu.memory_space<vmem_shared>> -> memref<100000xf32, #tpu.memory_space<vmem_shared>>
    tpu.enqueue_indirect_dma source(%arg22 : memref<2000xf32, #tpu.memory_space<vmem>>) target(%dma_start3A_419 : memref<100000xf32, #tpu.memory_space<vmem_shared>>) offsets(%arg12 : memref<2000xi32, #tpu.memory_space<vmem>>) semaphore(%arg31 : memref<!tpu.dma_semaphore, #tpu.memory_space<semaphore_mem>>) {add = true}
    %dma_wait3A_420 = arith.constant 0 : i32
    %dma_wait3A_421 = tpu.memref_slice %arg24[%dma_wait3A_420] : memref<100000xf32, #tpu.memory_space<vmem_shared>> -> memref<100000xf32, #tpu.memory_space<vmem_shared>>
    tpu.wait_indirect_dma semaphore(%arg29 : memref<!tpu.dma_semaphore, #tpu.memory_space<semaphore_mem>>) src(%arg16 : memref<2000xf32, #tpu.memory_space<vmem>>) dst(%dma_wait3A_421 : memref<100000xf32, #tpu.memory_space<vmem_shared>>)
    %dma_wait3A_422 = arith.constant 0 : i32
    %dma_wait3A_423 = tpu.memref_slice %arg25[%dma_wait3A_422] : memref<100000xf32, #tpu.memory_space<vmem_shared>> -> memref<100000xf32, #tpu.memory_space<vmem_shared>>
    tpu.wait_indirect_dma semaphore(%arg29 : memref<!tpu.dma_semaphore, #tpu.memory_space<semaphore_mem>>) src(%arg20 : memref<2000xf32, #tpu.memory_space<vmem>>) dst(%dma_wait3A_423 : memref<100000xf32, #tpu.memory_space<vmem_shared>>)
    %add3A_424 = arith.constant 42000 : i32
    %add3A_425 = arith.addi %add3A, %add3A_424 : i32
    "tpu.region"() ({
      %run_scoped3A = tpu.sem_alloc : memref<!tpu.dma_semaphore, #tpu.memory_space<semaphore_mem>>
      %dma_start3A_544 = tpu.memref_slice %arg3[%add3A_425] : memref<1600000xi32, #tpu.memory_space<hbm>> -> memref<2000xi32, #tpu.memory_space<hbm>>
      %dma_start3A_545 = tpu.memref_slice %arg3[%add3A_425] : memref<1600000xi32, #tpu.memory_space<hbm>> -> memref<2000xi32, #tpu.memory_space<hbm>>
      tpu.enqueue_dma source(%dma_start3A_545 : memref<2000xi32, #tpu.memory_space<hbm>>) target(%arg8 : memref<2000xi32, #tpu.memory_space<vmem>>) target_semaphore(%run_scoped3A : memref<!tpu.dma_semaphore, #tpu.memory_space<semaphore_mem>>)
      %dma_wait3A_546 = tpu.memref_slice %arg3[%add3A_425] : memref<1600000xi32, #tpu.memory_space<hbm>> -> memref<2000xi32, #tpu.memory_space<hbm>>
      %dma_wait3A_547 = tpu.memref_slice %arg3[%add3A_425] : memref<1600000xi32, #tpu.memory_space<hbm>> -> memref<2000xi32, #tpu.memory_space<hbm>>
      tpu.wait_dma2 semaphore(%run_scoped3A : memref<!tpu.dma_semaphore, #tpu.memory_space<semaphore_mem>>) src(%dma_wait3A_547 : memref<2000xi32, #tpu.memory_space<hbm>>) dst(%arg8 : memref<2000xi32, #tpu.memory_space<vmem>>)
      tpu.yield
    }) : () -> ()
    "tpu.region"() ({
      %run_scoped3A = tpu.sem_alloc : memref<!tpu.dma_semaphore, #tpu.memory_space<semaphore_mem>>
      %dma_start3A_544 = tpu.memref_slice %arg4[%add3A_425] : memref<1600000xi32, #tpu.memory_space<hbm>> -> memref<2000xi32, #tpu.memory_space<hbm>>
      %dma_start3A_545 = tpu.memref_slice %arg4[%add3A_425] : memref<1600000xi32, #tpu.memory_space<hbm>> -> memref<2000xi32, #tpu.memory_space<hbm>>
      tpu.enqueue_dma source(%dma_start3A_545 : memref<2000xi32, #tpu.memory_space<hbm>>) target(%arg10 : memref<2000xi32, #tpu.memory_space<vmem>>) target_semaphore(%run_scoped3A : memref<!tpu.dma_semaphore, #tpu.memory_space<semaphore_mem>>)
      %dma_wait3A_546 = tpu.memref_slice %arg4[%add3A_425] : memref<1600000xi32, #tpu.memory_space<hbm>> -> memref<2000xi32, #tpu.memory_space<hbm>>
      %dma_wait3A_547 = tpu.memref_slice %arg4[%add3A_425] : memref<1600000xi32, #tpu.memory_space<hbm>> -> memref<2000xi32, #tpu.memory_space<hbm>>
      tpu.wait_dma2 semaphore(%run_scoped3A : memref<!tpu.dma_semaphore, #tpu.memory_space<semaphore_mem>>) src(%dma_wait3A_547 : memref<2000xi32, #tpu.memory_space<hbm>>) dst(%arg10 : memref<2000xi32, #tpu.memory_space<vmem>>)
      tpu.yield
    }) : () -> ()
    %dma_start3A_426 = arith.constant 0 : i32
    %dma_start3A_427 = tpu.memref_slice %arg2[%dma_start3A_426] : memref<200000xf32, #tpu.memory_space<hbm>> -> memref<200000xf32, #tpu.memory_space<hbm>>
    tpu.enqueue_indirect_dma source(%dma_start3A_427 : memref<200000xf32, #tpu.memory_space<hbm>>) target(%arg14 : memref<2000xf32, #tpu.memory_space<vmem>>) offsets(%arg8 : memref<2000xi32, #tpu.memory_space<vmem>>) semaphore(%arg27 : memref<!tpu.dma_semaphore, #tpu.memory_space<semaphore_mem>>)
    %dma_wait3A_428 = arith.constant 0 : i32
    %dma_wait3A_429 = tpu.memref_slice %arg2[%dma_wait3A_428] : memref<200000xf32, #tpu.memory_space<hbm>> -> memref<200000xf32, #tpu.memory_space<hbm>>
    tpu.wait_indirect_dma semaphore(%arg26 : memref<!tpu.dma_semaphore, #tpu.memory_space<semaphore_mem>>) src(%dma_wait3A_429 : memref<200000xf32, #tpu.memory_space<hbm>>) dst(%arg13 : memref<2000xf32, #tpu.memory_space<vmem>>)
    %scan3A_430 = arith.constant 0 : i32
    %scan3A_431 = arith.constant 0 : i32
    %scan3A_432 = arith.constant 125 : i32
    %scan3A_433 = arith.addi %scan3A_431, %scan3A_432 : i32
    %scan3A_434 = arith.constant 1 : i32
    %scan3A_435 = scf.for %scan3A_544 = %scan3A_431 to %scan3A_433 step %scan3A_434 iter_args(%scan3A_545 = %scan3A_430) -> (i32)  : i32 {
      %mul3A_546 = arith.constant 16 : i32
      %mul3A_547 = arith.muli %scan3A_544, %mul3A_546 : i32
      %get3A = arith.index_cast %mul3A_547 : i32 to index
      %get3A_548 = tpu.vector_load %arg13[%get3A] {strides = array<i32>} : memref<2000xf32, #tpu.memory_space<vmem>>, vector<16xf32>,
      %get3A_549 = vector.shape_cast %get3A_548 : vector<16xf32> to vector<16xf32>
      %abs3A = math.absf %get3A_549 : vector<16xf32>
      %neg3A = arith.constant 0.000000e+00 : f32
      %neg3A_550 = vector.broadcast %neg3A : f32 to vector<16xf32>
      %neg3A_551 = arith.subf %neg3A_550, %abs3A : vector<16xf32>
      %mul3A_552 = arith.constant 16 : i32
      %mul3A_553 = arith.muli %scan3A_544, %mul3A_552 : i32
      %swap3A = arith.index_cast %mul3A_553 : i32 to index
      %swap3A_554 = tpu.vector_load %arg15[%swap3A] {strides = array<i32>} : memref<2000xf32, #tpu.memory_space<vmem>>, vector<16xf32>,
      %swap3A_555 = vector.shape_cast %swap3A_554 : vector<16xf32> to vector<16xf32>
      %swap3A_556 = vector.shape_cast %neg3A_551 : vector<16xf32> to vector<16xf32>
      tpu.vector_store %arg15[%swap3A], %swap3A_556 {strides = array<i32>} : memref<2000xf32, #tpu.memory_space<vmem>>, vector<16xf32>,
      %lt3A_557 = arith.constant 0.000000e+00 : f32
      %lt3A_558 = vector.broadcast %lt3A_557 : f32 to vector<16xf32>
      %lt3A_559 = arith.cmpf olt, %get3A_549, %lt3A_558 : vector<16xf32>
      %jit3A = arith.constant 1.000000e+00 : f32
      %jit3A_560 = arith.constant 0.000000e+00 : f32
      %broadcast_in_dim3A = vector.broadcast %jit3A : f32 to vector<16xf32>
      %broadcast_in_dim3A_561 = vector.broadcast %jit3A_560 : f32 to vector<16xf32>
      %select_n3A = arith.select %lt3A_559, %broadcast_in_dim3A, %broadcast_in_dim3A_561 : vector<16xi1>, vector<16xf32>
      %mul3A_562 = arith.constant 16 : i32
      %mul3A_563 = arith.muli %scan3A_544, %mul3A_562 : i32
      %swap3A_564 = arith.index_cast %mul3A_563 : i32 to index
      %swap3A_565 = tpu.vector_load %arg19[%swap3A_564] {strides = array<i32>} : memref<2000xf32, #tpu.memory_space<vmem>>, vector<16xf32>,
      %swap3A_566 = vector.shape_cast %swap3A_565 : vector<16xf32> to vector<16xf32>
      %swap3A_567 = vector.shape_cast %select_n3A : vector<16xf32> to vector<16xf32>
      tpu.vector_store %arg19[%swap3A_564], %swap3A_567 {strides = array<i32>} : memref<2000xf32, #tpu.memory_space<vmem>>, vector<16xf32>,
      %scan3A_568 = arith.constant 0 : i32
      scf.yield %scan3A_568 : i32
    }
    %scan3A_436 = arith.constant 125 : i32
    %dma_start3A_437 = arith.constant 0 : i32
    %dma_start3A_438 = tpu.memref_slice %arg24[%dma_start3A_437] : memref<100000xf32, #tpu.memory_space<vmem_shared>> -> memref<100000xf32, #tpu.memory_space<vmem_shared>>
    tpu.enqueue_indirect_dma source(%arg15 : memref<2000xf32, #tpu.memory_space<vmem>>) target(%dma_start3A_438 : memref<100000xf32, #tpu.memory_space<vmem_shared>>) offsets(%arg9 : memref<2000xi32, #tpu.memory_space<vmem>>) semaphore(%arg28 : memref<!tpu.dma_semaphore, #tpu.memory_space<semaphore_mem>>) {add = true}
    %dma_start3A_439 = arith.constant 0 : i32
    %dma_start3A_440 = tpu.memref_slice %arg25[%dma_start3A_439] : memref<100000xf32, #tpu.memory_space<vmem_shared>> -> memref<100000xf32, #tpu.memory_space<vmem_shared>>
    tpu.enqueue_indirect_dma source(%arg19 : memref<2000xf32, #tpu.memory_space<vmem>>) target(%dma_start3A_440 : memref<100000xf32, #tpu.memory_space<vmem_shared>>) offsets(%arg9 : memref<2000xi32, #tpu.memory_space<vmem>>) semaphore(%arg28 : memref<!tpu.dma_semaphore, #tpu.memory_space<semaphore_mem>>) {add = true}
    %dma_wait3A_441 = arith.constant 0 : i32
    %dma_wait3A_442 = tpu.memref_slice %arg24[%dma_wait3A_441] : memref<100000xf32, #tpu.memory_space<vmem_shared>> -> memref<100000xf32, #tpu.memory_space<vmem_shared>>
    tpu.wait_indirect_dma semaphore(%arg30 : memref<!tpu.dma_semaphore, #tpu.memory_space<semaphore_mem>>) src(%arg17 : memref<2000xf32, #tpu.memory_space<vmem>>) dst(%dma_wait3A_442 : memref<100000xf32, #tpu.memory_space<vmem_shared>>)
    %dma_wait3A_443 = arith.constant 0 : i32
    %dma_wait3A_444 = tpu.memref_slice %arg25[%dma_wait3A_443] : memref<100000xf32, #tpu.memory_space<vmem_shared>> -> memref<100000xf32, #tpu.memory_space<vmem_shared>>
    tpu.wait_indirect_dma semaphore(%arg30 : memref<!tpu.dma_semaphore, #tpu.memory_space<semaphore_mem>>) src(%arg21 : memref<2000xf32, #tpu.memory_space<vmem>>) dst(%dma_wait3A_444 : memref<100000xf32, #tpu.memory_space<vmem_shared>>)
    %add3A_445 = arith.constant 44000 : i32
    %add3A_446 = arith.addi %add3A, %add3A_445 : i32
    "tpu.region"() ({
      %run_scoped3A = tpu.sem_alloc : memref<!tpu.dma_semaphore, #tpu.memory_space<semaphore_mem>>
      %dma_start3A_544 = tpu.memref_slice %arg3[%add3A_446] : memref<1600000xi32, #tpu.memory_space<hbm>> -> memref<2000xi32, #tpu.memory_space<hbm>>
      %dma_start3A_545 = tpu.memref_slice %arg3[%add3A_446] : memref<1600000xi32, #tpu.memory_space<hbm>> -> memref<2000xi32, #tpu.memory_space<hbm>>
      tpu.enqueue_dma source(%dma_start3A_545 : memref<2000xi32, #tpu.memory_space<hbm>>) target(%arg7 : memref<2000xi32, #tpu.memory_space<vmem>>) target_semaphore(%run_scoped3A : memref<!tpu.dma_semaphore, #tpu.memory_space<semaphore_mem>>)
      %dma_wait3A_546 = tpu.memref_slice %arg3[%add3A_446] : memref<1600000xi32, #tpu.memory_space<hbm>> -> memref<2000xi32, #tpu.memory_space<hbm>>
      %dma_wait3A_547 = tpu.memref_slice %arg3[%add3A_446] : memref<1600000xi32, #tpu.memory_space<hbm>> -> memref<2000xi32, #tpu.memory_space<hbm>>
      tpu.wait_dma2 semaphore(%run_scoped3A : memref<!tpu.dma_semaphore, #tpu.memory_space<semaphore_mem>>) src(%dma_wait3A_547 : memref<2000xi32, #tpu.memory_space<hbm>>) dst(%arg7 : memref<2000xi32, #tpu.memory_space<vmem>>)
      tpu.yield
    }) : () -> ()
    "tpu.region"() ({
      %run_scoped3A = tpu.sem_alloc : memref<!tpu.dma_semaphore, #tpu.memory_space<semaphore_mem>>
      %dma_start3A_544 = tpu.memref_slice %arg4[%add3A_446] : memref<1600000xi32, #tpu.memory_space<hbm>> -> memref<2000xi32, #tpu.memory_space<hbm>>
      %dma_start3A_545 = tpu.memref_slice %arg4[%add3A_446] : memref<1600000xi32, #tpu.memory_space<hbm>> -> memref<2000xi32, #tpu.memory_space<hbm>>
      tpu.enqueue_dma source(%dma_start3A_545 : memref<2000xi32, #tpu.memory_space<hbm>>) target(%arg11 : memref<2000xi32, #tpu.memory_space<vmem>>) target_semaphore(%run_scoped3A : memref<!tpu.dma_semaphore, #tpu.memory_space<semaphore_mem>>)
      %dma_wait3A_546 = tpu.memref_slice %arg4[%add3A_446] : memref<1600000xi32, #tpu.memory_space<hbm>> -> memref<2000xi32, #tpu.memory_space<hbm>>
      %dma_wait3A_547 = tpu.memref_slice %arg4[%add3A_446] : memref<1600000xi32, #tpu.memory_space<hbm>> -> memref<2000xi32, #tpu.memory_space<hbm>>
      tpu.wait_dma2 semaphore(%run_scoped3A : memref<!tpu.dma_semaphore, #tpu.memory_space<semaphore_mem>>) src(%dma_wait3A_547 : memref<2000xi32, #tpu.memory_space<hbm>>) dst(%arg11 : memref<2000xi32, #tpu.memory_space<vmem>>)
      tpu.yield
    }) : () -> ()
    %dma_start3A_447 = arith.constant 0 : i32
    %dma_start3A_448 = tpu.memref_slice %arg2[%dma_start3A_447] : memref<200000xf32, #tpu.memory_space<hbm>> -> memref<200000xf32, #tpu.memory_space<hbm>>
    tpu.enqueue_indirect_dma source(%dma_start3A_448 : memref<200000xf32, #tpu.memory_space<hbm>>) target(%arg13 : memref<2000xf32, #tpu.memory_space<vmem>>) offsets(%arg7 : memref<2000xi32, #tpu.memory_space<vmem>>) semaphore(%arg26 : memref<!tpu.dma_semaphore, #tpu.memory_space<semaphore_mem>>)
    %dma_wait3A_449 = arith.constant 0 : i32
    %dma_wait3A_450 = tpu.memref_slice %arg2[%dma_wait3A_449] : memref<200000xf32, #tpu.memory_space<hbm>> -> memref<200000xf32, #tpu.memory_space<hbm>>
    tpu.wait_indirect_dma semaphore(%arg27 : memref<!tpu.dma_semaphore, #tpu.memory_space<semaphore_mem>>) src(%dma_wait3A_450 : memref<200000xf32, #tpu.memory_space<hbm>>) dst(%arg14 : memref<2000xf32, #tpu.memory_space<vmem>>)
    %scan3A_451 = arith.constant 0 : i32
    %scan3A_452 = arith.constant 0 : i32
    %scan3A_453 = arith.constant 125 : i32
    %scan3A_454 = arith.addi %scan3A_452, %scan3A_453 : i32
    %scan3A_455 = arith.constant 1 : i32
    %scan3A_456 = scf.for %scan3A_544 = %scan3A_452 to %scan3A_454 step %scan3A_455 iter_args(%scan3A_545 = %scan3A_451) -> (i32)  : i32 {
      %mul3A_546 = arith.constant 16 : i32
      %mul3A_547 = arith.muli %scan3A_544, %mul3A_546 : i32
      %get3A = arith.index_cast %mul3A_547 : i32 to index
      %get3A_548 = tpu.vector_load %arg14[%get3A] {strides = array<i32>} : memref<2000xf32, #tpu.memory_space<vmem>>, vector<16xf32>,
      %get3A_549 = vector.shape_cast %get3A_548 : vector<16xf32> to vector<16xf32>
      %abs3A = math.absf %get3A_549 : vector<16xf32>
      %neg3A = arith.constant 0.000000e+00 : f32
      %neg3A_550 = vector.broadcast %neg3A : f32 to vector<16xf32>
      %neg3A_551 = arith.subf %neg3A_550, %abs3A : vector<16xf32>
      %mul3A_552 = arith.constant 16 : i32
      %mul3A_553 = arith.muli %scan3A_544, %mul3A_552 : i32
      %swap3A = arith.index_cast %mul3A_553 : i32 to index
      %swap3A_554 = tpu.vector_load %arg16[%swap3A] {strides = array<i32>} : memref<2000xf32, #tpu.memory_space<vmem>>, vector<16xf32>,
      %swap3A_555 = vector.shape_cast %swap3A_554 : vector<16xf32> to vector<16xf32>
      %swap3A_556 = vector.shape_cast %neg3A_551 : vector<16xf32> to vector<16xf32>
      tpu.vector_store %arg16[%swap3A], %swap3A_556 {strides = array<i32>} : memref<2000xf32, #tpu.memory_space<vmem>>, vector<16xf32>,
      %lt3A_557 = arith.constant 0.000000e+00 : f32
      %lt3A_558 = vector.broadcast %lt3A_557 : f32 to vector<16xf32>
      %lt3A_559 = arith.cmpf olt, %get3A_549, %lt3A_558 : vector<16xf32>
      %jit3A = arith.constant 1.000000e+00 : f32
      %jit3A_560 = arith.constant 0.000000e+00 : f32
      %broadcast_in_dim3A = vector.broadcast %jit3A : f32 to vector<16xf32>
      %broadcast_in_dim3A_561 = vector.broadcast %jit3A_560 : f32 to vector<16xf32>
      %select_n3A = arith.select %lt3A_559, %broadcast_in_dim3A, %broadcast_in_dim3A_561 : vector<16xi1>, vector<16xf32>
      %mul3A_562 = arith.constant 16 : i32
      %mul3A_563 = arith.muli %scan3A_544, %mul3A_562 : i32
      %swap3A_564 = arith.index_cast %mul3A_563 : i32 to index
      %swap3A_565 = tpu.vector_load %arg20[%swap3A_564] {strides = array<i32>} : memref<2000xf32, #tpu.memory_space<vmem>>, vector<16xf32>,
      %swap3A_566 = vector.shape_cast %swap3A_565 : vector<16xf32> to vector<16xf32>
      %swap3A_567 = vector.shape_cast %select_n3A : vector<16xf32> to vector<16xf32>
      tpu.vector_store %arg20[%swap3A_564], %swap3A_567 {strides = array<i32>} : memref<2000xf32, #tpu.memory_space<vmem>>, vector<16xf32>,
      %scan3A_568 = arith.constant 0 : i32
      scf.yield %scan3A_568 : i32
    }
    %scan3A_457 = arith.constant 125 : i32
    %dma_start3A_458 = arith.constant 0 : i32
    %dma_start3A_459 = tpu.memref_slice %arg24[%dma_start3A_458] : memref<100000xf32, #tpu.memory_space<vmem_shared>> -> memref<100000xf32, #tpu.memory_space<vmem_shared>>
    tpu.enqueue_indirect_dma source(%arg16 : memref<2000xf32, #tpu.memory_space<vmem>>) target(%dma_start3A_459 : memref<100000xf32, #tpu.memory_space<vmem_shared>>) offsets(%arg10 : memref<2000xi32, #tpu.memory_space<vmem>>) semaphore(%arg29 : memref<!tpu.dma_semaphore, #tpu.memory_space<semaphore_mem>>) {add = true}
    %dma_start3A_460 = arith.constant 0 : i32
    %dma_start3A_461 = tpu.memref_slice %arg25[%dma_start3A_460] : memref<100000xf32, #tpu.memory_space<vmem_shared>> -> memref<100000xf32, #tpu.memory_space<vmem_shared>>
    tpu.enqueue_indirect_dma source(%arg20 : memref<2000xf32, #tpu.memory_space<vmem>>) target(%dma_start3A_461 : memref<100000xf32, #tpu.memory_space<vmem_shared>>) offsets(%arg10 : memref<2000xi32, #tpu.memory_space<vmem>>) semaphore(%arg29 : memref<!tpu.dma_semaphore, #tpu.memory_space<semaphore_mem>>) {add = true}
    %dma_wait3A_462 = arith.constant 0 : i32
    %dma_wait3A_463 = tpu.memref_slice %arg24[%dma_wait3A_462] : memref<100000xf32, #tpu.memory_space<vmem_shared>> -> memref<100000xf32, #tpu.memory_space<vmem_shared>>
    tpu.wait_indirect_dma semaphore(%arg31 : memref<!tpu.dma_semaphore, #tpu.memory_space<semaphore_mem>>) src(%arg18 : memref<2000xf32, #tpu.memory_space<vmem>>) dst(%dma_wait3A_463 : memref<100000xf32, #tpu.memory_space<vmem_shared>>)
    %dma_wait3A_464 = arith.constant 0 : i32
    %dma_wait3A_465 = tpu.memref_slice %arg25[%dma_wait3A_464] : memref<100000xf32, #tpu.memory_space<vmem_shared>> -> memref<100000xf32, #tpu.memory_space<vmem_shared>>
    tpu.wait_indirect_dma semaphore(%arg31 : memref<!tpu.dma_semaphore, #tpu.memory_space<semaphore_mem>>) src(%arg22 : memref<2000xf32, #tpu.memory_space<vmem>>) dst(%dma_wait3A_465 : memref<100000xf32, #tpu.memory_space<vmem_shared>>)
    %add3A_466 = arith.constant 46000 : i32
    %add3A_467 = arith.addi %add3A, %add3A_466 : i32
    "tpu.region"() ({
      %run_scoped3A = tpu.sem_alloc : memref<!tpu.dma_semaphore, #tpu.memory_space<semaphore_mem>>
      %dma_start3A_544 = tpu.memref_slice %arg3[%add3A_467] : memref<1600000xi32, #tpu.memory_space<hbm>> -> memref<2000xi32, #tpu.memory_space<hbm>>
      %dma_start3A_545 = tpu.memref_slice %arg3[%add3A_467] : memref<1600000xi32, #tpu.memory_space<hbm>> -> memref<2000xi32, #tpu.memory_space<hbm>>
      tpu.enqueue_dma source(%dma_start3A_545 : memref<2000xi32, #tpu.memory_space<hbm>>) target(%arg8 : memref<2000xi32, #tpu.memory_space<vmem>>) target_semaphore(%run_scoped3A : memref<!tpu.dma_semaphore, #tpu.memory_space<semaphore_mem>>)
      %dma_wait3A_546 = tpu.memref_slice %arg3[%add3A_467] : memref<1600000xi32, #tpu.memory_space<hbm>> -> memref<2000xi32, #tpu.memory_space<hbm>>
      %dma_wait3A_547 = tpu.memref_slice %arg3[%add3A_467] : memref<1600000xi32, #tpu.memory_space<hbm>> -> memref<2000xi32, #tpu.memory_space<hbm>>
      tpu.wait_dma2 semaphore(%run_scoped3A : memref<!tpu.dma_semaphore, #tpu.memory_space<semaphore_mem>>) src(%dma_wait3A_547 : memref<2000xi32, #tpu.memory_space<hbm>>) dst(%arg8 : memref<2000xi32, #tpu.memory_space<vmem>>)
      tpu.yield
    }) : () -> ()
    "tpu.region"() ({
      %run_scoped3A = tpu.sem_alloc : memref<!tpu.dma_semaphore, #tpu.memory_space<semaphore_mem>>
      %dma_start3A_544 = tpu.memref_slice %arg4[%add3A_467] : memref<1600000xi32, #tpu.memory_space<hbm>> -> memref<2000xi32, #tpu.memory_space<hbm>>
      %dma_start3A_545 = tpu.memref_slice %arg4[%add3A_467] : memref<1600000xi32, #tpu.memory_space<hbm>> -> memref<2000xi32, #tpu.memory_space<hbm>>
      tpu.enqueue_dma source(%dma_start3A_545 : memref<2000xi32, #tpu.memory_space<hbm>>) target(%arg12 : memref<2000xi32, #tpu.memory_space<vmem>>) target_semaphore(%run_scoped3A : memref<!tpu.dma_semaphore, #tpu.memory_space<semaphore_mem>>)
      %dma_wait3A_546 = tpu.memref_slice %arg4[%add3A_467] : memref<1600000xi32, #tpu.memory_space<hbm>> -> memref<2000xi32, #tpu.memory_space<hbm>>
      %dma_wait3A_547 = tpu.memref_slice %arg4[%add3A_467] : memref<1600000xi32, #tpu.memory_space<hbm>> -> memref<2000xi32, #tpu.memory_space<hbm>>
      tpu.wait_dma2 semaphore(%run_scoped3A : memref<!tpu.dma_semaphore, #tpu.memory_space<semaphore_mem>>) src(%dma_wait3A_547 : memref<2000xi32, #tpu.memory_space<hbm>>) dst(%arg12 : memref<2000xi32, #tpu.memory_space<vmem>>)
      tpu.yield
    }) : () -> ()
    %dma_start3A_468 = arith.constant 0 : i32
    %dma_start3A_469 = tpu.memref_slice %arg2[%dma_start3A_468] : memref<200000xf32, #tpu.memory_space<hbm>> -> memref<200000xf32, #tpu.memory_space<hbm>>
    tpu.enqueue_indirect_dma source(%dma_start3A_469 : memref<200000xf32, #tpu.memory_space<hbm>>) target(%arg14 : memref<2000xf32, #tpu.memory_space<vmem>>) offsets(%arg8 : memref<2000xi32, #tpu.memory_space<vmem>>) semaphore(%arg27 : memref<!tpu.dma_semaphore, #tpu.memory_space<semaphore_mem>>)
    %dma_wait3A_470 = arith.constant 0 : i32
    %dma_wait3A_471 = tpu.memref_slice %arg2[%dma_wait3A_470] : memref<200000xf32, #tpu.memory_space<hbm>> -> memref<200000xf32, #tpu.memory_space<hbm>>
    tpu.wait_indirect_dma semaphore(%arg26 : memref<!tpu.dma_semaphore, #tpu.memory_space<semaphore_mem>>) src(%dma_wait3A_471 : memref<200000xf32, #tpu.memory_space<hbm>>) dst(%arg13 : memref<2000xf32, #tpu.memory_space<vmem>>)
    %scan3A_472 = arith.constant 0 : i32
    %scan3A_473 = arith.constant 0 : i32
    %scan3A_474 = arith.constant 125 : i32
    %scan3A_475 = arith.addi %scan3A_473, %scan3A_474 : i32
    %scan3A_476 = arith.constant 1 : i32
    %scan3A_477 = scf.for %scan3A_544 = %scan3A_473 to %scan3A_475 step %scan3A_476 iter_args(%scan3A_545 = %scan3A_472) -> (i32)  : i32 {
      %mul3A_546 = arith.constant 16 : i32
      %mul3A_547 = arith.muli %scan3A_544, %mul3A_546 : i32
      %get3A = arith.index_cast %mul3A_547 : i32 to index
      %get3A_548 = tpu.vector_load %arg13[%get3A] {strides = array<i32>} : memref<2000xf32, #tpu.memory_space<vmem>>, vector<16xf32>,
      %get3A_549 = vector.shape_cast %get3A_548 : vector<16xf32> to vector<16xf32>
      %abs3A = math.absf %get3A_549 : vector<16xf32>
      %neg3A = arith.constant 0.000000e+00 : f32
      %neg3A_550 = vector.broadcast %neg3A : f32 to vector<16xf32>
      %neg3A_551 = arith.subf %neg3A_550, %abs3A : vector<16xf32>
      %mul3A_552 = arith.constant 16 : i32
      %mul3A_553 = arith.muli %scan3A_544, %mul3A_552 : i32
      %swap3A = arith.index_cast %mul3A_553 : i32 to index
      %swap3A_554 = tpu.vector_load %arg17[%swap3A] {strides = array<i32>} : memref<2000xf32, #tpu.memory_space<vmem>>, vector<16xf32>,
      %swap3A_555 = vector.shape_cast %swap3A_554 : vector<16xf32> to vector<16xf32>
      %swap3A_556 = vector.shape_cast %neg3A_551 : vector<16xf32> to vector<16xf32>
      tpu.vector_store %arg17[%swap3A], %swap3A_556 {strides = array<i32>} : memref<2000xf32, #tpu.memory_space<vmem>>, vector<16xf32>,
      %lt3A_557 = arith.constant 0.000000e+00 : f32
      %lt3A_558 = vector.broadcast %lt3A_557 : f32 to vector<16xf32>
      %lt3A_559 = arith.cmpf olt, %get3A_549, %lt3A_558 : vector<16xf32>
      %jit3A = arith.constant 1.000000e+00 : f32
      %jit3A_560 = arith.constant 0.000000e+00 : f32
      %broadcast_in_dim3A = vector.broadcast %jit3A : f32 to vector<16xf32>
      %broadcast_in_dim3A_561 = vector.broadcast %jit3A_560 : f32 to vector<16xf32>
      %select_n3A = arith.select %lt3A_559, %broadcast_in_dim3A, %broadcast_in_dim3A_561 : vector<16xi1>, vector<16xf32>
      %mul3A_562 = arith.constant 16 : i32
      %mul3A_563 = arith.muli %scan3A_544, %mul3A_562 : i32
      %swap3A_564 = arith.index_cast %mul3A_563 : i32 to index
      %swap3A_565 = tpu.vector_load %arg21[%swap3A_564] {strides = array<i32>} : memref<2000xf32, #tpu.memory_space<vmem>>, vector<16xf32>,
      %swap3A_566 = vector.shape_cast %swap3A_565 : vector<16xf32> to vector<16xf32>
      %swap3A_567 = vector.shape_cast %select_n3A : vector<16xf32> to vector<16xf32>
      tpu.vector_store %arg21[%swap3A_564], %swap3A_567 {strides = array<i32>} : memref<2000xf32, #tpu.memory_space<vmem>>, vector<16xf32>,
      %scan3A_568 = arith.constant 0 : i32
      scf.yield %scan3A_568 : i32
    }
    %scan3A_478 = arith.constant 125 : i32
    %dma_start3A_479 = arith.constant 0 : i32
    %dma_start3A_480 = tpu.memref_slice %arg24[%dma_start3A_479] : memref<100000xf32, #tpu.memory_space<vmem_shared>> -> memref<100000xf32, #tpu.memory_space<vmem_shared>>
    tpu.enqueue_indirect_dma source(%arg17 : memref<2000xf32, #tpu.memory_space<vmem>>) target(%dma_start3A_480 : memref<100000xf32, #tpu.memory_space<vmem_shared>>) offsets(%arg11 : memref<2000xi32, #tpu.memory_space<vmem>>) semaphore(%arg30 : memref<!tpu.dma_semaphore, #tpu.memory_space<semaphore_mem>>) {add = true}
    %dma_start3A_481 = arith.constant 0 : i32
    %dma_start3A_482 = tpu.memref_slice %arg25[%dma_start3A_481] : memref<100000xf32, #tpu.memory_space<vmem_shared>> -> memref<100000xf32, #tpu.memory_space<vmem_shared>>
    tpu.enqueue_indirect_dma source(%arg21 : memref<2000xf32, #tpu.memory_space<vmem>>) target(%dma_start3A_482 : memref<100000xf32, #tpu.memory_space<vmem_shared>>) offsets(%arg11 : memref<2000xi32, #tpu.memory_space<vmem>>) semaphore(%arg30 : memref<!tpu.dma_semaphore, #tpu.memory_space<semaphore_mem>>) {add = true}
    %dma_wait3A_483 = arith.constant 0 : i32
    %dma_wait3A_484 = tpu.memref_slice %arg24[%dma_wait3A_483] : memref<100000xf32, #tpu.memory_space<vmem_shared>> -> memref<100000xf32, #tpu.memory_space<vmem_shared>>
    tpu.wait_indirect_dma semaphore(%arg28 : memref<!tpu.dma_semaphore, #tpu.memory_space<semaphore_mem>>) src(%arg15 : memref<2000xf32, #tpu.memory_space<vmem>>) dst(%dma_wait3A_484 : memref<100000xf32, #tpu.memory_space<vmem_shared>>)
    %dma_wait3A_485 = arith.constant 0 : i32
    %dma_wait3A_486 = tpu.memref_slice %arg25[%dma_wait3A_485] : memref<100000xf32, #tpu.memory_space<vmem_shared>> -> memref<100000xf32, #tpu.memory_space<vmem_shared>>
    tpu.wait_indirect_dma semaphore(%arg28 : memref<!tpu.dma_semaphore, #tpu.memory_space<semaphore_mem>>) src(%arg19 : memref<2000xf32, #tpu.memory_space<vmem>>) dst(%dma_wait3A_486 : memref<100000xf32, #tpu.memory_space<vmem_shared>>)
    %add3A_487 = arith.constant 48000 : i32
    %add3A_488 = arith.addi %add3A, %add3A_487 : i32
    "tpu.region"() ({
      %run_scoped3A = tpu.sem_alloc : memref<!tpu.dma_semaphore, #tpu.memory_space<semaphore_mem>>
      %dma_start3A_544 = tpu.memref_slice %arg3[%add3A_488] : memref<1600000xi32, #tpu.memory_space<hbm>> -> memref<2000xi32, #tpu.memory_space<hbm>>
      %dma_start3A_545 = tpu.memref_slice %arg3[%add3A_488] : memref<1600000xi32, #tpu.memory_space<hbm>> -> memref<2000xi32, #tpu.memory_space<hbm>>
      tpu.enqueue_dma source(%dma_start3A_545 : memref<2000xi32, #tpu.memory_space<hbm>>) target(%arg7 : memref<2000xi32, #tpu.memory_space<vmem>>) target_semaphore(%run_scoped3A : memref<!tpu.dma_semaphore, #tpu.memory_space<semaphore_mem>>)
      %dma_wait3A_546 = tpu.memref_slice %arg3[%add3A_488] : memref<1600000xi32, #tpu.memory_space<hbm>> -> memref<2000xi32, #tpu.memory_space<hbm>>
      %dma_wait3A_547 = tpu.memref_slice %arg3[%add3A_488] : memref<1600000xi32, #tpu.memory_space<hbm>> -> memref<2000xi32, #tpu.memory_space<hbm>>
      tpu.wait_dma2 semaphore(%run_scoped3A : memref<!tpu.dma_semaphore, #tpu.memory_space<semaphore_mem>>) src(%dma_wait3A_547 : memref<2000xi32, #tpu.memory_space<hbm>>) dst(%arg7 : memref<2000xi32, #tpu.memory_space<vmem>>)
      tpu.yield
    }) : () -> ()
    "tpu.region"() ({
      %run_scoped3A = tpu.sem_alloc : memref<!tpu.dma_semaphore, #tpu.memory_space<semaphore_mem>>
      %dma_start3A_544 = tpu.memref_slice %arg4[%add3A_488] : memref<1600000xi32, #tpu.memory_space<hbm>> -> memref<2000xi32, #tpu.memory_space<hbm>>
      %dma_start3A_545 = tpu.memref_slice %arg4[%add3A_488] : memref<1600000xi32, #tpu.memory_space<hbm>> -> memref<2000xi32, #tpu.memory_space<hbm>>
      tpu.enqueue_dma source(%dma_start3A_545 : memref<2000xi32, #tpu.memory_space<hbm>>) target(%arg9 : memref<2000xi32, #tpu.memory_space<vmem>>) target_semaphore(%run_scoped3A : memref<!tpu.dma_semaphore, #tpu.memory_space<semaphore_mem>>)
      %dma_wait3A_546 = tpu.memref_slice %arg4[%add3A_488] : memref<1600000xi32, #tpu.memory_space<hbm>> -> memref<2000xi32, #tpu.memory_space<hbm>>
      %dma_wait3A_547 = tpu.memref_slice %arg4[%add3A_488] : memref<1600000xi32, #tpu.memory_space<hbm>> -> memref<2000xi32, #tpu.memory_space<hbm>>
      tpu.wait_dma2 semaphore(%run_scoped3A : memref<!tpu.dma_semaphore, #tpu.memory_space<semaphore_mem>>) src(%dma_wait3A_547 : memref<2000xi32, #tpu.memory_space<hbm>>) dst(%arg9 : memref<2000xi32, #tpu.memory_space<vmem>>)
      tpu.yield
    }) : () -> ()
    %dma_start3A_489 = arith.constant 0 : i32
    %dma_start3A_490 = tpu.memref_slice %arg2[%dma_start3A_489] : memref<200000xf32, #tpu.memory_space<hbm>> -> memref<200000xf32, #tpu.memory_space<hbm>>
    tpu.enqueue_indirect_dma source(%dma_start3A_490 : memref<200000xf32, #tpu.memory_space<hbm>>) target(%arg13 : memref<2000xf32, #tpu.memory_space<vmem>>) offsets(%arg7 : memref<2000xi32, #tpu.memory_space<vmem>>) semaphore(%arg26 : memref<!tpu.dma_semaphore, #tpu.memory_space<semaphore_mem>>)
    %dma_wait3A_491 = arith.constant 0 : i32
    %dma_wait3A_492 = tpu.memref_slice %arg2[%dma_wait3A_491] : memref<200000xf32, #tpu.memory_space<hbm>> -> memref<200000xf32, #tpu.memory_space<hbm>>
    tpu.wait_indirect_dma semaphore(%arg27 : memref<!tpu.dma_semaphore, #tpu.memory_space<semaphore_mem>>) src(%dma_wait3A_492 : memref<200000xf32, #tpu.memory_space<hbm>>) dst(%arg14 : memref<2000xf32, #tpu.memory_space<vmem>>)
    %scan3A_493 = arith.constant 0 : i32
    %scan3A_494 = arith.constant 0 : i32
    %scan3A_495 = arith.constant 125 : i32
    %scan3A_496 = arith.addi %scan3A_494, %scan3A_495 : i32
    %scan3A_497 = arith.constant 1 : i32
    %scan3A_498 = scf.for %scan3A_544 = %scan3A_494 to %scan3A_496 step %scan3A_497 iter_args(%scan3A_545 = %scan3A_493) -> (i32)  : i32 {
      %mul3A_546 = arith.constant 16 : i32
      %mul3A_547 = arith.muli %scan3A_544, %mul3A_546 : i32
      %get3A = arith.index_cast %mul3A_547 : i32 to index
      %get3A_548 = tpu.vector_load %arg14[%get3A] {strides = array<i32>} : memref<2000xf32, #tpu.memory_space<vmem>>, vector<16xf32>,
      %get3A_549 = vector.shape_cast %get3A_548 : vector<16xf32> to vector<16xf32>
      %abs3A = math.absf %get3A_549 : vector<16xf32>
      %neg3A = arith.constant 0.000000e+00 : f32
      %neg3A_550 = vector.broadcast %neg3A : f32 to vector<16xf32>
      %neg3A_551 = arith.subf %neg3A_550, %abs3A : vector<16xf32>
      %mul3A_552 = arith.constant 16 : i32
      %mul3A_553 = arith.muli %scan3A_544, %mul3A_552 : i32
      %swap3A = arith.index_cast %mul3A_553 : i32 to index
      %swap3A_554 = tpu.vector_load %arg18[%swap3A] {strides = array<i32>} : memref<2000xf32, #tpu.memory_space<vmem>>, vector<16xf32>,
      %swap3A_555 = vector.shape_cast %swap3A_554 : vector<16xf32> to vector<16xf32>
      %swap3A_556 = vector.shape_cast %neg3A_551 : vector<16xf32> to vector<16xf32>
      tpu.vector_store %arg18[%swap3A], %swap3A_556 {strides = array<i32>} : memref<2000xf32, #tpu.memory_space<vmem>>, vector<16xf32>,
      %lt3A_557 = arith.constant 0.000000e+00 : f32
      %lt3A_558 = vector.broadcast %lt3A_557 : f32 to vector<16xf32>
      %lt3A_559 = arith.cmpf olt, %get3A_549, %lt3A_558 : vector<16xf32>
      %jit3A = arith.constant 1.000000e+00 : f32
      %jit3A_560 = arith.constant 0.000000e+00 : f32
      %broadcast_in_dim3A = vector.broadcast %jit3A : f32 to vector<16xf32>
      %broadcast_in_dim3A_561 = vector.broadcast %jit3A_560 : f32 to vector<16xf32>
      %select_n3A = arith.select %lt3A_559, %broadcast_in_dim3A, %broadcast_in_dim3A_561 : vector<16xi1>, vector<16xf32>
      %mul3A_562 = arith.constant 16 : i32
      %mul3A_563 = arith.muli %scan3A_544, %mul3A_562 : i32
      %swap3A_564 = arith.index_cast %mul3A_563 : i32 to index
      %swap3A_565 = tpu.vector_load %arg22[%swap3A_564] {strides = array<i32>} : memref<2000xf32, #tpu.memory_space<vmem>>, vector<16xf32>,
      %swap3A_566 = vector.shape_cast %swap3A_565 : vector<16xf32> to vector<16xf32>
      %swap3A_567 = vector.shape_cast %select_n3A : vector<16xf32> to vector<16xf32>
      tpu.vector_store %arg22[%swap3A_564], %swap3A_567 {strides = array<i32>} : memref<2000xf32, #tpu.memory_space<vmem>>, vector<16xf32>,
      %scan3A_568 = arith.constant 0 : i32
      scf.yield %scan3A_568 : i32
    }
    %scan3A_499 = arith.constant 125 : i32
    %dma_start3A_500 = arith.constant 0 : i32
    %dma_start3A_501 = tpu.memref_slice %arg24[%dma_start3A_500] : memref<100000xf32, #tpu.memory_space<vmem_shared>> -> memref<100000xf32, #tpu.memory_space<vmem_shared>>
    tpu.enqueue_indirect_dma source(%arg18 : memref<2000xf32, #tpu.memory_space<vmem>>) target(%dma_start3A_501 : memref<100000xf32, #tpu.memory_space<vmem_shared>>) offsets(%arg12 : memref<2000xi32, #tpu.memory_space<vmem>>) semaphore(%arg31 : memref<!tpu.dma_semaphore, #tpu.memory_space<semaphore_mem>>) {add = true}
    %dma_start3A_502 = arith.constant 0 : i32
    %dma_start3A_503 = tpu.memref_slice %arg25[%dma_start3A_502] : memref<100000xf32, #tpu.memory_space<vmem_shared>> -> memref<100000xf32, #tpu.memory_space<vmem_shared>>
    tpu.enqueue_indirect_dma source(%arg22 : memref<2000xf32, #tpu.memory_space<vmem>>) target(%dma_start3A_503 : memref<100000xf32, #tpu.memory_space<vmem_shared>>) offsets(%arg12 : memref<2000xi32, #tpu.memory_space<vmem>>) semaphore(%arg31 : memref<!tpu.dma_semaphore, #tpu.memory_space<semaphore_mem>>) {add = true}
    %dma_wait3A_504 = arith.constant 0 : i32
    %dma_wait3A_505 = tpu.memref_slice %arg2[%dma_wait3A_504] : memref<200000xf32, #tpu.memory_space<hbm>> -> memref<200000xf32, #tpu.memory_space<hbm>>
    tpu.wait_indirect_dma semaphore(%arg26 : memref<!tpu.dma_semaphore, #tpu.memory_space<semaphore_mem>>) src(%dma_wait3A_505 : memref<200000xf32, #tpu.memory_space<hbm>>) dst(%arg13 : memref<2000xf32, #tpu.memory_space<vmem>>)
    %scan3A_506 = arith.constant 0 : i32
    %scan3A_507 = arith.constant 0 : i32
    %scan3A_508 = arith.constant 125 : i32
    %scan3A_509 = arith.addi %scan3A_507, %scan3A_508 : i32
    %scan3A_510 = arith.constant 1 : i32
    %scan3A_511 = scf.for %scan3A_544 = %scan3A_507 to %scan3A_509 step %scan3A_510 iter_args(%scan3A_545 = %scan3A_506) -> (i32)  : i32 {
      %mul3A_546 = arith.constant 16 : i32
      %mul3A_547 = arith.muli %scan3A_544, %mul3A_546 : i32
      %get3A = arith.index_cast %mul3A_547 : i32 to index
      %get3A_548 = tpu.vector_load %arg13[%get3A] {strides = array<i32>} : memref<2000xf32, #tpu.memory_space<vmem>>, vector<16xf32>,
      %get3A_549 = vector.shape_cast %get3A_548 : vector<16xf32> to vector<16xf32>
      %abs3A = math.absf %get3A_549 : vector<16xf32>
      %neg3A = arith.constant 0.000000e+00 : f32
      %neg3A_550 = vector.broadcast %neg3A : f32 to vector<16xf32>
      %neg3A_551 = arith.subf %neg3A_550, %abs3A : vector<16xf32>
      %mul3A_552 = arith.constant 16 : i32
      %mul3A_553 = arith.muli %scan3A_544, %mul3A_552 : i32
      %swap3A = arith.index_cast %mul3A_553 : i32 to index
      %swap3A_554 = tpu.vector_load %arg15[%swap3A] {strides = array<i32>} : memref<2000xf32, #tpu.memory_space<vmem>>, vector<16xf32>,
      %swap3A_555 = vector.shape_cast %swap3A_554 : vector<16xf32> to vector<16xf32>
      %swap3A_556 = vector.shape_cast %neg3A_551 : vector<16xf32> to vector<16xf32>
      tpu.vector_store %arg15[%swap3A], %swap3A_556 {strides = array<i32>} : memref<2000xf32, #tpu.memory_space<vmem>>, vector<16xf32>,
      %lt3A_557 = arith.constant 0.000000e+00 : f32
      %lt3A_558 = vector.broadcast %lt3A_557 : f32 to vector<16xf32>
      %lt3A_559 = arith.cmpf olt, %get3A_549, %lt3A_558 : vector<16xf32>
      %jit3A = arith.constant 1.000000e+00 : f32
      %jit3A_560 = arith.constant 0.000000e+00 : f32
      %broadcast_in_dim3A = vector.broadcast %jit3A : f32 to vector<16xf32>
      %broadcast_in_dim3A_561 = vector.broadcast %jit3A_560 : f32 to vector<16xf32>
      %select_n3A = arith.select %lt3A_559, %broadcast_in_dim3A, %broadcast_in_dim3A_561 : vector<16xi1>, vector<16xf32>
      %mul3A_562 = arith.constant 16 : i32
      %mul3A_563 = arith.muli %scan3A_544, %mul3A_562 : i32
      %swap3A_564 = arith.index_cast %mul3A_563 : i32 to index
      %swap3A_565 = tpu.vector_load %arg19[%swap3A_564] {strides = array<i32>} : memref<2000xf32, #tpu.memory_space<vmem>>, vector<16xf32>,
      %swap3A_566 = vector.shape_cast %swap3A_565 : vector<16xf32> to vector<16xf32>
      %swap3A_567 = vector.shape_cast %select_n3A : vector<16xf32> to vector<16xf32>
      tpu.vector_store %arg19[%swap3A_564], %swap3A_567 {strides = array<i32>} : memref<2000xf32, #tpu.memory_space<vmem>>, vector<16xf32>,
      %scan3A_568 = arith.constant 0 : i32
      scf.yield %scan3A_568 : i32
    }
    %scan3A_512 = arith.constant 125 : i32
    %dma_start3A_513 = arith.constant 0 : i32
    %dma_start3A_514 = tpu.memref_slice %arg24[%dma_start3A_513] : memref<100000xf32, #tpu.memory_space<vmem_shared>> -> memref<100000xf32, #tpu.memory_space<vmem_shared>>
    tpu.enqueue_indirect_dma source(%arg15 : memref<2000xf32, #tpu.memory_space<vmem>>) target(%dma_start3A_514 : memref<100000xf32, #tpu.memory_space<vmem_shared>>) offsets(%arg9 : memref<2000xi32, #tpu.memory_space<vmem>>) semaphore(%arg28 : memref<!tpu.dma_semaphore, #tpu.memory_space<semaphore_mem>>) {add = true}
    %dma_start3A_515 = arith.constant 0 : i32
    %dma_start3A_516 = tpu.memref_slice %arg25[%dma_start3A_515] : memref<100000xf32, #tpu.memory_space<vmem_shared>> -> memref<100000xf32, #tpu.memory_space<vmem_shared>>
    tpu.enqueue_indirect_dma source(%arg19 : memref<2000xf32, #tpu.memory_space<vmem>>) target(%dma_start3A_516 : memref<100000xf32, #tpu.memory_space<vmem_shared>>) offsets(%arg9 : memref<2000xi32, #tpu.memory_space<vmem>>) semaphore(%arg28 : memref<!tpu.dma_semaphore, #tpu.memory_space<semaphore_mem>>) {add = true}
    %dma_wait3A_517 = arith.constant 0 : i32
    %dma_wait3A_518 = tpu.memref_slice %arg24[%dma_wait3A_517] : memref<100000xf32, #tpu.memory_space<vmem_shared>> -> memref<100000xf32, #tpu.memory_space<vmem_shared>>
    tpu.wait_indirect_dma semaphore(%arg28 : memref<!tpu.dma_semaphore, #tpu.memory_space<semaphore_mem>>) src(%arg15 : memref<2000xf32, #tpu.memory_space<vmem>>) dst(%dma_wait3A_518 : memref<100000xf32, #tpu.memory_space<vmem_shared>>)
    %dma_wait3A_519 = arith.constant 0 : i32
    %dma_wait3A_520 = tpu.memref_slice %arg25[%dma_wait3A_519] : memref<100000xf32, #tpu.memory_space<vmem_shared>> -> memref<100000xf32, #tpu.memory_space<vmem_shared>>
    tpu.wait_indirect_dma semaphore(%arg28 : memref<!tpu.dma_semaphore, #tpu.memory_space<semaphore_mem>>) src(%arg19 : memref<2000xf32, #tpu.memory_space<vmem>>) dst(%dma_wait3A_520 : memref<100000xf32, #tpu.memory_space<vmem_shared>>)
    %dma_wait3A_521 = arith.constant 0 : i32
    %dma_wait3A_522 = tpu.memref_slice %arg24[%dma_wait3A_521] : memref<100000xf32, #tpu.memory_space<vmem_shared>> -> memref<100000xf32, #tpu.memory_space<vmem_shared>>
    tpu.wait_indirect_dma semaphore(%arg29 : memref<!tpu.dma_semaphore, #tpu.memory_space<semaphore_mem>>) src(%arg16 : memref<2000xf32, #tpu.memory_space<vmem>>) dst(%dma_wait3A_522 : memref<100000xf32, #tpu.memory_space<vmem_shared>>)
    %dma_wait3A_523 = arith.constant 0 : i32
    %dma_wait3A_524 = tpu.memref_slice %arg25[%dma_wait3A_523] : memref<100000xf32, #tpu.memory_space<vmem_shared>> -> memref<100000xf32, #tpu.memory_space<vmem_shared>>
    tpu.wait_indirect_dma semaphore(%arg29 : memref<!tpu.dma_semaphore, #tpu.memory_space<semaphore_mem>>) src(%arg20 : memref<2000xf32, #tpu.memory_space<vmem>>) dst(%dma_wait3A_524 : memref<100000xf32, #tpu.memory_space<vmem_shared>>)
    %dma_wait3A_525 = arith.constant 0 : i32
    %dma_wait3A_526 = tpu.memref_slice %arg24[%dma_wait3A_525] : memref<100000xf32, #tpu.memory_space<vmem_shared>> -> memref<100000xf32, #tpu.memory_space<vmem_shared>>
    tpu.wait_indirect_dma semaphore(%arg30 : memref<!tpu.dma_semaphore, #tpu.memory_space<semaphore_mem>>) src(%arg17 : memref<2000xf32, #tpu.memory_space<vmem>>) dst(%dma_wait3A_526 : memref<100000xf32, #tpu.memory_space<vmem_shared>>)
    %dma_wait3A_527 = arith.constant 0 : i32
    %dma_wait3A_528 = tpu.memref_slice %arg25[%dma_wait3A_527] : memref<100000xf32, #tpu.memory_space<vmem_shared>> -> memref<100000xf32, #tpu.memory_space<vmem_shared>>
    tpu.wait_indirect_dma semaphore(%arg30 : memref<!tpu.dma_semaphore, #tpu.memory_space<semaphore_mem>>) src(%arg21 : memref<2000xf32, #tpu.memory_space<vmem>>) dst(%dma_wait3A_528 : memref<100000xf32, #tpu.memory_space<vmem_shared>>)
    %dma_wait3A_529 = arith.constant 0 : i32
    %dma_wait3A_530 = tpu.memref_slice %arg24[%dma_wait3A_529] : memref<100000xf32, #tpu.memory_space<vmem_shared>> -> memref<100000xf32, #tpu.memory_space<vmem_shared>>
    tpu.wait_indirect_dma semaphore(%arg31 : memref<!tpu.dma_semaphore, #tpu.memory_space<semaphore_mem>>) src(%arg18 : memref<2000xf32, #tpu.memory_space<vmem>>) dst(%dma_wait3A_530 : memref<100000xf32, #tpu.memory_space<vmem_shared>>)
    %dma_wait3A_531 = arith.constant 0 : i32
    %dma_wait3A_532 = tpu.memref_slice %arg25[%dma_wait3A_531] : memref<100000xf32, #tpu.memory_space<vmem_shared>> -> memref<100000xf32, #tpu.memory_space<vmem_shared>>
    tpu.wait_indirect_dma semaphore(%arg31 : memref<!tpu.dma_semaphore, #tpu.memory_space<semaphore_mem>>) src(%arg22 : memref<2000xf32, #tpu.memory_space<vmem>>) dst(%dma_wait3A_532 : memref<100000xf32, #tpu.memory_space<vmem_shared>>)
    %barrier3A_533 = arith.constant 0 : index
    tpu.barrier barrier_id(%barrier3A_533)
    %lt3A_534 = arith.constant 15 : i32
    %lt3A_535 = arith.cmpi slt, %arg1, %lt3A_534 : i32
    %convert_element_type3A_536 = arith.extui %lt3A_535 : i1 to i32
    %cond3A_537 = arith.constant 0 : i32
    %cond3A_538 = arith.cmpi ne, %convert_element_type3A_536, %cond3A_537 : i32
    scf.if %cond3A_538 {
      %mul3A_544 = arith.constant 6400 : i32
      %mul3A_545 = arith.muli %arg1, %mul3A_544 : i32
      %mul3A_546 = arith.constant 2 : i32
      %mul3A_547 = arith.muli %arg0, %mul3A_546 : i32
      %mul3A_548 = arith.constant 100000 : i32
      %mul3A_549 = arith.muli %mul3A_547, %mul3A_548 : i32
      "tpu.region"() ({
        %run_scoped3A = tpu.sem_alloc : memref<!tpu.dma_semaphore, #tpu.memory_space<semaphore_mem>>
        %dma_start3A_554 = arith.constant 0 : i32
        %dma_start3A_555 = tpu.memref_slice %arg23[%dma_start3A_554] : memref<6400xf32, #tpu.memory_space<vmem>> -> memref<6400xf32, #tpu.memory_space<vmem>>
        %dma_start3A_556 = tpu.memref_slice %arg24[%mul3A_545] : memref<100000xf32, #tpu.memory_space<vmem_shared>> -> memref<6400xf32, #tpu.memory_space<vmem_shared>>
        %dma_start3A_557 = arith.constant 0 : i32
        %dma_start3A_558 = tpu.memref_slice %arg23[%dma_start3A_557] : memref<6400xf32, #tpu.memory_space<vmem>> -> memref<6400xf32, #tpu.memory_space<vmem>>
        %dma_start3A_559 = tpu.memref_slice %arg24[%mul3A_545] : memref<100000xf32, #tpu.memory_space<vmem_shared>> -> memref<6400xf32, #tpu.memory_space<vmem_shared>>
        tpu.enqueue_dma source(%dma_start3A_559 : memref<6400xf32, #tpu.memory_space<vmem_shared>>) target(%dma_start3A_558 : memref<6400xf32, #tpu.memory_space<vmem>>) target_semaphore(%run_scoped3A : memref<!tpu.dma_semaphore, #tpu.memory_space<semaphore_mem>>)
        %dma_wait3A_560 = arith.constant 0 : i32
        %dma_wait3A_561 = tpu.memref_slice %arg23[%dma_wait3A_560] : memref<6400xf32, #tpu.memory_space<vmem>> -> memref<6400xf32, #tpu.memory_space<vmem>>
        %dma_wait3A_562 = tpu.memref_slice %arg24[%mul3A_545] : memref<100000xf32, #tpu.memory_space<vmem_shared>> -> memref<6400xf32, #tpu.memory_space<vmem_shared>>
        %dma_wait3A_563 = arith.constant 0 : i32
        %dma_wait3A_564 = tpu.memref_slice %arg23[%dma_wait3A_563] : memref<6400xf32, #tpu.memory_space<vmem>> -> memref<6400xf32, #tpu.memory_space<vmem>>
        %dma_wait3A_565 = tpu.memref_slice %arg24[%mul3A_545] : memref<100000xf32, #tpu.memory_space<vmem_shared>> -> memref<6400xf32, #tpu.memory_space<vmem_shared>>
        tpu.wait_dma2 semaphore(%run_scoped3A : memref<!tpu.dma_semaphore, #tpu.memory_space<semaphore_mem>>) src(%dma_wait3A_565 : memref<6400xf32, #tpu.memory_space<vmem_shared>>) dst(%dma_wait3A_564 : memref<6400xf32, #tpu.memory_space<vmem>>)
        tpu.yield
      }) : () -> ()
      %add3A_550 = arith.addi %mul3A_549, %mul3A_545 : i32
      "tpu.region"() ({
        %run_scoped3A = tpu.sem_alloc : memref<!tpu.dma_semaphore, #tpu.memory_space<semaphore_mem>>
        %dma_start3A_554 = arith.constant 0 : i32
        %dma_start3A_555 = tpu.memref_slice %arg23[%dma_start3A_554] : memref<6400xf32, #tpu.memory_space<vmem>> -> memref<6400xf32, #tpu.memory_space<vmem>>
        %dma_start3A_556 = tpu.memref_slice %arg6[%add3A_550] : memref<400000xf32, #tpu.memory_space<hbm>> -> memref<6400xf32, #tpu.memory_space<hbm>>
        %dma_start3A_557 = tpu.memref_slice %arg6[%add3A_550] : memref<400000xf32, #tpu.memory_space<hbm>> -> memref<6400xf32, #tpu.memory_space<hbm>>
        %dma_start3A_558 = arith.constant 0 : i32
        %dma_start3A_559 = tpu.memref_slice %arg23[%dma_start3A_558] : memref<6400xf32, #tpu.memory_space<vmem>> -> memref<6400xf32, #tpu.memory_space<vmem>>
        tpu.enqueue_dma source(%dma_start3A_559 : memref<6400xf32, #tpu.memory_space<vmem>>) target(%dma_start3A_557 : memref<6400xf32, #tpu.memory_space<hbm>>) target_semaphore(%run_scoped3A : memref<!tpu.dma_semaphore, #tpu.memory_space<semaphore_mem>>)
        %dma_wait3A_560 = arith.constant 0 : i32
        %dma_wait3A_561 = tpu.memref_slice %arg23[%dma_wait3A_560] : memref<6400xf32, #tpu.memory_space<vmem>> -> memref<6400xf32, #tpu.memory_space<vmem>>
        %dma_wait3A_562 = tpu.memref_slice %arg6[%add3A_550] : memref<400000xf32, #tpu.memory_space<hbm>> -> memref<6400xf32, #tpu.memory_space<hbm>>
        %dma_wait3A_563 = tpu.memref_slice %arg6[%add3A_550] : memref<400000xf32, #tpu.memory_space<hbm>> -> memref<6400xf32, #tpu.memory_space<hbm>>
        %dma_wait3A_564 = arith.constant 0 : i32
        %dma_wait3A_565 = tpu.memref_slice %arg23[%dma_wait3A_564] : memref<6400xf32, #tpu.memory_space<vmem>> -> memref<6400xf32, #tpu.memory_space<vmem>>
        tpu.wait_dma2 semaphore(%run_scoped3A : memref<!tpu.dma_semaphore, #tpu.memory_space<semaphore_mem>>) src(%dma_wait3A_565 : memref<6400xf32, #tpu.memory_space<vmem>>) dst(%dma_wait3A_563 : memref<6400xf32, #tpu.memory_space<hbm>>)
        tpu.yield
      }) : () -> ()
      "tpu.region"() ({
        %run_scoped3A = tpu.sem_alloc : memref<!tpu.dma_semaphore, #tpu.memory_space<semaphore_mem>>
        %dma_start3A_554 = arith.constant 0 : i32
        %dma_start3A_555 = tpu.memref_slice %arg23[%dma_start3A_554] : memref<6400xf32, #tpu.memory_space<vmem>> -> memref<6400xf32, #tpu.memory_space<vmem>>
        %dma_start3A_556 = tpu.memref_slice %arg25[%mul3A_545] : memref<100000xf32, #tpu.memory_space<vmem_shared>> -> memref<6400xf32, #tpu.memory_space<vmem_shared>>
        %dma_start3A_557 = arith.constant 0 : i32
        %dma_start3A_558 = tpu.memref_slice %arg23[%dma_start3A_557] : memref<6400xf32, #tpu.memory_space<vmem>> -> memref<6400xf32, #tpu.memory_space<vmem>>
        %dma_start3A_559 = tpu.memref_slice %arg25[%mul3A_545] : memref<100000xf32, #tpu.memory_space<vmem_shared>> -> memref<6400xf32, #tpu.memory_space<vmem_shared>>
        tpu.enqueue_dma source(%dma_start3A_559 : memref<6400xf32, #tpu.memory_space<vmem_shared>>) target(%dma_start3A_558 : memref<6400xf32, #tpu.memory_space<vmem>>) target_semaphore(%run_scoped3A : memref<!tpu.dma_semaphore, #tpu.memory_space<semaphore_mem>>)
        %dma_wait3A_560 = arith.constant 0 : i32
        %dma_wait3A_561 = tpu.memref_slice %arg23[%dma_wait3A_560] : memref<6400xf32, #tpu.memory_space<vmem>> -> memref<6400xf32, #tpu.memory_space<vmem>>
        %dma_wait3A_562 = tpu.memref_slice %arg25[%mul3A_545] : memref<100000xf32, #tpu.memory_space<vmem_shared>> -> memref<6400xf32, #tpu.memory_space<vmem_shared>>
        %dma_wait3A_563 = arith.constant 0 : i32
        %dma_wait3A_564 = tpu.memref_slice %arg23[%dma_wait3A_563] : memref<6400xf32, #tpu.memory_space<vmem>> -> memref<6400xf32, #tpu.memory_space<vmem>>
        %dma_wait3A_565 = tpu.memref_slice %arg25[%mul3A_545] : memref<100000xf32, #tpu.memory_space<vmem_shared>> -> memref<6400xf32, #tpu.memory_space<vmem_shared>>
        tpu.wait_dma2 semaphore(%run_scoped3A : memref<!tpu.dma_semaphore, #tpu.memory_space<semaphore_mem>>) src(%dma_wait3A_565 : memref<6400xf32, #tpu.memory_space<vmem_shared>>) dst(%dma_wait3A_564 : memref<6400xf32, #tpu.memory_space<vmem>>)
        tpu.yield
      }) : () -> ()
      %add3A_551 = arith.constant 100000 : i32
      %add3A_552 = arith.addi %mul3A_549, %add3A_551 : i32
      %add3A_553 = arith.addi %add3A_552, %mul3A_545 : i32
      "tpu.region"() ({
        %run_scoped3A = tpu.sem_alloc : memref<!tpu.dma_semaphore, #tpu.memory_space<semaphore_mem>>
        %dma_start3A_554 = arith.constant 0 : i32
        %dma_start3A_555 = tpu.memref_slice %arg23[%dma_start3A_554] : memref<6400xf32, #tpu.memory_space<vmem>> -> memref<6400xf32, #tpu.memory_space<vmem>>
        %dma_start3A_556 = tpu.memref_slice %arg6[%add3A_553] : memref<400000xf32, #tpu.memory_space<hbm>> -> memref<6400xf32, #tpu.memory_space<hbm>>
        %dma_start3A_557 = tpu.memref_slice %arg6[%add3A_553] : memref<400000xf32, #tpu.memory_space<hbm>> -> memref<6400xf32, #tpu.memory_space<hbm>>
        %dma_start3A_558 = arith.constant 0 : i32
        %dma_start3A_559 = tpu.memref_slice %arg23[%dma_start3A_558] : memref<6400xf32, #tpu.memory_space<vmem>> -> memref<6400xf32, #tpu.memory_space<vmem>>
        tpu.enqueue_dma source(%dma_start3A_559 : memref<6400xf32, #tpu.memory_space<vmem>>) target(%dma_start3A_557 : memref<6400xf32, #tpu.memory_space<hbm>>) target_semaphore(%run_scoped3A : memref<!tpu.dma_semaphore, #tpu.memory_space<semaphore_mem>>)
        %dma_wait3A_560 = arith.constant 0 : i32
        %dma_wait3A_561 = tpu.memref_slice %arg23[%dma_wait3A_560] : memref<6400xf32, #tpu.memory_space<vmem>> -> memref<6400xf32, #tpu.memory_space<vmem>>
        %dma_wait3A_562 = tpu.memref_slice %arg6[%add3A_553] : memref<400000xf32, #tpu.memory_space<hbm>> -> memref<6400xf32, #tpu.memory_space<hbm>>
        %dma_wait3A_563 = tpu.memref_slice %arg6[%add3A_553] : memref<400000xf32, #tpu.memory_space<hbm>> -> memref<6400xf32, #tpu.memory_space<hbm>>
        %dma_wait3A_564 = arith.constant 0 : i32
        %dma_wait3A_565 = tpu.memref_slice %arg23[%dma_wait3A_564] : memref<6400xf32, #tpu.memory_space<vmem>> -> memref<6400xf32, #tpu.memory_space<vmem>>
        tpu.wait_dma2 semaphore(%run_scoped3A : memref<!tpu.dma_semaphore, #tpu.memory_space<semaphore_mem>>) src(%dma_wait3A_565 : memref<6400xf32, #tpu.memory_space<vmem>>) dst(%dma_wait3A_563 : memref<6400xf32, #tpu.memory_space<hbm>>)
        tpu.yield
      }) : () -> ()
    } else {
    }
    %eq3A_539 = arith.constant 15 : i32
    %eq3A_540 = arith.cmpi eq, %arg1, %eq3A_539 : i32
    %convert_element_type3A_541 = arith.extui %eq3A_540 : i1 to i32
    %cond3A_542 = arith.constant 0 : i32
    %cond3A_543 = arith.cmpi ne, %convert_element_type3A_541, %cond3A_542 : i32
    scf.if %cond3A_543 {
      %mul3A_544 = arith.constant 2 : i32
      %mul3A_545 = arith.muli %arg0, %mul3A_544 : i32
      %mul3A_546 = arith.constant 100000 : i32
      %mul3A_547 = arith.muli %mul3A_545, %mul3A_546 : i32
      "tpu.region"() ({
        %run_scoped3A = tpu.sem_alloc : memref<!tpu.dma_semaphore, #tpu.memory_space<semaphore_mem>>
        %dma_start3A_554 = arith.constant 0 : i32
        %dma_start3A_555 = tpu.memref_slice %arg23[%dma_start3A_554] : memref<6400xf32, #tpu.memory_space<vmem>> -> memref<4000xf32, #tpu.memory_space<vmem>>
        %dma_start3A_556 = arith.constant 96000 : i32
        %dma_start3A_557 = tpu.memref_slice %arg24[%dma_start3A_556] : memref<100000xf32, #tpu.memory_space<vmem_shared>> -> memref<4000xf32, #tpu.memory_space<vmem_shared>>
        %dma_start3A_558 = arith.constant 0 : i32
        %dma_start3A_559 = tpu.memref_slice %arg23[%dma_start3A_558] : memref<6400xf32, #tpu.memory_space<vmem>> -> memref<4000xf32, #tpu.memory_space<vmem>>
        %dma_start3A_560 = arith.constant 96000 : i32
        %dma_start3A_561 = tpu.memref_slice %arg24[%dma_start3A_560] : memref<100000xf32, #tpu.memory_space<vmem_shared>> -> memref<4000xf32, #tpu.memory_space<vmem_shared>>
        tpu.enqueue_dma source(%dma_start3A_561 : memref<4000xf32, #tpu.memory_space<vmem_shared>>) target(%dma_start3A_559 : memref<4000xf32, #tpu.memory_space<vmem>>) target_semaphore(%run_scoped3A : memref<!tpu.dma_semaphore, #tpu.memory_space<semaphore_mem>>)
        %dma_wait3A_562 = arith.constant 0 : i32
        %dma_wait3A_563 = tpu.memref_slice %arg23[%dma_wait3A_562] : memref<6400xf32, #tpu.memory_space<vmem>> -> memref<4000xf32, #tpu.memory_space<vmem>>
        %dma_wait3A_564 = arith.constant 96000 : i32
        %dma_wait3A_565 = tpu.memref_slice %arg24[%dma_wait3A_564] : memref<100000xf32, #tpu.memory_space<vmem_shared>> -> memref<4000xf32, #tpu.memory_space<vmem_shared>>
        %dma_wait3A_566 = arith.constant 0 : i32
        %dma_wait3A_567 = tpu.memref_slice %arg23[%dma_wait3A_566] : memref<6400xf32, #tpu.memory_space<vmem>> -> memref<4000xf32, #tpu.memory_space<vmem>>
        %dma_wait3A_568 = arith.constant 96000 : i32
        %dma_wait3A_569 = tpu.memref_slice %arg24[%dma_wait3A_568] : memref<100000xf32, #tpu.memory_space<vmem_shared>> -> memref<4000xf32, #tpu.memory_space<vmem_shared>>
        tpu.wait_dma2 semaphore(%run_scoped3A : memref<!tpu.dma_semaphore, #tpu.memory_space<semaphore_mem>>) src(%dma_wait3A_569 : memref<4000xf32, #tpu.memory_space<vmem_shared>>) dst(%dma_wait3A_567 : memref<4000xf32, #tpu.memory_space<vmem>>)
        tpu.yield
      }) : () -> ()
      %add3A_548 = arith.constant 96000 : i32
      %add3A_549 = arith.addi %mul3A_547, %add3A_548 : i32
      "tpu.region"() ({
        %run_scoped3A = tpu.sem_alloc : memref<!tpu.dma_semaphore, #tpu.memory_space<semaphore_mem>>
        %dma_start3A_554 = arith.constant 0 : i32
        %dma_start3A_555 = tpu.memref_slice %arg23[%dma_start3A_554] : memref<6400xf32, #tpu.memory_space<vmem>> -> memref<4000xf32, #tpu.memory_space<vmem>>
        %dma_start3A_556 = tpu.memref_slice %arg6[%add3A_549] : memref<400000xf32, #tpu.memory_space<hbm>> -> memref<4000xf32, #tpu.memory_space<hbm>>
        %dma_start3A_557 = tpu.memref_slice %arg6[%add3A_549] : memref<400000xf32, #tpu.memory_space<hbm>> -> memref<4000xf32, #tpu.memory_space<hbm>>
        %dma_start3A_558 = arith.constant 0 : i32
        %dma_start3A_559 = tpu.memref_slice %arg23[%dma_start3A_558] : memref<6400xf32, #tpu.memory_space<vmem>> -> memref<4000xf32, #tpu.memory_space<vmem>>
        tpu.enqueue_dma source(%dma_start3A_559 : memref<4000xf32, #tpu.memory_space<vmem>>) target(%dma_start3A_557 : memref<4000xf32, #tpu.memory_space<hbm>>) target_semaphore(%run_scoped3A : memref<!tpu.dma_semaphore, #tpu.memory_space<semaphore_mem>>)
        %dma_wait3A_560 = arith.constant 0 : i32
        %dma_wait3A_561 = tpu.memref_slice %arg23[%dma_wait3A_560] : memref<6400xf32, #tpu.memory_space<vmem>> -> memref<4000xf32, #tpu.memory_space<vmem>>
        %dma_wait3A_562 = tpu.memref_slice %arg6[%add3A_549] : memref<400000xf32, #tpu.memory_space<hbm>> -> memref<4000xf32, #tpu.memory_space<hbm>>
        %dma_wait3A_563 = tpu.memref_slice %arg6[%add3A_549] : memref<400000xf32, #tpu.memory_space<hbm>> -> memref<4000xf32, #tpu.memory_space<hbm>>
        %dma_wait3A_564 = arith.constant 0 : i32
        %dma_wait3A_565 = tpu.memref_slice %arg23[%dma_wait3A_564] : memref<6400xf32, #tpu.memory_space<vmem>> -> memref<4000xf32, #tpu.memory_space<vmem>>
        tpu.wait_dma2 semaphore(%run_scoped3A : memref<!tpu.dma_semaphore, #tpu.memory_space<semaphore_mem>>) src(%dma_wait3A_565 : memref<4000xf32, #tpu.memory_space<vmem>>) dst(%dma_wait3A_563 : memref<4000xf32, #tpu.memory_space<hbm>>)
        tpu.yield
      }) : () -> ()
      "tpu.region"() ({
        %run_scoped3A = tpu.sem_alloc : memref<!tpu.dma_semaphore, #tpu.memory_space<semaphore_mem>>
        %dma_start3A_554 = arith.constant 0 : i32
        %dma_start3A_555 = tpu.memref_slice %arg23[%dma_start3A_554] : memref<6400xf32, #tpu.memory_space<vmem>> -> memref<4000xf32, #tpu.memory_space<vmem>>
        %dma_start3A_556 = arith.constant 96000 : i32
        %dma_start3A_557 = tpu.memref_slice %arg25[%dma_start3A_556] : memref<100000xf32, #tpu.memory_space<vmem_shared>> -> memref<4000xf32, #tpu.memory_space<vmem_shared>>
        %dma_start3A_558 = arith.constant 0 : i32
        %dma_start3A_559 = tpu.memref_slice %arg23[%dma_start3A_558] : memref<6400xf32, #tpu.memory_space<vmem>> -> memref<4000xf32, #tpu.memory_space<vmem>>
        %dma_start3A_560 = arith.constant 96000 : i32
        %dma_start3A_561 = tpu.memref_slice %arg25[%dma_start3A_560] : memref<100000xf32, #tpu.memory_space<vmem_shared>> -> memref<4000xf32, #tpu.memory_space<vmem_shared>>
        tpu.enqueue_dma source(%dma_start3A_561 : memref<4000xf32, #tpu.memory_space<vmem_shared>>) target(%dma_start3A_559 : memref<4000xf32, #tpu.memory_space<vmem>>) target_semaphore(%run_scoped3A : memref<!tpu.dma_semaphore, #tpu.memory_space<semaphore_mem>>)
        %dma_wait3A_562 = arith.constant 0 : i32
        %dma_wait3A_563 = tpu.memref_slice %arg23[%dma_wait3A_562] : memref<6400xf32, #tpu.memory_space<vmem>> -> memref<4000xf32, #tpu.memory_space<vmem>>
        %dma_wait3A_564 = arith.constant 96000 : i32
        %dma_wait3A_565 = tpu.memref_slice %arg25[%dma_wait3A_564] : memref<100000xf32, #tpu.memory_space<vmem_shared>> -> memref<4000xf32, #tpu.memory_space<vmem_shared>>
        %dma_wait3A_566 = arith.constant 0 : i32
        %dma_wait3A_567 = tpu.memref_slice %arg23[%dma_wait3A_566] : memref<6400xf32, #tpu.memory_space<vmem>> -> memref<4000xf32, #tpu.memory_space<vmem>>
        %dma_wait3A_568 = arith.constant 96000 : i32
        %dma_wait3A_569 = tpu.memref_slice %arg25[%dma_wait3A_568] : memref<100000xf32, #tpu.memory_space<vmem_shared>> -> memref<4000xf32, #tpu.memory_space<vmem_shared>>
        tpu.wait_dma2 semaphore(%run_scoped3A : memref<!tpu.dma_semaphore, #tpu.memory_space<semaphore_mem>>) src(%dma_wait3A_569 : memref<4000xf32, #tpu.memory_space<vmem_shared>>) dst(%dma_wait3A_567 : memref<4000xf32, #tpu.memory_space<vmem>>)
        tpu.yield
      }) : () -> ()
      %add3A_550 = arith.constant 100000 : i32
      %add3A_551 = arith.addi %mul3A_547, %add3A_550 : i32
      %add3A_552 = arith.constant 96000 : i32
      %add3A_553 = arith.addi %add3A_551, %add3A_552 : i32
      "tpu.region"() ({
        %run_scoped3A = tpu.sem_alloc : memref<!tpu.dma_semaphore, #tpu.memory_space<semaphore_mem>>
        %dma_start3A_554 = arith.constant 0 : i32
        %dma_start3A_555 = tpu.memref_slice %arg23[%dma_start3A_554] : memref<6400xf32, #tpu.memory_space<vmem>> -> memref<4000xf32, #tpu.memory_space<vmem>>
        %dma_start3A_556 = tpu.memref_slice %arg6[%add3A_553] : memref<400000xf32, #tpu.memory_space<hbm>> -> memref<4000xf32, #tpu.memory_space<hbm>>
        %dma_start3A_557 = tpu.memref_slice %arg6[%add3A_553] : memref<400000xf32, #tpu.memory_space<hbm>> -> memref<4000xf32, #tpu.memory_space<hbm>>
        %dma_start3A_558 = arith.constant 0 : i32
        %dma_start3A_559 = tpu.memref_slice %arg23[%dma_start3A_558] : memref<6400xf32, #tpu.memory_space<vmem>> -> memref<4000xf32, #tpu.memory_space<vmem>>
        tpu.enqueue_dma source(%dma_start3A_559 : memref<4000xf32, #tpu.memory_space<vmem>>) target(%dma_start3A_557 : memref<4000xf32, #tpu.memory_space<hbm>>) target_semaphore(%run_scoped3A : memref<!tpu.dma_semaphore, #tpu.memory_space<semaphore_mem>>)
        %dma_wait3A_560 = arith.constant 0 : i32
        %dma_wait3A_561 = tpu.memref_slice %arg23[%dma_wait3A_560] : memref<6400xf32, #tpu.memory_space<vmem>> -> memref<4000xf32, #tpu.memory_space<vmem>>
        %dma_wait3A_562 = tpu.memref_slice %arg6[%add3A_553] : memref<400000xf32, #tpu.memory_space<hbm>> -> memref<4000xf32, #tpu.memory_space<hbm>>
        %dma_wait3A_563 = tpu.memref_slice %arg6[%add3A_553] : memref<400000xf32, #tpu.memory_space<hbm>> -> memref<4000xf32, #tpu.memory_space<hbm>>
        %dma_wait3A_564 = arith.constant 0 : i32
        %dma_wait3A_565 = tpu.memref_slice %arg23[%dma_wait3A_564] : memref<6400xf32, #tpu.memory_space<vmem>> -> memref<4000xf32, #tpu.memory_space<vmem>>
        tpu.wait_dma2 semaphore(%run_scoped3A : memref<!tpu.dma_semaphore, #tpu.memory_space<semaphore_mem>>) src(%dma_wait3A_565 : memref<4000xf32, #tpu.memory_space<vmem>>) dst(%dma_wait3A_563 : memref<4000xf32, #tpu.memory_space<hbm>>)
        tpu.yield
      }) : () -> ()
    } else {
    }
    return
  }
}

module attributes {stable_mosaic.version = 14 : i64} {
  func.func @_table_body(%arg0: memref<25x8000xf32, #tpu.memory_space<vmem>>, %arg1: memref<25x8000xf32, #tpu.memory_space<vmem>>) attributes {dimension_semantics = [], scalar_prefetch = 0 : i64, scratch_operands = 0 : i64, tpu.core_type = #tpu.core_type<tc>} {
    %get3A = arith.constant 0 : index
    %get3A_0 = arith.constant 0 : index
    %get3A_1 = vector.load %arg0[%get3A, %get3A_0] : memref<25x8000xf32, #tpu.memory_space<vmem>>, vector<25x8000xf32>
    %exp3A = math.exp %get3A_1 : vector<25x8000xf32>
    %add3A = arith.constant 1.000000e+00 : f32
    %add3A_2 = vector.broadcast %add3A : f32 to vector<25x8000xf32>
    %add3A_3 = arith.addf %add3A_2, %exp3A : vector<25x8000xf32>
    %div3A = arith.constant 1.000000e+00 : f32
    %div3A_4 = vector.broadcast %div3A : f32 to vector<25x8000xf32>
    %div3A_5 = arith.divf %div3A_4, %add3A_3 : vector<25x8000xf32>
    %mul3A = arith.constant 2.000000e+00 : f32
    %mul3A_6 = vector.broadcast %mul3A : f32 to vector<25x8000xf32>
    %mul3A_7 = arith.mulf %mul3A_6, %div3A_5 : vector<25x8000xf32>
    %sub3A = arith.constant 1.000000e+00 : f32
    %sub3A_8 = vector.broadcast %sub3A : f32 to vector<25x8000xf32>
    %sub3A_9 = arith.subf %sub3A_8, %mul3A_7 : vector<25x8000xf32>
    %abs3A = math.absf %sub3A_9 : vector<25x8000xf32>
    %max3A = arith.constant 1.000000e-30 : f32
    %max3A_10 = vector.broadcast %max3A : f32 to vector<25x8000xf32>
    %max3A_11 = arith.maximumf %abs3A, %max3A_10 : vector<25x8000xf32>
    %log3A = math.log %max3A_11 : vector<25x8000xf32>
    %lt3A = arith.constant 0.000000e+00 : f32
    %lt3A_12 = vector.broadcast %lt3A : f32 to vector<25x8000xf32>
    %lt3A_13 = arith.cmpf olt, %sub3A_9, %lt3A_12 : vector<25x8000xf32>
    %min3A = arith.constant -1.000000e-35 : f32
    %min3A_14 = vector.broadcast %min3A : f32 to vector<25x8000xf32>
    %min3A_15 = arith.minimumf %log3A, %min3A_14 : vector<25x8000xf32>
    %neg3A = arith.constant 0.000000e+00 : f32
    %neg3A_16 = vector.broadcast %neg3A : f32 to vector<25x8000xf32>
    %neg3A_17 = arith.subf %neg3A_16, %log3A : vector<25x8000xf32>
    %select_n3A = arith.select %lt3A_13, %min3A_15, %neg3A_17 : vector<25x8000xi1>, vector<25x8000xf32>
    %swap3A = arith.constant 0 : index
    %swap3A_18 = arith.constant 0 : index
    %swap3A_19 = vector.load %arg1[%swap3A, %swap3A_18] : memref<25x8000xf32, #tpu.memory_space<vmem>>, vector<25x8000xf32>
    tpu.vector_store %arg1[%swap3A, %swap3A_18], %select_n3A {strides = array<i32>} : memref<25x8000xf32, #tpu.memory_space<vmem>>, vector<25x8000xf32>,
    return
  }
}

module attributes {stable_mosaic.version = 14 : i64} {
  func.func @_colsum_body(%arg0: i32, %arg1: memref<256x16384xi32, #tpu.memory_space<vmem>>, %arg2: memref<1x16384xi32, #tpu.memory_space<vmem>>) attributes {dimension_semantics = [#tpu.dimension_semantics<arbitrary>], iteration_bounds = array<i64: 7>, scalar_prefetch = 0 : i64, scratch_operands = 0 : i64, tpu.core_type = #tpu.core_type<tc>, window_params = [{transform_indices = @transform_0, window_bounds = array<i64: 256, 16384>}, {transform_indices = @transform_1, window_bounds = array<i64: 1, 16384>}]} {
    %get3A = arith.constant 0 : index
    %get3A_0 = arith.constant 0 : index
    %get3A_1 = vector.load %arg1[%get3A, %get3A_0] : memref<256x16384xi32, #tpu.memory_space<vmem>>, vector<256x16384xi32>
    %reduce_sum3A = arith.constant dense<0> : vector<16384xi32>
    %reduce_sum3A_2 = vector.multi_reduction <add>, %get3A_1, %reduce_sum3A [0] : vector<256x16384xi32> to vector<16384xi32>
    %broadcast_in_dim3A = vector.shape_cast %reduce_sum3A_2 : vector<16384xi32> to vector<1x16384xi32>
    %swap3A = arith.constant 0 : index
    %swap3A_3 = arith.constant 0 : index
    %swap3A_4 = vector.load %arg2[%swap3A, %swap3A_3] : memref<1x16384xi32, #tpu.memory_space<vmem>>, vector<1x16384xi32>
    tpu.vector_store %arg2[%swap3A, %swap3A_3], %broadcast_in_dim3A {strides = array<i32>} : memref<1x16384xi32, #tpu.memory_space<vmem>>, vector<1x16384xi32>,
    return
  }
  func.func @transform_0(%arg0: i32) -> (i32, i32) {
    %c0_i32 = arith.constant 0 : i32
    %c0_i32_0 = arith.constant 0 : i32
    return %c0_i32, %arg0 : i32, i32
  }
  func.func @transform_1(%arg0: i32) -> (i32, i32) {
    %c0_i32 = arith.constant 0 : i32
    %c0_i32_0 = arith.constant 0 : i32
    return %c0_i32, %arg0 : i32, i32
  }
}

module attributes {stable_mosaic.version = 14 : i64} {
  func.func @_final_body(%arg0: memref<8x12500xi32, #tpu.memory_space<vmem>>, %arg1: memref<8x12500xf32, #tpu.memory_space<vmem>>, %arg2: memref<8x12500xf32, #tpu.memory_space<vmem>>, %arg3: memref<8x12500xf32, #tpu.memory_space<vmem>>, %arg4: memref<8x12500xf32, #tpu.memory_space<vmem>>, %arg5: memref<1x1xf32, #tpu.memory_space<smem>>) attributes {dimension_semantics = [], scalar_prefetch = 0 : i64, scratch_operands = 0 : i64, tpu.core_type = #tpu.core_type<tc>} {
    %get3A = arith.constant 0 : index
    %get3A_0 = arith.constant 0 : index
    %get3A_1 = vector.load %arg1[%get3A, %get3A_0] : memref<8x12500xf32, #tpu.memory_space<vmem>>, vector<8x12500xf32>
    %get3A_2 = arith.constant 0 : index
    %get3A_3 = arith.constant 0 : index
    %get3A_4 = vector.load %arg2[%get3A_2, %get3A_3] : memref<8x12500xf32, #tpu.memory_space<vmem>>, vector<8x12500xf32>
    %add3A = arith.addf %get3A_1, %get3A_4 : vector<8x12500xf32>
    %get3A_5 = arith.constant 0 : index
    %get3A_6 = arith.constant 0 : index
    %get3A_7 = vector.load %arg3[%get3A_5, %get3A_6] : memref<8x12500xf32, #tpu.memory_space<vmem>>, vector<8x12500xf32>
    %get3A_8 = arith.constant 0 : index
    %get3A_9 = arith.constant 0 : index
    %get3A_10 = vector.load %arg4[%get3A_8, %get3A_9] : memref<8x12500xf32, #tpu.memory_space<vmem>>, vector<8x12500xf32>
    %add3A_11 = arith.addf %get3A_7, %get3A_10 : vector<8x12500xf32>
    %mul3A = arith.constant 5.000000e-01 : f32
    %mul3A_12 = vector.broadcast %mul3A : f32 to vector<8x12500xf32>
    %mul3A_13 = arith.mulf %add3A_11, %mul3A_12 : vector<8x12500xf32>
    %floor3A = math.floor %mul3A_13 : vector<8x12500xf32>
    %mul3A_14 = arith.constant 2.000000e+00 : f32
    %mul3A_15 = vector.broadcast %mul3A_14 : f32 to vector<8x12500xf32>
    %mul3A_16 = arith.mulf %mul3A_15, %floor3A : vector<8x12500xf32>
    %sub3A = arith.subf %add3A_11, %mul3A_16 : vector<8x12500xf32>
    %mul3A_17 = arith.constant 2.000000e+00 : f32
    %mul3A_18 = vector.broadcast %mul3A_17 : f32 to vector<8x12500xf32>
    %mul3A_19 = arith.mulf %mul3A_18, %sub3A : vector<8x12500xf32>
    %sub3A_20 = arith.constant 1.000000e+00 : f32
    %sub3A_21 = vector.broadcast %sub3A_20 : f32 to vector<8x12500xf32>
    %sub3A_22 = arith.subf %sub3A_21, %mul3A_19 : vector<8x12500xf32>
    %exp3A = math.exp %add3A : vector<8x12500xf32>
    %mul3A_23 = arith.mulf %sub3A_22, %exp3A : vector<8x12500xf32>
    %sub3A_24 = arith.constant 1.000000e+00 : f32
    %sub3A_25 = vector.broadcast %sub3A_24 : f32 to vector<8x12500xf32>
    %sub3A_26 = arith.subf %sub3A_25, %mul3A_23 : vector<8x12500xf32>
    %mul3A_27 = arith.constant 5.000000e-01 : f32
    %mul3A_28 = vector.broadcast %mul3A_27 : f32 to vector<8x12500xf32>
    %mul3A_29 = arith.mulf %mul3A_28, %sub3A_26 : vector<8x12500xf32>
    %jit3A = arith.constant 9.99999997E-7 : f32
    %jit3A_30 = arith.constant 0.999998986 : f32
    %max3A = vector.broadcast %jit3A : f32 to vector<8x12500xf32>
    %max3A_31 = arith.maximumf %max3A, %mul3A_29 : vector<8x12500xf32>
    %min3A = vector.broadcast %jit3A_30 : f32 to vector<8x12500xf32>
    %min3A_32 = arith.minimumf %min3A, %max3A_31 : vector<8x12500xf32>
    %log3A = math.log %min3A_32 : vector<8x12500xf32>
    %sub3A_33 = arith.constant 1.000000e+00 : f32
    %sub3A_34 = vector.broadcast %sub3A_33 : f32 to vector<8x12500xf32>
    %sub3A_35 = arith.subf %sub3A_34, %min3A_32 : vector<8x12500xf32>
    %log3A_36 = math.log %sub3A_35 : vector<8x12500xf32>
    %get3A_37 = arith.constant 0 : index
    %get3A_38 = arith.constant 0 : index
    %get3A_39 = vector.load %arg0[%get3A_37, %get3A_38] : memref<8x12500xi32, #tpu.memory_space<vmem>>, vector<8x12500xi32>
    %convert_element_type3A = arith.sitofp %get3A_39 : vector<8x12500xi32> to vector<8x12500xf32>
    %sub3A_40 = arith.subf %log3A, %log3A_36 : vector<8x12500xf32>
    %mul3A_41 = arith.mulf %convert_element_type3A, %sub3A_40 : vector<8x12500xf32>
    %mul3A_42 = arith.constant 3.906250e-03 : f32
    %mul3A_43 = vector.broadcast %mul3A_42 : f32 to vector<8x12500xf32>
    %mul3A_44 = arith.mulf %mul3A_41, %mul3A_43 : vector<8x12500xf32>
    %add3A_45 = arith.addf %log3A_36, %mul3A_44 : vector<8x12500xf32>
    %reduce_sum3A = vector.shape_cast %add3A_45 : vector<8x12500xf32> to vector<1x8x12500xf32>
    %reduce_sum3A_46 = arith.constant dense<0.000000e+00> : vector<1xf32>
    %reduce_sum3A_47 = vector.multi_reduction <add>, %reduce_sum3A, %reduce_sum3A_46 [1, 2] : vector<1x8x12500xf32> to vector<1xf32>
    %reduce_sum3A_48 = vector.shape_cast %reduce_sum3A_47 : vector<1xf32> to vector<1x1x1xf32>
    %reduce_sum3A_49 = vector.extract %reduce_sum3A_48[0, 0, 0] : f32 from vector<1x1x1xf32>
    %neg3A = arith.constant 0.000000e+00 : f32
    %neg3A_50 = arith.subf %neg3A, %reduce_sum3A_49 : f32
    %swap3A = arith.constant 0 : index
    %swap3A_51 = arith.constant 0 : index
    %swap3A_52 = memref.load %arg5[%swap3A, %swap3A_51] : memref<1x1xf32, #tpu.memory_space<smem>>
    memref.store %neg3A_50, %arg5[%swap3A, %swap3A_51] : memref<1x1xf32, #tpu.memory_space<smem>>
    return
  }
}

</mosaic_0001>

<sc_bundles>
// kernel: kernel.6.cloned.1.call-start
scs
__scs_entry_jumppad:
0x0: {  	(pc) =	sbr.rel $0x88, $3  }
0x1: {  	(tag) =	ssettag $0x0;
	lr =	simm.s32 $0x1  }
0x2: {  	[smem:$0x3F9D] =	sst lr;
	_ =	strace $0xD0000000  }
0x3: {  	_ = 	snop  }
0x4: {  	_ = 	snop  }
0x5: {  	_ = 	snop  }
0x6: {  	_ = 	snop  }
0x7: {  	_ = 	snop  }
__scs_overlays_trampoline_lowered:
0x8: {  	[smem:$0x3FAC] =	sst s0  }
0x9: {  	[smem:$0x3FAD] =	sst s1  }
0xa: {  	[smem:$0x3FAE] =	sst s2  }
0xb: {  	[smem:$0x3FAF] =	sst s3  }
0xc: {  	[smem:$0x3FB0] =	sst s4  }
0xd: {  	[smem:$0x3FB1] =	sst s5  }
0xe: {  	[smem:$0x3FB2] =	sst s6  }
0xf: {  	[smem:$0x3FB3] =	sst s7  }
0x10: {  	[smem:$0x3FB4] =	sst s8  }
0x11: {  	[smem:$0x3FB5] =	sst s9;
	s0 =	simm.s32 @!p0 $0x0  }
0x12: {  	s1 =	sld [smem:$0x3F9B];
	s0 =	simm.s32 @p0 $0x1  }
0x13: {  	[smem:$0x3FB6] =	sst s0;
	s0 =	simm.s32 @!p1 $0x0  }
0x14: {  	s2 =	sld [smem:$0x3F9A];
	s0 =	simm.s32 @p1 $0x1  }
0x15: {  	[smem:$0x3FB7] =	sst s0;
	s0 =	simm.s32 @!p2 $0x0  }
0x16: {  	s3 =	sld [smem:$0x3FDB];
	s0 =	simm.s32 @p2 $0x1  }
0x17: {  	s4 =	simm.s32 $0x1BF5;
	[smem:$0x3FB9] =	sst s0  }
0x18: {  	s0 =	sld [smem:$0x3F9C];
	_ =	swait.ge [sflag:s4], $0x0  }
0x19: {  	s7 =	sld [smem:$0x3F9D]  }
0x1a: {  	s8 =	sadd.s32 $0xFFFFE003, lr  }
0x1b: {  	s9 =	sadd.s32 $0xFFFFFEF7, lr;
	s5 =	simm.s32 $0xFFFFFFFF;
	p2 =	slt.u32 s8, $0xFFFFF086  }
0x1c: {  	p1 =	slt.u32 s9, $0xF7A;
	s5 =	simm.s32 @!p2 $0x0  }
0x1d: {  	s5 =	simm.s32 @p1 $0x1;
	p0 =	seq.s32 s7, s2  }
0x1e: {  	s7 =	smul.u32 @!p0 $0xF7A, s2;
	p2 =	seq.s32 @!p0 s5, $0x0  }
0x1f: {  	s9 =	smul.u32 $0xF7A, s1;
	s8 =	simm.s32 @!p0 $0x1BF5;
	p2 =	por !p2, p0  }
0x20: {  	[sflag:s8] =	ssyncset.s32 @!p0 $0xFFFFF086;
	s6 =	sadd.s32 @!p0 s3, s7;
	s7 =	simm.s32 @!p0 $0x108  }
0x21: {  	s3 =	sadd.s32 s3, s9;
	s6 =	sadd.s32 @!p0 $0x88, s6;
	s7 =	simm.s32 @p2 $0x1082  }
0x22: {  	[simem:s7], [sflag:s8] =	dma.local @!p0 [hbm:s6], $0xF7A  }
0x23: {  	s9 =	sor.u32 $0xD0000000, s2;
	s6 =	simm.s32 $0x108;
	_ =	swait.ge @!p0 [sflag:s8], $0x0  }
0x24: {  	s3 =	sadd.s32 $0x88, s3;
	s6 =	simm.s32 @!p1 $0x1082;
	[sflag:s4] =	ssyncset.s32 $0xFFFFF086  }
0x25: {  	[simem:s6], [sflag:s4] =	dma.local [hbm:s3], $0xF7A  }
0x26: {  	[smem:$0x3F9D] =	sst s1;
	(tag) =	ssettag s2;
	_ =	strace s9  }
0x27: {  	s1 =	sld [smem:$0x3FAD]  }
0x28: {  	s2 =	sld [smem:$0x3FAE]  }
0x29: {  	s4 =	sld [smem:$0x3FB0]  }
0x2a: {  	p0 =	seq.s32 s5, $0x0;
	s5 =	sld [smem:$0x3FB1]  }
0x2b: {  	s6 =	sld [smem:$0x3FB2]  }
0x2c: {  	s7 =	sld [smem:$0x3FB3]  }
0x2d: {  	s3 =	simm.s32 $0x108;
	s8 =	sld [smem:$0x3FB4]  }
0x2e: {  	s3 =	simm.s32 @!p0 $0x1082;
	s9 =	sld [smem:$0x3FB5]  }
0x2f: {  	lr =	sadd.s32 s0, s3;
	s0 =	sld [smem:$0x3FAC]  }
0x30: {  	s3 =	sld [smem:$0x3FAF]  }
0x31: {  	[smem:$0x3FB8] =	sst s10  }
0x32: {  	s10 =	sld [smem:$0x3FB6];
	_ =	sdelay $0x3  }
0x33: {  	p0 =	seq.s32 s10, $0x1;
	s10 =	sld [smem:$0x3FB8];
	_ =	sdelay $0x3  }
0x34: {  	[smem:$0x3FB8] =	sst s10  }
0x35: {  	s10 =	sld [smem:$0x3FB7];
	_ =	sdelay $0x3  }
0x36: {  	p1 =	seq.s32 s10, $0x1;
	s10 =	sld [smem:$0x3FB8];
	_ =	sdelay $0x3  }
0x37: {  	[smem:$0x3FB8] =	sst s10  }
0x38: {  	s10 =	sld [smem:$0x3FB9]  }
0x39: {  	_ = 	snop;
	(pc) =	sbr.ind lr, $3  }
0x3a: {  	_ = 	snop  }
0x3b: {  	_ = 	snop  }
0x3c: {  	p2 =	seq.s32 s10, $0x1;
	s10 =	sld [smem:$0x3FB8]  }
0x3d: {  	_ =	shalt  }
0x3e: {  	_ =	shalt  }
0x3f: {  	_ =	shalt  }
0x40: {  	_ =	shalt  }
0x41: {  	_ =	shalt  }
0x42: {  	_ =	shalt  }
0x43: {  	_ =	shalt  }
0x44: {  	_ =	shalt  }
0x45: {  	_ =	shalt  }
0x46: {  	_ =	shalt  }
0x47: {  	_ =	shalt  }
0x48: {  	_ =	shalt  }
0x49: {  	_ =	shalt  }
0x4a: {  	_ =	shalt  }
0x4b: {  	_ =	shalt  }
0x4c: {  	_ =	shalt  }
0x4d: {  	_ =	shalt  }
0x4e: {  	_ =	shalt  }
0x4f: {  	_ =	shalt  }
0x50: {  	_ =	shalt  }
0x51: {  	_ =	shalt  }
0x52: {  	_ =	shalt  }
0x53: {  	_ =	shalt  }
0x54: {  	_ =	shalt  }
0x55: {  	_ =	shalt  }
0x56: {  	_ =	shalt  }
0x57: {  	_ =	shalt  }
0x58: {  	_ =	shalt  }
0x59: {  	_ =	shalt  }
0x5a: {  	_ =	shalt  }
0x5b: {  	_ =	shalt  }
0x5c: {  	_ =	shalt  }
0x5d: {  	_ =	shalt  }
0x5e: {  	_ =	shalt  }
0x5f: {  	_ =	shalt  }
0x60: {  	_ =	shalt  }
0x61: {  	_ =	shalt  }
0x62: {  	_ =	shalt  }
0x63: {  	_ =	shalt  }
0x64: {  	_ =	shalt  }
0x65: {  	_ =	shalt  }
0x66: {  	_ =	shalt  }
0x67: {  	_ =	shalt  }
0x68: {  	_ =	shalt  }
0x69: {  	_ =	shalt  }
0x6a: {  	_ =	shalt  }
0x6b: {  	_ =	shalt  }
0x6c: {  	_ =	shalt  }
0x6d: {  	_ =	shalt  }
0x6e: {  	_ =	shalt  }
0x6f: {  	_ =	shalt  }
0x70: {  	_ =	shalt  }
0x71: {  	_ =	shalt  }
0x72: {  	_ =	shalt  }
0x73: {  	_ =	shalt  }
0x74: {  	_ =	shalt  }
0x75: {  	_ =	shalt  }
0x76: {  	_ =	shalt  }
0x77: {  	_ =	shalt  }
0x78: {  	_ =	shalt  }
0x79: {  	_ =	shalt  }
0x7a: {  	_ =	shalt  }
0x7b: {  	_ =	shalt  }
0x7c: {  	_ =	shalt  }
0x7d: {  	_ =	shalt  }
0x7e: {  	_ =	shalt  }
0x7f: {  	_ =	shalt  }
0x80: {  	_ =	shalt  }
0x81: {  	_ =	shalt  }
0x82: {  	_ =	shalt  }
0x83: {  	_ =	shalt  }
0x84: {  	_ =	shalt  }
0x85: {  	_ =	shalt  }
0x86: {  	_ =	shalt  }
0x87: {  	_ =	shalt  }
.Lfunc_end0:
.L_simem_size_0:
called_computation_lowered:
.L_overlay_start_0:
0x88: {  	s2 =	sld [smem:$0x3FD9]  }
0x89: {  	s3 =	sld [smem:$0x3FFE];
	_ =	sdelay $0x1  }
0x8a: {  	s1 =	srdreg.scid  }
0x8b: {  	s0 =	sand.u32 $0x1, s1  }
0x8c: {  	s17 =	sshll.u32 s0, $0xA;
	s2 =	sadd.s32 s3, s2  }
0x8d: {  	s2 =	sadd.s32 s2, s17  }
0x8e: {  	[smem:$0x3FC4] =	sst s2  }
0x8f: {  	_ = 	snop  }
0x90: {  	s2 =	sld [smem:$0x3FC8]  }
0x91: {  	s18 =	sld [smem:$0x3FC7];
	(tm) =	ssettm $0x1  }
0x92: {  	s4 =	sld [smem:$0x3FFB];
	_ =	sdelay $0x3  }
0x93: {  	_ =	strace s4  }
0x94: {  	s4 =	sld [smem:$0x3FFC];
	_ =	sdelay $0x3  }
0x95: {  	_ =	strace s4  }
0x96: {  	s4 =	sld [smem:$0x3FFD];
	_ =	sdelay $0x3  }
0x97: {  	_ =	strace s4  }
0x98: {  	_ =	strace $0x8FFFFFFF  }
0x99: {  	s19 =	sld [smem:$0x3FDB];
	_ =	sdelay $0x1  }
0x9a: {  	s5 =	simm.s32 $_scs_section_size  }
0x9b: {  	s6 =	simm.s32 $_size__tile_overlayer_lowered;
	s7 =	simm.s32 $_tile_overlayer_lowered  }
0x9c: {  	s22 =	simm.s32 $0x1BFF;
	s21 =	sshll.u32 s7, $0x1;
	s4 =	sadd.s32 s5, s19  }
0x9d: {  	s8 =	simm.s32 $0x0;
	s20 =	sshll.u32 s6, $0x1;
	s6 =	sadd.s32 s21, s4  }
0x9e: {  	[timem:s8], [sflag:s22] =	dma.local [hbm:s6], s20  }
0x9f: {  	_ =	swait.ge [sflag:s22], s20  }
0xa0: {  	s5 =	ssub.s32 $0x0, s20;
	[sflag:s22] =	ssyncset.done $0x0  }
0xa1: {  	[sflag:s22] =	ssyncadd.s32 s5;
	_ =	sdelay $0x1  }
0xa2: {  	s23 =	simm.s32 $0x1B8B  }
0xa3: {  	_ =	swait.ge [sflag:s23], $0x1  }
0xa4: {  	[sflag:s23] =	ssyncset.done $0x0  }
0xa5: {  	s25 =	simm.s32 $0x1B8E;
	s24 =	sld [smem:$0x3FFE];
	[sflag:s23] =	ssyncadd.s32 $0xFFFFFFFF  }
0xa6: {  	s26 =	simm.s32 $execute0_lowered;
	[smem:$0x3FD2] =	sst s25  }
0xa7: {  	s6 =	sshll.u32 s26, $0x1;
	_ =	strace $0x80000046;
	[dreg:$0x1] =	wrdreg $0xFFFFFFFF  }
0xa8: {  	s28 =	simm.s32 $_size_execute0_lowered;
	s4 =	sadd.s32 s4, s6;
	[dreg:$0x0] =	wrdreg $0x0  }
0xa9: {  	s6 =	sshll.u32 s28, $0x1;
	[dreg:$0x2] =	wrdreg s4  }
0xaa: {  	[dreg:$0x3] =	wrdreg s6  }
0xab: {  	[dreg:$0x4] =	wrdreg $0xC0  }
0xac: {  	_ =	task [dreg:s8], $0x5FFFF  }
0xad: {  	[dreg:$0x1] =	wrdreg $0xFFFFFFFF  }
0xae: {  	[dreg:$0x0] =	wrdreg $0x60  }
0xaf: {  	[dreg:$0x2] =	wrdreg s24  }
0xb0: {  	[dreg:$0x3] =	wrdreg s2  }
0xb1: {  	[dreg:$0x4] =	wrdreg s18  }
0xb2: {  	[dreg:$0x5] =	wrdreg $0x99000  }
0xb3: {  	[dreg:$0x6] =	wrdreg $0xB1700  }
0xb4: {  	[dreg:$0x7] =	wrdreg $0x9  }
0xb5: {  	_ =	task.clear_ibuf [dreg:s8], $0x8FFFF;
	_ =	strace $0x90000046  }
0xb6: {  	s29 =	simm.s32 $0x9;
	_ =	strace $0x80000048  }
0xb7: {  	_ =	swait.ge [sflag:s29], $0x1  }
0xb8: {  	[sflag:s29] =	ssyncadd.s32 $0xFFFFFFFF  }
0xb9: {  	_ =	strace $0x90000048  }
0xba: {  	_ =	sfence  }
0xbb: {  	s30 =	sld [smem:$0x0];
	_ =	sdelay $0x2  }
0xbc: {  	s31 =	sshll.u32 s1, $0xD;
	s1 =	sshrl.u32 s1, $0x2  }
0xbd: {  	s3 =	sand.u32 $0x4000, s31;
	s1 =	sadd.s32 s1, s30  }
0xbe: {  	s0 =	sor.u32 s3, s0;
	s1 =	sshll.u32 s1, $0x11  }
0xbf: {  	s0 =	sor.u32 s1, s0  }
0xc0: {  	s0 =	sadd.s32 $0x8F2B, s0  }
0xc1: {  	[sflag:s0] =	ssyncadd.remote.s32 $0x1  }
0xc2: {  	_ =	sfence.sel $0xFFFF  }
0xc3: {  	[dreg:$0x0] =	wrdreg $0xFFFFFFFF;
	(pc) =	sbr.abs _section_cstart, $3  }
0xc4: {  	[dreg:$0x1] =	wrdreg $0xFFFFFFFF  }
0xc5: {  	_ =	task.clear_ibuf [dreg:s8], $0x2FFFF;
	_ =	strace $0x9FFFFFFF  }
0xc6: {  	(tm) =	ssettm $0x7FFFFFFF  }
0xc7: {  	_ =	shalt  }
tec
execute0_lowered:
.L_overlay_start_1:
0x0: {  	(tag) =	ssettag $0x1  }
0x1: {  	s0 =	srdreg.scid;
	s9 =	stileid.u32  }
0x2: {  	s4 =	sand.u32 $0x1, s0;
	s5 =	smul.u32 $0xC350, s9  }
0x3: {  	s0 =	smul.u32 $0xC3500, s4;
	_ =	sdelay $0x1  }
0x4: {  	s3 =	rddreg [dreg:$0x1];
	s0 =	sadd.s32 s5, s0  }
0x5: {  	s2 =	rddreg [dreg:$0x2];
	s6 =	ssub.s32 $0x2, s4;
	s5 =	sshrl.u32 s0, $0x3  }
0x6: {  	s1 =	simm.s32 $0x0;
	s7 =	sshrl.u32 s6, $0x1;
	s17 =	sadd.s32 $0xFA, s5  }
0x7: {  	[smem:$0x7FF] =	sst s1;
	s0 =	ssub.s32 s6, s7;
	s8 =	sadd.s32 s3, s17  }
0x8: {  	s18 =	sadd.s32 $0x1F4, s5;
	s6 =	sadd.s32 s2, s17;
	[dreg:$0x6] =	wrdreg s8  }
0x9: {  	s19 =	sadd.s32 s3, s18;
	[dreg:$0x7] =	wrdreg s6  }
0xa: {  	s21 =	sadd.s32 $0x2EE, s5;
	s20 =	sadd.s32 s2, s18;
	[dreg:$0x8] =	wrdreg s19  }
0xb: {  	s22 =	sadd.s32 $0x3E8, s5;
	s23 =	sadd.s32 s3, s21;
	[dreg:$0x9] =	wrdreg s20  }
0xc: {  	s24 =	sadd.s32 s3, s22;
	[dreg:$0xa] =	wrdreg s23  }
0xd: {  	s26 =	sadd.s32 $0x4E2, s5;
	s25 =	sadd.s32 s2, s22;
	[dreg:$0xc] =	wrdreg s24  }
0xe: {  	s28 =	sadd.s32 $0x5DC, s5;
	s1 =	sadd.s32 s3, s26;
	[dreg:$0xd] =	wrdreg s25  }
0xf: {  	s11 =	sadd.s32 $0x6D6, s5;
	s10 =	sadd.s32 s2, s28;
	[dreg:$0xe] =	wrdreg s1  }
0x10: {  	s12 =	sadd.s32 $0x7D0, s5;
	s13 =	sadd.s32 s3, s11;
	[dreg:$0x11] =	wrdreg s10  }
0x11: {  	s14 =	sadd.s32 s3, s12;
	[dreg:$0x12] =	wrdreg s13  }
0x12: {  	s16 =	sadd.s32 $0x8CA, s5;
	s15 =	sadd.s32 s2, s12;
	[dreg:$0x14] =	wrdreg s14  }
0x13: {  	s18 =	sadd.s32 s3, s16;
	[dreg:$0x15] =	wrdreg s15  }
0x14: {  	s6 =	sadd.s32 s2, s21;
	[dreg:$0x16] =	wrdreg s18  }
0x15: {  	s17 =	sadd.s32 $0x9C4, s5;
	s8 =	sadd.s32 s3, s28;
	[dreg:$0xb] =	wrdreg s6  }
0x16: {  	s19 =	sadd.s32 s3, s17;
	[dreg:$0x10] =	wrdreg s8  }
0x17: {  	s22 =	sadd.s32 $0xBB8, s5;
	s20 =	sadd.s32 s2, s17;
	[dreg:$0x18] =	wrdreg s19  }
0x18: {  	s30 =	simm.s32 $0x3;
	s24 =	sadd.s32 s3, s22;
	[dreg:$0x19] =	wrdreg s20  }
0x19: {  	s12 =	sadd.s32 $0xFA0, s5;
	s25 =	sadd.s32 s2, s22;
	[dreg:$0x1c] =	wrdreg s24  }
0x1a: {  	s31 =	simm.s32 $0x5800;
	s14 =	sadd.s32 s3, s12;
	[dreg:$0x1d] =	wrdreg s25  }
0x1b: {  	s21 =	sadd.s32 $0xABE, s5;
	s15 =	sadd.s32 s2, s12;
	[smem:$0x7E2] =	sst s14  }
0x1c: {  	s17 =	sadd.s32 $0x1194, s5;
	s6 =	sadd.s32 s2, s26;
	[smem:$0x7E3] =	sst s15  }
0x1d: {  	s19 =	sadd.s32 s3, s17;
	s20 =	sadd.s32 s2, s17;
	s17 =	rddreg [dreg:$0x0]  }
0x1e: {  	s28 =	sadd.s32 $0xDAC, s5;
	s23 =	sadd.s32 s3, s21;
	[dreg:$0xf] =	wrdreg s6  }
0x1f: {  	p0 =	seq.s32 s9, $0xF;
	s8 =	sadd.s32 s3, s28;
	[dreg:$0x1a] =	wrdreg s23  }
0x20: {  	s4 =	smul.u32 $0x30D40, s4;
	s10 =	sadd.s32 s2, s28;
	[smem:$0x7DE] =	sst s8  }
0x21: {  	s0 =	smax.u32 s0, $0x1;
	s22 =	sadd.s32 $0x1388, s5;
	[smem:$0x7DF] =	sst s10  }
0x22: {  	s12 =	sadd.s32 $0x1676, s5;
	s26 =	sadd.s32 $0xCB2, s5;
	[smem:$0x7E6] =	sst s19  }
0x23: {  	s24 =	sadd.s32 s3, s22;
	s25 =	sadd.s32 s2, s22;
	[smem:$0x7E7] =	sst s20  }
0x24: {  	s28 =	sadd.s32 $0x157C, s5;
	s14 =	smul.u32 $0x1900, s9;
	[smem:$0x7EA] =	sst s24  }
0x25: {  	s15 =	sadd.s32 s3, s5;
	s9 =	simm.s32 $0x3000;
	[smem:$0x7EB] =	sst s25  }
0x26: {  	s6 =	sadd.s32 s2, s11;
	s1 =	sadd.s32 s3, s26;
	[smem:$0x7F2] =	sst s15  }
0x27: {  	s11 =	sadd.s32 $0xEA6, s5;
	s10 =	sadd.s32 s3, s28;
	s24 =	rddreg [dreg:$0x4]  }
0x28: {  	s19 =	sadd.s32 $0x9600, s17;
	s29 =	sadd.s32 $0x200, s17;
	[dreg:$0x13] =	wrdreg s6  }
0x29: {  	s8 =	simm.s32 $0x7D0;
	s15 =	simm.s32 $0x6000;
	[dreg:$0x1e] =	wrdreg s1  }
0x2a: {  	s6 =	sadd.s32 s2, s16;
	s13 =	sadd.s32 s3, s11;
	[smem:$0x7EE] =	sst s10  }
0x2b: {  	s16 =	sadd.s32 $0x109A, s5;
	s25 =	sshrl.u32 s14, $0x3;
	[dreg:$0x17] =	wrdreg s6  }
0x2c: {  	s22 =	sadd.s32 $0x17700, s24;
	s6 =	sadd.s32 s2, s21;
	[smem:$0x7E0] =	sst s13  }
0x2d: {  	s10 =	simm.s32 $0x800;
	s18 =	sadd.s32 s3, s16;
	[dreg:$0x1b] =	wrdreg s6  }
0x2e: {  	s21 =	sadd.s32 $0x128E, s5;
	s13 =	sadd.s32 s3, s12;
	[smem:$0x7E4] =	sst s18  }
0x2f: {  	s6 =	sadd.s32 s2, s26;
	s23 =	sadd.s32 s3, s21;
	[smem:$0x7F0] =	sst s13  }
0x30: {  	s26 =	sadd.s32 $0x1482, s5;
	s18 =	sadd.s32 s14, s4;
	[dreg:$0x1f] =	wrdreg s6  }
0x31: {  	s13 =	simm.s32 $0x1;
	s6 =	sadd.s32 s2, s11;
	[smem:$0x7E8] =	sst s23  }
0x32: {  	s1 =	sadd.s32 s3, s26;
	s11 =	sadd.s32 s2, s28;
	[smem:$0x7E1] =	sst s6  }
0x33: {  	s7 =	sshrl.u32 s18, $0x3;
	s23 =	sshrl.u32 s4, $0x3;
	[smem:$0x7EC] =	sst s1  }
0x34: {  	s4 =	sadd.s32 s25, s17;
	s6 =	sadd.s32 s2, s16;
	[smem:$0x7EF] =	sst s11  }
0x35: {  	s18 =	sadd.s32 s14, s24;
	s16 =	sadd.s32 s2, s5;
	[smem:$0x7E5] =	sst s6  }
0x36: {  	s25 =	simm.s32 $0x4800;
	s5 =	sadd.s32 $0x1770, s5;
	[smem:$0x7F3] =	sst s16  }
0x37: {  	s20 =	sadd.s32 s19, s7;
	s6 =	sadd.s32 s2, s21;
	s21 =	rddreg [dreg:$0x3]  }
0x38: {  	s4 =	sadd.s32 $0x6400, s4;
	s3 =	sadd.s32 s3, s5;
	[smem:$0x7E9] =	sst s6  }
0x39: {  	s7 =	simm.s32 $0x1000;
	s6 =	sadd.s32 s2, s26;
	[smem:$0x7F4] =	sst s3  }
0x3a: {  	s11 =	simm.s32 $0x1800;
	[smem:$0x7ED] =	sst s6;
	s6 =	sadd.s32 s2, s12  }
0x3b: {  	s28 =	sadd.s32 $0x30D4, s20;
	s2 =	sadd.s32 s2, s5;
	[smem:$0x7F1] =	sst s6  }
0x3c: {  	s16 =	simm.s32 $0x2000;
	s3 =	sadd.s32 $0x92E0, s17;
	[smem:$0x7F5] =	sst s2  }
0x3d: {  	s17 =	simm.s32 $0x2;
	_ =	strace $0x80000047;
	[smem:$0x7F6] =	sst s4  }
0x3e: {  	s12 =	simm.s32 $0x3800;
	s5 =	simm.s32 $0x5;
	[smem:$0x7F7] =	sst s3  }
0x3f: {  	s2 =	sadd.s32 s19, s23;
	s19 =	sadd.s32 $0x17700, s21;
	[smem:$0x7FA] =	sst s0  }
0x40: {  	s6 =	simm.s32 $0x7;
	s23 =	simm.s32 $0x6;
	[smem:$0x7FB] =	sst s20  }
0x41: {  	s4 =	sadd.s32 s14, s21;
	s26 =	sadd.s32 $0x2EE0, s2;
	[smem:$0x7FC] =	sst s28  }
0x42: {  	s2 =	sadd.s32 $0x5FB4, s2;
	s14 =	simm.s32 $0x4000;
	[smem:$0x7F8] =	sst s26  }
0x43: {  	s20 =	simm.s32 $0x2800;
	s0 =	simm.s32 $0x7800;
	[smem:$0x7F9] =	sst s2  }
0x44: {  	v0 =	vimm.f32 $0.0e+00;
	s2 =	simm.s32 $0x4;
	s26 =	simm.s32 $0x0;
	[smem:$0x7FD] =	sst s4  }
.LBB2_1:
0x45: {  	s1 =	sld [smem:$0x7F7];
	_ =	sdelay $0x1  }
0x46: {  	s3 =	simm.s32 @p0 $0x0;
	s28 =	simm.s32 @p0 $0x8000  }
0x47: {  	[tilespmem:s28], [sflag:$0x7] =	stream.linear.gather @p0 [hbm4b:s1+s3], $0xFA0, $0x38;
	[tilespmem:$0xC9E0] =	vst v63  }
0x48: {  	s3 =	simm.s32 @p0 $0x7  }
0x49: {  	_ =	swait.ge @p0 [sflag:s3], $0xFA0  }
0x4a: {  	[sflag:s3] =	ssyncset.done @p0 $0x0  }
0x4b: {  	[sflag:s3] =	ssyncadd.s32 @p0 $0xFFFFF060  }
0x4c: {  	[spmem:s19] =	stream.linear.scatter @p0 [tilespmem:s28], [sflag:$0x7], $0xFA0, $0x38;
	[tilespmem:$0xC9E0] =	vst v63  }
0x4d: {  	_ =	swait.ge @p0 [sflag:s3], $0xFA0  }
0x4e: {  	[sflag:s3] =	ssyncset.done @p0 $0x0  }
0x4f: {  	[sflag:s3] =	ssyncadd.s32 @p0 $0xFFFFF060  }
0x50: {  	[spmem:s22] =	stream.linear.scatter @p0 [tilespmem:s28], [sflag:$0x7], $0xFA0, $0x38;
	[tilespmem:$0xC9E0] =	vst v63  }
0x51: {  	_ =	swait.ge @p0 [sflag:s3], $0xFA0  }
0x52: {  	s1 =	sld [smem:$0x7F6]  }
0x53: {  	[sflag:s3] =	ssyncset.done @p0 $0x0  }
0x54: {  	s28 =	simm.s32 @!p0 $0x8000;
	[sflag:s3] =	ssyncadd.s32 @p0 $0xFFFFF060;
	s3 =	simm.s32 @!p0 $0x0  }
0x55: {  	[tilespmem:s28], [sflag:$0x7] =	stream.linear.gather @!p0 [hbm4b:s1+s3], $0x1900, $0x38;
	[tilespmem:$0xC9E0] =	vst v63  }
0x56: {  	s3 =	simm.s32 @!p0 $0x7  }
0x57: {  	_ =	swait.ge @!p0 [sflag:s3], $0x1900  }
0x58: {  	[sflag:s3] =	ssyncset.done @!p0 $0x0  }
0x59: {  	[sflag:s3] =	ssyncadd.s32 @!p0 $0xFFFFE700  }
0x5a: {  	[spmem:s4] =	stream.linear.scatter @!p0 [tilespmem:s28], [sflag:$0x7], $0x1900, $0x38;
	[tilespmem:$0xC9E0] =	vst v63  }
0x5b: {  	_ =	swait.ge @!p0 [sflag:s3], $0x1900  }
0x5c: {  	[sflag:s3] =	ssyncset.done @!p0 $0x0  }
0x5d: {  	[sflag:s3] =	ssyncadd.s32 @!p0 $0xFFFFE700  }
0x5e: {  	[spmem:s18] =	stream.linear.scatter @!p0 [tilespmem:s28], [sflag:$0x7], $0x1900, $0x38;
	[tilespmem:$0xC9E0] =	vst v63  }
0x5f: {  	_ =	swait.ge @!p0 [sflag:s3], $0x1900  }
0x60: {  	[sflag:s3] =	ssyncset.done @!p0 $0x0  }
0x61: {  	[sflag:s3] =	ssyncadd.s32 @!p0 $0xFFFFE700  }
0x62: {  	[bflag:$0x0] =	sbarrier.arrive $0xFFFF  }
0x63: {  	s4 =	sld [smem:$0x7F2];
	_ =	sdelay $0x1  }
0x64: {  	s1 =	simm.s32 $0x0  }
0x65: {  	[tilespmem:s1], [sflag:$0x7] =	stream.linear.gather [hbm4b:s4+s1], $0x7D0, $0x38;
	[tilespmem:$0xC9E0] =	vst v63  }
0x66: {  	_ =	swait.ge [sflag:s6], $0x7D0  }
0x67: {  	s4 =	sld [smem:$0x7F3]  }
0x68: {  	[sflag:s6] =	ssyncset.done $0x0  }
0x69: {  	[sflag:s6] =	ssyncadd.s32 $0xFFFFF830  }
0x6a: {  	[tilespmem:s7], [sflag:$0x7] =	stream.linear.gather [hbm4b:s4+s1], $0x7D0, $0x38;
	[tilespmem:$0xC9E0] =	vst v63  }
0x6b: {  	_ =	swait.ge [sflag:s6], $0x7D0  }
0x6c: {  	[sflag:s6] =	ssyncset.done $0x0  }
0x6d: {  	[sflag:s6] =	ssyncadd.s32 $0xFFFFF830  }
0x6e: {  	[tilespmem:s9], [sflag:$0x1] =	stream.indirect.gather [hbm4b:s29+s8], $0x1, s1, s8, $0xb8;
	[tilespmem:$0xC9E0] =	vst v63  }
0x6f: {  	s4 =	rddreg [dreg:$0x6]  }
0x70: {  	[tilespmem:s10], [sflag:$0x7] =	stream.linear.gather [hbm4b:s4+s1], $0x7D0, $0x38;
	[tilespmem:$0xC9E0] =	vst v63  }
0x71: {  	_ =	swait.ge [sflag:s6], $0x7D0  }
0x72: {  	[sflag:s6] =	ssyncset.done $0x0  }
0x73: {  	s4 =	rddreg [dreg:$0x7];
	[sflag:s6] =	ssyncadd.s32 $0xFFFFF830  }
0x74: {  	[tilespmem:s11], [sflag:$0x7] =	stream.linear.gather [hbm4b:s4+s1], $0x7D0, $0x38;
	[tilespmem:$0xC9E0] =	vst v63  }
0x75: {  	_ =	swait.ge [sflag:s6], $0x7D0  }
0x76: {  	[sflag:s6] =	ssyncset.done $0x0  }
0x77: {  	[sflag:s6] =	ssyncadd.s32 $0xFFFFF830  }
0x78: {  	[tilespmem:s12], [sflag:$0x2] =	stream.indirect.gather [hbm4b:s29+s8], $0x1, s10, s8, $0xb8;
	[tilespmem:$0xC9E0] =	vst v63  }
0x79: {  	_ =	swait.ge [sflag:s13], $0x7D0  }
0x7a: {  	[sflag:s13] =	ssyncset.done $0x0  }
0x7b: {  	s28 =	simm.s32 $0x0;
	[sflag:s13] =	ssyncadd.s32 $0xFFFFF830  }
0x7c: {  	v1 =	vld [tilespmem:s28+$0x3000]  }
0x7d: {  	s3 =	simm.s32 $0x40  }
.LBB2_2:
0x7e: {  	_ = 	snop  }
0x7f: {  	p1 =	sne.s32 s3, $0x1F00  }
.Ltmp0:
0x80: {  	_ = 	snop;
	(pc) =	sbr.rel @p1 .LBB2_2-.Ltmp0, $4  }
0x81: {  	v2 =	vand.u32 $0x7FFFFFFF, v1;
	vm0 =	vlt.f32 v1, $0.0e+00  }
0x82: {  	s4 =	sshra.s32 s3, $0x2;
	v2 =	vsub.f32 $0.0e+00, v2;
	v3 =	vsel vm0, $0x3F800000, v0  }
0x83: {  	v1 =	vld [tilespmem:s4+$0x3000];
	[tilespmem:s28+$0x6000] =	vst v3  }
0x84: {  	s3 =	sadd.s32 $0x40, s3;
	[tilespmem:s28+$0x4000] =	vst v2;
	s28 =	smov.u32 s4  }
0x85: {  	_ =	sdelay $0x2  }
0x86: {  	v2 =	vand.u32 $0x7FFFFFFF, v1;
	vm0 =	vlt.f32 v1, $0.0e+00  }
0x87: {  	v1 =	vsub.f32 $0.0e+00, v2;
	v2 =	vsel vm0, $0x3F800000, v0  }
0x88: {  	[tilespmem:s28+$0x6000] =	vst v2  }
0x89: {  	[tilespmem:s28+$0x4000] =	vst v1  }
0x8a: {  	[spmem:s21] =	stream.indirect.scatter.add.f32 [tilespmem:s14], [sflag:$0x3], $0x1, s7, s8, $0xb8;
	[tilespmem:$0xC9E0] =	vst v63  }
0x8b: {  	_ = 	snop  }
0x8c: {  	[spmem:s24] =	stream.indirect.scatter.add.f32 [tilespmem:s15], [sflag:$0x3], $0x1, s7, s8, $0xb8;
	[tilespmem:$0xC9E0] =	vst v63  }
0x8d: {  	s3 =	simm.s32 $0x0;
	s4 =	rddreg [dreg:$0x8]  }
0x8e: {  	[tilespmem:s3], [sflag:$0x7] =	stream.linear.gather [hbm4b:s4+s3], $0x7D0, $0x38;
	[tilespmem:$0xC9E0] =	vst v63  }
0x8f: {  	_ =	swait.ge [sflag:s6], $0x7D0  }
0x90: {  	[sflag:s6] =	ssyncset.done $0x0  }
0x91: {  	s1 =	rddreg [dreg:$0x9];
	[sflag:s6] =	ssyncadd.s32 $0xFFFFF830  }
0x92: {  	[tilespmem:s16], [sflag:$0x7] =	stream.linear.gather [hbm4b:s1+s3], $0x7D0, $0x38;
	[tilespmem:$0xC9E0] =	vst v63  }
0x93: {  	_ =	swait.ge [sflag:s6], $0x7D0  }
0x94: {  	[sflag:s6] =	ssyncset.done $0x0  }
0x95: {  	[sflag:s6] =	ssyncadd.s32 $0xFFFFF830  }
0x96: {  	[tilespmem:s9], [sflag:$0x1] =	stream.indirect.gather [hbm4b:s29+s8], $0x1, s3, s8, $0xb8;
	[tilespmem:$0xC9E0] =	vst v63  }
0x97: {  	_ =	swait.ge [sflag:s17], $0x7D0  }
0x98: {  	[sflag:s17] =	ssyncset.done $0x0  }
0x99: {  	s28 =	simm.s32 $0x0;
	[sflag:s17] =	ssyncadd.s32 $0xFFFFF830  }
0x9a: {  	v1 =	vld [tilespmem:s28+$0x3800]  }
0x9b: {  	s1 =	simm.s32 $0x6800;
	s3 =	simm.s32 $0x40  }
.LBB2_4:
0x9c: {  	_ = 	snop  }
0x9d: {  	p1 =	sne.s32 s3, $0x1F00  }
.Ltmp1:
0x9e: {  	_ = 	snop;
	(pc) =	sbr.rel @p1 .LBB2_4-.Ltmp1, $4  }
0x9f: {  	v2 =	vand.u32 $0x7FFFFFFF, v1;
	vm0 =	vlt.f32 v1, $0.0e+00  }
0xa0: {  	s4 =	sshra.s32 s3, $0x2;
	v2 =	vsub.f32 $0.0e+00, v2;
	v3 =	vsel vm0, $0x3F800000, v0  }
0xa1: {  	v1 =	vld [tilespmem:s4+$0x3800];
	[tilespmem:s28+$0x6800] =	vst v3  }
0xa2: {  	s3 =	sadd.s32 $0x40, s3;
	[tilespmem:s28+$0x4800] =	vst v2;
	s28 =	smov.u32 s4  }
0xa3: {  	_ =	sdelay $0x2  }
0xa4: {  	v2 =	vand.u32 $0x7FFFFFFF, v1;
	vm0 =	vlt.f32 v1, $0.0e+00  }
0xa5: {  	v1 =	vsub.f32 $0.0e+00, v2;
	v2 =	vsel vm0, $0x3F800000, v0  }
0xa6: {  	[tilespmem:s28+$0x6800] =	vst v2  }
0xa7: {  	[tilespmem:s28+$0x4800] =	vst v1  }
0xa8: {  	[spmem:s21] =	stream.indirect.scatter.add.f32 [tilespmem:s25], [sflag:$0x4], $0x1, s11, s8, $0xb8;
	[tilespmem:$0xC9E0] =	vst v63  }
0xa9: {  	_ = 	snop  }
0xaa: {  	[spmem:s24] =	stream.indirect.scatter.add.f32 [tilespmem:s1], [sflag:$0x4], $0x1, s11, s8, $0xb8;
	[tilespmem:$0xC9E0] =	vst v63  }
0xab: {  	s3 =	simm.s32 $0x0;
	s4 =	rddreg [dreg:$0xa]  }
0xac: {  	[tilespmem:s10], [sflag:$0x7] =	stream.linear.gather [hbm4b:s4+s3], $0x7D0, $0x38;
	[tilespmem:$0xC9E0] =	vst v63  }
0xad: {  	_ =	swait.ge [sflag:s6], $0x7D0  }
0xae: {  	[sflag:s6] =	ssyncset.done $0x0  }
0xaf: {  	s4 =	rddreg [dreg:$0xb];
	[sflag:s6] =	ssyncadd.s32 $0xFFFFF830  }
0xb0: {  	[tilespmem:s20], [sflag:$0x7] =	stream.linear.gather [hbm4b:s4+s3], $0x7D0, $0x38;
	[tilespmem:$0xC9E0] =	vst v63  }
0xb1: {  	_ =	swait.ge [sflag:s6], $0x7D0  }
0xb2: {  	[sflag:s6] =	ssyncset.done $0x0  }
0xb3: {  	[sflag:s6] =	ssyncadd.s32 $0xFFFFF830  }
0xb4: {  	[tilespmem:s12], [sflag:$0x2] =	stream.indirect.gather [hbm4b:s29+s8], $0x1, s10, s8, $0xb8;
	[tilespmem:$0xC9E0] =	vst v63  }
0xb5: {  	_ =	swait.ge [sflag:s13], $0x7D0  }
0xb6: {  	[sflag:s13] =	ssyncset.done $0x0  }
0xb7: {  	s28 =	simm.s32 $0x0;
	[sflag:s13] =	ssyncadd.s32 $0xFFFFF830  }
0xb8: {  	v1 =	vld [tilespmem:s28+$0x3000]  }
0xb9: {  	s3 =	simm.s32 $0x40  }
.LBB2_6:
0xba: {  	_ = 	snop  }
0xbb: {  	p1 =	sne.s32 s3, $0x1F00  }
.Ltmp2:
0xbc: {  	_ = 	snop;
	(pc) =	sbr.rel @p1 .LBB2_6-.Ltmp2, $4  }
0xbd: {  	v2 =	vand.u32 $0x7FFFFFFF, v1;
	vm0 =	vlt.f32 v1, $0.0e+00  }
0xbe: {  	s4 =	sshra.s32 s3, $0x2;
	v2 =	vsub.f32 $0.0e+00, v2;
	v3 =	vsel vm0, $0x3F800000, v0  }
0xbf: {  	v1 =	vld [tilespmem:s4+$0x3000];
	[tilespmem:s28+$0x7000] =	vst v3  }
0xc0: {  	s3 =	sadd.s32 $0x40, s3;
	[tilespmem:s28+$0x5000] =	vst v2;
	s28 =	smov.u32 s4  }
0xc1: {  	_ =	sdelay $0x2  }
0xc2: {  	v2 =	vand.u32 $0x7FFFFFFF, v1;
	vm0 =	vlt.f32 v1, $0.0e+00  }
0xc3: {  	v1 =	vsub.f32 $0.0e+00, v2;
	v2 =	vsel vm0, $0x3F800000, v0  }
0xc4: {  	[tilespmem:s28+$0x7000] =	vst v2  }
0xc5: {  	s3 =	simm.s32 $0x5000;
	[tilespmem:s28+$0x5000] =	vst v1  }
0xc6: {  	[spmem:s21] =	stream.indirect.scatter.add.f32 [tilespmem:s3], [sflag:$0x5], $0x1, s16, s8, $0xb8;
	[tilespmem:$0xC9E0] =	vst v63  }
0xc7: {  	s4 =	simm.s32 $0x7000  }
0xc8: {  	[spmem:s24] =	stream.indirect.scatter.add.f32 [tilespmem:s4], [sflag:$0x5], $0x1, s16, s8, $0xb8;
	[tilespmem:$0xC9E0] =	vst v63  }
0xc9: {  	_ =	swait.ge [sflag:s30], $0x7D0  }
0xca: {  	[sflag:s30] =	ssyncset.done $0x0  }
0xcb: {  	[sflag:s30] =	ssyncadd.s32 $0xFFFFF830  }
0xcc: {  	_ =	swait.ge [sflag:s30], $0x7D0  }
0xcd: {  	[sflag:s30] =	ssyncset.done $0x0  }
0xce: {  	s3 =	simm.s32 $0x0;
	s4 =	rddreg [dreg:$0xc];
	[sflag:s30] =	ssyncadd.s32 $0xFFFFF830  }
0xcf: {  	[tilespmem:s3], [sflag:$0x7] =	stream.linear.gather [hbm4b:s4+s3], $0x7D0, $0x38;
	[tilespmem:$0xC9E0] =	vst v63  }
0xd0: {  	_ =	swait.ge [sflag:s6], $0x7D0  }
0xd1: {  	[sflag:s6] =	ssyncset.done $0x0  }
0xd2: {  	s4 =	rddreg [dreg:$0xd];
	[sflag:s6] =	ssyncadd.s32 $0xFFFFF830  }
0xd3: {  	[tilespmem:s7], [sflag:$0x7] =	stream.linear.gather [hbm4b:s4+s3], $0x7D0, $0x38;
	[tilespmem:$0xC9E0] =	vst v63  }
0xd4: {  	_ =	swait.ge [sflag:s6], $0x7D0  }
0xd5: {  	[sflag:s6] =	ssyncset.done $0x0  }
0xd6: {  	[sflag:s6] =	ssyncadd.s32 $0xFFFFF830  }
0xd7: {  	[tilespmem:s9], [sflag:$0x1] =	stream.indirect.gather [hbm4b:s29+s8], $0x1, s3, s8, $0xb8;
	[tilespmem:$0xC9E0] =	vst v63  }
0xd8: {  	_ =	swait.ge [sflag:s17], $0x7D0  }
0xd9: {  	[sflag:s17] =	ssyncset.done $0x0  }
0xda: {  	s28 =	simm.s32 $0x0;
	[sflag:s17] =	ssyncadd.s32 $0xFFFFF830  }
0xdb: {  	v1 =	vld [tilespmem:s28+$0x3800]  }
0xdc: {  	s3 =	simm.s32 $0x40  }
.LBB2_8:
0xdd: {  	_ = 	snop  }
0xde: {  	p1 =	sne.s32 s3, $0x1F00  }
.Ltmp3:
0xdf: {  	_ = 	snop;
	(pc) =	sbr.rel @p1 .LBB2_8-.Ltmp3, $4  }
0xe0: {  	v2 =	vand.u32 $0x7FFFFFFF, v1;
	vm0 =	vlt.f32 v1, $0.0e+00  }
0xe1: {  	s4 =	sshra.s32 s3, $0x2;
	v2 =	vsub.f32 $0.0e+00, v2;
	v3 =	vsel vm0, $0x3F800000, v0  }
0xe2: {  	v1 =	vld [tilespmem:s4+$0x3800];
	[tilespmem:s28+$0x7800] =	vst v3  }
0xe3: {  	s3 =	sadd.s32 $0x40, s3;
	[tilespmem:s28+$0x5800] =	vst v2;
	s28 =	smov.u32 s4  }
0xe4: {  	_ =	sdelay $0x2  }
0xe5: {  	v2 =	vand.u32 $0x7FFFFFFF, v1;
	vm0 =	vlt.f32 v1, $0.0e+00  }
0xe6: {  	v1 =	vsub.f32 $0.0e+00, v2;
	v2 =	vsel vm0, $0x3F800000, v0  }
0xe7: {  	[tilespmem:s28+$0x7800] =	vst v2  }
0xe8: {  	[tilespmem:s28+$0x5800] =	vst v1  }
0xe9: {  	[spmem:s21] =	stream.indirect.scatter.add.f32 [tilespmem:s31], [sflag:$0x6], $0x1, s20, s8, $0xb8;
	[tilespmem:$0xC9E0] =	vst v63  }
0xea: {  	_ = 	snop  }
0xeb: {  	[spmem:s24] =	stream.indirect.scatter.add.f32 [tilespmem:s0], [sflag:$0x6], $0x1, s20, s8, $0xb8;
	[tilespmem:$0xC9E0] =	vst v63  }
0xec: {  	_ =	swait.ge [sflag:s2], $0x7D0  }
0xed: {  	[sflag:s2] =	ssyncset.done $0x0  }
0xee: {  	[sflag:s2] =	ssyncadd.s32 $0xFFFFF830  }
0xef: {  	_ =	swait.ge [sflag:s2], $0x7D0  }
0xf0: {  	[sflag:s2] =	ssyncset.done $0x0  }
0xf1: {  	s3 =	simm.s32 $0x0;
	s4 =	rddreg [dreg:$0xe];
	[sflag:s2] =	ssyncadd.s32 $0xFFFFF830  }
0xf2: {  	[tilespmem:s10], [sflag:$0x7] =	stream.linear.gather [hbm4b:s4+s3], $0x7D0, $0x38;
	[tilespmem:$0xC9E0] =	vst v63  }
0xf3: {  	_ =	swait.ge [sflag:s6], $0x7D0  }
0xf4: {  	[sflag:s6] =	ssyncset.done $0x0  }
0xf5: {  	s4 =	rddreg [dreg:$0xf];
	[sflag:s6] =	ssyncadd.s32 $0xFFFFF830  }
0xf6: {  	[tilespmem:s11], [sflag:$0x7] =	stream.linear.gather [hbm4b:s4+s3], $0x7D0, $0x38;
	[tilespmem:$0xC9E0] =	vst v63  }
0xf7: {  	_ =	swait.ge [sflag:s6], $0x7D0  }
0xf8: {  	[sflag:s6] =	ssyncset.done $0x0  }
0xf9: {  	[sflag:s6] =	ssyncadd.s32 $0xFFFFF830  }
0xfa: {  	[tilespmem:s12], [sflag:$0x2] =	stream.indirect.gather [hbm4b:s29+s8], $0x1, s10, s8, $0xb8;
	[tilespmem:$0xC9E0] =	vst v63  }
0xfb: {  	_ =	swait.ge [sflag:s13], $0x7D0  }
0xfc: {  	[sflag:s13] =	ssyncset.done $0x0  }
0xfd: {  	s28 =	simm.s32 $0x0;
	[sflag:s13] =	ssyncadd.s32 $0xFFFFF830  }
0xfe: {  	v1 =	vld [tilespmem:s28+$0x3000]  }
0xff: {  	s3 =	simm.s32 $0x40  }
.LBB2_10:
0x100: {  	_ = 	snop  }
0x101: {  	p1 =	sne.s32 s3, $0x1F00  }
.Ltmp4:
0x102: {  	_ = 	snop;
	(pc) =	sbr.rel @p1 .LBB2_10-.Ltmp4, $4  }
0x103: {  	v2 =	vand.u32 $0x7FFFFFFF, v1;
	vm0 =	vlt.f32 v1, $0.0e+00  }
0x104: {  	s4 =	sshra.s32 s3, $0x2;
	v2 =	vsub.f32 $0.0e+00, v2;
	v3 =	vsel vm0, $0x3F800000, v0  }
0x105: {  	v1 =	vld [tilespmem:s4+$0x3000];
	[tilespmem:s28+$0x6000] =	vst v3  }
0x106: {  	s3 =	sadd.s32 $0x40, s3;
	[tilespmem:s28+$0x4000] =	vst v2;
	s28 =	smov.u32 s4  }
0x107: {  	_ =	sdelay $0x2  }
0x108: {  	v2 =	vand.u32 $0x7FFFFFFF, v1;
	vm0 =	vlt.f32 v1, $0.0e+00  }
0x109: {  	v1 =	vsub.f32 $0.0e+00, v2;
	v2 =	vsel vm0, $0x3F800000, v0  }
0x10a: {  	[tilespmem:s28+$0x6000] =	vst v2  }
0x10b: {  	[tilespmem:s28+$0x4000] =	vst v1  }
0x10c: {  	[spmem:s21] =	stream.indirect.scatter.add.f32 [tilespmem:s14], [sflag:$0x3], $0x1, s7, s8, $0xb8;
	[tilespmem:$0xC9E0] =	vst v63  }
0x10d: {  	_ = 	snop  }
0x10e: {  	[spmem:s24] =	stream.indirect.scatter.add.f32 [tilespmem:s15], [sflag:$0x3], $0x1, s7, s8, $0xb8;
	[tilespmem:$0xC9E0] =	vst v63  }
0x10f: {  	_ =	swait.ge [sflag:s5], $0x7D0  }
0x110: {  	[sflag:s5] =	ssyncset.done $0x0  }
0x111: {  	[sflag:s5] =	ssyncadd.s32 $0xFFFFF830  }
0x112: {  	_ =	swait.ge [sflag:s5], $0x7D0  }
0x113: {  	[sflag:s5] =	ssyncset.done $0x0  }
0x114: {  	s3 =	simm.s32 $0x0;
	s4 =	rddreg [dreg:$0x10];
	[sflag:s5] =	ssyncadd.s32 $0xFFFFF830  }
0x115: {  	[tilespmem:s3], [sflag:$0x7] =	stream.linear.gather [hbm4b:s4+s3], $0x7D0, $0x38;
	[tilespmem:$0xC9E0] =	vst v63  }
0x116: {  	_ =	swait.ge [sflag:s6], $0x7D0  }
0x117: {  	[sflag:s6] =	ssyncset.done $0x0  }
0x118: {  	s4 =	rddreg [dreg:$0x11];
	[sflag:s6] =	ssyncadd.s32 $0xFFFFF830  }
0x119: {  	[tilespmem:s16], [sflag:$0x7] =	stream.linear.gather [hbm4b:s4+s3], $0x7D0, $0x38;
	[tilespmem:$0xC9E0] =	vst v63  }
0x11a: {  	_ =	swait.ge [sflag:s6], $0x7D0  }
0x11b: {  	[sflag:s6] =	ssyncset.done $0x0  }
0x11c: {  	[sflag:s6] =	ssyncadd.s32 $0xFFFFF830  }
0x11d: {  	[tilespmem:s9], [sflag:$0x1] =	stream.indirect.gather [hbm4b:s29+s8], $0x1, s3, s8, $0xb8;
	[tilespmem:$0xC9E0] =	vst v63  }
0x11e: {  	_ =	swait.ge [sflag:s17], $0x7D0  }
0x11f: {  	[sflag:s17] =	ssyncset.done $0x0  }
0x120: {  	s28 =	simm.s32 $0x0;
	[sflag:s17] =	ssyncadd.s32 $0xFFFFF830  }
0x121: {  	v1 =	vld [tilespmem:s28+$0x3800]  }
0x122: {  	s3 =	simm.s32 $0x40  }
.LBB2_12:
0x123: {  	_ = 	snop  }
0x124: {  	p1 =	sne.s32 s3, $0x1F00  }
.Ltmp5:
0x125: {  	_ = 	snop;
	(pc) =	sbr.rel @p1 .LBB2_12-.Ltmp5, $4  }
0x126: {  	v2 =	vand.u32 $0x7FFFFFFF, v1;
	vm0 =	vlt.f32 v1, $0.0e+00  }
0x127: {  	s4 =	sshra.s32 s3, $0x2;
	v2 =	vsub.f32 $0.0e+00, v2;
	v3 =	vsel vm0, $0x3F800000, v0  }
0x128: {  	v1 =	vld [tilespmem:s4+$0x3800];
	[tilespmem:s28+$0x6800] =	vst v3  }
0x129: {  	s3 =	sadd.s32 $0x40, s3;
	[tilespmem:s28+$0x4800] =	vst v2;
	s28 =	smov.u32 s4  }
0x12a: {  	_ =	sdelay $0x2  }
0x12b: {  	v2 =	vand.u32 $0x7FFFFFFF, v1;
	vm0 =	vlt.f32 v1, $0.0e+00  }
0x12c: {  	v1 =	vsub.f32 $0.0e+00, v2;
	v2 =	vsel vm0, $0x3F800000, v0  }
0x12d: {  	[tilespmem:s28+$0x6800] =	vst v2  }
0x12e: {  	[tilespmem:s28+$0x4800] =	vst v1  }
0x12f: {  	[spmem:s21] =	stream.indirect.scatter.add.f32 [tilespmem:s25], [sflag:$0x4], $0x1, s11, s8, $0xb8;
	[tilespmem:$0xC9E0] =	vst v63  }
0x130: {  	_ = 	snop  }
0x131: {  	[spmem:s24] =	stream.indirect.scatter.add.f32 [tilespmem:s1], [sflag:$0x4], $0x1, s11, s8, $0xb8;
	[tilespmem:$0xC9E0] =	vst v63  }
0x132: {  	_ =	swait.ge [sflag:s23], $0x7D0  }
0x133: {  	[sflag:s23] =	ssyncset.done $0x0  }
0x134: {  	[sflag:s23] =	ssyncadd.s32 $0xFFFFF830  }
0x135: {  	_ =	swait.ge [sflag:s23], $0x7D0  }
0x136: {  	[sflag:s23] =	ssyncset.done $0x0  }
0x137: {  	s3 =	simm.s32 $0x0;
	s4 =	rddreg [dreg:$0x12];
	[sflag:s23] =	ssyncadd.s32 $0xFFFFF830  }
0x138: {  	[tilespmem:s10], [sflag:$0x7] =	stream.linear.gather [hbm4b:s4+s3], $0x7D0, $0x38;
	[tilespmem:$0xC9E0] =	vst v63  }
0x139: {  	_ =	swait.ge [sflag:s6], $0x7D0  }
0x13a: {  	[sflag:s6] =	ssyncset.done $0x0  }
0x13b: {  	s4 =	rddreg [dreg:$0x13];
	[sflag:s6] =	ssyncadd.s32 $0xFFFFF830  }
0x13c: {  	[tilespmem:s20], [sflag:$0x7] =	stream.linear.gather [hbm4b:s4+s3], $0x7D0, $0x38;
	[tilespmem:$0xC9E0] =	vst v63  }
0x13d: {  	_ =	swait.ge [sflag:s6], $0x7D0  }
0x13e: {  	[sflag:s6] =	ssyncset.done $0x0  }
0x13f: {  	[sflag:s6] =	ssyncadd.s32 $0xFFFFF830  }
0x140: {  	[tilespmem:s12], [sflag:$0x2] =	stream.indirect.gather [hbm4b:s29+s8], $0x1, s10, s8, $0xb8;
	[tilespmem:$0xC9E0] =	vst v63  }
0x141: {  	_ =	swait.ge [sflag:s13], $0x7D0  }
0x142: {  	[sflag:s13] =	ssyncset.done $0x0  }
0x143: {  	s28 =	simm.s32 $0x0;
	[sflag:s13] =	ssyncadd.s32 $0xFFFFF830  }
0x144: {  	v1 =	vld [tilespmem:s28+$0x3000]  }
0x145: {  	s3 =	simm.s32 $0x40  }
.LBB2_14:
0x146: {  	_ = 	snop  }
0x147: {  	p1 =	sne.s32 s3, $0x1F00  }
.Ltmp6:
0x148: {  	_ = 	snop;
	(pc) =	sbr.rel @p1 .LBB2_14-.Ltmp6, $4  }
0x149: {  	v2 =	vand.u32 $0x7FFFFFFF, v1;
	vm0 =	vlt.f32 v1, $0.0e+00  }
0x14a: {  	s4 =	sshra.s32 s3, $0x2;
	v2 =	vsub.f32 $0.0e+00, v2;
	v3 =	vsel vm0, $0x3F800000, v0  }
0x14b: {  	v1 =	vld [tilespmem:s4+$0x3000];
	[tilespmem:s28+$0x7000] =	vst v3  }
0x14c: {  	s3 =	sadd.s32 $0x40, s3;
	[tilespmem:s28+$0x5000] =	vst v2;
	s28 =	smov.u32 s4  }
0x14d: {  	_ =	sdelay $0x2  }
0x14e: {  	v2 =	vand.u32 $0x7FFFFFFF, v1;
	vm0 =	vlt.f32 v1, $0.0e+00  }
0x14f: {  	v1 =	vsub.f32 $0.0e+00, v2;
	v2 =	vsel vm0, $0x3F800000, v0  }
0x150: {  	[tilespmem:s28+$0x7000] =	vst v2  }
0x151: {  	s3 =	simm.s32 $0x5000;
	[tilespmem:s28+$0x5000] =	vst v1  }
0x152: {  	[spmem:s21] =	stream.indirect.scatter.add.f32 [tilespmem:s3], [sflag:$0x5], $0x1, s16, s8, $0xb8;
	[tilespmem:$0xC9E0] =	vst v63  }
0x153: {  	s4 =	simm.s32 $0x7000  }
0x154: {  	[spmem:s24] =	stream.indirect.scatter.add.f32 [tilespmem:s4], [sflag:$0x5], $0x1, s16, s8, $0xb8;
	[tilespmem:$0xC9E0] =	vst v63  }
0x155: {  	_ =	swait.ge [sflag:s30], $0x7D0  }
0x156: {  	[sflag:s30] =	ssyncset.done $0x0  }
0x157: {  	[sflag:s30] =	ssyncadd.s32 $0xFFFFF830  }
0x158: {  	_ =	swait.ge [sflag:s30], $0x7D0  }
0x159: {  	[sflag:s30] =	ssyncset.done $0x0  }
0x15a: {  	s3 =	simm.s32 $0x0;
	s4 =	rddreg [dreg:$0x14];
	[sflag:s30] =	ssyncadd.s32 $0xFFFFF830  }
0x15b: {  	[tilespmem:s3], [sflag:$0x7] =	stream.linear.gather [hbm4b:s4+s3], $0x7D0, $0x38;
	[tilespmem:$0xC9E0] =	vst v63  }
0x15c: {  	_ =	swait.ge [sflag:s6], $0x7D0  }
0x15d: {  	[sflag:s6] =	ssyncset.done $0x0  }
0x15e: {  	s4 =	rddreg [dreg:$0x15];
	[sflag:s6] =	ssyncadd.s32 $0xFFFFF830  }
0x15f: {  	[tilespmem:s7], [sflag:$0x7] =	stream.linear.gather [hbm4b:s4+s3], $0x7D0, $0x38;
	[tilespmem:$0xC9E0] =	vst v63  }
0x160: {  	_ =	swait.ge [sflag:s6], $0x7D0  }
0x161: {  	[sflag:s6] =	ssyncset.done $0x0  }
0x162: {  	[sflag:s6] =	ssyncadd.s32 $0xFFFFF830  }
0x163: {  	[tilespmem:s9], [sflag:$0x1] =	stream.indirect.gather [hbm4b:s29+s8], $0x1, s3, s8, $0xb8;
	[tilespmem:$0xC9E0] =	vst v63  }
0x164: {  	_ =	swait.ge [sflag:s17], $0x7D0  }
0x165: {  	[sflag:s17] =	ssyncset.done $0x0  }
0x166: {  	s28 =	simm.s32 $0x0;
	[sflag:s17] =	ssyncadd.s32 $0xFFFFF830  }
0x167: {  	v1 =	vld [tilespmem:s28+$0x3800]  }
0x168: {  	s3 =	simm.s32 $0x40  }
.LBB2_16:
0x169: {  	_ = 	snop  }
0x16a: {  	p1 =	sne.s32 s3, $0x1F00  }
.Ltmp7:
0x16b: {  	_ = 	snop;
	(pc) =	sbr.rel @p1 .LBB2_16-.Ltmp7, $4  }
0x16c: {  	v2 =	vand.u32 $0x7FFFFFFF, v1;
	vm0 =	vlt.f32 v1, $0.0e+00  }
0x16d: {  	s4 =	sshra.s32 s3, $0x2;
	v2 =	vsub.f32 $0.0e+00, v2;
	v3 =	vsel vm0, $0x3F800000, v0  }
0x16e: {  	v1 =	vld [tilespmem:s4+$0x3800];
	[tilespmem:s28+$0x7800] =	vst v3  }
0x16f: {  	s3 =	sadd.s32 $0x40, s3;
	[tilespmem:s28+$0x5800] =	vst v2;
	s28 =	smov.u32 s4  }
0x170: {  	_ =	sdelay $0x2  }
0x171: {  	v2 =	vand.u32 $0x7FFFFFFF, v1;
	vm0 =	vlt.f32 v1, $0.0e+00  }
0x172: {  	v1 =	vsub.f32 $0.0e+00, v2;
	v2 =	vsel vm0, $0x3F800000, v0  }
0x173: {  	[tilespmem:s28+$0x7800] =	vst v2  }
0x174: {  	[tilespmem:s28+$0x5800] =	vst v1  }
0x175: {  	[spmem:s21] =	stream.indirect.scatter.add.f32 [tilespmem:s31], [sflag:$0x6], $0x1, s20, s8, $0xb8;
	[tilespmem:$0xC9E0] =	vst v63  }
0x176: {  	_ = 	snop  }
0x177: {  	[spmem:s24] =	stream.indirect.scatter.add.f32 [tilespmem:s0], [sflag:$0x6], $0x1, s20, s8, $0xb8;
	[tilespmem:$0xC9E0] =	vst v63  }
0x178: {  	_ =	swait.ge [sflag:s2], $0x7D0  }
0x179: {  	[sflag:s2] =	ssyncset.done $0x0  }
0x17a: {  	[sflag:s2] =	ssyncadd.s32 $0xFFFFF830  }
0x17b: {  	_ =	swait.ge [sflag:s2], $0x7D0  }
0x17c: {  	[sflag:s2] =	ssyncset.done $0x0  }
0x17d: {  	s3 =	simm.s32 $0x0;
	s4 =	rddreg [dreg:$0x16];
	[sflag:s2] =	ssyncadd.s32 $0xFFFFF830  }
0x17e: {  	[tilespmem:s10], [sflag:$0x7] =	stream.linear.gather [hbm4b:s4+s3], $0x7D0, $0x38;
	[tilespmem:$0xC9E0] =	vst v63  }
0x17f: {  	_ =	swait.ge [sflag:s6], $0x7D0  }
0x180: {  	[sflag:s6] =	ssyncset.done $0x0  }
0x181: {  	s4 =	rddreg [dreg:$0x17];
	[sflag:s6] =	ssyncadd.s32 $0xFFFFF830  }
0x182: {  	[tilespmem:s11], [sflag:$0x7] =	stream.linear.gather [hbm4b:s4+s3], $0x7D0, $0x38;
	[tilespmem:$0xC9E0] =	vst v63  }
0x183: {  	_ =	swait.ge [sflag:s6], $0x7D0  }
0x184: {  	[sflag:s6] =	ssyncset.done $0x0  }
0x185: {  	[sflag:s6] =	ssyncadd.s32 $0xFFFFF830  }
0x186: {  	[tilespmem:s12], [sflag:$0x2] =	stream.indirect.gather [hbm4b:s29+s8], $0x1, s10, s8, $0xb8;
	[tilespmem:$0xC9E0] =	vst v63  }
0x187: {  	_ =	swait.ge [sflag:s13], $0x7D0  }
0x188: {  	[sflag:s13] =	ssyncset.done $0x0  }
0x189: {  	s28 =	simm.s32 $0x0;
	[sflag:s13] =	ssyncadd.s32 $0xFFFFF830  }
0x18a: {  	v1 =	vld [tilespmem:s28+$0x3000]  }
0x18b: {  	s3 =	simm.s32 $0x40  }
.LBB2_18:
0x18c: {  	_ = 	snop  }
0x18d: {  	p1 =	sne.s32 s3, $0x1F00  }
.Ltmp8:
0x18e: {  	_ = 	snop;
	(pc) =	sbr.rel @p1 .LBB2_18-.Ltmp8, $4  }
0x18f: {  	v2 =	vand.u32 $0x7FFFFFFF, v1;
	vm0 =	vlt.f32 v1, $0.0e+00  }
0x190: {  	s4 =	sshra.s32 s3, $0x2;
	v2 =	vsub.f32 $0.0e+00, v2;
	v3 =	vsel vm0, $0x3F800000, v0  }
0x191: {  	v1 =	vld [tilespmem:s4+$0x3000];
	[tilespmem:s28+$0x6000] =	vst v3  }
0x192: {  	s3 =	sadd.s32 $0x40, s3;
	[tilespmem:s28+$0x4000] =	vst v2;
	s28 =	smov.u32 s4  }
0x193: {  	_ =	sdelay $0x2  }
0x194: {  	v2 =	vand.u32 $0x7FFFFFFF, v1;
	vm0 =	vlt.f32 v1, $0.0e+00  }
0x195: {  	v1 =	vsub.f32 $0.0e+00, v2;
	v2 =	vsel vm0, $0x3F800000, v0  }
0x196: {  	[tilespmem:s28+$0x6000] =	vst v2  }
0x197: {  	[tilespmem:s28+$0x4000] =	vst v1  }
0x198: {  	[spmem:s21] =	stream.indirect.scatter.add.f32 [tilespmem:s14], [sflag:$0x3], $0x1, s7, s8, $0xb8;
	[tilespmem:$0xC9E0] =	vst v63  }
0x199: {  	_ = 	snop  }
0x19a: {  	[spmem:s24] =	stream.indirect.scatter.add.f32 [tilespmem:s15], [sflag:$0x3], $0x1, s7, s8, $0xb8;
	[tilespmem:$0xC9E0] =	vst v63  }
0x19b: {  	_ =	swait.ge [sflag:s5], $0x7D0  }
0x19c: {  	[sflag:s5] =	ssyncset.done $0x0  }
0x19d: {  	[sflag:s5] =	ssyncadd.s32 $0xFFFFF830  }
0x19e: {  	_ =	swait.ge [sflag:s5], $0x7D0  }
0x19f: {  	[sflag:s5] =	ssyncset.done $0x0  }
0x1a0: {  	s3 =	simm.s32 $0x0;
	s4 =	rddreg [dreg:$0x18];
	[sflag:s5] =	ssyncadd.s32 $0xFFFFF830  }
0x1a1: {  	[tilespmem:s3], [sflag:$0x7] =	stream.linear.gather [hbm4b:s4+s3], $0x7D0, $0x38;
	[tilespmem:$0xC9E0] =	vst v63  }
0x1a2: {  	_ =	swait.ge [sflag:s6], $0x7D0  }
0x1a3: {  	[sflag:s6] =	ssyncset.done $0x0  }
0x1a4: {  	s4 =	rddreg [dreg:$0x19];
	[sflag:s6] =	ssyncadd.s32 $0xFFFFF830  }
0x1a5: {  	[tilespmem:s16], [sflag:$0x7] =	stream.linear.gather [hbm4b:s4+s3], $0x7D0, $0x38;
	[tilespmem:$0xC9E0] =	vst v63  }
0x1a6: {  	_ =	swait.ge [sflag:s6], $0x7D0  }
0x1a7: {  	[sflag:s6] =	ssyncset.done $0x0  }
0x1a8: {  	[sflag:s6] =	ssyncadd.s32 $0xFFFFF830  }
0x1a9: {  	[tilespmem:s9], [sflag:$0x1] =	stream.indirect.gather [hbm4b:s29+s8], $0x1, s3, s8, $0xb8;
	[tilespmem:$0xC9E0] =	vst v63  }
0x1aa: {  	_ =	swait.ge [sflag:s17], $0x7D0  }
0x1ab: {  	[sflag:s17] =	ssyncset.done $0x0  }
0x1ac: {  	s28 =	simm.s32 $0x0;
	[sflag:s17] =	ssyncadd.s32 $0xFFFFF830  }
0x1ad: {  	v1 =	vld [tilespmem:s28+$0x3800]  }
0x1ae: {  	s3 =	simm.s32 $0x40  }
.LBB2_20:
0x1af: {  	_ = 	snop  }
0x1b0: {  	p1 =	sne.s32 s3, $0x1F00  }
.Ltmp9:
0x1b1: {  	_ = 	snop;
	(pc) =	sbr.rel @p1 .LBB2_20-.Ltmp9, $4  }
0x1b2: {  	v2 =	vand.u32 $0x7FFFFFFF, v1;
	vm0 =	vlt.f32 v1, $0.0e+00  }
0x1b3: {  	s4 =	sshra.s32 s3, $0x2;
	v2 =	vsub.f32 $0.0e+00, v2;
	v3 =	vsel vm0, $0x3F800000, v0  }
0x1b4: {  	v1 =	vld [tilespmem:s4+$0x3800];
	[tilespmem:s28+$0x6800] =	vst v3  }
0x1b5: {  	s3 =	sadd.s32 $0x40, s3;
	[tilespmem:s28+$0x4800] =	vst v2;
	s28 =	smov.u32 s4  }
0x1b6: {  	_ =	sdelay $0x2  }
0x1b7: {  	v2 =	vand.u32 $0x7FFFFFFF, v1;
	vm0 =	vlt.f32 v1, $0.0e+00  }
0x1b8: {  	v1 =	vsub.f32 $0.0e+00, v2;
	v2 =	vsel vm0, $0x3F800000, v0  }
0x1b9: {  	[tilespmem:s28+$0x6800] =	vst v2  }
0x1ba: {  	[tilespmem:s28+$0x4800] =	vst v1  }
0x1bb: {  	[spmem:s21] =	stream.indirect.scatter.add.f32 [tilespmem:s25], [sflag:$0x4], $0x1, s11, s8, $0xb8;
	[tilespmem:$0xC9E0] =	vst v63  }
0x1bc: {  	_ = 	snop  }
0x1bd: {  	[spmem:s24] =	stream.indirect.scatter.add.f32 [tilespmem:s1], [sflag:$0x4], $0x1, s11, s8, $0xb8;
	[tilespmem:$0xC9E0] =	vst v63  }
0x1be: {  	_ =	swait.ge [sflag:s23], $0x7D0  }
0x1bf: {  	[sflag:s23] =	ssyncset.done $0x0  }
0x1c0: {  	[sflag:s23] =	ssyncadd.s32 $0xFFFFF830  }
0x1c1: {  	_ =	swait.ge [sflag:s23], $0x7D0  }
0x1c2: {  	[sflag:s23] =	ssyncset.done $0x0  }
0x1c3: {  	s3 =	simm.s32 $0x0;
	s4 =	rddreg [dreg:$0x1a];
	[sflag:s23] =	ssyncadd.s32 $0xFFFFF830  }
0x1c4: {  	[tilespmem:s10], [sflag:$0x7] =	stream.linear.gather [hbm4b:s4+s3], $0x7D0, $0x38;
	[tilespmem:$0xC9E0] =	vst v63  }
0x1c5: {  	_ =	swait.ge [sflag:s6], $0x7D0  }
0x1c6: {  	[sflag:s6] =	ssyncset.done $0x0  }
0x1c7: {  	s4 =	rddreg [dreg:$0x1b];
	[sflag:s6] =	ssyncadd.s32 $0xFFFFF830  }
0x1c8: {  	[tilespmem:s20], [sflag:$0x7] =	stream.linear.gather [hbm4b:s4+s3], $0x7D0, $0x38;
	[tilespmem:$0xC9E0] =	vst v63  }
0x1c9: {  	_ =	swait.ge [sflag:s6], $0x7D0  }
0x1ca: {  	[sflag:s6] =	ssyncset.done $0x0  }
0x1cb: {  	[sflag:s6] =	ssyncadd.s32 $0xFFFFF830  }
0x1cc: {  	[tilespmem:s12], [sflag:$0x2] =	stream.indirect.gather [hbm4b:s29+s8], $0x1, s10, s8, $0xb8;
	[tilespmem:$0xC9E0] =	vst v63  }
0x1cd: {  	_ =	swait.ge [sflag:s13], $0x7D0  }
0x1ce: {  	[sflag:s13] =	ssyncset.done $0x0  }
0x1cf: {  	s28 =	simm.s32 $0x0;
	[sflag:s13] =	ssyncadd.s32 $0xFFFFF830  }
0x1d0: {  	v1 =	vld [tilespmem:s28+$0x3000]  }
0x1d1: {  	s3 =	simm.s32 $0x40  }
.LBB2_22:
0x1d2: {  	_ = 	snop  }
0x1d3: {  	p1 =	sne.s32 s3, $0x1F00  }
.Ltmp10:
0x1d4: {  	_ = 	snop;
	(pc) =	sbr.rel @p1 .LBB2_22-.Ltmp10, $4  }
0x1d5: {  	v2 =	vand.u32 $0x7FFFFFFF, v1;
	vm0 =	vlt.f32 v1, $0.0e+00  }
0x1d6: {  	s4 =	sshra.s32 s3, $0x2;
	v2 =	vsub.f32 $0.0e+00, v2;
	v3 =	vsel vm0, $0x3F800000, v0  }
0x1d7: {  	v1 =	vld [tilespmem:s4+$0x3000];
	[tilespmem:s28+$0x7000] =	vst v3  }
0x1d8: {  	s3 =	sadd.s32 $0x40, s3;
	[tilespmem:s28+$0x5000] =	vst v2;
	s28 =	smov.u32 s4  }
0x1d9: {  	_ =	sdelay $0x2  }
0x1da: {  	v2 =	vand.u32 $0x7FFFFFFF, v1;
	vm0 =	vlt.f32 v1, $0.0e+00  }
0x1db: {  	v1 =	vsub.f32 $0.0e+00, v2;
	v2 =	vsel vm0, $0x3F800000, v0  }
0x1dc: {  	[tilespmem:s28+$0x7000] =	vst v2  }
0x1dd: {  	s3 =	simm.s32 $0x5000;
	[tilespmem:s28+$0x5000] =	vst v1  }
0x1de: {  	[spmem:s21] =	stream.indirect.scatter.add.f32 [tilespmem:s3], [sflag:$0x5], $0x1, s16, s8, $0xb8;
	[tilespmem:$0xC9E0] =	vst v63  }
0x1df: {  	s4 =	simm.s32 $0x7000  }
0x1e0: {  	[spmem:s24] =	stream.indirect.scatter.add.f32 [tilespmem:s4], [sflag:$0x5], $0x1, s16, s8, $0xb8;
	[tilespmem:$0xC9E0] =	vst v63  }
0x1e1: {  	_ =	swait.ge [sflag:s30], $0x7D0  }
0x1e2: {  	[sflag:s30] =	ssyncset.done $0x0  }
0x1e3: {  	[sflag:s30] =	ssyncadd.s32 $0xFFFFF830  }
0x1e4: {  	_ =	swait.ge [sflag:s30], $0x7D0  }
0x1e5: {  	[sflag:s30] =	ssyncset.done $0x0  }
0x1e6: {  	s3 =	simm.s32 $0x0;
	s4 =	rddreg [dreg:$0x1c];
	[sflag:s30] =	ssyncadd.s32 $0xFFFFF830  }
0x1e7: {  	[tilespmem:s3], [sflag:$0x7] =	stream.linear.gather [hbm4b:s4+s3], $0x7D0, $0x38;
	[tilespmem:$0xC9E0] =	vst v63  }
0x1e8: {  	_ =	swait.ge [sflag:s6], $0x7D0  }
0x1e9: {  	[sflag:s6] =	ssyncset.done $0x0  }
0x1ea: {  	s4 =	rddreg [dreg:$0x1d];
	[sflag:s6] =	ssyncadd.s32 $0xFFFFF830  }
0x1eb: {  	[tilespmem:s7], [sflag:$0x7] =	stream.linear.gather [hbm4b:s4+s3], $0x7D0, $0x38;
	[tilespmem:$0xC9E0] =	vst v63  }
0x1ec: {  	_ =	swait.ge [sflag:s6], $0x7D0  }
0x1ed: {  	[sflag:s6] =	ssyncset.done $0x0  }
0x1ee: {  	[sflag:s6] =	ssyncadd.s32 $0xFFFFF830  }
0x1ef: {  	[tilespmem:s9], [sflag:$0x1] =	stream.indirect.gather [hbm4b:s29+s8], $0x1, s3, s8, $0xb8;
	[tilespmem:$0xC9E0] =	vst v63  }
0x1f0: {  	_ =	swait.ge [sflag:s17], $0x7D0  }
0x1f1: {  	[sflag:s17] =	ssyncset.done $0x0  }
0x1f2: {  	s28 =	simm.s32 $0x0;
	[sflag:s17] =	ssyncadd.s32 $0xFFFFF830  }
0x1f3: {  	v1 =	vld [tilespmem:s28+$0x3800]  }
0x1f4: {  	s3 =	simm.s32 $0x40  }
.LBB2_24:
0x1f5: {  	_ = 	snop  }
0x1f6: {  	p1 =	sne.s32 s3, $0x1F00  }
.Ltmp11:
0x1f7: {  	_ = 	snop;
	(pc) =	sbr.rel @p1 .LBB2_24-.Ltmp11, $4  }
0x1f8: {  	v2 =	vand.u32 $0x7FFFFFFF, v1;
	vm0 =	vlt.f32 v1, $0.0e+00  }
0x1f9: {  	s4 =	sshra.s32 s3, $0x2;
	v2 =	vsub.f32 $0.0e+00, v2;
	v3 =	vsel vm0, $0x3F800000, v0  }
0x1fa: {  	v1 =	vld [tilespmem:s4+$0x3800];
	[tilespmem:s28+$0x7800] =	vst v3  }
0x1fb: {  	s3 =	sadd.s32 $0x40, s3;
	[tilespmem:s28+$0x5800] =	vst v2;
	s28 =	smov.u32 s4  }
0x1fc: {  	_ =	sdelay $0x2  }
0x1fd: {  	v2 =	vand.u32 $0x7FFFFFFF, v1;
	vm0 =	vlt.f32 v1, $0.0e+00  }
0x1fe: {  	v1 =	vsub.f32 $0.0e+00, v2;
	v2 =	vsel vm0, $0x3F800000, v0  }
0x1ff: {  	[tilespmem:s28+$0x7800] =	vst v2  }
0x200: {  	[tilespmem:s28+$0x5800] =	vst v1  }
0x201: {  	[spmem:s21] =	stream.indirect.scatter.add.f32 [tilespmem:s31], [sflag:$0x6], $0x1, s20, s8, $0xb8;
	[tilespmem:$0xC9E0] =	vst v63  }
0x202: {  	_ = 	snop  }
0x203: {  	[spmem:s24] =	stream.indirect.scatter.add.f32 [tilespmem:s0], [sflag:$0x6], $0x1, s20, s8, $0xb8;
	[tilespmem:$0xC9E0] =	vst v63  }
0x204: {  	_ =	swait.ge [sflag:s2], $0x7D0  }
0x205: {  	[sflag:s2] =	ssyncset.done $0x0  }
0x206: {  	[sflag:s2] =	ssyncadd.s32 $0xFFFFF830  }
0x207: {  	_ =	swait.ge [sflag:s2], $0x7D0  }
0x208: {  	[sflag:s2] =	ssyncset.done $0x0  }
0x209: {  	s3 =	simm.s32 $0x0;
	s4 =	rddreg [dreg:$0x1e];
	[sflag:s2] =	ssyncadd.s32 $0xFFFFF830  }
0x20a: {  	[tilespmem:s10], [sflag:$0x7] =	stream.linear.gather [hbm4b:s4+s3], $0x7D0, $0x38;
	[tilespmem:$0xC9E0] =	vst v63  }
0x20b: {  	_ =	swait.ge [sflag:s6], $0x7D0  }
0x20c: {  	[sflag:s6] =	ssyncset.done $0x0  }
0x20d: {  	s4 =	rddreg [dreg:$0x1f];
	[sflag:s6] =	ssyncadd.s32 $0xFFFFF830  }
0x20e: {  	[tilespmem:s11], [sflag:$0x7] =	stream.linear.gather [hbm4b:s4+s3], $0x7D0, $0x38;
	[tilespmem:$0xC9E0] =	vst v63  }
0x20f: {  	_ =	swait.ge [sflag:s6], $0x7D0  }
0x210: {  	[sflag:s6] =	ssyncset.done $0x0  }
0x211: {  	[sflag:s6] =	ssyncadd.s32 $0xFFFFF830  }
0x212: {  	[tilespmem:s12], [sflag:$0x2] =	stream.indirect.gather [hbm4b:s29+s8], $0x1, s10, s8, $0xb8;
	[tilespmem:$0xC9E0] =	vst v63  }
0x213: {  	_ =	swait.ge [sflag:s13], $0x7D0  }
0x214: {  	[sflag:s13] =	ssyncset.done $0x0  }
0x215: {  	s28 =	simm.s32 $0x0;
	[sflag:s13] =	ssyncadd.s32 $0xFFFFF830  }
0x216: {  	v1 =	vld [tilespmem:s28+$0x3000]  }
0x217: {  	s3 =	simm.s32 $0x40  }
.LBB2_26:
0x218: {  	_ = 	snop  }
0x219: {  	p1 =	sne.s32 s3, $0x1F00  }
.Ltmp12:
0x21a: {  	_ = 	snop;
	(pc) =	sbr.rel @p1 .LBB2_26-.Ltmp12, $4  }
0x21b: {  	v2 =	vand.u32 $0x7FFFFFFF, v1;
	vm0 =	vlt.f32 v1, $0.0e+00  }
0x21c: {  	s4 =	sshra.s32 s3, $0x2;
	v2 =	vsub.f32 $0.0e+00, v2;
	v3 =	vsel vm0, $0x3F800000, v0  }
0x21d: {  	v1 =	vld [tilespmem:s4+$0x3000];
	[tilespmem:s28+$0x6000] =	vst v3  }
0x21e: {  	s3 =	sadd.s32 $0x40, s3;
	[tilespmem:s28+$0x4000] =	vst v2;
	s28 =	smov.u32 s4  }
0x21f: {  	_ =	sdelay $0x2  }
0x220: {  	v2 =	vand.u32 $0x7FFFFFFF, v1;
	vm0 =	vlt.f32 v1, $0.0e+00  }
0x221: {  	v1 =	vsub.f32 $0.0e+00, v2;
	v2 =	vsel vm0, $0x3F800000, v0  }
0x222: {  	[tilespmem:s28+$0x6000] =	vst v2  }
0x223: {  	[tilespmem:s28+$0x4000] =	vst v1  }
0x224: {  	[spmem:s21] =	stream.indirect.scatter.add.f32 [tilespmem:s14], [sflag:$0x3], $0x1, s7, s8, $0xb8;
	[tilespmem:$0xC9E0] =	vst v63  }
0x225: {  	_ = 	snop  }
0x226: {  	[spmem:s24] =	stream.indirect.scatter.add.f32 [tilespmem:s15], [sflag:$0x3], $0x1, s7, s8, $0xb8;
	[tilespmem:$0xC9E0] =	vst v63  }
0x227: {  	_ =	swait.ge [sflag:s5], $0x7D0  }
0x228: {  	[sflag:s5] =	ssyncset.done $0x0  }
0x229: {  	[sflag:s5] =	ssyncadd.s32 $0xFFFFF830  }
0x22a: {  	_ =	swait.ge [sflag:s5], $0x7D0  }
0x22b: {  	s4 =	sld [smem:$0x7DE]  }
0x22c: {  	[sflag:s5] =	ssyncset.done $0x0  }
0x22d: {  	s3 =	simm.s32 $0x0;
	[sflag:s5] =	ssyncadd.s32 $0xFFFFF830  }
0x22e: {  	[tilespmem:s3], [sflag:$0x7] =	stream.linear.gather [hbm4b:s4+s3], $0x7D0, $0x38;
	[tilespmem:$0xC9E0] =	vst v63  }
0x22f: {  	_ =	swait.ge [sflag:s6], $0x7D0  }
0x230: {  	s4 =	sld [smem:$0x7DF]  }
0x231: {  	[sflag:s6] =	ssyncset.done $0x0  }
0x232: {  	[sflag:s6] =	ssyncadd.s32 $0xFFFFF830  }
0x233: {  	[tilespmem:s16], [sflag:$0x7] =	stream.linear.gather [hbm4b:s4+s3], $0x7D0, $0x38;
	[tilespmem:$0xC9E0] =	vst v63  }
0x234: {  	_ =	swait.ge [sflag:s6], $0x7D0  }
0x235: {  	[sflag:s6] =	ssyncset.done $0x0  }
0x236: {  	[sflag:s6] =	ssyncadd.s32 $0xFFFFF830  }
0x237: {  	[tilespmem:s9], [sflag:$0x1] =	stream.indirect.gather [hbm4b:s29+s8], $0x1, s3, s8, $0xb8;
	[tilespmem:$0xC9E0] =	vst v63  }
0x238: {  	_ =	swait.ge [sflag:s17], $0x7D0  }
0x239: {  	[sflag:s17] =	ssyncset.done $0x0  }
0x23a: {  	s28 =	simm.s32 $0x0;
	[sflag:s17] =	ssyncadd.s32 $0xFFFFF830  }
0x23b: {  	v1 =	vld [tilespmem:s28+$0x3800]  }
0x23c: {  	s3 =	simm.s32 $0x40  }
.LBB2_28:
0x23d: {  	_ = 	snop  }
0x23e: {  	p1 =	sne.s32 s3, $0x1F00  }
.Ltmp13:
0x23f: {  	_ = 	snop;
	(pc) =	sbr.rel @p1 .LBB2_28-.Ltmp13, $4  }
0x240: {  	v2 =	vand.u32 $0x7FFFFFFF, v1;
	vm0 =	vlt.f32 v1, $0.0e+00  }
0x241: {  	s4 =	sshra.s32 s3, $0x2;
	v2 =	vsub.f32 $0.0e+00, v2;
	v3 =	vsel vm0, $0x3F800000, v0  }
0x242: {  	v1 =	vld [tilespmem:s4+$0x3800];
	[tilespmem:s28+$0x6800] =	vst v3  }
0x243: {  	s3 =	sadd.s32 $0x40, s3;
	[tilespmem:s28+$0x4800] =	vst v2;
	s28 =	smov.u32 s4  }
0x244: {  	_ =	sdelay $0x2  }
0x245: {  	v2 =	vand.u32 $0x7FFFFFFF, v1;
	vm0 =	vlt.f32 v1, $0.0e+00  }
0x246: {  	v1 =	vsub.f32 $0.0e+00, v2;
	v2 =	vsel vm0, $0x3F800000, v0  }
0x247: {  	[tilespmem:s28+$0x6800] =	vst v2  }
0x248: {  	[tilespmem:s28+$0x4800] =	vst v1  }
0x249: {  	[spmem:s21] =	stream.indirect.scatter.add.f32 [tilespmem:s25], [sflag:$0x4], $0x1, s11, s8, $0xb8;
	[tilespmem:$0xC9E0] =	vst v63  }
0x24a: {  	_ = 	snop  }
0x24b: {  	[spmem:s24] =	stream.indirect.scatter.add.f32 [tilespmem:s1], [sflag:$0x4], $0x1, s11, s8, $0xb8;
	[tilespmem:$0xC9E0] =	vst v63  }
0x24c: {  	_ =	swait.ge [sflag:s23], $0x7D0  }
0x24d: {  	[sflag:s23] =	ssyncset.done $0x0  }
0x24e: {  	[sflag:s23] =	ssyncadd.s32 $0xFFFFF830  }
0x24f: {  	_ =	swait.ge [sflag:s23], $0x7D0  }
0x250: {  	s4 =	sld [smem:$0x7E0]  }
0x251: {  	[sflag:s23] =	ssyncset.done $0x0  }
0x252: {  	s3 =	simm.s32 $0x0;
	[sflag:s23] =	ssyncadd.s32 $0xFFFFF830  }
0x253: {  	[tilespmem:s10], [sflag:$0x7] =	stream.linear.gather [hbm4b:s4+s3], $0x7D0, $0x38;
	[tilespmem:$0xC9E0] =	vst v63  }
0x254: {  	_ =	swait.ge [sflag:s6], $0x7D0  }
0x255: {  	s4 =	sld [smem:$0x7E1]  }
0x256: {  	[sflag:s6] =	ssyncset.done $0x0  }
0x257: {  	[sflag:s6] =	ssyncadd.s32 $0xFFFFF830  }
0x258: {  	[tilespmem:s20], [sflag:$0x7] =	stream.linear.gather [hbm4b:s4+s3], $0x7D0, $0x38;
	[tilespmem:$0xC9E0] =	vst v63  }
0x259: {  	_ =	swait.ge [sflag:s6], $0x7D0  }
0x25a: {  	[sflag:s6] =	ssyncset.done $0x0  }
0x25b: {  	[sflag:s6] =	ssyncadd.s32 $0xFFFFF830  }
0x25c: {  	[tilespmem:s12], [sflag:$0x2] =	stream.indirect.gather [hbm4b:s29+s8], $0x1, s10, s8, $0xb8;
	[tilespmem:$0xC9E0] =	vst v63  }
0x25d: {  	_ =	swait.ge [sflag:s13], $0x7D0  }
0x25e: {  	[sflag:s13] =	ssyncset.done $0x0  }
0x25f: {  	s28 =	simm.s32 $0x0;
	[sflag:s13] =	ssyncadd.s32 $0xFFFFF830  }
0x260: {  	v1 =	vld [tilespmem:s28+$0x3000]  }
0x261: {  	s3 =	simm.s32 $0x40  }
.LBB2_30:
0x262: {  	_ = 	snop  }
0x263: {  	p1 =	sne.s32 s3, $0x1F00  }
.Ltmp14:
0x264: {  	_ = 	snop;
	(pc) =	sbr.rel @p1 .LBB2_30-.Ltmp14, $4  }
0x265: {  	v2 =	vand.u32 $0x7FFFFFFF, v1;
	vm0 =	vlt.f32 v1, $0.0e+00  }
0x266: {  	s4 =	sshra.s32 s3, $0x2;
	v2 =	vsub.f32 $0.0e+00, v2;
	v3 =	vsel vm0, $0x3F800000, v0  }
0x267: {  	v1 =	vld [tilespmem:s4+$0x3000];
	[tilespmem:s28+$0x7000] =	vst v3  }
0x268: {  	s3 =	sadd.s32 $0x40, s3;
	[tilespmem:s28+$0x5000] =	vst v2;
	s28 =	smov.u32 s4  }
0x269: {  	_ =	sdelay $0x2  }
0x26a: {  	v2 =	vand.u32 $0x7FFFFFFF, v1;
	vm0 =	vlt.f32 v1, $0.0e+00  }
0x26b: {  	v1 =	vsub.f32 $0.0e+00, v2;
	v2 =	vsel vm0, $0x3F800000, v0  }
0x26c: {  	[tilespmem:s28+$0x7000] =	vst v2  }
0x26d: {  	s3 =	simm.s32 $0x5000;
	[tilespmem:s28+$0x5000] =	vst v1  }
0x26e: {  	[spmem:s21] =	stream.indirect.scatter.add.f32 [tilespmem:s3], [sflag:$0x5], $0x1, s16, s8, $0xb8;
	[tilespmem:$0xC9E0] =	vst v63  }
0x26f: {  	s4 =	simm.s32 $0x7000  }
0x270: {  	[spmem:s24] =	stream.indirect.scatter.add.f32 [tilespmem:s4], [sflag:$0x5], $0x1, s16, s8, $0xb8;
	[tilespmem:$0xC9E0] =	vst v63  }
0x271: {  	_ =	swait.ge [sflag:s30], $0x7D0  }
0x272: {  	[sflag:s30] =	ssyncset.done $0x0  }
0x273: {  	[sflag:s30] =	ssyncadd.s32 $0xFFFFF830  }
0x274: {  	_ =	swait.ge [sflag:s30], $0x7D0  }
0x275: {  	s4 =	sld [smem:$0x7E2]  }
0x276: {  	[sflag:s30] =	ssyncset.done $0x0  }
0x277: {  	s3 =	simm.s32 $0x0;
	[sflag:s30] =	ssyncadd.s32 $0xFFFFF830  }
0x278: {  	[tilespmem:s3], [sflag:$0x7] =	stream.linear.gather [hbm4b:s4+s3], $0x7D0, $0x38;
	[tilespmem:$0xC9E0] =	vst v63  }
0x279: {  	_ =	swait.ge [sflag:s6], $0x7D0  }
0x27a: {  	s4 =	sld [smem:$0x7E3]  }
0x27b: {  	[sflag:s6] =	ssyncset.done $0x0  }
0x27c: {  	[sflag:s6] =	ssyncadd.s32 $0xFFFFF830  }
0x27d: {  	[tilespmem:s7], [sflag:$0x7] =	stream.linear.gather [hbm4b:s4+s3], $0x7D0, $0x38;
	[tilespmem:$0xC9E0] =	vst v63  }
0x27e: {  	_ =	swait.ge [sflag:s6], $0x7D0  }
0x27f: {  	[sflag:s6] =	ssyncset.done $0x0  }
0x280: {  	[sflag:s6] =	ssyncadd.s32 $0xFFFFF830  }
0x281: {  	[tilespmem:s9], [sflag:$0x1] =	stream.indirect.gather [hbm4b:s29+s8], $0x1, s3, s8, $0xb8;
	[tilespmem:$0xC9E0] =	vst v63  }
0x282: {  	_ =	swait.ge [sflag:s17], $0x7D0  }
0x283: {  	[sflag:s17] =	ssyncset.done $0x0  }
0x284: {  	s28 =	simm.s32 $0x0;
	[sflag:s17] =	ssyncadd.s32 $0xFFFFF830  }
0x285: {  	v1 =	vld [tilespmem:s28+$0x3800]  }
0x286: {  	s3 =	simm.s32 $0x40  }
.LBB2_32:
0x287: {  	_ = 	snop  }
0x288: {  	p1 =	sne.s32 s3, $0x1F00  }
.Ltmp15:
0x289: {  	_ = 	snop;
	(pc) =	sbr.rel @p1 .LBB2_32-.Ltmp15, $4  }
0x28a: {  	v2 =	vand.u32 $0x7FFFFFFF, v1;
	vm0 =	vlt.f32 v1, $0.0e+00  }
0x28b: {  	s4 =	sshra.s32 s3, $0x2;
	v2 =	vsub.f32 $0.0e+00, v2;
	v3 =	vsel vm0, $0x3F800000, v0  }
0x28c: {  	v1 =	vld [tilespmem:s4+$0x3800];
	[tilespmem:s28+$0x7800] =	vst v3  }
0x28d: {  	s3 =	sadd.s32 $0x40, s3;
	[tilespmem:s28+$0x5800] =	vst v2;
	s28 =	smov.u32 s4  }
0x28e: {  	_ =	sdelay $0x2  }
0x28f: {  	v2 =	vand.u32 $0x7FFFFFFF, v1;
	vm0 =	vlt.f32 v1, $0.0e+00  }
0x290: {  	v1 =	vsub.f32 $0.0e+00, v2;
	v2 =	vsel vm0, $0x3F800000, v0  }
0x291: {  	[tilespmem:s28+$0x7800] =	vst v2  }
0x292: {  	[tilespmem:s28+$0x5800] =	vst v1  }
0x293: {  	[spmem:s21] =	stream.indirect.scatter.add.f32 [tilespmem:s31], [sflag:$0x6], $0x1, s20, s8, $0xb8;
	[tilespmem:$0xC9E0] =	vst v63  }
0x294: {  	_ = 	snop  }
0x295: {  	[spmem:s24] =	stream.indirect.scatter.add.f32 [tilespmem:s0], [sflag:$0x6], $0x1, s20, s8, $0xb8;
	[tilespmem:$0xC9E0] =	vst v63  }
0x296: {  	_ =	swait.ge [sflag:s2], $0x7D0  }
0x297: {  	[sflag:s2] =	ssyncset.done $0x0  }
0x298: {  	[sflag:s2] =	ssyncadd.s32 $0xFFFFF830  }
0x299: {  	_ =	swait.ge [sflag:s2], $0x7D0  }
0x29a: {  	s4 =	sld [smem:$0x7E4]  }
0x29b: {  	[sflag:s2] =	ssyncset.done $0x0  }
0x29c: {  	s3 =	simm.s32 $0x0;
	[sflag:s2] =	ssyncadd.s32 $0xFFFFF830  }
0x29d: {  	[tilespmem:s10], [sflag:$0x7] =	stream.linear.gather [hbm4b:s4+s3], $0x7D0, $0x38;
	[tilespmem:$0xC9E0] =	vst v63  }
0x29e: {  	_ =	swait.ge [sflag:s6], $0x7D0  }
0x29f: {  	s4 =	sld [smem:$0x7E5]  }
0x2a0: {  	[sflag:s6] =	ssyncset.done $0x0  }
0x2a1: {  	[sflag:s6] =	ssyncadd.s32 $0xFFFFF830  }
0x2a2: {  	[tilespmem:s11], [sflag:$0x7] =	stream.linear.gather [hbm4b:s4+s3], $0x7D0, $0x38;
	[tilespmem:$0xC9E0] =	vst v63  }
0x2a3: {  	_ =	swait.ge [sflag:s6], $0x7D0  }
0x2a4: {  	[sflag:s6] =	ssyncset.done $0x0  }
0x2a5: {  	[sflag:s6] =	ssyncadd.s32 $0xFFFFF830  }
0x2a6: {  	[tilespmem:s12], [sflag:$0x2] =	stream.indirect.gather [hbm4b:s29+s8], $0x1, s10, s8, $0xb8;
	[tilespmem:$0xC9E0] =	vst v63  }
0x2a7: {  	_ =	swait.ge [sflag:s13], $0x7D0  }
0x2a8: {  	[sflag:s13] =	ssyncset.done $0x0  }
0x2a9: {  	s28 =	simm.s32 $0x0;
	[sflag:s13] =	ssyncadd.s32 $0xFFFFF830  }
0x2aa: {  	v1 =	vld [tilespmem:s28+$0x3000]  }
0x2ab: {  	s3 =	simm.s32 $0x40  }
.LBB2_34:
0x2ac: {  	_ = 	snop  }
0x2ad: {  	p1 =	sne.s32 s3, $0x1F00  }
.Ltmp16:
0x2ae: {  	_ = 	snop;
	(pc) =	sbr.rel @p1 .LBB2_34-.Ltmp16, $4  }
0x2af: {  	v2 =	vand.u32 $0x7FFFFFFF, v1;
	vm0 =	vlt.f32 v1, $0.0e+00  }
0x2b0: {  	s4 =	sshra.s32 s3, $0x2;
	v2 =	vsub.f32 $0.0e+00, v2;
	v3 =	vsel vm0, $0x3F800000, v0  }
0x2b1: {  	v1 =	vld [tilespmem:s4+$0x3000];
	[tilespmem:s28+$0x6000] =	vst v3  }
0x2b2: {  	s3 =	sadd.s32 $0x40, s3;
	[tilespmem:s28+$0x4000] =	vst v2;
	s28 =	smov.u32 s4  }
0x2b3: {  	_ =	sdelay $0x2  }
0x2b4: {  	v2 =	vand.u32 $0x7FFFFFFF, v1;
	vm0 =	vlt.f32 v1, $0.0e+00  }
0x2b5: {  	v1 =	vsub.f32 $0.0e+00, v2;
	v2 =	vsel vm0, $0x3F800000, v0  }
0x2b6: {  	[tilespmem:s28+$0x6000] =	vst v2  }
0x2b7: {  	[tilespmem:s28+$0x4000] =	vst v1  }
0x2b8: {  	[spmem:s21] =	stream.indirect.scatter.add.f32 [tilespmem:s14], [sflag:$0x3], $0x1, s7, s8, $0xb8;
	[tilespmem:$0xC9E0] =	vst v63  }
0x2b9: {  	_ = 	snop  }
0x2ba: {  	[spmem:s24] =	stream.indirect.scatter.add.f32 [tilespmem:s15], [sflag:$0x3], $0x1, s7, s8, $0xb8;
	[tilespmem:$0xC9E0] =	vst v63  }
0x2bb: {  	_ =	swait.ge [sflag:s5], $0x7D0  }
0x2bc: {  	[sflag:s5] =	ssyncset.done $0x0  }
0x2bd: {  	[sflag:s5] =	ssyncadd.s32 $0xFFFFF830  }
0x2be: {  	_ =	swait.ge [sflag:s5], $0x7D0  }
0x2bf: {  	s4 =	sld [smem:$0x7E6]  }
0x2c0: {  	[sflag:s5] =	ssyncset.done $0x0  }
0x2c1: {  	s3 =	simm.s32 $0x0;
	[sflag:s5] =	ssyncadd.s32 $0xFFFFF830  }
0x2c2: {  	[tilespmem:s3], [sflag:$0x7] =	stream.linear.gather [hbm4b:s4+s3], $0x7D0, $0x38;
	[tilespmem:$0xC9E0] =	vst v63  }
0x2c3: {  	_ =	swait.ge [sflag:s6], $0x7D0  }
0x2c4: {  	s4 =	sld [smem:$0x7E7]  }
0x2c5: {  	[sflag:s6] =	ssyncset.done $0x0  }
0x2c6: {  	[sflag:s6] =	ssyncadd.s32 $0xFFFFF830  }
0x2c7: {  	[tilespmem:s16], [sflag:$0x7] =	stream.linear.gather [hbm4b:s4+s3], $0x7D0, $0x38;
	[tilespmem:$0xC9E0] =	vst v63  }
0x2c8: {  	_ =	swait.ge [sflag:s6], $0x7D0  }
0x2c9: {  	[sflag:s6] =	ssyncset.done $0x0  }
0x2ca: {  	[sflag:s6] =	ssyncadd.s32 $0xFFFFF830  }
0x2cb: {  	[tilespmem:s9], [sflag:$0x1] =	stream.indirect.gather [hbm4b:s29+s8], $0x1, s3, s8, $0xb8;
	[tilespmem:$0xC9E0] =	vst v63  }
0x2cc: {  	_ =	swait.ge [sflag:s17], $0x7D0  }
0x2cd: {  	[sflag:s17] =	ssyncset.done $0x0  }
0x2ce: {  	s28 =	simm.s32 $0x0;
	[sflag:s17] =	ssyncadd.s32 $0xFFFFF830  }
0x2cf: {  	v1 =	vld [tilespmem:s28+$0x3800]  }
0x2d0: {  	s3 =	simm.s32 $0x40  }
.LBB2_36:
0x2d1: {  	_ = 	snop  }
0x2d2: {  	p1 =	sne.s32 s3, $0x1F00  }
.Ltmp17:
0x2d3: {  	_ = 	snop;
	(pc) =	sbr.rel @p1 .LBB2_36-.Ltmp17, $4  }
0x2d4: {  	v2 =	vand.u32 $0x7FFFFFFF, v1;
	vm0 =	vlt.f32 v1, $0.0e+00  }
0x2d5: {  	s4 =	sshra.s32 s3, $0x2;
	v2 =	vsub.f32 $0.0e+00, v2;
	v3 =	vsel vm0, $0x3F800000, v0  }
0x2d6: {  	v1 =	vld [tilespmem:s4+$0x3800];
	[tilespmem:s28+$0x6800] =	vst v3  }
0x2d7: {  	s3 =	sadd.s32 $0x40, s3;
	[tilespmem:s28+$0x4800] =	vst v2;
	s28 =	smov.u32 s4  }
0x2d8: {  	_ =	sdelay $0x2  }
0x2d9: {  	v2 =	vand.u32 $0x7FFFFFFF, v1;
	vm0 =	vlt.f32 v1, $0.0e+00  }
0x2da: {  	v1 =	vsub.f32 $0.0e+00, v2;
	v2 =	vsel vm0, $0x3F800000, v0  }
0x2db: {  	[tilespmem:s28+$0x6800] =	vst v2  }
0x2dc: {  	[tilespmem:s28+$0x4800] =	vst v1  }
0x2dd: {  	[spmem:s21] =	stream.indirect.scatter.add.f32 [tilespmem:s25], [sflag:$0x4], $0x1, s11, s8, $0xb8;
	[tilespmem:$0xC9E0] =	vst v63  }
0x2de: {  	_ = 	snop  }
0x2df: {  	[spmem:s24] =	stream.indirect.scatter.add.f32 [tilespmem:s1], [sflag:$0x4], $0x1, s11, s8, $0xb8;
	[tilespmem:$0xC9E0] =	vst v63  }
0x2e0: {  	_ =	swait.ge [sflag:s23], $0x7D0  }
0x2e1: {  	[sflag:s23] =	ssyncset.done $0x0  }
0x2e2: {  	[sflag:s23] =	ssyncadd.s32 $0xFFFFF830  }
0x2e3: {  	_ =	swait.ge [sflag:s23], $0x7D0  }
0x2e4: {  	s4 =	sld [smem:$0x7E8]  }
0x2e5: {  	[sflag:s23] =	ssyncset.done $0x0  }
0x2e6: {  	s3 =	simm.s32 $0x0;
	[sflag:s23] =	ssyncadd.s32 $0xFFFFF830  }
0x2e7: {  	[tilespmem:s10], [sflag:$0x7] =	stream.linear.gather [hbm4b:s4+s3], $0x7D0, $0x38;
	[tilespmem:$0xC9E0] =	vst v63  }
0x2e8: {  	_ =	swait.ge [sflag:s6], $0x7D0  }
0x2e9: {  	s4 =	sld [smem:$0x7E9]  }
0x2ea: {  	[sflag:s6] =	ssyncset.done $0x0  }
0x2eb: {  	[sflag:s6] =	ssyncadd.s32 $0xFFFFF830  }
0x2ec: {  	[tilespmem:s20], [sflag:$0x7] =	stream.linear.gather [hbm4b:s4+s3], $0x7D0, $0x38;
	[tilespmem:$0xC9E0] =	vst v63  }
0x2ed: {  	_ =	swait.ge [sflag:s6], $0x7D0  }
0x2ee: {  	[sflag:s6] =	ssyncset.done $0x0  }
0x2ef: {  	[sflag:s6] =	ssyncadd.s32 $0xFFFFF830  }
0x2f0: {  	[tilespmem:s12], [sflag:$0x2] =	stream.indirect.gather [hbm4b:s29+s8], $0x1, s10, s8, $0xb8;
	[tilespmem:$0xC9E0] =	vst v63  }
0x2f1: {  	_ =	swait.ge [sflag:s13], $0x7D0  }
0x2f2: {  	[sflag:s13] =	ssyncset.done $0x0  }
0x2f3: {  	s28 =	simm.s32 $0x0;
	[sflag:s13] =	ssyncadd.s32 $0xFFFFF830  }
0x2f4: {  	v1 =	vld [tilespmem:s28+$0x3000]  }
0x2f5: {  	s3 =	simm.s32 $0x40  }
.LBB2_38:
0x2f6: {  	_ = 	snop  }
0x2f7: {  	p1 =	sne.s32 s3, $0x1F00  }
.Ltmp18:
0x2f8: {  	_ = 	snop;
	(pc) =	sbr.rel @p1 .LBB2_38-.Ltmp18, $4  }
0x2f9: {  	v2 =	vand.u32 $0x7FFFFFFF, v1;
	vm0 =	vlt.f32 v1, $0.0e+00  }
0x2fa: {  	s4 =	sshra.s32 s3, $0x2;
	v2 =	vsub.f32 $0.0e+00, v2;
	v3 =	vsel vm0, $0x3F800000, v0  }
0x2fb: {  	v1 =	vld [tilespmem:s4+$0x3000];
	[tilespmem:s28+$0x7000] =	vst v3  }
0x2fc: {  	s3 =	sadd.s32 $0x40, s3;
	[tilespmem:s28+$0x5000] =	vst v2;
	s28 =	smov.u32 s4  }
0x2fd: {  	_ =	sdelay $0x2  }
0x2fe: {  	v2 =	vand.u32 $0x7FFFFFFF, v1;
	vm0 =	vlt.f32 v1, $0.0e+00  }
0x2ff: {  	v1 =	vsub.f32 $0.0e+00, v2;
	v2 =	vsel vm0, $0x3F800000, v0  }
0x300: {  	[tilespmem:s28+$0x7000] =	vst v2  }
0x301: {  	s3 =	simm.s32 $0x5000;
	[tilespmem:s28+$0x5000] =	vst v1  }
0x302: {  	[spmem:s21] =	stream.indirect.scatter.add.f32 [tilespmem:s3], [sflag:$0x5], $0x1, s16, s8, $0xb8;
	[tilespmem:$0xC9E0] =	vst v63  }
0x303: {  	s4 =	simm.s32 $0x7000  }
0x304: {  	[spmem:s24] =	stream.indirect.scatter.add.f32 [tilespmem:s4], [sflag:$0x5], $0x1, s16, s8, $0xb8;
	[tilespmem:$0xC9E0] =	vst v63  }
0x305: {  	_ =	swait.ge [sflag:s30], $0x7D0  }
0x306: {  	[sflag:s30] =	ssyncset.done $0x0  }
0x307: {  	[sflag:s30] =	ssyncadd.s32 $0xFFFFF830  }
0x308: {  	_ =	swait.ge [sflag:s30], $0x7D0  }
0x309: {  	s4 =	sld [smem:$0x7EA]  }
0x30a: {  	[sflag:s30] =	ssyncset.done $0x0  }
0x30b: {  	s3 =	simm.s32 $0x0;
	[sflag:s30] =	ssyncadd.s32 $0xFFFFF830  }
0x30c: {  	[tilespmem:s3], [sflag:$0x7] =	stream.linear.gather [hbm4b:s4+s3], $0x7D0, $0x38;
	[tilespmem:$0xC9E0] =	vst v63  }
0x30d: {  	_ =	swait.ge [sflag:s6], $0x7D0  }
0x30e: {  	s4 =	sld [smem:$0x7EB]  }
0x30f: {  	[sflag:s6] =	ssyncset.done $0x0  }
0x310: {  	[sflag:s6] =	ssyncadd.s32 $0xFFFFF830  }
0x311: {  	[tilespmem:s7], [sflag:$0x7] =	stream.linear.gather [hbm4b:s4+s3], $0x7D0, $0x38;
	[tilespmem:$0xC9E0] =	vst v63  }
0x312: {  	_ =	swait.ge [sflag:s6], $0x7D0  }
0x313: {  	[sflag:s6] =	ssyncset.done $0x0  }
0x314: {  	[sflag:s6] =	ssyncadd.s32 $0xFFFFF830  }
0x315: {  	[tilespmem:s9], [sflag:$0x1] =	stream.indirect.gather [hbm4b:s29+s8], $0x1, s3, s8, $0xb8;
	[tilespmem:$0xC9E0] =	vst v63  }
0x316: {  	_ =	swait.ge [sflag:s17], $0x7D0  }
0x317: {  	[sflag:s17] =	ssyncset.done $0x0  }
0x318: {  	s28 =	simm.s32 $0x0;
	[sflag:s17] =	ssyncadd.s32 $0xFFFFF830  }
0x319: {  	v1 =	vld [tilespmem:s28+$0x3800]  }
0x31a: {  	s3 =	simm.s32 $0x40  }
.LBB2_40:
0x31b: {  	_ = 	snop  }
0x31c: {  	p1 =	sne.s32 s3, $0x1F00  }
.Ltmp19:
0x31d: {  	_ = 	snop;
	(pc) =	sbr.rel @p1 .LBB2_40-.Ltmp19, $4  }
0x31e: {  	v2 =	vand.u32 $0x7FFFFFFF, v1;
	vm0 =	vlt.f32 v1, $0.0e+00  }
0x31f: {  	s4 =	sshra.s32 s3, $0x2;
	v2 =	vsub.f32 $0.0e+00, v2;
	v3 =	vsel vm0, $0x3F800000, v0  }
0x320: {  	v1 =	vld [tilespmem:s4+$0x3800];
	[tilespmem:s28+$0x7800] =	vst v3  }
0x321: {  	s3 =	sadd.s32 $0x40, s3;
	[tilespmem:s28+$0x5800] =	vst v2;
	s28 =	smov.u32 s4  }
0x322: {  	_ =	sdelay $0x2  }
0x323: {  	v2 =	vand.u32 $0x7FFFFFFF, v1;
	vm0 =	vlt.f32 v1, $0.0e+00  }
0x324: {  	v1 =	vsub.f32 $0.0e+00, v2;
	v2 =	vsel vm0, $0x3F800000, v0  }
0x325: {  	[tilespmem:s28+$0x7800] =	vst v2  }
0x326: {  	[tilespmem:s28+$0x5800] =	vst v1  }
0x327: {  	[spmem:s21] =	stream.indirect.scatter.add.f32 [tilespmem:s31], [sflag:$0x6], $0x1, s20, s8, $0xb8;
	[tilespmem:$0xC9E0] =	vst v63  }
0x328: {  	_ = 	snop  }
0x329: {  	[spmem:s24] =	stream.indirect.scatter.add.f32 [tilespmem:s0], [sflag:$0x6], $0x1, s20, s8, $0xb8;
	[tilespmem:$0xC9E0] =	vst v63  }
0x32a: {  	_ =	swait.ge [sflag:s2], $0x7D0  }
0x32b: {  	[sflag:s2] =	ssyncset.done $0x0  }
0x32c: {  	[sflag:s2] =	ssyncadd.s32 $0xFFFFF830  }
0x32d: {  	_ =	swait.ge [sflag:s2], $0x7D0  }
0x32e: {  	s4 =	sld [smem:$0x7EC]  }
0x32f: {  	[sflag:s2] =	ssyncset.done $0x0  }
0x330: {  	s3 =	simm.s32 $0x0;
	[sflag:s2] =	ssyncadd.s32 $0xFFFFF830  }
0x331: {  	[tilespmem:s10], [sflag:$0x7] =	stream.linear.gather [hbm4b:s4+s3], $0x7D0, $0x38;
	[tilespmem:$0xC9E0] =	vst v63  }
0x332: {  	_ =	swait.ge [sflag:s6], $0x7D0  }
0x333: {  	s4 =	sld [smem:$0x7ED]  }
0x334: {  	[sflag:s6] =	ssyncset.done $0x0  }
0x335: {  	[sflag:s6] =	ssyncadd.s32 $0xFFFFF830  }
0x336: {  	[tilespmem:s11], [sflag:$0x7] =	stream.linear.gather [hbm4b:s4+s3], $0x7D0, $0x38;
	[tilespmem:$0xC9E0] =	vst v63  }
0x337: {  	_ =	swait.ge [sflag:s6], $0x7D0  }
0x338: {  	[sflag:s6] =	ssyncset.done $0x0  }
0x339: {  	[sflag:s6] =	ssyncadd.s32 $0xFFFFF830  }
0x33a: {  	[tilespmem:s12], [sflag:$0x2] =	stream.indirect.gather [hbm4b:s29+s8], $0x1, s10, s8, $0xb8;
	[tilespmem:$0xC9E0] =	vst v63  }
0x33b: {  	_ =	swait.ge [sflag:s13], $0x7D0  }
0x33c: {  	[sflag:s13] =	ssyncset.done $0x0  }
0x33d: {  	s28 =	simm.s32 $0x0;
	[sflag:s13] =	ssyncadd.s32 $0xFFFFF830  }
0x33e: {  	v1 =	vld [tilespmem:s28+$0x3000]  }
0x33f: {  	s3 =	simm.s32 $0x40  }
.LBB2_42:
0x340: {  	_ = 	snop  }
0x341: {  	p1 =	sne.s32 s3, $0x1F00  }
.Ltmp20:
0x342: {  	_ = 	snop;
	(pc) =	sbr.rel @p1 .LBB2_42-.Ltmp20, $4  }
0x343: {  	v2 =	vand.u32 $0x7FFFFFFF, v1;
	vm0 =	vlt.f32 v1, $0.0e+00  }
0x344: {  	s4 =	sshra.s32 s3, $0x2;
	v2 =	vsub.f32 $0.0e+00, v2;
	v3 =	vsel vm0, $0x3F800000, v0  }
0x345: {  	v1 =	vld [tilespmem:s4+$0x3000];
	[tilespmem:s28+$0x6000] =	vst v3  }
0x346: {  	s3 =	sadd.s32 $0x40, s3;
	[tilespmem:s28+$0x4000] =	vst v2;
	s28 =	smov.u32 s4  }
0x347: {  	_ =	sdelay $0x2  }
0x348: {  	v2 =	vand.u32 $0x7FFFFFFF, v1;
	vm0 =	vlt.f32 v1, $0.0e+00  }
0x349: {  	v1 =	vsub.f32 $0.0e+00, v2;
	v2 =	vsel vm0, $0x3F800000, v0  }
0x34a: {  	[tilespmem:s28+$0x6000] =	vst v2  }
0x34b: {  	[tilespmem:s28+$0x4000] =	vst v1  }
0x34c: {  	[spmem:s21] =	stream.indirect.scatter.add.f32 [tilespmem:s14], [sflag:$0x3], $0x1, s7, s8, $0xb8;
	[tilespmem:$0xC9E0] =	vst v63  }
0x34d: {  	_ = 	snop  }
0x34e: {  	[spmem:s24] =	stream.indirect.scatter.add.f32 [tilespmem:s15], [sflag:$0x3], $0x1, s7, s8, $0xb8;
	[tilespmem:$0xC9E0] =	vst v63  }
0x34f: {  	_ =	swait.ge [sflag:s5], $0x7D0  }
0x350: {  	[sflag:s5] =	ssyncset.done $0x0  }
0x351: {  	[sflag:s5] =	ssyncadd.s32 $0xFFFFF830  }
0x352: {  	_ =	swait.ge [sflag:s5], $0x7D0  }
0x353: {  	s4 =	sld [smem:$0x7EE]  }
0x354: {  	[sflag:s5] =	ssyncset.done $0x0  }
0x355: {  	s3 =	simm.s32 $0x0;
	[sflag:s5] =	ssyncadd.s32 $0xFFFFF830  }
0x356: {  	[tilespmem:s3], [sflag:$0x7] =	stream.linear.gather [hbm4b:s4+s3], $0x7D0, $0x38;
	[tilespmem:$0xC9E0] =	vst v63  }
0x357: {  	_ =	swait.ge [sflag:s6], $0x7D0  }
0x358: {  	s4 =	sld [smem:$0x7EF]  }
0x359: {  	[sflag:s6] =	ssyncset.done $0x0  }
0x35a: {  	[sflag:s6] =	ssyncadd.s32 $0xFFFFF830  }
0x35b: {  	[tilespmem:s16], [sflag:$0x7] =	stream.linear.gather [hbm4b:s4+s3], $0x7D0, $0x38;
	[tilespmem:$0xC9E0] =	vst v63  }
0x35c: {  	_ =	swait.ge [sflag:s6], $0x7D0  }
0x35d: {  	[sflag:s6] =	ssyncset.done $0x0  }
0x35e: {  	[sflag:s6] =	ssyncadd.s32 $0xFFFFF830  }
0x35f: {  	[tilespmem:s9], [sflag:$0x1] =	stream.indirect.gather [hbm4b:s29+s8], $0x1, s3, s8, $0xb8;
	[tilespmem:$0xC9E0] =	vst v63  }
0x360: {  	_ =	swait.ge [sflag:s17], $0x7D0  }
0x361: {  	[sflag:s17] =	ssyncset.done $0x0  }
0x362: {  	s28 =	simm.s32 $0x0;
	[sflag:s17] =	ssyncadd.s32 $0xFFFFF830  }
0x363: {  	v1 =	vld [tilespmem:s28+$0x3800]  }
0x364: {  	s3 =	simm.s32 $0x40  }
.LBB2_44:
0x365: {  	_ = 	snop  }
0x366: {  	p1 =	sne.s32 s3, $0x1F00  }
.Ltmp21:
0x367: {  	_ = 	snop;
	(pc) =	sbr.rel @p1 .LBB2_44-.Ltmp21, $4  }
0x368: {  	v2 =	vand.u32 $0x7FFFFFFF, v1;
	vm0 =	vlt.f32 v1, $0.0e+00  }
0x369: {  	s4 =	sshra.s32 s3, $0x2;
	v2 =	vsub.f32 $0.0e+00, v2;
	v3 =	vsel vm0, $0x3F800000, v0  }
0x36a: {  	v1 =	vld [tilespmem:s4+$0x3800];
	[tilespmem:s28+$0x6800] =	vst v3  }
0x36b: {  	s3 =	sadd.s32 $0x40, s3;
	[tilespmem:s28+$0x4800] =	vst v2;
	s28 =	smov.u32 s4  }
0x36c: {  	_ =	sdelay $0x2  }
0x36d: {  	v2 =	vand.u32 $0x7FFFFFFF, v1;
	vm0 =	vlt.f32 v1, $0.0e+00  }
0x36e: {  	v1 =	vsub.f32 $0.0e+00, v2;
	v2 =	vsel vm0, $0x3F800000, v0  }
0x36f: {  	[tilespmem:s28+$0x6800] =	vst v2  }
0x370: {  	[tilespmem:s28+$0x4800] =	vst v1  }
0x371: {  	[spmem:s21] =	stream.indirect.scatter.add.f32 [tilespmem:s25], [sflag:$0x4], $0x1, s11, s8, $0xb8;
	[tilespmem:$0xC9E0] =	vst v63  }
0x372: {  	_ = 	snop  }
0x373: {  	[spmem:s24] =	stream.indirect.scatter.add.f32 [tilespmem:s1], [sflag:$0x4], $0x1, s11, s8, $0xb8;
	[tilespmem:$0xC9E0] =	vst v63  }
0x374: {  	_ =	swait.ge [sflag:s23], $0x7D0  }
0x375: {  	[sflag:s23] =	ssyncset.done $0x0  }
0x376: {  	[sflag:s23] =	ssyncadd.s32 $0xFFFFF830  }
0x377: {  	_ =	swait.ge [sflag:s23], $0x7D0  }
0x378: {  	s4 =	sld [smem:$0x7F0]  }
0x379: {  	[sflag:s23] =	ssyncset.done $0x0  }
0x37a: {  	s3 =	simm.s32 $0x0;
	[sflag:s23] =	ssyncadd.s32 $0xFFFFF830  }
0x37b: {  	[tilespmem:s10], [sflag:$0x7] =	stream.linear.gather [hbm4b:s4+s3], $0x7D0, $0x38;
	[tilespmem:$0xC9E0] =	vst v63  }
0x37c: {  	_ =	swait.ge [sflag:s6], $0x7D0  }
0x37d: {  	s25 =	sld [smem:$0x7F1]  }
0x37e: {  	[sflag:s6] =	ssyncset.done $0x0  }
0x37f: {  	[sflag:s6] =	ssyncadd.s32 $0xFFFFF830  }
0x380: {  	[tilespmem:s20], [sflag:$0x7] =	stream.linear.gather [hbm4b:s25+s3], $0x7D0, $0x38;
	[tilespmem:$0xC9E0] =	vst v63  }
0x381: {  	_ =	swait.ge [sflag:s6], $0x7D0  }
0x382: {  	[sflag:s6] =	ssyncset.done $0x0  }
0x383: {  	[sflag:s6] =	ssyncadd.s32 $0xFFFFF830  }
0x384: {  	[tilespmem:s12], [sflag:$0x2] =	stream.indirect.gather [hbm4b:s29+s8], $0x1, s10, s8, $0xb8;
	[tilespmem:$0xC9E0] =	vst v63  }
0x385: {  	_ =	swait.ge [sflag:s13], $0x7D0  }
0x386: {  	[sflag:s13] =	ssyncset.done $0x0  }
0x387: {  	s28 =	simm.s32 $0x0;
	[sflag:s13] =	ssyncadd.s32 $0xFFFFF830  }
0x388: {  	v1 =	vld [tilespmem:s28+$0x3000]  }
0x389: {  	s3 =	simm.s32 $0x40  }
.LBB2_46:
0x38a: {  	_ = 	snop  }
0x38b: {  	p1 =	sne.s32 s3, $0x1F00  }
.Ltmp22:
0x38c: {  	_ = 	snop;
	(pc) =	sbr.rel @p1 .LBB2_46-.Ltmp22, $4  }
0x38d: {  	v2 =	vand.u32 $0x7FFFFFFF, v1;
	vm0 =	vlt.f32 v1, $0.0e+00  }
0x38e: {  	s4 =	sshra.s32 s3, $0x2;
	v2 =	vsub.f32 $0.0e+00, v2;
	v3 =	vsel vm0, $0x3F800000, v0  }
0x38f: {  	v1 =	vld [tilespmem:s4+$0x3000];
	[tilespmem:s28+$0x7000] =	vst v3  }
0x390: {  	s3 =	sadd.s32 $0x40, s3;
	[tilespmem:s28+$0x5000] =	vst v2;
	s28 =	smov.u32 s4  }
0x391: {  	_ =	sdelay $0x2  }
0x392: {  	v2 =	vand.u32 $0x7FFFFFFF, v1;
	vm0 =	vlt.f32 v1, $0.0e+00  }
0x393: {  	v1 =	vsub.f32 $0.0e+00, v2;
	v2 =	vsel vm0, $0x3F800000, v0  }
0x394: {  	[tilespmem:s28+$0x7000] =	vst v2  }
0x395: {  	s3 =	simm.s32 $0x5000;
	[tilespmem:s28+$0x5000] =	vst v1  }
0x396: {  	[spmem:s21] =	stream.indirect.scatter.add.f32 [tilespmem:s3], [sflag:$0x5], $0x1, s16, s8, $0xb8;
	[tilespmem:$0xC9E0] =	vst v63  }
0x397: {  	s4 =	simm.s32 $0x7000  }
0x398: {  	[spmem:s24] =	stream.indirect.scatter.add.f32 [tilespmem:s4], [sflag:$0x5], $0x1, s16, s8, $0xb8;
	[tilespmem:$0xC9E0] =	vst v63  }
0x399: {  	_ =	swait.ge [sflag:s30], $0x7D0  }
0x39a: {  	[sflag:s30] =	ssyncset.done $0x0  }
0x39b: {  	[sflag:s30] =	ssyncadd.s32 $0xFFFFF830  }
0x39c: {  	_ =	swait.ge [sflag:s30], $0x7D0  }
0x39d: {  	s4 =	sld [smem:$0x7F4]  }
0x39e: {  	[sflag:s30] =	ssyncset.done $0x0  }
0x39f: {  	s1 =	smov.u32 s19;
	s19 =	simm.s32 $0x0;
	[sflag:s30] =	ssyncadd.s32 $0xFFFFF830  }
0x3a0: {  	[tilespmem:s19], [sflag:$0x7] =	stream.linear.gather [hbm4b:s4+s19], $0x7D0, $0x38;
	[tilespmem:$0xC9E0] =	vst v63  }
0x3a1: {  	_ =	swait.ge [sflag:s6], $0x7D0  }
0x3a2: {  	s25 =	sld [smem:$0x7F5]  }
0x3a3: {  	[sflag:s6] =	ssyncset.done $0x0  }
0x3a4: {  	[sflag:s6] =	ssyncadd.s32 $0xFFFFF830  }
0x3a5: {  	[tilespmem:s7], [sflag:$0x7] =	stream.linear.gather [hbm4b:s25+s19], $0x7D0, $0x38;
	[tilespmem:$0xC9E0] =	vst v63  }
0x3a6: {  	_ =	swait.ge [sflag:s6], $0x7D0  }
0x3a7: {  	[sflag:s6] =	ssyncset.done $0x0  }
0x3a8: {  	[sflag:s6] =	ssyncadd.s32 $0xFFFFF830  }
0x3a9: {  	[tilespmem:s9], [sflag:$0x1] =	stream.indirect.gather [hbm4b:s29+s8], $0x1, s19, s8, $0xb8;
	[tilespmem:$0xC9E0] =	vst v63  }
0x3aa: {  	_ =	swait.ge [sflag:s17], $0x7D0  }
0x3ab: {  	[sflag:s17] =	ssyncset.done $0x0  }
0x3ac: {  	s28 =	simm.s32 $0x0;
	[sflag:s17] =	ssyncadd.s32 $0xFFFFF830  }
0x3ad: {  	v1 =	vld [tilespmem:s28+$0x3800]  }
0x3ae: {  	s3 =	simm.s32 $0x40  }
.LBB2_48:
0x3af: {  	_ = 	snop  }
0x3b0: {  	p1 =	sne.s32 s3, $0x1F00  }
.Ltmp23:
0x3b1: {  	_ = 	snop;
	(pc) =	sbr.rel @p1 .LBB2_48-.Ltmp23, $4  }
0x3b2: {  	v2 =	vand.u32 $0x7FFFFFFF, v1;
	vm0 =	vlt.f32 v1, $0.0e+00  }
0x3b3: {  	s4 =	sshra.s32 s3, $0x2;
	v2 =	vsub.f32 $0.0e+00, v2;
	v3 =	vsel vm0, $0x3F800000, v0  }
0x3b4: {  	v1 =	vld [tilespmem:s4+$0x3800];
	[tilespmem:s28+$0x7800] =	vst v3  }
0x3b5: {  	s3 =	sadd.s32 $0x40, s3;
	[tilespmem:s28+$0x5800] =	vst v2;
	s28 =	smov.u32 s4  }
0x3b6: {  	_ =	sdelay $0x2  }
0x3b7: {  	v2 =	vand.u32 $0x7FFFFFFF, v1;
	vm0 =	vlt.f32 v1, $0.0e+00  }
0x3b8: {  	v1 =	vsub.f32 $0.0e+00, v2;
	v2 =	vsel vm0, $0x3F800000, v0  }
0x3b9: {  	[tilespmem:s28+$0x7800] =	vst v2  }
0x3ba: {  	[tilespmem:s28+$0x5800] =	vst v1  }
0x3bb: {  	[spmem:s21] =	stream.indirect.scatter.add.f32 [tilespmem:s31], [sflag:$0x6], $0x1, s20, s8, $0xb8;
	[tilespmem:$0xC9E0] =	vst v63  }
0x3bc: {  	_ = 	snop  }
0x3bd: {  	[spmem:s24] =	stream.indirect.scatter.add.f32 [tilespmem:s0], [sflag:$0x6], $0x1, s20, s8, $0xb8;
	[tilespmem:$0xC9E0] =	vst v63  }
0x3be: {  	_ =	swait.ge [sflag:s13], $0x7D0  }
0x3bf: {  	[sflag:s13] =	ssyncset.done $0x0  }
0x3c0: {  	s28 =	simm.s32 $0x0;
	[sflag:s13] =	ssyncadd.s32 $0xFFFFF830  }
0x3c1: {  	v1 =	vld [tilespmem:s28+$0x3000]  }
0x3c2: {  	s25 =	smov.u32 s22;
	s19 =	smov.u32 s18;
	s3 =	simm.s32 $0x40  }
.LBB2_50:
0x3c3: {  	_ = 	snop  }
0x3c4: {  	p1 =	sne.s32 s3, $0x1F00  }
.Ltmp24:
0x3c5: {  	_ = 	snop;
	(pc) =	sbr.rel @p1 .LBB2_50-.Ltmp24, $4  }
0x3c6: {  	v2 =	vand.u32 $0x7FFFFFFF, v1;
	vm0 =	vlt.f32 v1, $0.0e+00  }
0x3c7: {  	s4 =	sshra.s32 s3, $0x2;
	v2 =	vsub.f32 $0.0e+00, v2;
	v3 =	vsel vm0, $0x3F800000, v0  }
0x3c8: {  	v1 =	vld [tilespmem:s4+$0x3000];
	[tilespmem:s28+$0x6000] =	vst v3  }
0x3c9: {  	s3 =	sadd.s32 $0x40, s3;
	[tilespmem:s28+$0x4000] =	vst v2;
	s28 =	smov.u32 s4  }
0x3ca: {  	_ =	sdelay $0x2  }
0x3cb: {  	v2 =	vand.u32 $0x7FFFFFFF, v1;
	vm0 =	vlt.f32 v1, $0.0e+00  }
0x3cc: {  	v1 =	vsub.f32 $0.0e+00, v2;
	v2 =	vsel vm0, $0x3F800000, v0  }
0x3cd: {  	[tilespmem:s28+$0x6000] =	vst v2  }
0x3ce: {  	[tilespmem:s28+$0x4000] =	vst v1  }
0x3cf: {  	[spmem:s21] =	stream.indirect.scatter.add.f32 [tilespmem:s14], [sflag:$0x3], $0x1, s7, s8, $0xb8;
	[tilespmem:$0xC9E0] =	vst v63  }
0x3d0: {  	_ = 	snop  }
0x3d1: {  	[spmem:s24] =	stream.indirect.scatter.add.f32 [tilespmem:s15], [sflag:$0x3], $0x1, s7, s8, $0xb8;
	[tilespmem:$0xC9E0] =	vst v63  }
0x3d2: {  	_ =	swait.ge [sflag:s30], $0x7D0  }
0x3d3: {  	[sflag:s30] =	ssyncset.done $0x0  }
0x3d4: {  	[sflag:s30] =	ssyncadd.s32 $0xFFFFF830  }
0x3d5: {  	_ =	swait.ge [sflag:s30], $0x7D0  }
0x3d6: {  	[sflag:s30] =	ssyncset.done $0x0  }
0x3d7: {  	[sflag:s30] =	ssyncadd.s32 $0xFFFFF830  }
0x3d8: {  	_ =	swait.ge [sflag:s2], $0x7D0  }
0x3d9: {  	[sflag:s2] =	ssyncset.done $0x0  }
0x3da: {  	[sflag:s2] =	ssyncadd.s32 $0xFFFFF830  }
0x3db: {  	_ =	swait.ge [sflag:s2], $0x7D0  }
0x3dc: {  	[sflag:s2] =	ssyncset.done $0x0  }
0x3dd: {  	[sflag:s2] =	ssyncadd.s32 $0xFFFFF830  }
0x3de: {  	_ =	swait.ge [sflag:s5], $0x7D0  }
0x3df: {  	[sflag:s5] =	ssyncset.done $0x0  }
0x3e0: {  	[sflag:s5] =	ssyncadd.s32 $0xFFFFF830  }
0x3e1: {  	_ =	swait.ge [sflag:s5], $0x7D0  }
0x3e2: {  	[sflag:s5] =	ssyncset.done $0x0  }
0x3e3: {  	[sflag:s5] =	ssyncadd.s32 $0xFFFFF830  }
0x3e4: {  	_ =	swait.ge [sflag:s23], $0x7D0  }
0x3e5: {  	[sflag:s23] =	ssyncset.done $0x0  }
0x3e6: {  	[sflag:s23] =	ssyncadd.s32 $0xFFFFF830  }
0x3e7: {  	_ =	swait.ge [sflag:s23], $0x7D0  }
0x3e8: {  	[sflag:s23] =	ssyncset.done $0x0  }
0x3e9: {  	[sflag:s23] =	ssyncadd.s32 $0xFFFFF830  }
0x3ea: {  	s3 =	simm.s32 @p0 $0x8000;
	s4 =	simm.s32 @p0 $0x7;
	[bflag:$0x0] =	sbarrier.arrive $0xFFFF  }
0x3eb: {  	[tilespmem:s3], [sflag:$0x7] =	stream.linear.gather @p0 [spmem:s1], $0xFA0, $0x38;
	[tilespmem:$0xC9E0] =	vst v63  }
0x3ec: {  	_ =	swait.ge @p0 [sflag:s4], $0xFA0  }
0x3ed: {  	s22 =	smov.u32 s1;
	s1 =	sld [smem:$0x7F8]  }
0x3ee: {  	[sflag:s4] =	ssyncset.done @p0 $0x0  }
0x3ef: {  	s28 =	simm.s32 @p0 $0x0;
	[sflag:s4] =	ssyncadd.s32 @p0 $0xFFFFF060  }
0x3f0: {  	[hbm4b:s1+s28] =	stream.linear.scatter @p0 [tilespmem:s3], [sflag:$0x7], $0xFA0, $0x38;
	[tilespmem:$0xC9E0] =	vst v63  }
0x3f1: {  	_ =	swait.ge @p0 [sflag:s4], $0xFA0  }
0x3f2: {  	[sflag:s4] =	ssyncset.done @p0 $0x0  }
0x3f3: {  	[sflag:s4] =	ssyncadd.s32 @p0 $0xFFFFF060  }
0x3f4: {  	[tilespmem:s3], [sflag:$0x7] =	stream.linear.gather @p0 [spmem:s25], $0xFA0, $0x38;
	[tilespmem:$0xC9E0] =	vst v63  }
0x3f5: {  	_ =	swait.ge @p0 [sflag:s4], $0xFA0  }
0x3f6: {  	s1 =	sld [smem:$0x7F9]  }
0x3f7: {  	[sflag:s4] =	ssyncset.done @p0 $0x0  }
0x3f8: {  	[sflag:s4] =	ssyncadd.s32 @p0 $0xFFFFF060  }
0x3f9: {  	[hbm4b:s1+s28] =	stream.linear.scatter @p0 [tilespmem:s3], [sflag:$0x7], $0xFA0, $0x38;
	[tilespmem:$0xC9E0] =	vst v63  }
0x3fa: {  	_ =	swait.ge @p0 [sflag:s4], $0xFA0  }
0x3fb: {  	s18 =	sld [smem:$0x7FD]  }
0x3fc: {  	[sflag:s4] =	ssyncset.done @p0 $0x0  }
0x3fd: {  	s3 =	simm.s32 @!p0 $0x8000;
	[sflag:s4] =	ssyncadd.s32 @p0 $0xFFFFF060;
	s4 =	simm.s32 @!p0 $0x7  }
0x3fe: {  	[tilespmem:s3], [sflag:$0x7] =	stream.linear.gather @!p0 [spmem:s18], $0x1900, $0x38;
	[tilespmem:$0xC9E0] =	vst v63  }
0x3ff: {  	_ =	swait.ge @!p0 [sflag:s4], $0x1900  }
0x400: {  	s1 =	sld [smem:$0x7FB]  }
0x401: {  	[sflag:s4] =	ssyncset.done @!p0 $0x0  }
0x402: {  	s28 =	simm.s32 @!p0 $0x0;
	[sflag:s4] =	ssyncadd.s32 @!p0 $0xFFFFE700  }
0x403: {  	[hbm4b:s1+s28] =	stream.linear.scatter @!p0 [tilespmem:s3], [sflag:$0x7], $0x1900, $0x38;
	[tilespmem:$0xC9E0] =	vst v63  }
0x404: {  	_ =	swait.ge @!p0 [sflag:s4], $0x1900  }
0x405: {  	[sflag:s4] =	ssyncset.done @!p0 $0x0  }
0x406: {  	[sflag:s4] =	ssyncadd.s32 @!p0 $0xFFFFE700  }
0x407: {  	[tilespmem:s3], [sflag:$0x7] =	stream.linear.gather @!p0 [spmem:s19], $0x1900, $0x38;
	[tilespmem:$0xC9E0] =	vst v63  }
0x408: {  	_ =	swait.ge @!p0 [sflag:s4], $0x1900  }
0x409: {  	s1 =	sld [smem:$0x7FC]  }
0x40a: {  	[sflag:s4] =	ssyncset.done @!p0 $0x0  }
0x40b: {  	[sflag:s4] =	ssyncadd.s32 @!p0 $0xFFFFE700  }
0x40c: {  	[hbm4b:s1+s28] =	stream.linear.scatter @!p0 [tilespmem:s3], [sflag:$0x7], $0x1900, $0x38;
	[tilespmem:$0xC9E0] =	vst v63  }
0x40d: {  	_ =	swait.ge @!p0 [sflag:s4], $0x1900  }
0x40e: {  	s28 =	sld [smem:$0x7FA];
	_ =	sdelay $0x1  }
0x40f: {  	s26 =	sadd.s32 $0x1, s26  }
0x410: {  	p1 =	sne.s32 s26, s28  }
.Ltmp25:
0x411: {  	_ = 	snop;
	(pc) =	sbr.rel @p1 .LBB2_1-.Ltmp25, $4  }
0x412: {  	_ = 	snop  }
0x413: {  	[sflag:s4] =	ssyncset.done @!p0 $0x0  }
0x414: {  	[sflag:s4] =	ssyncadd.s32 @!p0 $0xFFFFE700;
	s4 =	smov.u32 s18;
	s18 =	smov.u32 s19  }
0x415: {  	s19 =	smov.u32 s22;
	s22 =	smov.u32 s25;
	s25 =	simm.s32 $0x4800  }
0x416: {  	_ =	sfence.sel $0x180000  }
0x417: {  	[bflag:$0x0] =	sbarrier.arrive $0xFFFF  }
0x418: {  	_ =	strace $0x90000047  }
0x419: {  	s0 =	stileid.u32;
	[bflag:$0x2] =	sbarrier.arrive $0xFFFF  }
0x41a: {  	p0 =	sne.s32 s0, $0x0;
	s0 =	rddreg [dreg:$0x5]  }
0x41b: {  	s0 =	sadd.s32 @!p0 $0x100000, s0  }
0x41c: {  	[sflag:s0] =	ssyncadd.tile.s32 @!p0 $0x1;
	_ =	shalt  }
.Lfunc_end2:
_tile_overlayer_lowered:
.L_overlay_start_2:
0x41d: {  	(tag) =	ssettag $0x2  }
0x41e: {  	s0 =	rddreg [dreg:$0x0];
	s2 =	stileid.u32  }
0x41f: {  	s1 =	rddreg [dreg:$0x1];
	p0 =	sne.s32 s2, $0x0  }
0x420: {  	s3 =	rddreg [dreg:$0x2];
	[bflag:$0x3] =	sbarrier.arrive $0xFFFF;
	s2 =	simm.s32 @!p0 $0x1C07  }
0x421: {  	[timem:s3], [sflag:s2] =	dma.local @!p0 [hbm:s0], s1  }
0x422: {  	s0 =	simm.s32 @!p0 $0x7  }
0x423: {  	_ =	swait.ge @!p0 [sflag:s0], s1  }
0x424: {  	s1 =	ssub.s32 @!p0 $0x0, s1;
	[sflag:s0] =	ssyncset.done @!p0 $0x0  }
0x425: {  	[sflag:s0] =	ssyncadd.s32 @!p0 s1  }
0x426: {  	[bflag:$0x3] =	sbarrier.arrive $0xFFFF  }
0x427: {  	_ =	shalt  }

</sc_bundles>
